<compile_context>
chip_gen: v7x
topology: tpu7x:2x2x1
jax: 0.10.2.dev20260603
libtpu: 0.0.44.dev20260713+nightly
codegen_flags: <defaults>
</compile_context>

<pallas_src>
import jax
import jax.numpy as jnp
from jax import lax
from jax.experimental import pallas as pl
from jax.experimental.pallas import tpu as pltpu
from jax.experimental.pallas import tpu_sc as plsc

N = 16384
NUM_EVENT = 100000
NUM_STATION = 64
NC = 2
NS = 16
L = 16
NW = NC * NS
PW = N // NW
NVEC = PW // L


def _dist_from_sq(d2):
    i = plsc.bitcast(d2, jnp.int32)
    i = jnp.int32(0x5F3759DF) - (i >> 1)
    y = plsc.bitcast(i, jnp.float32)
    h = jnp.float32(0.5) * d2
    for _ in range(3):
        y = y * (jnp.float32(1.5) - h * y * y)
    return jnp.where(d2 > 0.0, d2 * y, jnp.float32(0.0))


def _body(st_idx_hbm, ev_idx_hbm, ptype_hbm, ptime_hbm, pweight_hbm,
          ev_hbm, stloc_hbm, stdt_hbm,
          pred_hbm, resid_hbm, part_hbm,
          ei_v, ev_v, si_v, pt_v, ptm_v, pw_v, stloc_v, stdt_v,
          pred_v, resid_v, acc_v, sem):
    wid = lax.axis_index("s") * NC + lax.axis_index("c")
    base = wid * PW

    lane = lax.iota(jnp.int32, L)
    zero = jnp.zeros((L,), jnp.int32)

    pltpu.sync_copy(ev_idx_hbm.at[pl.ds(base, PW)], ei_v)
    gather = pltpu.async_copy(ev_hbm.at[ei_v], ev_v, sem)

    pltpu.sync_copy(st_idx_hbm.at[pl.ds(base, PW)], si_v)
    pltpu.sync_copy(ptype_hbm.at[pl.ds(base, PW)], pt_v)
    pltpu.sync_copy(ptime_hbm.at[pl.ds(base, PW)], ptm_v)
    pltpu.sync_copy(pweight_hbm.at[pl.ds(base, PW)], pw_v)
    pltpu.sync_copy(stloc_hbm, stloc_v)
    pltpu.sync_copy(stdt_hbm, stdt_v)
    gather.wait()

    acc = jnp.zeros((L,), jnp.float32)
    for j in range(NVEC):
        o = j * L
        pick = lane + o
        ex = plsc.load_gather(ev_v, [pick, zero])
        ey = plsc.load_gather(ev_v, [pick, zero + 1])
        ez = plsc.load_gather(ev_v, [pick, zero + 2])
        et = plsc.load_gather(ev_v, [pick, zero + 3])
        si = si_v[pl.ds(o, L)]
        s3 = si * 3
        sx = plsc.load_gather(stloc_v, [s3])
        sy = plsc.load_gather(stloc_v, [s3 + 1])
        sz = plsc.load_gather(stloc_v, [s3 + 2])
        sd = plsc.load_gather(stdt_v, [si])
        pt = pt_v[pl.ds(o, L)]
        ptm = ptm_v[pl.ds(o, L)]
        pw = pw_v[pl.ds(o, L)]
        dx = ex - sx
        dy = ey - sy
        dz = ez - sz
        dist = _dist_from_sq(dx * dx + dy * dy + dz * dz)
        vel = jnp.where(pt == 0, jnp.float32(6.0), jnp.float32(6.0 / 1.73))
        t = et + dist / vel + sd
        r = ptm - t
        pred_v[pl.ds(o, L)] = t
        resid_v[pl.ds(o, L)] = r
        ae = jnp.abs(r)
        hub = jnp.where(ae <= 1.0, jnp.float32(0.5) * r * r, ae - jnp.float32(0.5))
        acc = acc + hub * pw

    acc_v[...] = acc
    pltpu.sync_copy(pred_v, pred_hbm.at[pl.ds(base, PW)])
    pltpu.sync_copy(resid_v, resid_hbm.at[pl.ds(base, PW)])
    pltpu.sync_copy(acc_v, part_hbm.at[wid])


def kernel(station_index, event_index, phase_type, phase_time, phase_weight,
           event_loc_w, event_time_w, station_loc_w, station_dt_w):
    ev_packed = jnp.concatenate(
        [event_loc_w[:, 0:1], event_loc_w[:, 1:2], event_loc_w[:, 2:3],
         event_time_w, jnp.zeros((NUM_EVENT, 12), jnp.float32)], axis=1)
    mesh = plsc.VectorSubcoreMesh(core_axis_name="c", subcore_axis_name="s")
    out_type = [
        jax.ShapeDtypeStruct((N,), jnp.float32),
        jax.ShapeDtypeStruct((N,), jnp.float32),
        jax.ShapeDtypeStruct((NW, L), jnp.float32),
    ]
    scratch = [
        pltpu.VMEM((PW,), jnp.int32),
        pltpu.VMEM((PW, L), jnp.float32),
        pltpu.VMEM((PW,), jnp.int32),
        pltpu.VMEM((PW,), jnp.int32),
        pltpu.VMEM((PW,), jnp.float32),
        pltpu.VMEM((PW,), jnp.float32),
        pltpu.VMEM((NUM_STATION * 3,), jnp.float32),
        pltpu.VMEM((NUM_STATION,), jnp.float32),
        pltpu.VMEM((PW,), jnp.float32),
        pltpu.VMEM((PW,), jnp.float32),
        pltpu.VMEM((L,), jnp.float32),
        pltpu.SemaphoreType.DMA,
    ]
    pred, resid, part = pl.kernel(
        _body, out_type=out_type, mesh=mesh, scratch_types=scratch,
        compiler_params=pltpu.CompilerParams(
            needs_layout_passes=False, use_tc_tiling_on_sc=False))(
        station_index, event_index, phase_type, phase_time, phase_weight,
        ev_packed, station_loc_w.reshape(-1), station_dt_w.reshape(-1))
    return (pred, resid, jnp.sum(part))

# --- scband reference (transcript-rebuilt; emitter-appended) ---
"""Pipeline reference for scband-travel-time-25331717111920 (READ-ONLY COPY).

The authoritative reference and input builder live on the scoring server;
editing this copy changes nothing except your own understanding.
"""

import jax, jax.numpy as jnp
import numpy as np

NUM_EVENT = 100000
NUM_STATION = 64
N = 16384


def setup_inputs(seed: int = 0) -> dict:
    key = jax.random.key(seed)
    ks = jax.random.split(key, 9)
    station_index = jax.random.randint(ks[0], (N,), 0, NUM_STATION)
    event_index = jax.random.randint(ks[1], (N,), 0, NUM_EVENT)
    phase_type = jax.random.randint(ks[2], (N,), 0, 2)
    phase_time = jax.random.normal(ks[3], (N,), dtype=jnp.float32)
    phase_weight = jax.random.uniform(ks[4], (N,), dtype=jnp.float32)
    # learned / stored parameters (embedding tables)
    event_loc_w = jax.random.normal(ks[5], (NUM_EVENT, 3), dtype=jnp.float32)
    event_time_w = jax.random.normal(ks[6], (NUM_EVENT, 1), dtype=jnp.float32)
    station_loc_w = jax.random.normal(ks[7], (NUM_STATION, 3), dtype=jnp.float32)
    station_dt_w = jnp.zeros((NUM_STATION, 1), dtype=jnp.float32)
    return {
        "station_index": station_index,
        "event_index": event_index,
        "phase_type": phase_type,
        "phase_time": phase_time,
        "phase_weight": phase_weight,
        "event_loc_w": event_loc_w,
        "event_time_w": event_time_w,
        "station_loc_w": station_loc_w,
        "station_dt_w": station_dt_w,
    }


def _huber(pred, target):
    # F.huber_loss with default delta=1.0, reduction='none'
    e = pred - target
    ae = jnp.abs(e)
    return jnp.where(ae <= 1.0, 0.5 * e * e, ae - 0.5)


def reference(station_index, event_index, phase_type, phase_time, phase_weight,
              event_loc_w, event_time_w, station_loc_w, station_dt_w):
    # eikonal is None -> straight-line travel time dist / velocity[phase_type]
    velocity = jnp.array([6.0, 6.0 / 1.73], dtype=jnp.float32)

    # embedding lookups (gathers)
    station_loc = jnp.take(station_loc_w, station_index, axis=0)
    station_dt = jnp.take(station_dt_w, station_index, axis=0)[:, 0]
    event_loc = jnp.take(event_loc_w, event_index, axis=0)
    event_time = jnp.take(event_time_w, event_index, axis=0)[:, 0]

    dist = jnp.linalg.norm(event_loc - station_loc, axis=-1)
    tt = dist / velocity[phase_type]
    t = event_time + tt + station_dt

    pred_time = t
    residual = phase_time - t
    # original sums the masked-per-type losses; since every pick is type 0 or 1
    # this equals the total weighted huber sum
    loss = jnp.sum(_huber(t, phase_time) * phase_weight)
    return (pred_time, residual, loss)

if __name__ == "__main__":
    import jax
    _d = setup_inputs()
    print(jax.jit(kernel)(*tuple(_d.values())))

</pallas_src>

<mosaic_0001>
#map = affine_map<(d0, d1) -> (0)>
#map1 = affine_map<(d0, d1) -> (0, 0)>
module attributes {stable_mosaic.version = 14 : i64} {
  func.func @_body(%arg0: i32, %arg1: i32, %arg2: memref<16384xi32, #tpu.memory_space<hbm>>, %arg3: memref<16384xi32, #tpu.memory_space<hbm>>, %arg4: memref<16384xi32, #tpu.memory_space<hbm>>, %arg5: memref<16384xf32, #tpu.memory_space<hbm>>, %arg6: memref<16384xf32, #tpu.memory_space<hbm>>, %arg7: memref<100000x16xf32, #tpu.memory_space<hbm>>, %arg8: memref<192xf32, #tpu.memory_space<hbm>>, %arg9: memref<64xf32, #tpu.memory_space<hbm>>, %arg10: memref<16384xf32, #tpu.memory_space<hbm>>, %arg11: memref<16384xf32, #tpu.memory_space<hbm>>, %arg12: memref<32x16xf32, #tpu.memory_space<hbm>>, %arg13: memref<512xi32, #tpu.memory_space<vmem>>, %arg14: memref<512x16xf32, #tpu.memory_space<vmem>>, %arg15: memref<512xi32, #tpu.memory_space<vmem>>, %arg16: memref<512xi32, #tpu.memory_space<vmem>>, %arg17: memref<512xf32, #tpu.memory_space<vmem>>, %arg18: memref<512xf32, #tpu.memory_space<vmem>>, %arg19: memref<192xf32, #tpu.memory_space<vmem>>, %arg20: memref<64xf32, #tpu.memory_space<vmem>>, %arg21: memref<512xf32, #tpu.memory_space<vmem>>, %arg22: memref<512xf32, #tpu.memory_space<vmem>>, %arg23: memref<16xf32, #tpu.memory_space<vmem>>, %arg24: memref<!tpu.dma_semaphore, #tpu.memory_space<semaphore_mem>>) attributes {dimension_semantics = [#tpu.dimension_semantics<core_parallel>, #tpu.dimension_semantics<subcore_parallel>], iteration_bounds = array<i64: 2, 16>, scalar_prefetch = 0 : i64, scratch_operands = 12 : i64, tpu.core_type = #tpu.core_type<sc_vector_subcore>, window_params = [{transform_indices = #map}, {transform_indices = #map}, {transform_indices = #map}, {transform_indices = #map}, {transform_indices = #map}, {transform_indices = #map1}, {transform_indices = #map}, {transform_indices = #map}, {transform_indices = #map}, {transform_indices = #map}, {transform_indices = #map1}]} {
    %mul3A = arith.constant 2 : i32
    %mul3A_0 = arith.muli %arg1, %mul3A : i32
    %add3A = arith.addi %mul3A_0, %arg0 : i32
    %mul3A_1 = arith.constant 512 : i32
    %mul3A_2 = arith.muli %add3A, %mul3A_1 : i32
    %iota3A = tpu.iota {dimensions = array<i32: 0>} : vector<16xi32>
    %broadcast_in_dim3A = arith.constant 0 : i32
    %broadcast_in_dim3A_3 = vector.broadcast %broadcast_in_dim3A : i32 to vector<16xi32>
    "tpu.region"() ({
      %run_scoped3A = tpu.sem_alloc : memref<!tpu.dma_semaphore, #tpu.memory_space<semaphore_mem>>
      %dma_start3A_3551 = tpu.memref_slice %arg3[%mul3A_2] : memref<16384xi32, #tpu.memory_space<hbm>> -> memref<512xi32, #tpu.memory_space<hbm>>
      %dma_start3A_3552 = tpu.memref_slice %arg3[%mul3A_2] : memref<16384xi32, #tpu.memory_space<hbm>> -> memref<512xi32, #tpu.memory_space<hbm>>
      tpu.enqueue_dma source(%dma_start3A_3552 : memref<512xi32, #tpu.memory_space<hbm>>) target(%arg13 : memref<512xi32, #tpu.memory_space<vmem>>) target_semaphore(%run_scoped3A : memref<!tpu.dma_semaphore, #tpu.memory_space<semaphore_mem>>)
      %dma_wait3A_3553 = tpu.memref_slice %arg3[%mul3A_2] : memref<16384xi32, #tpu.memory_space<hbm>> -> memref<512xi32, #tpu.memory_space<hbm>>
      %dma_wait3A_3554 = tpu.memref_slice %arg3[%mul3A_2] : memref<16384xi32, #tpu.memory_space<hbm>> -> memref<512xi32, #tpu.memory_space<hbm>>
      tpu.wait_dma2 semaphore(%run_scoped3A : memref<!tpu.dma_semaphore, #tpu.memory_space<semaphore_mem>>) src(%dma_wait3A_3554 : memref<512xi32, #tpu.memory_space<hbm>>) dst(%arg13 : memref<512xi32, #tpu.memory_space<vmem>>)
      tpu.yield
    }) : () -> ()
    %dma_start3A = arith.constant 0 : i32
    %dma_start3A_4 = arith.constant 0 : i32
    %dma_start3A_5 = tpu.memref_slice %arg7[%dma_start3A, %dma_start3A_4] : memref<100000x16xf32, #tpu.memory_space<hbm>> -> memref<100000x16xf32, #tpu.memory_space<hbm>>
    tpu.enqueue_indirect_dma source(%dma_start3A_5 : memref<100000x16xf32, #tpu.memory_space<hbm>>) target(%arg14 : memref<512x16xf32, #tpu.memory_space<vmem>>) offsets(%arg13 : memref<512xi32, #tpu.memory_space<vmem>>) semaphore(%arg24 : memref<!tpu.dma_semaphore, #tpu.memory_space<semaphore_mem>>)
    "tpu.region"() ({
      %run_scoped3A = tpu.sem_alloc : memref<!tpu.dma_semaphore, #tpu.memory_space<semaphore_mem>>
      %dma_start3A_3551 = tpu.memref_slice %arg2[%mul3A_2] : memref<16384xi32, #tpu.memory_space<hbm>> -> memref<512xi32, #tpu.memory_space<hbm>>
      %dma_start3A_3552 = tpu.memref_slice %arg2[%mul3A_2] : memref<16384xi32, #tpu.memory_space<hbm>> -> memref<512xi32, #tpu.memory_space<hbm>>
      tpu.enqueue_dma source(%dma_start3A_3552 : memref<512xi32, #tpu.memory_space<hbm>>) target(%arg15 : memref<512xi32, #tpu.memory_space<vmem>>) target_semaphore(%run_scoped3A : memref<!tpu.dma_semaphore, #tpu.memory_space<semaphore_mem>>)
      %dma_wait3A_3553 = tpu.memref_slice %arg2[%mul3A_2] : memref<16384xi32, #tpu.memory_space<hbm>> -> memref<512xi32, #tpu.memory_space<hbm>>
      %dma_wait3A_3554 = tpu.memref_slice %arg2[%mul3A_2] : memref<16384xi32, #tpu.memory_space<hbm>> -> memref<512xi32, #tpu.memory_space<hbm>>
      tpu.wait_dma2 semaphore(%run_scoped3A : memref<!tpu.dma_semaphore, #tpu.memory_space<semaphore_mem>>) src(%dma_wait3A_3554 : memref<512xi32, #tpu.memory_space<hbm>>) dst(%arg15 : memref<512xi32, #tpu.memory_space<vmem>>)
      tpu.yield
    }) : () -> ()
    "tpu.region"() ({
      %run_scoped3A = tpu.sem_alloc : memref<!tpu.dma_semaphore, #tpu.memory_space<semaphore_mem>>
      %dma_start3A_3551 = tpu.memref_slice %arg4[%mul3A_2] : memref<16384xi32, #tpu.memory_space<hbm>> -> memref<512xi32, #tpu.memory_space<hbm>>
      %dma_start3A_3552 = tpu.memref_slice %arg4[%mul3A_2] : memref<16384xi32, #tpu.memory_space<hbm>> -> memref<512xi32, #tpu.memory_space<hbm>>
      tpu.enqueue_dma source(%dma_start3A_3552 : memref<512xi32, #tpu.memory_space<hbm>>) target(%arg16 : memref<512xi32, #tpu.memory_space<vmem>>) target_semaphore(%run_scoped3A : memref<!tpu.dma_semaphore, #tpu.memory_space<semaphore_mem>>)
      %dma_wait3A_3553 = tpu.memref_slice %arg4[%mul3A_2] : memref<16384xi32, #tpu.memory_space<hbm>> -> memref<512xi32, #tpu.memory_space<hbm>>
      %dma_wait3A_3554 = tpu.memref_slice %arg4[%mul3A_2] : memref<16384xi32, #tpu.memory_space<hbm>> -> memref<512xi32, #tpu.memory_space<hbm>>
      tpu.wait_dma2 semaphore(%run_scoped3A : memref<!tpu.dma_semaphore, #tpu.memory_space<semaphore_mem>>) src(%dma_wait3A_3554 : memref<512xi32, #tpu.memory_space<hbm>>) dst(%arg16 : memref<512xi32, #tpu.memory_space<vmem>>)
      tpu.yield
    }) : () -> ()
    "tpu.region"() ({
      %run_scoped3A = tpu.sem_alloc : memref<!tpu.dma_semaphore, #tpu.memory_space<semaphore_mem>>
      %dma_start3A_3551 = tpu.memref_slice %arg5[%mul3A_2] : memref<16384xf32, #tpu.memory_space<hbm>> -> memref<512xf32, #tpu.memory_space<hbm>>
      %dma_start3A_3552 = tpu.memref_slice %arg5[%mul3A_2] : memref<16384xf32, #tpu.memory_space<hbm>> -> memref<512xf32, #tpu.memory_space<hbm>>
      tpu.enqueue_dma source(%dma_start3A_3552 : memref<512xf32, #tpu.memory_space<hbm>>) target(%arg17 : memref<512xf32, #tpu.memory_space<vmem>>) target_semaphore(%run_scoped3A : memref<!tpu.dma_semaphore, #tpu.memory_space<semaphore_mem>>)
      %dma_wait3A_3553 = tpu.memref_slice %arg5[%mul3A_2] : memref<16384xf32, #tpu.memory_space<hbm>> -> memref<512xf32, #tpu.memory_space<hbm>>
      %dma_wait3A_3554 = tpu.memref_slice %arg5[%mul3A_2] : memref<16384xf32, #tpu.memory_space<hbm>> -> memref<512xf32, #tpu.memory_space<hbm>>
      tpu.wait_dma2 semaphore(%run_scoped3A : memref<!tpu.dma_semaphore, #tpu.memory_space<semaphore_mem>>) src(%dma_wait3A_3554 : memref<512xf32, #tpu.memory_space<hbm>>) dst(%arg17 : memref<512xf32, #tpu.memory_space<vmem>>)
      tpu.yield
    }) : () -> ()
    "tpu.region"() ({
      %run_scoped3A = tpu.sem_alloc : memref<!tpu.dma_semaphore, #tpu.memory_space<semaphore_mem>>
      %dma_start3A_3551 = tpu.memref_slice %arg6[%mul3A_2] : memref<16384xf32, #tpu.memory_space<hbm>> -> memref<512xf32, #tpu.memory_space<hbm>>
      %dma_start3A_3552 = tpu.memref_slice %arg6[%mul3A_2] : memref<16384xf32, #tpu.memory_space<hbm>> -> memref<512xf32, #tpu.memory_space<hbm>>
      tpu.enqueue_dma source(%dma_start3A_3552 : memref<512xf32, #tpu.memory_space<hbm>>) target(%arg18 : memref<512xf32, #tpu.memory_space<vmem>>) target_semaphore(%run_scoped3A : memref<!tpu.dma_semaphore, #tpu.memory_space<semaphore_mem>>)
      %dma_wait3A_3553 = tpu.memref_slice %arg6[%mul3A_2] : memref<16384xf32, #tpu.memory_space<hbm>> -> memref<512xf32, #tpu.memory_space<hbm>>
      %dma_wait3A_3554 = tpu.memref_slice %arg6[%mul3A_2] : memref<16384xf32, #tpu.memory_space<hbm>> -> memref<512xf32, #tpu.memory_space<hbm>>
      tpu.wait_dma2 semaphore(%run_scoped3A : memref<!tpu.dma_semaphore, #tpu.memory_space<semaphore_mem>>) src(%dma_wait3A_3554 : memref<512xf32, #tpu.memory_space<hbm>>) dst(%arg18 : memref<512xf32, #tpu.memory_space<vmem>>)
      tpu.yield
    }) : () -> ()
    "tpu.region"() ({
      %run_scoped3A = tpu.sem_alloc : memref<!tpu.dma_semaphore, #tpu.memory_space<semaphore_mem>>
      tpu.enqueue_dma source(%arg8 : memref<192xf32, #tpu.memory_space<hbm>>) target(%arg19 : memref<192xf32, #tpu.memory_space<vmem>>) target_semaphore(%run_scoped3A : memref<!tpu.dma_semaphore, #tpu.memory_space<semaphore_mem>>)
      tpu.wait_dma2 semaphore(%run_scoped3A : memref<!tpu.dma_semaphore, #tpu.memory_space<semaphore_mem>>) src(%arg8 : memref<192xf32, #tpu.memory_space<hbm>>) dst(%arg19 : memref<192xf32, #tpu.memory_space<vmem>>)
      tpu.yield
    }) : () -> ()
    "tpu.region"() ({
      %run_scoped3A = tpu.sem_alloc : memref<!tpu.dma_semaphore, #tpu.memory_space<semaphore_mem>>
      tpu.enqueue_dma source(%arg9 : memref<64xf32, #tpu.memory_space<hbm>>) target(%arg20 : memref<64xf32, #tpu.memory_space<vmem>>) target_semaphore(%run_scoped3A : memref<!tpu.dma_semaphore, #tpu.memory_space<semaphore_mem>>)
      tpu.wait_dma2 semaphore(%run_scoped3A : memref<!tpu.dma_semaphore, #tpu.memory_space<semaphore_mem>>) src(%arg9 : memref<64xf32, #tpu.memory_space<hbm>>) dst(%arg20 : memref<64xf32, #tpu.memory_space<vmem>>)
      tpu.yield
    }) : () -> ()
    %dma_wait3A = arith.constant 0 : i32
    %dma_wait3A_6 = arith.constant 0 : i32
    %dma_wait3A_7 = tpu.memref_slice %arg7[%dma_wait3A, %dma_wait3A_6] : memref<100000x16xf32, #tpu.memory_space<hbm>> -> memref<100000x16xf32, #tpu.memory_space<hbm>>
    tpu.wait_indirect_dma semaphore(%arg24 : memref<!tpu.dma_semaphore, #tpu.memory_space<semaphore_mem>>) src(%dma_wait3A_7 : memref<100000x16xf32, #tpu.memory_space<hbm>>) dst(%arg14 : memref<512x16xf32, #tpu.memory_space<vmem>>)
    %broadcast_in_dim3A_8 = arith.constant 0.000000e+00 : f32
    %broadcast_in_dim3A_9 = vector.broadcast %broadcast_in_dim3A_8 : f32 to vector<16xf32>
    %add3A_10 = arith.constant 0 : i32
    %add3A_11 = vector.broadcast %add3A_10 : i32 to vector<16xi32>
    %add3A_12 = arith.addi %iota3A, %add3A_11 : vector<16xi32>
    %gather3A = tpu.vector_load_idx %arg14[%add3A_12, %broadcast_in_dim3A_3] : memref<512x16xf32, #tpu.memory_space<vmem>>[vector<16xi32>, vector<16xi32>], vector<16xf32>,
    %add3A_13 = arith.constant 1 : i32
    %add3A_14 = vector.broadcast %add3A_13 : i32 to vector<16xi32>
    %add3A_15 = arith.addi %broadcast_in_dim3A_3, %add3A_14 : vector<16xi32>
    %gather3A_16 = tpu.vector_load_idx %arg14[%add3A_12, %add3A_15] : memref<512x16xf32, #tpu.memory_space<vmem>>[vector<16xi32>, vector<16xi32>], vector<16xf32>,
    %add3A_17 = arith.constant 2 : i32
    %add3A_18 = vector.broadcast %add3A_17 : i32 to vector<16xi32>
    %add3A_19 = arith.addi %broadcast_in_dim3A_3, %add3A_18 : vector<16xi32>
    %gather3A_20 = tpu.vector_load_idx %arg14[%add3A_12, %add3A_19] : memref<512x16xf32, #tpu.memory_space<vmem>>[vector<16xi32>, vector<16xi32>], vector<16xf32>,
    %add3A_21 = arith.constant 3 : i32
    %add3A_22 = vector.broadcast %add3A_21 : i32 to vector<16xi32>
    %add3A_23 = arith.addi %broadcast_in_dim3A_3, %add3A_22 : vector<16xi32>
    %gather3A_24 = tpu.vector_load_idx %arg14[%add3A_12, %add3A_23] : memref<512x16xf32, #tpu.memory_space<vmem>>[vector<16xi32>, vector<16xi32>], vector<16xf32>,
    %get3A = arith.constant 0 : index
    %get3A_25 = tpu.vector_load %arg15[%get3A] {strides = array<i32>} : memref<512xi32, #tpu.memory_space<vmem>>, vector<16xi32>,
    %mul3A_26 = arith.constant 3 : i32
    %mul3A_27 = vector.broadcast %mul3A_26 : i32 to vector<16xi32>
    %mul3A_28 = arith.muli %get3A_25, %mul3A_27 : vector<16xi32>
    %gather3A_29 = tpu.vector_load_idx %arg19[%mul3A_28] : memref<192xf32, #tpu.memory_space<vmem>>[vector<16xi32>], vector<16xf32>,
    %add3A_30 = arith.constant 1 : i32
    %add3A_31 = vector.broadcast %add3A_30 : i32 to vector<16xi32>
    %add3A_32 = arith.addi %mul3A_28, %add3A_31 : vector<16xi32>
    %gather3A_33 = tpu.vector_load_idx %arg19[%add3A_32] : memref<192xf32, #tpu.memory_space<vmem>>[vector<16xi32>], vector<16xf32>,
    %add3A_34 = arith.constant 2 : i32
    %add3A_35 = vector.broadcast %add3A_34 : i32 to vector<16xi32>
    %add3A_36 = arith.addi %mul3A_28, %add3A_35 : vector<16xi32>
    %gather3A_37 = tpu.vector_load_idx %arg19[%add3A_36] : memref<192xf32, #tpu.memory_space<vmem>>[vector<16xi32>], vector<16xf32>,
    %gather3A_38 = tpu.vector_load_idx %arg20[%get3A_25] : memref<64xf32, #tpu.memory_space<vmem>>[vector<16xi32>], vector<16xf32>,
    %get3A_39 = arith.constant 0 : index
    %get3A_40 = tpu.vector_load %arg16[%get3A_39] {strides = array<i32>} : memref<512xi32, #tpu.memory_space<vmem>>, vector<16xi32>,
    %get3A_41 = arith.constant 0 : index
    %get3A_42 = tpu.vector_load %arg17[%get3A_41] {strides = array<i32>} : memref<512xf32, #tpu.memory_space<vmem>>, vector<16xf32>,
    %get3A_43 = arith.constant 0 : index
    %get3A_44 = tpu.vector_load %arg18[%get3A_43] {strides = array<i32>} : memref<512xf32, #tpu.memory_space<vmem>>, vector<16xf32>,
    %sub3A = arith.subf %gather3A, %gather3A_29 : vector<16xf32>
    %sub3A_45 = arith.subf %gather3A_16, %gather3A_33 : vector<16xf32>
    %sub3A_46 = arith.subf %gather3A_20, %gather3A_37 : vector<16xf32>
    %mul3A_47 = arith.mulf %sub3A, %sub3A : vector<16xf32>
    %mul3A_48 = arith.mulf %sub3A_45, %sub3A_45 : vector<16xf32>
    %add3A_49 = arith.addf %mul3A_47, %mul3A_48 : vector<16xf32>
    %mul3A_50 = arith.mulf %sub3A_46, %sub3A_46 : vector<16xf32>
    %add3A_51 = arith.addf %add3A_49, %mul3A_50 : vector<16xf32>
    %bitcast3A = vector.bitcast %add3A_51 : vector<16xf32> to vector<16xi32>
    %shift_right_arithmetic3A = arith.constant 1 : i32
    %shift_right_arithmetic3A_52 = vector.broadcast %shift_right_arithmetic3A : i32 to vector<16xi32>
    %shift_right_arithmetic3A_53 = arith.shrsi %bitcast3A, %shift_right_arithmetic3A_52 : vector<16xi32>
    %sub3A_54 = arith.constant 1597463007 : i32
    %sub3A_55 = vector.broadcast %sub3A_54 : i32 to vector<16xi32>
    %sub3A_56 = arith.subi %sub3A_55, %shift_right_arithmetic3A_53 : vector<16xi32>
    %bitcast3A_57 = vector.bitcast %sub3A_56 : vector<16xi32> to vector<16xf32>
    %mul3A_58 = arith.constant 5.000000e-01 : f32
    %mul3A_59 = vector.broadcast %mul3A_58 : f32 to vector<16xf32>
    %mul3A_60 = arith.mulf %mul3A_59, %add3A_51 : vector<16xf32>
    %mul3A_61 = arith.mulf %mul3A_60, %bitcast3A_57 : vector<16xf32>
    %mul3A_62 = arith.mulf %mul3A_61, %bitcast3A_57 : vector<16xf32>
    %sub3A_63 = arith.constant 1.500000e+00 : f32
    %sub3A_64 = vector.broadcast %sub3A_63 : f32 to vector<16xf32>
    %sub3A_65 = arith.subf %sub3A_64, %mul3A_62 : vector<16xf32>
    %mul3A_66 = arith.mulf %bitcast3A_57, %sub3A_65 : vector<16xf32>
    %mul3A_67 = arith.mulf %mul3A_60, %mul3A_66 : vector<16xf32>
    %mul3A_68 = arith.mulf %mul3A_67, %mul3A_66 : vector<16xf32>
    %sub3A_69 = arith.constant 1.500000e+00 : f32
    %sub3A_70 = vector.broadcast %sub3A_69 : f32 to vector<16xf32>
    %sub3A_71 = arith.subf %sub3A_70, %mul3A_68 : vector<16xf32>
    %mul3A_72 = arith.mulf %mul3A_66, %sub3A_71 : vector<16xf32>
    %mul3A_73 = arith.mulf %mul3A_60, %mul3A_72 : vector<16xf32>
    %mul3A_74 = arith.mulf %mul3A_73, %mul3A_72 : vector<16xf32>
    %sub3A_75 = arith.constant 1.500000e+00 : f32
    %sub3A_76 = vector.broadcast %sub3A_75 : f32 to vector<16xf32>
    %sub3A_77 = arith.subf %sub3A_76, %mul3A_74 : vector<16xf32>
    %mul3A_78 = arith.mulf %mul3A_72, %sub3A_77 : vector<16xf32>
    %gt3A = arith.constant 0.000000e+00 : f32
    %gt3A_79 = vector.broadcast %gt3A : f32 to vector<16xf32>
    %gt3A_80 = arith.cmpf ogt, %add3A_51, %gt3A_79 : vector<16xf32>
    %mul3A_81 = arith.mulf %add3A_51, %mul3A_78 : vector<16xf32>
    %jit3A = arith.constant 0.000000e+00 : f32
    %broadcast_in_dim3A_82 = vector.broadcast %jit3A : f32 to vector<16xf32>
    %select_n3A = arith.select %gt3A_80, %mul3A_81, %broadcast_in_dim3A_82 : vector<16xi1>, vector<16xf32>
    %eq3A = arith.constant 0 : i32
    %eq3A_83 = vector.broadcast %eq3A : i32 to vector<16xi32>
    %eq3A_84 = arith.cmpi eq, %get3A_40, %eq3A_83 : vector<16xi32>
    %jit3A_85 = arith.constant 6.000000e+00 : f32
    %jit3A_86 = arith.constant 3.46820807 : f32
    %broadcast_in_dim3A_87 = vector.broadcast %jit3A_85 : f32 to vector<16xf32>
    %broadcast_in_dim3A_88 = vector.broadcast %jit3A_86 : f32 to vector<16xf32>
    %select_n3A_89 = arith.select %eq3A_84, %broadcast_in_dim3A_87, %broadcast_in_dim3A_88 : vector<16xi1>, vector<16xf32>
    %div3A = arith.divf %select_n3A, %select_n3A_89 : vector<16xf32>
    %add3A_90 = arith.addf %gather3A_24, %div3A : vector<16xf32>
    %add3A_91 = arith.addf %add3A_90, %gather3A_38 : vector<16xf32>
    %sub3A_92 = arith.subf %get3A_42, %add3A_91 : vector<16xf32>
    %swap3A = arith.constant 0 : index
    %swap3A_93 = tpu.vector_load %arg21[%swap3A] {strides = array<i32>} : memref<512xf32, #tpu.memory_space<vmem>>, vector<16xf32>,
    tpu.vector_store %arg21[%swap3A], %add3A_91 {strides = array<i32>} : memref<512xf32, #tpu.memory_space<vmem>>, vector<16xf32>,
    %swap3A_94 = arith.constant 0 : index
    %swap3A_95 = tpu.vector_load %arg22[%swap3A_94] {strides = array<i32>} : memref<512xf32, #tpu.memory_space<vmem>>, vector<16xf32>,
    tpu.vector_store %arg22[%swap3A_94], %sub3A_92 {strides = array<i32>} : memref<512xf32, #tpu.memory_space<vmem>>, vector<16xf32>,
    %abs3A = math.absf %sub3A_92 : vector<16xf32>
    %le3A = arith.constant 1.000000e+00 : f32
    %le3A_96 = vector.broadcast %le3A : f32 to vector<16xf32>
    %le3A_97 = arith.cmpf ole, %abs3A, %le3A_96 : vector<16xf32>
    %mul3A_98 = arith.constant 5.000000e-01 : f32
    %mul3A_99 = vector.broadcast %mul3A_98 : f32 to vector<16xf32>
    %mul3A_100 = arith.mulf %mul3A_99, %sub3A_92 : vector<16xf32>
    %mul3A_101 = arith.mulf %mul3A_100, %sub3A_92 : vector<16xf32>
    %sub3A_102 = arith.constant 5.000000e-01 : f32
    %sub3A_103 = vector.broadcast %sub3A_102 : f32 to vector<16xf32>
    %sub3A_104 = arith.subf %abs3A, %sub3A_103 : vector<16xf32>
    %select_n3A_105 = arith.select %le3A_97, %mul3A_101, %sub3A_104 : vector<16xi1>, vector<16xf32>
    %mul3A_106 = arith.mulf %select_n3A_105, %get3A_44 : vector<16xf32>
    %add3A_107 = arith.addf %broadcast_in_dim3A_9, %mul3A_106 : vector<16xf32>
    %add3A_108 = arith.constant 16 : i32
    %add3A_109 = vector.broadcast %add3A_108 : i32 to vector<16xi32>
    %add3A_110 = arith.addi %iota3A, %add3A_109 : vector<16xi32>
    %gather3A_111 = tpu.vector_load_idx %arg14[%add3A_110, %broadcast_in_dim3A_3] : memref<512x16xf32, #tpu.memory_space<vmem>>[vector<16xi32>, vector<16xi32>], vector<16xf32>,
    %add3A_112 = arith.constant 1 : i32
    %add3A_113 = vector.broadcast %add3A_112 : i32 to vector<16xi32>
    %add3A_114 = arith.addi %broadcast_in_dim3A_3, %add3A_113 : vector<16xi32>
    %gather3A_115 = tpu.vector_load_idx %arg14[%add3A_110, %add3A_114] : memref<512x16xf32, #tpu.memory_space<vmem>>[vector<16xi32>, vector<16xi32>], vector<16xf32>,
    %add3A_116 = arith.constant 2 : i32
    %add3A_117 = vector.broadcast %add3A_116 : i32 to vector<16xi32>
    %add3A_118 = arith.addi %broadcast_in_dim3A_3, %add3A_117 : vector<16xi32>
    %gather3A_119 = tpu.vector_load_idx %arg14[%add3A_110, %add3A_118] : memref<512x16xf32, #tpu.memory_space<vmem>>[vector<16xi32>, vector<16xi32>], vector<16xf32>,
    %add3A_120 = arith.constant 3 : i32
    %add3A_121 = vector.broadcast %add3A_120 : i32 to vector<16xi32>
    %add3A_122 = arith.addi %broadcast_in_dim3A_3, %add3A_121 : vector<16xi32>
    %gather3A_123 = tpu.vector_load_idx %arg14[%add3A_110, %add3A_122] : memref<512x16xf32, #tpu.memory_space<vmem>>[vector<16xi32>, vector<16xi32>], vector<16xf32>,
    %get3A_124 = arith.constant 16 : index
    %get3A_125 = tpu.vector_load %arg15[%get3A_124] {strides = array<i32>} : memref<512xi32, #tpu.memory_space<vmem>>, vector<16xi32>,
    %mul3A_126 = arith.constant 3 : i32
    %mul3A_127 = vector.broadcast %mul3A_126 : i32 to vector<16xi32>
    %mul3A_128 = arith.muli %get3A_125, %mul3A_127 : vector<16xi32>
    %gather3A_129 = tpu.vector_load_idx %arg19[%mul3A_128] : memref<192xf32, #tpu.memory_space<vmem>>[vector<16xi32>], vector<16xf32>,
    %add3A_130 = arith.constant 1 : i32
    %add3A_131 = vector.broadcast %add3A_130 : i32 to vector<16xi32>
    %add3A_132 = arith.addi %mul3A_128, %add3A_131 : vector<16xi32>
    %gather3A_133 = tpu.vector_load_idx %arg19[%add3A_132] : memref<192xf32, #tpu.memory_space<vmem>>[vector<16xi32>], vector<16xf32>,
    %add3A_134 = arith.constant 2 : i32
    %add3A_135 = vector.broadcast %add3A_134 : i32 to vector<16xi32>
    %add3A_136 = arith.addi %mul3A_128, %add3A_135 : vector<16xi32>
    %gather3A_137 = tpu.vector_load_idx %arg19[%add3A_136] : memref<192xf32, #tpu.memory_space<vmem>>[vector<16xi32>], vector<16xf32>,
    %gather3A_138 = tpu.vector_load_idx %arg20[%get3A_125] : memref<64xf32, #tpu.memory_space<vmem>>[vector<16xi32>], vector<16xf32>,
    %get3A_139 = arith.constant 16 : index
    %get3A_140 = tpu.vector_load %arg16[%get3A_139] {strides = array<i32>} : memref<512xi32, #tpu.memory_space<vmem>>, vector<16xi32>,
    %get3A_141 = arith.constant 16 : index
    %get3A_142 = tpu.vector_load %arg17[%get3A_141] {strides = array<i32>} : memref<512xf32, #tpu.memory_space<vmem>>, vector<16xf32>,
    %get3A_143 = arith.constant 16 : index
    %get3A_144 = tpu.vector_load %arg18[%get3A_143] {strides = array<i32>} : memref<512xf32, #tpu.memory_space<vmem>>, vector<16xf32>,
    %sub3A_145 = arith.subf %gather3A_111, %gather3A_129 : vector<16xf32>
    %sub3A_146 = arith.subf %gather3A_115, %gather3A_133 : vector<16xf32>
    %sub3A_147 = arith.subf %gather3A_119, %gather3A_137 : vector<16xf32>
    %mul3A_148 = arith.mulf %sub3A_145, %sub3A_145 : vector<16xf32>
    %mul3A_149 = arith.mulf %sub3A_146, %sub3A_146 : vector<16xf32>
    %add3A_150 = arith.addf %mul3A_148, %mul3A_149 : vector<16xf32>
    %mul3A_151 = arith.mulf %sub3A_147, %sub3A_147 : vector<16xf32>
    %add3A_152 = arith.addf %add3A_150, %mul3A_151 : vector<16xf32>
    %bitcast3A_153 = vector.bitcast %add3A_152 : vector<16xf32> to vector<16xi32>
    %shift_right_arithmetic3A_154 = arith.constant 1 : i32
    %shift_right_arithmetic3A_155 = vector.broadcast %shift_right_arithmetic3A_154 : i32 to vector<16xi32>
    %shift_right_arithmetic3A_156 = arith.shrsi %bitcast3A_153, %shift_right_arithmetic3A_155 : vector<16xi32>
    %sub3A_157 = arith.constant 1597463007 : i32
    %sub3A_158 = vector.broadcast %sub3A_157 : i32 to vector<16xi32>
    %sub3A_159 = arith.subi %sub3A_158, %shift_right_arithmetic3A_156 : vector<16xi32>
    %bitcast3A_160 = vector.bitcast %sub3A_159 : vector<16xi32> to vector<16xf32>
    %mul3A_161 = arith.constant 5.000000e-01 : f32
    %mul3A_162 = vector.broadcast %mul3A_161 : f32 to vector<16xf32>
    %mul3A_163 = arith.mulf %mul3A_162, %add3A_152 : vector<16xf32>
    %mul3A_164 = arith.mulf %mul3A_163, %bitcast3A_160 : vector<16xf32>
    %mul3A_165 = arith.mulf %mul3A_164, %bitcast3A_160 : vector<16xf32>
    %sub3A_166 = arith.constant 1.500000e+00 : f32
    %sub3A_167 = vector.broadcast %sub3A_166 : f32 to vector<16xf32>
    %sub3A_168 = arith.subf %sub3A_167, %mul3A_165 : vector<16xf32>
    %mul3A_169 = arith.mulf %bitcast3A_160, %sub3A_168 : vector<16xf32>
    %mul3A_170 = arith.mulf %mul3A_163, %mul3A_169 : vector<16xf32>
    %mul3A_171 = arith.mulf %mul3A_170, %mul3A_169 : vector<16xf32>
    %sub3A_172 = arith.constant 1.500000e+00 : f32
    %sub3A_173 = vector.broadcast %sub3A_172 : f32 to vector<16xf32>
    %sub3A_174 = arith.subf %sub3A_173, %mul3A_171 : vector<16xf32>
    %mul3A_175 = arith.mulf %mul3A_169, %sub3A_174 : vector<16xf32>
    %mul3A_176 = arith.mulf %mul3A_163, %mul3A_175 : vector<16xf32>
    %mul3A_177 = arith.mulf %mul3A_176, %mul3A_175 : vector<16xf32>
    %sub3A_178 = arith.constant 1.500000e+00 : f32
    %sub3A_179 = vector.broadcast %sub3A_178 : f32 to vector<16xf32>
    %sub3A_180 = arith.subf %sub3A_179, %mul3A_177 : vector<16xf32>
    %mul3A_181 = arith.mulf %mul3A_175, %sub3A_180 : vector<16xf32>
    %gt3A_182 = arith.constant 0.000000e+00 : f32
    %gt3A_183 = vector.broadcast %gt3A_182 : f32 to vector<16xf32>
    %gt3A_184 = arith.cmpf ogt, %add3A_152, %gt3A_183 : vector<16xf32>
    %mul3A_185 = arith.mulf %add3A_152, %mul3A_181 : vector<16xf32>
    %jit3A_186 = arith.constant 0.000000e+00 : f32
    %broadcast_in_dim3A_187 = vector.broadcast %jit3A_186 : f32 to vector<16xf32>
    %select_n3A_188 = arith.select %gt3A_184, %mul3A_185, %broadcast_in_dim3A_187 : vector<16xi1>, vector<16xf32>
    %eq3A_189 = arith.constant 0 : i32
    %eq3A_190 = vector.broadcast %eq3A_189 : i32 to vector<16xi32>
    %eq3A_191 = arith.cmpi eq, %get3A_140, %eq3A_190 : vector<16xi32>
    %jit3A_192 = arith.constant 6.000000e+00 : f32
    %jit3A_193 = arith.constant 3.46820807 : f32
    %broadcast_in_dim3A_194 = vector.broadcast %jit3A_192 : f32 to vector<16xf32>
    %broadcast_in_dim3A_195 = vector.broadcast %jit3A_193 : f32 to vector<16xf32>
    %select_n3A_196 = arith.select %eq3A_191, %broadcast_in_dim3A_194, %broadcast_in_dim3A_195 : vector<16xi1>, vector<16xf32>
    %div3A_197 = arith.divf %select_n3A_188, %select_n3A_196 : vector<16xf32>
    %add3A_198 = arith.addf %gather3A_123, %div3A_197 : vector<16xf32>
    %add3A_199 = arith.addf %add3A_198, %gather3A_138 : vector<16xf32>
    %sub3A_200 = arith.subf %get3A_142, %add3A_199 : vector<16xf32>
    %swap3A_201 = arith.constant 16 : index
    %swap3A_202 = tpu.vector_load %arg21[%swap3A_201] {strides = array<i32>} : memref<512xf32, #tpu.memory_space<vmem>>, vector<16xf32>,
    tpu.vector_store %arg21[%swap3A_201], %add3A_199 {strides = array<i32>} : memref<512xf32, #tpu.memory_space<vmem>>, vector<16xf32>,
    %swap3A_203 = arith.constant 16 : index
    %swap3A_204 = tpu.vector_load %arg22[%swap3A_203] {strides = array<i32>} : memref<512xf32, #tpu.memory_space<vmem>>, vector<16xf32>,
    tpu.vector_store %arg22[%swap3A_203], %sub3A_200 {strides = array<i32>} : memref<512xf32, #tpu.memory_space<vmem>>, vector<16xf32>,
    %abs3A_205 = math.absf %sub3A_200 : vector<16xf32>
    %le3A_206 = arith.constant 1.000000e+00 : f32
    %le3A_207 = vector.broadcast %le3A_206 : f32 to vector<16xf32>
    %le3A_208 = arith.cmpf ole, %abs3A_205, %le3A_207 : vector<16xf32>
    %mul3A_209 = arith.constant 5.000000e-01 : f32
    %mul3A_210 = vector.broadcast %mul3A_209 : f32 to vector<16xf32>
    %mul3A_211 = arith.mulf %mul3A_210, %sub3A_200 : vector<16xf32>
    %mul3A_212 = arith.mulf %mul3A_211, %sub3A_200 : vector<16xf32>
    %sub3A_213 = arith.constant 5.000000e-01 : f32
    %sub3A_214 = vector.broadcast %sub3A_213 : f32 to vector<16xf32>
    %sub3A_215 = arith.subf %abs3A_205, %sub3A_214 : vector<16xf32>
    %select_n3A_216 = arith.select %le3A_208, %mul3A_212, %sub3A_215 : vector<16xi1>, vector<16xf32>
    %mul3A_217 = arith.mulf %select_n3A_216, %get3A_144 : vector<16xf32>
    %add3A_218 = arith.addf %add3A_107, %mul3A_217 : vector<16xf32>
    %add3A_219 = arith.constant 32 : i32
    %add3A_220 = vector.broadcast %add3A_219 : i32 to vector<16xi32>
    %add3A_221 = arith.addi %iota3A, %add3A_220 : vector<16xi32>
    %gather3A_222 = tpu.vector_load_idx %arg14[%add3A_221, %broadcast_in_dim3A_3] : memref<512x16xf32, #tpu.memory_space<vmem>>[vector<16xi32>, vector<16xi32>], vector<16xf32>,
    %add3A_223 = arith.constant 1 : i32
    %add3A_224 = vector.broadcast %add3A_223 : i32 to vector<16xi32>
    %add3A_225 = arith.addi %broadcast_in_dim3A_3, %add3A_224 : vector<16xi32>
    %gather3A_226 = tpu.vector_load_idx %arg14[%add3A_221, %add3A_225] : memref<512x16xf32, #tpu.memory_space<vmem>>[vector<16xi32>, vector<16xi32>], vector<16xf32>,
    %add3A_227 = arith.constant 2 : i32
    %add3A_228 = vector.broadcast %add3A_227 : i32 to vector<16xi32>
    %add3A_229 = arith.addi %broadcast_in_dim3A_3, %add3A_228 : vector<16xi32>
    %gather3A_230 = tpu.vector_load_idx %arg14[%add3A_221, %add3A_229] : memref<512x16xf32, #tpu.memory_space<vmem>>[vector<16xi32>, vector<16xi32>], vector<16xf32>,
    %add3A_231 = arith.constant 3 : i32
    %add3A_232 = vector.broadcast %add3A_231 : i32 to vector<16xi32>
    %add3A_233 = arith.addi %broadcast_in_dim3A_3, %add3A_232 : vector<16xi32>
    %gather3A_234 = tpu.vector_load_idx %arg14[%add3A_221, %add3A_233] : memref<512x16xf32, #tpu.memory_space<vmem>>[vector<16xi32>, vector<16xi32>], vector<16xf32>,
    %get3A_235 = arith.constant 32 : index
    %get3A_236 = tpu.vector_load %arg15[%get3A_235] {strides = array<i32>} : memref<512xi32, #tpu.memory_space<vmem>>, vector<16xi32>,
    %mul3A_237 = arith.constant 3 : i32
    %mul3A_238 = vector.broadcast %mul3A_237 : i32 to vector<16xi32>
    %mul3A_239 = arith.muli %get3A_236, %mul3A_238 : vector<16xi32>
    %gather3A_240 = tpu.vector_load_idx %arg19[%mul3A_239] : memref<192xf32, #tpu.memory_space<vmem>>[vector<16xi32>], vector<16xf32>,
    %add3A_241 = arith.constant 1 : i32
    %add3A_242 = vector.broadcast %add3A_241 : i32 to vector<16xi32>
    %add3A_243 = arith.addi %mul3A_239, %add3A_242 : vector<16xi32>
    %gather3A_244 = tpu.vector_load_idx %arg19[%add3A_243] : memref<192xf32, #tpu.memory_space<vmem>>[vector<16xi32>], vector<16xf32>,
    %add3A_245 = arith.constant 2 : i32
    %add3A_246 = vector.broadcast %add3A_245 : i32 to vector<16xi32>
    %add3A_247 = arith.addi %mul3A_239, %add3A_246 : vector<16xi32>
    %gather3A_248 = tpu.vector_load_idx %arg19[%add3A_247] : memref<192xf32, #tpu.memory_space<vmem>>[vector<16xi32>], vector<16xf32>,
    %gather3A_249 = tpu.vector_load_idx %arg20[%get3A_236] : memref<64xf32, #tpu.memory_space<vmem>>[vector<16xi32>], vector<16xf32>,
    %get3A_250 = arith.constant 32 : index
    %get3A_251 = tpu.vector_load %arg16[%get3A_250] {strides = array<i32>} : memref<512xi32, #tpu.memory_space<vmem>>, vector<16xi32>,
    %get3A_252 = arith.constant 32 : index
    %get3A_253 = tpu.vector_load %arg17[%get3A_252] {strides = array<i32>} : memref<512xf32, #tpu.memory_space<vmem>>, vector<16xf32>,
    %get3A_254 = arith.constant 32 : index
    %get3A_255 = tpu.vector_load %arg18[%get3A_254] {strides = array<i32>} : memref<512xf32, #tpu.memory_space<vmem>>, vector<16xf32>,
    %sub3A_256 = arith.subf %gather3A_222, %gather3A_240 : vector<16xf32>
    %sub3A_257 = arith.subf %gather3A_226, %gather3A_244 : vector<16xf32>
    %sub3A_258 = arith.subf %gather3A_230, %gather3A_248 : vector<16xf32>
    %mul3A_259 = arith.mulf %sub3A_256, %sub3A_256 : vector<16xf32>
    %mul3A_260 = arith.mulf %sub3A_257, %sub3A_257 : vector<16xf32>
    %add3A_261 = arith.addf %mul3A_259, %mul3A_260 : vector<16xf32>
    %mul3A_262 = arith.mulf %sub3A_258, %sub3A_258 : vector<16xf32>
    %add3A_263 = arith.addf %add3A_261, %mul3A_262 : vector<16xf32>
    %bitcast3A_264 = vector.bitcast %add3A_263 : vector<16xf32> to vector<16xi32>
    %shift_right_arithmetic3A_265 = arith.constant 1 : i32
    %shift_right_arithmetic3A_266 = vector.broadcast %shift_right_arithmetic3A_265 : i32 to vector<16xi32>
    %shift_right_arithmetic3A_267 = arith.shrsi %bitcast3A_264, %shift_right_arithmetic3A_266 : vector<16xi32>
    %sub3A_268 = arith.constant 1597463007 : i32
    %sub3A_269 = vector.broadcast %sub3A_268 : i32 to vector<16xi32>
    %sub3A_270 = arith.subi %sub3A_269, %shift_right_arithmetic3A_267 : vector<16xi32>
    %bitcast3A_271 = vector.bitcast %sub3A_270 : vector<16xi32> to vector<16xf32>
    %mul3A_272 = arith.constant 5.000000e-01 : f32
    %mul3A_273 = vector.broadcast %mul3A_272 : f32 to vector<16xf32>
    %mul3A_274 = arith.mulf %mul3A_273, %add3A_263 : vector<16xf32>
    %mul3A_275 = arith.mulf %mul3A_274, %bitcast3A_271 : vector<16xf32>
    %mul3A_276 = arith.mulf %mul3A_275, %bitcast3A_271 : vector<16xf32>
    %sub3A_277 = arith.constant 1.500000e+00 : f32
    %sub3A_278 = vector.broadcast %sub3A_277 : f32 to vector<16xf32>
    %sub3A_279 = arith.subf %sub3A_278, %mul3A_276 : vector<16xf32>
    %mul3A_280 = arith.mulf %bitcast3A_271, %sub3A_279 : vector<16xf32>
    %mul3A_281 = arith.mulf %mul3A_274, %mul3A_280 : vector<16xf32>
    %mul3A_282 = arith.mulf %mul3A_281, %mul3A_280 : vector<16xf32>
    %sub3A_283 = arith.constant 1.500000e+00 : f32
    %sub3A_284 = vector.broadcast %sub3A_283 : f32 to vector<16xf32>
    %sub3A_285 = arith.subf %sub3A_284, %mul3A_282 : vector<16xf32>
    %mul3A_286 = arith.mulf %mul3A_280, %sub3A_285 : vector<16xf32>
    %mul3A_287 = arith.mulf %mul3A_274, %mul3A_286 : vector<16xf32>
    %mul3A_288 = arith.mulf %mul3A_287, %mul3A_286 : vector<16xf32>
    %sub3A_289 = arith.constant 1.500000e+00 : f32
    %sub3A_290 = vector.broadcast %sub3A_289 : f32 to vector<16xf32>
    %sub3A_291 = arith.subf %sub3A_290, %mul3A_288 : vector<16xf32>
    %mul3A_292 = arith.mulf %mul3A_286, %sub3A_291 : vector<16xf32>
    %gt3A_293 = arith.constant 0.000000e+00 : f32
    %gt3A_294 = vector.broadcast %gt3A_293 : f32 to vector<16xf32>
    %gt3A_295 = arith.cmpf ogt, %add3A_263, %gt3A_294 : vector<16xf32>
    %mul3A_296 = arith.mulf %add3A_263, %mul3A_292 : vector<16xf32>
    %jit3A_297 = arith.constant 0.000000e+00 : f32
    %broadcast_in_dim3A_298 = vector.broadcast %jit3A_297 : f32 to vector<16xf32>
    %select_n3A_299 = arith.select %gt3A_295, %mul3A_296, %broadcast_in_dim3A_298 : vector<16xi1>, vector<16xf32>
    %eq3A_300 = arith.constant 0 : i32
    %eq3A_301 = vector.broadcast %eq3A_300 : i32 to vector<16xi32>
    %eq3A_302 = arith.cmpi eq, %get3A_251, %eq3A_301 : vector<16xi32>
    %jit3A_303 = arith.constant 6.000000e+00 : f32
    %jit3A_304 = arith.constant 3.46820807 : f32
    %broadcast_in_dim3A_305 = vector.broadcast %jit3A_303 : f32 to vector<16xf32>
    %broadcast_in_dim3A_306 = vector.broadcast %jit3A_304 : f32 to vector<16xf32>
    %select_n3A_307 = arith.select %eq3A_302, %broadcast_in_dim3A_305, %broadcast_in_dim3A_306 : vector<16xi1>, vector<16xf32>
    %div3A_308 = arith.divf %select_n3A_299, %select_n3A_307 : vector<16xf32>
    %add3A_309 = arith.addf %gather3A_234, %div3A_308 : vector<16xf32>
    %add3A_310 = arith.addf %add3A_309, %gather3A_249 : vector<16xf32>
    %sub3A_311 = arith.subf %get3A_253, %add3A_310 : vector<16xf32>
    %swap3A_312 = arith.constant 32 : index
    %swap3A_313 = tpu.vector_load %arg21[%swap3A_312] {strides = array<i32>} : memref<512xf32, #tpu.memory_space<vmem>>, vector<16xf32>,
    tpu.vector_store %arg21[%swap3A_312], %add3A_310 {strides = array<i32>} : memref<512xf32, #tpu.memory_space<vmem>>, vector<16xf32>,
    %swap3A_314 = arith.constant 32 : index
    %swap3A_315 = tpu.vector_load %arg22[%swap3A_314] {strides = array<i32>} : memref<512xf32, #tpu.memory_space<vmem>>, vector<16xf32>,
    tpu.vector_store %arg22[%swap3A_314], %sub3A_311 {strides = array<i32>} : memref<512xf32, #tpu.memory_space<vmem>>, vector<16xf32>,
    %abs3A_316 = math.absf %sub3A_311 : vector<16xf32>
    %le3A_317 = arith.constant 1.000000e+00 : f32
    %le3A_318 = vector.broadcast %le3A_317 : f32 to vector<16xf32>
    %le3A_319 = arith.cmpf ole, %abs3A_316, %le3A_318 : vector<16xf32>
    %mul3A_320 = arith.constant 5.000000e-01 : f32
    %mul3A_321 = vector.broadcast %mul3A_320 : f32 to vector<16xf32>
    %mul3A_322 = arith.mulf %mul3A_321, %sub3A_311 : vector<16xf32>
    %mul3A_323 = arith.mulf %mul3A_322, %sub3A_311 : vector<16xf32>
    %sub3A_324 = arith.constant 5.000000e-01 : f32
    %sub3A_325 = vector.broadcast %sub3A_324 : f32 to vector<16xf32>
    %sub3A_326 = arith.subf %abs3A_316, %sub3A_325 : vector<16xf32>
    %select_n3A_327 = arith.select %le3A_319, %mul3A_323, %sub3A_326 : vector<16xi1>, vector<16xf32>
    %mul3A_328 = arith.mulf %select_n3A_327, %get3A_255 : vector<16xf32>
    %add3A_329 = arith.addf %add3A_218, %mul3A_328 : vector<16xf32>
    %add3A_330 = arith.constant 48 : i32
    %add3A_331 = vector.broadcast %add3A_330 : i32 to vector<16xi32>
    %add3A_332 = arith.addi %iota3A, %add3A_331 : vector<16xi32>
    %gather3A_333 = tpu.vector_load_idx %arg14[%add3A_332, %broadcast_in_dim3A_3] : memref<512x16xf32, #tpu.memory_space<vmem>>[vector<16xi32>, vector<16xi32>], vector<16xf32>,
    %add3A_334 = arith.constant 1 : i32
    %add3A_335 = vector.broadcast %add3A_334 : i32 to vector<16xi32>
    %add3A_336 = arith.addi %broadcast_in_dim3A_3, %add3A_335 : vector<16xi32>
    %gather3A_337 = tpu.vector_load_idx %arg14[%add3A_332, %add3A_336] : memref<512x16xf32, #tpu.memory_space<vmem>>[vector<16xi32>, vector<16xi32>], vector<16xf32>,
    %add3A_338 = arith.constant 2 : i32
    %add3A_339 = vector.broadcast %add3A_338 : i32 to vector<16xi32>
    %add3A_340 = arith.addi %broadcast_in_dim3A_3, %add3A_339 : vector<16xi32>
    %gather3A_341 = tpu.vector_load_idx %arg14[%add3A_332, %add3A_340] : memref<512x16xf32, #tpu.memory_space<vmem>>[vector<16xi32>, vector<16xi32>], vector<16xf32>,
    %add3A_342 = arith.constant 3 : i32
    %add3A_343 = vector.broadcast %add3A_342 : i32 to vector<16xi32>
    %add3A_344 = arith.addi %broadcast_in_dim3A_3, %add3A_343 : vector<16xi32>
    %gather3A_345 = tpu.vector_load_idx %arg14[%add3A_332, %add3A_344] : memref<512x16xf32, #tpu.memory_space<vmem>>[vector<16xi32>, vector<16xi32>], vector<16xf32>,
    %get3A_346 = arith.constant 48 : index
    %get3A_347 = tpu.vector_load %arg15[%get3A_346] {strides = array<i32>} : memref<512xi32, #tpu.memory_space<vmem>>, vector<16xi32>,
    %mul3A_348 = arith.constant 3 : i32
    %mul3A_349 = vector.broadcast %mul3A_348 : i32 to vector<16xi32>
    %mul3A_350 = arith.muli %get3A_347, %mul3A_349 : vector<16xi32>
    %gather3A_351 = tpu.vector_load_idx %arg19[%mul3A_350] : memref<192xf32, #tpu.memory_space<vmem>>[vector<16xi32>], vector<16xf32>,
    %add3A_352 = arith.constant 1 : i32
    %add3A_353 = vector.broadcast %add3A_352 : i32 to vector<16xi32>
    %add3A_354 = arith.addi %mul3A_350, %add3A_353 : vector<16xi32>
    %gather3A_355 = tpu.vector_load_idx %arg19[%add3A_354] : memref<192xf32, #tpu.memory_space<vmem>>[vector<16xi32>], vector<16xf32>,
    %add3A_356 = arith.constant 2 : i32
    %add3A_357 = vector.broadcast %add3A_356 : i32 to vector<16xi32>
    %add3A_358 = arith.addi %mul3A_350, %add3A_357 : vector<16xi32>
    %gather3A_359 = tpu.vector_load_idx %arg19[%add3A_358] : memref<192xf32, #tpu.memory_space<vmem>>[vector<16xi32>], vector<16xf32>,
    %gather3A_360 = tpu.vector_load_idx %arg20[%get3A_347] : memref<64xf32, #tpu.memory_space<vmem>>[vector<16xi32>], vector<16xf32>,
    %get3A_361 = arith.constant 48 : index
    %get3A_362 = tpu.vector_load %arg16[%get3A_361] {strides = array<i32>} : memref<512xi32, #tpu.memory_space<vmem>>, vector<16xi32>,
    %get3A_363 = arith.constant 48 : index
    %get3A_364 = tpu.vector_load %arg17[%get3A_363] {strides = array<i32>} : memref<512xf32, #tpu.memory_space<vmem>>, vector<16xf32>,
    %get3A_365 = arith.constant 48 : index
    %get3A_366 = tpu.vector_load %arg18[%get3A_365] {strides = array<i32>} : memref<512xf32, #tpu.memory_space<vmem>>, vector<16xf32>,
    %sub3A_367 = arith.subf %gather3A_333, %gather3A_351 : vector<16xf32>
    %sub3A_368 = arith.subf %gather3A_337, %gather3A_355 : vector<16xf32>
    %sub3A_369 = arith.subf %gather3A_341, %gather3A_359 : vector<16xf32>
    %mul3A_370 = arith.mulf %sub3A_367, %sub3A_367 : vector<16xf32>
    %mul3A_371 = arith.mulf %sub3A_368, %sub3A_368 : vector<16xf32>
    %add3A_372 = arith.addf %mul3A_370, %mul3A_371 : vector<16xf32>
    %mul3A_373 = arith.mulf %sub3A_369, %sub3A_369 : vector<16xf32>
    %add3A_374 = arith.addf %add3A_372, %mul3A_373 : vector<16xf32>
    %bitcast3A_375 = vector.bitcast %add3A_374 : vector<16xf32> to vector<16xi32>
    %shift_right_arithmetic3A_376 = arith.constant 1 : i32
    %shift_right_arithmetic3A_377 = vector.broadcast %shift_right_arithmetic3A_376 : i32 to vector<16xi32>
    %shift_right_arithmetic3A_378 = arith.shrsi %bitcast3A_375, %shift_right_arithmetic3A_377 : vector<16xi32>
    %sub3A_379 = arith.constant 1597463007 : i32
    %sub3A_380 = vector.broadcast %sub3A_379 : i32 to vector<16xi32>
    %sub3A_381 = arith.subi %sub3A_380, %shift_right_arithmetic3A_378 : vector<16xi32>
    %bitcast3A_382 = vector.bitcast %sub3A_381 : vector<16xi32> to vector<16xf32>
    %mul3A_383 = arith.constant 5.000000e-01 : f32
    %mul3A_384 = vector.broadcast %mul3A_383 : f32 to vector<16xf32>
    %mul3A_385 = arith.mulf %mul3A_384, %add3A_374 : vector<16xf32>
    %mul3A_386 = arith.mulf %mul3A_385, %bitcast3A_382 : vector<16xf32>
    %mul3A_387 = arith.mulf %mul3A_386, %bitcast3A_382 : vector<16xf32>
    %sub3A_388 = arith.constant 1.500000e+00 : f32
    %sub3A_389 = vector.broadcast %sub3A_388 : f32 to vector<16xf32>
    %sub3A_390 = arith.subf %sub3A_389, %mul3A_387 : vector<16xf32>
    %mul3A_391 = arith.mulf %bitcast3A_382, %sub3A_390 : vector<16xf32>
    %mul3A_392 = arith.mulf %mul3A_385, %mul3A_391 : vector<16xf32>
    %mul3A_393 = arith.mulf %mul3A_392, %mul3A_391 : vector<16xf32>
    %sub3A_394 = arith.constant 1.500000e+00 : f32
    %sub3A_395 = vector.broadcast %sub3A_394 : f32 to vector<16xf32>
    %sub3A_396 = arith.subf %sub3A_395, %mul3A_393 : vector<16xf32>
    %mul3A_397 = arith.mulf %mul3A_391, %sub3A_396 : vector<16xf32>
    %mul3A_398 = arith.mulf %mul3A_385, %mul3A_397 : vector<16xf32>
    %mul3A_399 = arith.mulf %mul3A_398, %mul3A_397 : vector<16xf32>
    %sub3A_400 = arith.constant 1.500000e+00 : f32
    %sub3A_401 = vector.broadcast %sub3A_400 : f32 to vector<16xf32>
    %sub3A_402 = arith.subf %sub3A_401, %mul3A_399 : vector<16xf32>
    %mul3A_403 = arith.mulf %mul3A_397, %sub3A_402 : vector<16xf32>
    %gt3A_404 = arith.constant 0.000000e+00 : f32
    %gt3A_405 = vector.broadcast %gt3A_404 : f32 to vector<16xf32>
    %gt3A_406 = arith.cmpf ogt, %add3A_374, %gt3A_405 : vector<16xf32>
    %mul3A_407 = arith.mulf %add3A_374, %mul3A_403 : vector<16xf32>
    %jit3A_408 = arith.constant 0.000000e+00 : f32
    %broadcast_in_dim3A_409 = vector.broadcast %jit3A_408 : f32 to vector<16xf32>
    %select_n3A_410 = arith.select %gt3A_406, %mul3A_407, %broadcast_in_dim3A_409 : vector<16xi1>, vector<16xf32>
    %eq3A_411 = arith.constant 0 : i32
    %eq3A_412 = vector.broadcast %eq3A_411 : i32 to vector<16xi32>
    %eq3A_413 = arith.cmpi eq, %get3A_362, %eq3A_412 : vector<16xi32>
    %jit3A_414 = arith.constant 6.000000e+00 : f32
    %jit3A_415 = arith.constant 3.46820807 : f32
    %broadcast_in_dim3A_416 = vector.broadcast %jit3A_414 : f32 to vector<16xf32>
    %broadcast_in_dim3A_417 = vector.broadcast %jit3A_415 : f32 to vector<16xf32>
    %select_n3A_418 = arith.select %eq3A_413, %broadcast_in_dim3A_416, %broadcast_in_dim3A_417 : vector<16xi1>, vector<16xf32>
    %div3A_419 = arith.divf %select_n3A_410, %select_n3A_418 : vector<16xf32>
    %add3A_420 = arith.addf %gather3A_345, %div3A_419 : vector<16xf32>
    %add3A_421 = arith.addf %add3A_420, %gather3A_360 : vector<16xf32>
    %sub3A_422 = arith.subf %get3A_364, %add3A_421 : vector<16xf32>
    %swap3A_423 = arith.constant 48 : index
    %swap3A_424 = tpu.vector_load %arg21[%swap3A_423] {strides = array<i32>} : memref<512xf32, #tpu.memory_space<vmem>>, vector<16xf32>,
    tpu.vector_store %arg21[%swap3A_423], %add3A_421 {strides = array<i32>} : memref<512xf32, #tpu.memory_space<vmem>>, vector<16xf32>,
    %swap3A_425 = arith.constant 48 : index
    %swap3A_426 = tpu.vector_load %arg22[%swap3A_425] {strides = array<i32>} : memref<512xf32, #tpu.memory_space<vmem>>, vector<16xf32>,
    tpu.vector_store %arg22[%swap3A_425], %sub3A_422 {strides = array<i32>} : memref<512xf32, #tpu.memory_space<vmem>>, vector<16xf32>,
    %abs3A_427 = math.absf %sub3A_422 : vector<16xf32>
    %le3A_428 = arith.constant 1.000000e+00 : f32
    %le3A_429 = vector.broadcast %le3A_428 : f32 to vector<16xf32>
    %le3A_430 = arith.cmpf ole, %abs3A_427, %le3A_429 : vector<16xf32>
    %mul3A_431 = arith.constant 5.000000e-01 : f32
    %mul3A_432 = vector.broadcast %mul3A_431 : f32 to vector<16xf32>
    %mul3A_433 = arith.mulf %mul3A_432, %sub3A_422 : vector<16xf32>
    %mul3A_434 = arith.mulf %mul3A_433, %sub3A_422 : vector<16xf32>
    %sub3A_435 = arith.constant 5.000000e-01 : f32
    %sub3A_436 = vector.broadcast %sub3A_435 : f32 to vector<16xf32>
    %sub3A_437 = arith.subf %abs3A_427, %sub3A_436 : vector<16xf32>
    %select_n3A_438 = arith.select %le3A_430, %mul3A_434, %sub3A_437 : vector<16xi1>, vector<16xf32>
    %mul3A_439 = arith.mulf %select_n3A_438, %get3A_366 : vector<16xf32>
    %add3A_440 = arith.addf %add3A_329, %mul3A_439 : vector<16xf32>
    %add3A_441 = arith.constant 64 : i32
    %add3A_442 = vector.broadcast %add3A_441 : i32 to vector<16xi32>
    %add3A_443 = arith.addi %iota3A, %add3A_442 : vector<16xi32>
    %gather3A_444 = tpu.vector_load_idx %arg14[%add3A_443, %broadcast_in_dim3A_3] : memref<512x16xf32, #tpu.memory_space<vmem>>[vector<16xi32>, vector<16xi32>], vector<16xf32>,
    %add3A_445 = arith.constant 1 : i32
    %add3A_446 = vector.broadcast %add3A_445 : i32 to vector<16xi32>
    %add3A_447 = arith.addi %broadcast_in_dim3A_3, %add3A_446 : vector<16xi32>
    %gather3A_448 = tpu.vector_load_idx %arg14[%add3A_443, %add3A_447] : memref<512x16xf32, #tpu.memory_space<vmem>>[vector<16xi32>, vector<16xi32>], vector<16xf32>,
    %add3A_449 = arith.constant 2 : i32
    %add3A_450 = vector.broadcast %add3A_449 : i32 to vector<16xi32>
    %add3A_451 = arith.addi %broadcast_in_dim3A_3, %add3A_450 : vector<16xi32>
    %gather3A_452 = tpu.vector_load_idx %arg14[%add3A_443, %add3A_451] : memref<512x16xf32, #tpu.memory_space<vmem>>[vector<16xi32>, vector<16xi32>], vector<16xf32>,
    %add3A_453 = arith.constant 3 : i32
    %add3A_454 = vector.broadcast %add3A_453 : i32 to vector<16xi32>
    %add3A_455 = arith.addi %broadcast_in_dim3A_3, %add3A_454 : vector<16xi32>
    %gather3A_456 = tpu.vector_load_idx %arg14[%add3A_443, %add3A_455] : memref<512x16xf32, #tpu.memory_space<vmem>>[vector<16xi32>, vector<16xi32>], vector<16xf32>,
    %get3A_457 = arith.constant 64 : index
    %get3A_458 = tpu.vector_load %arg15[%get3A_457] {strides = array<i32>} : memref<512xi32, #tpu.memory_space<vmem>>, vector<16xi32>,
    %mul3A_459 = arith.constant 3 : i32
    %mul3A_460 = vector.broadcast %mul3A_459 : i32 to vector<16xi32>
    %mul3A_461 = arith.muli %get3A_458, %mul3A_460 : vector<16xi32>
    %gather3A_462 = tpu.vector_load_idx %arg19[%mul3A_461] : memref<192xf32, #tpu.memory_space<vmem>>[vector<16xi32>], vector<16xf32>,
    %add3A_463 = arith.constant 1 : i32
    %add3A_464 = vector.broadcast %add3A_463 : i32 to vector<16xi32>
    %add3A_465 = arith.addi %mul3A_461, %add3A_464 : vector<16xi32>
    %gather3A_466 = tpu.vector_load_idx %arg19[%add3A_465] : memref<192xf32, #tpu.memory_space<vmem>>[vector<16xi32>], vector<16xf32>,
    %add3A_467 = arith.constant 2 : i32
    %add3A_468 = vector.broadcast %add3A_467 : i32 to vector<16xi32>
    %add3A_469 = arith.addi %mul3A_461, %add3A_468 : vector<16xi32>
    %gather3A_470 = tpu.vector_load_idx %arg19[%add3A_469] : memref<192xf32, #tpu.memory_space<vmem>>[vector<16xi32>], vector<16xf32>,
    %gather3A_471 = tpu.vector_load_idx %arg20[%get3A_458] : memref<64xf32, #tpu.memory_space<vmem>>[vector<16xi32>], vector<16xf32>,
    %get3A_472 = arith.constant 64 : index
    %get3A_473 = tpu.vector_load %arg16[%get3A_472] {strides = array<i32>} : memref<512xi32, #tpu.memory_space<vmem>>, vector<16xi32>,
    %get3A_474 = arith.constant 64 : index
    %get3A_475 = tpu.vector_load %arg17[%get3A_474] {strides = array<i32>} : memref<512xf32, #tpu.memory_space<vmem>>, vector<16xf32>,
    %get3A_476 = arith.constant 64 : index
    %get3A_477 = tpu.vector_load %arg18[%get3A_476] {strides = array<i32>} : memref<512xf32, #tpu.memory_space<vmem>>, vector<16xf32>,
    %sub3A_478 = arith.subf %gather3A_444, %gather3A_462 : vector<16xf32>
    %sub3A_479 = arith.subf %gather3A_448, %gather3A_466 : vector<16xf32>
    %sub3A_480 = arith.subf %gather3A_452, %gather3A_470 : vector<16xf32>
    %mul3A_481 = arith.mulf %sub3A_478, %sub3A_478 : vector<16xf32>
    %mul3A_482 = arith.mulf %sub3A_479, %sub3A_479 : vector<16xf32>
    %add3A_483 = arith.addf %mul3A_481, %mul3A_482 : vector<16xf32>
    %mul3A_484 = arith.mulf %sub3A_480, %sub3A_480 : vector<16xf32>
    %add3A_485 = arith.addf %add3A_483, %mul3A_484 : vector<16xf32>
    %bitcast3A_486 = vector.bitcast %add3A_485 : vector<16xf32> to vector<16xi32>
    %shift_right_arithmetic3A_487 = arith.constant 1 : i32
    %shift_right_arithmetic3A_488 = vector.broadcast %shift_right_arithmetic3A_487 : i32 to vector<16xi32>
    %shift_right_arithmetic3A_489 = arith.shrsi %bitcast3A_486, %shift_right_arithmetic3A_488 : vector<16xi32>
    %sub3A_490 = arith.constant 1597463007 : i32
    %sub3A_491 = vector.broadcast %sub3A_490 : i32 to vector<16xi32>
    %sub3A_492 = arith.subi %sub3A_491, %shift_right_arithmetic3A_489 : vector<16xi32>
    %bitcast3A_493 = vector.bitcast %sub3A_492 : vector<16xi32> to vector<16xf32>
    %mul3A_494 = arith.constant 5.000000e-01 : f32
    %mul3A_495 = vector.broadcast %mul3A_494 : f32 to vector<16xf32>
    %mul3A_496 = arith.mulf %mul3A_495, %add3A_485 : vector<16xf32>
    %mul3A_497 = arith.mulf %mul3A_496, %bitcast3A_493 : vector<16xf32>
    %mul3A_498 = arith.mulf %mul3A_497, %bitcast3A_493 : vector<16xf32>
    %sub3A_499 = arith.constant 1.500000e+00 : f32
    %sub3A_500 = vector.broadcast %sub3A_499 : f32 to vector<16xf32>
    %sub3A_501 = arith.subf %sub3A_500, %mul3A_498 : vector<16xf32>
    %mul3A_502 = arith.mulf %bitcast3A_493, %sub3A_501 : vector<16xf32>
    %mul3A_503 = arith.mulf %mul3A_496, %mul3A_502 : vector<16xf32>
    %mul3A_504 = arith.mulf %mul3A_503, %mul3A_502 : vector<16xf32>
    %sub3A_505 = arith.constant 1.500000e+00 : f32
    %sub3A_506 = vector.broadcast %sub3A_505 : f32 to vector<16xf32>
    %sub3A_507 = arith.subf %sub3A_506, %mul3A_504 : vector<16xf32>
    %mul3A_508 = arith.mulf %mul3A_502, %sub3A_507 : vector<16xf32>
    %mul3A_509 = arith.mulf %mul3A_496, %mul3A_508 : vector<16xf32>
    %mul3A_510 = arith.mulf %mul3A_509, %mul3A_508 : vector<16xf32>
    %sub3A_511 = arith.constant 1.500000e+00 : f32
    %sub3A_512 = vector.broadcast %sub3A_511 : f32 to vector<16xf32>
    %sub3A_513 = arith.subf %sub3A_512, %mul3A_510 : vector<16xf32>
    %mul3A_514 = arith.mulf %mul3A_508, %sub3A_513 : vector<16xf32>
    %gt3A_515 = arith.constant 0.000000e+00 : f32
    %gt3A_516 = vector.broadcast %gt3A_515 : f32 to vector<16xf32>
    %gt3A_517 = arith.cmpf ogt, %add3A_485, %gt3A_516 : vector<16xf32>
    %mul3A_518 = arith.mulf %add3A_485, %mul3A_514 : vector<16xf32>
    %jit3A_519 = arith.constant 0.000000e+00 : f32
    %broadcast_in_dim3A_520 = vector.broadcast %jit3A_519 : f32 to vector<16xf32>
    %select_n3A_521 = arith.select %gt3A_517, %mul3A_518, %broadcast_in_dim3A_520 : vector<16xi1>, vector<16xf32>
    %eq3A_522 = arith.constant 0 : i32
    %eq3A_523 = vector.broadcast %eq3A_522 : i32 to vector<16xi32>
    %eq3A_524 = arith.cmpi eq, %get3A_473, %eq3A_523 : vector<16xi32>
    %jit3A_525 = arith.constant 6.000000e+00 : f32
    %jit3A_526 = arith.constant 3.46820807 : f32
    %broadcast_in_dim3A_527 = vector.broadcast %jit3A_525 : f32 to vector<16xf32>
    %broadcast_in_dim3A_528 = vector.broadcast %jit3A_526 : f32 to vector<16xf32>
    %select_n3A_529 = arith.select %eq3A_524, %broadcast_in_dim3A_527, %broadcast_in_dim3A_528 : vector<16xi1>, vector<16xf32>
    %div3A_530 = arith.divf %select_n3A_521, %select_n3A_529 : vector<16xf32>
    %add3A_531 = arith.addf %gather3A_456, %div3A_530 : vector<16xf32>
    %add3A_532 = arith.addf %add3A_531, %gather3A_471 : vector<16xf32>
    %sub3A_533 = arith.subf %get3A_475, %add3A_532 : vector<16xf32>
    %swap3A_534 = arith.constant 64 : index
    %swap3A_535 = tpu.vector_load %arg21[%swap3A_534] {strides = array<i32>} : memref<512xf32, #tpu.memory_space<vmem>>, vector<16xf32>,
    tpu.vector_store %arg21[%swap3A_534], %add3A_532 {strides = array<i32>} : memref<512xf32, #tpu.memory_space<vmem>>, vector<16xf32>,
    %swap3A_536 = arith.constant 64 : index
    %swap3A_537 = tpu.vector_load %arg22[%swap3A_536] {strides = array<i32>} : memref<512xf32, #tpu.memory_space<vmem>>, vector<16xf32>,
    tpu.vector_store %arg22[%swap3A_536], %sub3A_533 {strides = array<i32>} : memref<512xf32, #tpu.memory_space<vmem>>, vector<16xf32>,
    %abs3A_538 = math.absf %sub3A_533 : vector<16xf32>
    %le3A_539 = arith.constant 1.000000e+00 : f32
    %le3A_540 = vector.broadcast %le3A_539 : f32 to vector<16xf32>
    %le3A_541 = arith.cmpf ole, %abs3A_538, %le3A_540 : vector<16xf32>
    %mul3A_542 = arith.constant 5.000000e-01 : f32
    %mul3A_543 = vector.broadcast %mul3A_542 : f32 to vector<16xf32>
    %mul3A_544 = arith.mulf %mul3A_543, %sub3A_533 : vector<16xf32>
    %mul3A_545 = arith.mulf %mul3A_544, %sub3A_533 : vector<16xf32>
    %sub3A_546 = arith.constant 5.000000e-01 : f32
    %sub3A_547 = vector.broadcast %sub3A_546 : f32 to vector<16xf32>
    %sub3A_548 = arith.subf %abs3A_538, %sub3A_547 : vector<16xf32>
    %select_n3A_549 = arith.select %le3A_541, %mul3A_545, %sub3A_548 : vector<16xi1>, vector<16xf32>
    %mul3A_550 = arith.mulf %select_n3A_549, %get3A_477 : vector<16xf32>
    %add3A_551 = arith.addf %add3A_440, %mul3A_550 : vector<16xf32>
    %add3A_552 = arith.constant 80 : i32
    %add3A_553 = vector.broadcast %add3A_552 : i32 to vector<16xi32>
    %add3A_554 = arith.addi %iota3A, %add3A_553 : vector<16xi32>
    %gather3A_555 = tpu.vector_load_idx %arg14[%add3A_554, %broadcast_in_dim3A_3] : memref<512x16xf32, #tpu.memory_space<vmem>>[vector<16xi32>, vector<16xi32>], vector<16xf32>,
    %add3A_556 = arith.constant 1 : i32
    %add3A_557 = vector.broadcast %add3A_556 : i32 to vector<16xi32>
    %add3A_558 = arith.addi %broadcast_in_dim3A_3, %add3A_557 : vector<16xi32>
    %gather3A_559 = tpu.vector_load_idx %arg14[%add3A_554, %add3A_558] : memref<512x16xf32, #tpu.memory_space<vmem>>[vector<16xi32>, vector<16xi32>], vector<16xf32>,
    %add3A_560 = arith.constant 2 : i32
    %add3A_561 = vector.broadcast %add3A_560 : i32 to vector<16xi32>
    %add3A_562 = arith.addi %broadcast_in_dim3A_3, %add3A_561 : vector<16xi32>
    %gather3A_563 = tpu.vector_load_idx %arg14[%add3A_554, %add3A_562] : memref<512x16xf32, #tpu.memory_space<vmem>>[vector<16xi32>, vector<16xi32>], vector<16xf32>,
    %add3A_564 = arith.constant 3 : i32
    %add3A_565 = vector.broadcast %add3A_564 : i32 to vector<16xi32>
    %add3A_566 = arith.addi %broadcast_in_dim3A_3, %add3A_565 : vector<16xi32>
    %gather3A_567 = tpu.vector_load_idx %arg14[%add3A_554, %add3A_566] : memref<512x16xf32, #tpu.memory_space<vmem>>[vector<16xi32>, vector<16xi32>], vector<16xf32>,
    %get3A_568 = arith.constant 80 : index
    %get3A_569 = tpu.vector_load %arg15[%get3A_568] {strides = array<i32>} : memref<512xi32, #tpu.memory_space<vmem>>, vector<16xi32>,
    %mul3A_570 = arith.constant 3 : i32
    %mul3A_571 = vector.broadcast %mul3A_570 : i32 to vector<16xi32>
    %mul3A_572 = arith.muli %get3A_569, %mul3A_571 : vector<16xi32>
    %gather3A_573 = tpu.vector_load_idx %arg19[%mul3A_572] : memref<192xf32, #tpu.memory_space<vmem>>[vector<16xi32>], vector<16xf32>,
    %add3A_574 = arith.constant 1 : i32
    %add3A_575 = vector.broadcast %add3A_574 : i32 to vector<16xi32>
    %add3A_576 = arith.addi %mul3A_572, %add3A_575 : vector<16xi32>
    %gather3A_577 = tpu.vector_load_idx %arg19[%add3A_576] : memref<192xf32, #tpu.memory_space<vmem>>[vector<16xi32>], vector<16xf32>,
    %add3A_578 = arith.constant 2 : i32
    %add3A_579 = vector.broadcast %add3A_578 : i32 to vector<16xi32>
    %add3A_580 = arith.addi %mul3A_572, %add3A_579 : vector<16xi32>
    %gather3A_581 = tpu.vector_load_idx %arg19[%add3A_580] : memref<192xf32, #tpu.memory_space<vmem>>[vector<16xi32>], vector<16xf32>,
    %gather3A_582 = tpu.vector_load_idx %arg20[%get3A_569] : memref<64xf32, #tpu.memory_space<vmem>>[vector<16xi32>], vector<16xf32>,
    %get3A_583 = arith.constant 80 : index
    %get3A_584 = tpu.vector_load %arg16[%get3A_583] {strides = array<i32>} : memref<512xi32, #tpu.memory_space<vmem>>, vector<16xi32>,
    %get3A_585 = arith.constant 80 : index
    %get3A_586 = tpu.vector_load %arg17[%get3A_585] {strides = array<i32>} : memref<512xf32, #tpu.memory_space<vmem>>, vector<16xf32>,
    %get3A_587 = arith.constant 80 : index
    %get3A_588 = tpu.vector_load %arg18[%get3A_587] {strides = array<i32>} : memref<512xf32, #tpu.memory_space<vmem>>, vector<16xf32>,
    %sub3A_589 = arith.subf %gather3A_555, %gather3A_573 : vector<16xf32>
    %sub3A_590 = arith.subf %gather3A_559, %gather3A_577 : vector<16xf32>
    %sub3A_591 = arith.subf %gather3A_563, %gather3A_581 : vector<16xf32>
    %mul3A_592 = arith.mulf %sub3A_589, %sub3A_589 : vector<16xf32>
    %mul3A_593 = arith.mulf %sub3A_590, %sub3A_590 : vector<16xf32>
    %add3A_594 = arith.addf %mul3A_592, %mul3A_593 : vector<16xf32>
    %mul3A_595 = arith.mulf %sub3A_591, %sub3A_591 : vector<16xf32>
    %add3A_596 = arith.addf %add3A_594, %mul3A_595 : vector<16xf32>
    %bitcast3A_597 = vector.bitcast %add3A_596 : vector<16xf32> to vector<16xi32>
    %shift_right_arithmetic3A_598 = arith.constant 1 : i32
    %shift_right_arithmetic3A_599 = vector.broadcast %shift_right_arithmetic3A_598 : i32 to vector<16xi32>
    %shift_right_arithmetic3A_600 = arith.shrsi %bitcast3A_597, %shift_right_arithmetic3A_599 : vector<16xi32>
    %sub3A_601 = arith.constant 1597463007 : i32
    %sub3A_602 = vector.broadcast %sub3A_601 : i32 to vector<16xi32>
    %sub3A_603 = arith.subi %sub3A_602, %shift_right_arithmetic3A_600 : vector<16xi32>
    %bitcast3A_604 = vector.bitcast %sub3A_603 : vector<16xi32> to vector<16xf32>
    %mul3A_605 = arith.constant 5.000000e-01 : f32
    %mul3A_606 = vector.broadcast %mul3A_605 : f32 to vector<16xf32>
    %mul3A_607 = arith.mulf %mul3A_606, %add3A_596 : vector<16xf32>
    %mul3A_608 = arith.mulf %mul3A_607, %bitcast3A_604 : vector<16xf32>
    %mul3A_609 = arith.mulf %mul3A_608, %bitcast3A_604 : vector<16xf32>
    %sub3A_610 = arith.constant 1.500000e+00 : f32
    %sub3A_611 = vector.broadcast %sub3A_610 : f32 to vector<16xf32>
    %sub3A_612 = arith.subf %sub3A_611, %mul3A_609 : vector<16xf32>
    %mul3A_613 = arith.mulf %bitcast3A_604, %sub3A_612 : vector<16xf32>
    %mul3A_614 = arith.mulf %mul3A_607, %mul3A_613 : vector<16xf32>
    %mul3A_615 = arith.mulf %mul3A_614, %mul3A_613 : vector<16xf32>
    %sub3A_616 = arith.constant 1.500000e+00 : f32
    %sub3A_617 = vector.broadcast %sub3A_616 : f32 to vector<16xf32>
    %sub3A_618 = arith.subf %sub3A_617, %mul3A_615 : vector<16xf32>
    %mul3A_619 = arith.mulf %mul3A_613, %sub3A_618 : vector<16xf32>
    %mul3A_620 = arith.mulf %mul3A_607, %mul3A_619 : vector<16xf32>
    %mul3A_621 = arith.mulf %mul3A_620, %mul3A_619 : vector<16xf32>
    %sub3A_622 = arith.constant 1.500000e+00 : f32
    %sub3A_623 = vector.broadcast %sub3A_622 : f32 to vector<16xf32>
    %sub3A_624 = arith.subf %sub3A_623, %mul3A_621 : vector<16xf32>
    %mul3A_625 = arith.mulf %mul3A_619, %sub3A_624 : vector<16xf32>
    %gt3A_626 = arith.constant 0.000000e+00 : f32
    %gt3A_627 = vector.broadcast %gt3A_626 : f32 to vector<16xf32>
    %gt3A_628 = arith.cmpf ogt, %add3A_596, %gt3A_627 : vector<16xf32>
    %mul3A_629 = arith.mulf %add3A_596, %mul3A_625 : vector<16xf32>
    %jit3A_630 = arith.constant 0.000000e+00 : f32
    %broadcast_in_dim3A_631 = vector.broadcast %jit3A_630 : f32 to vector<16xf32>
    %select_n3A_632 = arith.select %gt3A_628, %mul3A_629, %broadcast_in_dim3A_631 : vector<16xi1>, vector<16xf32>
    %eq3A_633 = arith.constant 0 : i32
    %eq3A_634 = vector.broadcast %eq3A_633 : i32 to vector<16xi32>
    %eq3A_635 = arith.cmpi eq, %get3A_584, %eq3A_634 : vector<16xi32>
    %jit3A_636 = arith.constant 6.000000e+00 : f32
    %jit3A_637 = arith.constant 3.46820807 : f32
    %broadcast_in_dim3A_638 = vector.broadcast %jit3A_636 : f32 to vector<16xf32>
    %broadcast_in_dim3A_639 = vector.broadcast %jit3A_637 : f32 to vector<16xf32>
    %select_n3A_640 = arith.select %eq3A_635, %broadcast_in_dim3A_638, %broadcast_in_dim3A_639 : vector<16xi1>, vector<16xf32>
    %div3A_641 = arith.divf %select_n3A_632, %select_n3A_640 : vector<16xf32>
    %add3A_642 = arith.addf %gather3A_567, %div3A_641 : vector<16xf32>
    %add3A_643 = arith.addf %add3A_642, %gather3A_582 : vector<16xf32>
    %sub3A_644 = arith.subf %get3A_586, %add3A_643 : vector<16xf32>
    %swap3A_645 = arith.constant 80 : index
    %swap3A_646 = tpu.vector_load %arg21[%swap3A_645] {strides = array<i32>} : memref<512xf32, #tpu.memory_space<vmem>>, vector<16xf32>,
    tpu.vector_store %arg21[%swap3A_645], %add3A_643 {strides = array<i32>} : memref<512xf32, #tpu.memory_space<vmem>>, vector<16xf32>,
    %swap3A_647 = arith.constant 80 : index
    %swap3A_648 = tpu.vector_load %arg22[%swap3A_647] {strides = array<i32>} : memref<512xf32, #tpu.memory_space<vmem>>, vector<16xf32>,
    tpu.vector_store %arg22[%swap3A_647], %sub3A_644 {strides = array<i32>} : memref<512xf32, #tpu.memory_space<vmem>>, vector<16xf32>,
    %abs3A_649 = math.absf %sub3A_644 : vector<16xf32>
    %le3A_650 = arith.constant 1.000000e+00 : f32
    %le3A_651 = vector.broadcast %le3A_650 : f32 to vector<16xf32>
    %le3A_652 = arith.cmpf ole, %abs3A_649, %le3A_651 : vector<16xf32>
    %mul3A_653 = arith.constant 5.000000e-01 : f32
    %mul3A_654 = vector.broadcast %mul3A_653 : f32 to vector<16xf32>
    %mul3A_655 = arith.mulf %mul3A_654, %sub3A_644 : vector<16xf32>
    %mul3A_656 = arith.mulf %mul3A_655, %sub3A_644 : vector<16xf32>
    %sub3A_657 = arith.constant 5.000000e-01 : f32
    %sub3A_658 = vector.broadcast %sub3A_657 : f32 to vector<16xf32>
    %sub3A_659 = arith.subf %abs3A_649, %sub3A_658 : vector<16xf32>
    %select_n3A_660 = arith.select %le3A_652, %mul3A_656, %sub3A_659 : vector<16xi1>, vector<16xf32>
    %mul3A_661 = arith.mulf %select_n3A_660, %get3A_588 : vector<16xf32>
    %add3A_662 = arith.addf %add3A_551, %mul3A_661 : vector<16xf32>
    %add3A_663 = arith.constant 96 : i32
    %add3A_664 = vector.broadcast %add3A_663 : i32 to vector<16xi32>
    %add3A_665 = arith.addi %iota3A, %add3A_664 : vector<16xi32>
    %gather3A_666 = tpu.vector_load_idx %arg14[%add3A_665, %broadcast_in_dim3A_3] : memref<512x16xf32, #tpu.memory_space<vmem>>[vector<16xi32>, vector<16xi32>], vector<16xf32>,
    %add3A_667 = arith.constant 1 : i32
    %add3A_668 = vector.broadcast %add3A_667 : i32 to vector<16xi32>
    %add3A_669 = arith.addi %broadcast_in_dim3A_3, %add3A_668 : vector<16xi32>
    %gather3A_670 = tpu.vector_load_idx %arg14[%add3A_665, %add3A_669] : memref<512x16xf32, #tpu.memory_space<vmem>>[vector<16xi32>, vector<16xi32>], vector<16xf32>,
    %add3A_671 = arith.constant 2 : i32
    %add3A_672 = vector.broadcast %add3A_671 : i32 to vector<16xi32>
    %add3A_673 = arith.addi %broadcast_in_dim3A_3, %add3A_672 : vector<16xi32>
    %gather3A_674 = tpu.vector_load_idx %arg14[%add3A_665, %add3A_673] : memref<512x16xf32, #tpu.memory_space<vmem>>[vector<16xi32>, vector<16xi32>], vector<16xf32>,
    %add3A_675 = arith.constant 3 : i32
    %add3A_676 = vector.broadcast %add3A_675 : i32 to vector<16xi32>
    %add3A_677 = arith.addi %broadcast_in_dim3A_3, %add3A_676 : vector<16xi32>
    %gather3A_678 = tpu.vector_load_idx %arg14[%add3A_665, %add3A_677] : memref<512x16xf32, #tpu.memory_space<vmem>>[vector<16xi32>, vector<16xi32>], vector<16xf32>,
    %get3A_679 = arith.constant 96 : index
    %get3A_680 = tpu.vector_load %arg15[%get3A_679] {strides = array<i32>} : memref<512xi32, #tpu.memory_space<vmem>>, vector<16xi32>,
    %mul3A_681 = arith.constant 3 : i32
    %mul3A_682 = vector.broadcast %mul3A_681 : i32 to vector<16xi32>
    %mul3A_683 = arith.muli %get3A_680, %mul3A_682 : vector<16xi32>
    %gather3A_684 = tpu.vector_load_idx %arg19[%mul3A_683] : memref<192xf32, #tpu.memory_space<vmem>>[vector<16xi32>], vector<16xf32>,
    %add3A_685 = arith.constant 1 : i32
    %add3A_686 = vector.broadcast %add3A_685 : i32 to vector<16xi32>
    %add3A_687 = arith.addi %mul3A_683, %add3A_686 : vector<16xi32>
    %gather3A_688 = tpu.vector_load_idx %arg19[%add3A_687] : memref<192xf32, #tpu.memory_space<vmem>>[vector<16xi32>], vector<16xf32>,
    %add3A_689 = arith.constant 2 : i32
    %add3A_690 = vector.broadcast %add3A_689 : i32 to vector<16xi32>
    %add3A_691 = arith.addi %mul3A_683, %add3A_690 : vector<16xi32>
    %gather3A_692 = tpu.vector_load_idx %arg19[%add3A_691] : memref<192xf32, #tpu.memory_space<vmem>>[vector<16xi32>], vector<16xf32>,
    %gather3A_693 = tpu.vector_load_idx %arg20[%get3A_680] : memref<64xf32, #tpu.memory_space<vmem>>[vector<16xi32>], vector<16xf32>,
    %get3A_694 = arith.constant 96 : index
    %get3A_695 = tpu.vector_load %arg16[%get3A_694] {strides = array<i32>} : memref<512xi32, #tpu.memory_space<vmem>>, vector<16xi32>,
    %get3A_696 = arith.constant 96 : index
    %get3A_697 = tpu.vector_load %arg17[%get3A_696] {strides = array<i32>} : memref<512xf32, #tpu.memory_space<vmem>>, vector<16xf32>,
    %get3A_698 = arith.constant 96 : index
    %get3A_699 = tpu.vector_load %arg18[%get3A_698] {strides = array<i32>} : memref<512xf32, #tpu.memory_space<vmem>>, vector<16xf32>,
    %sub3A_700 = arith.subf %gather3A_666, %gather3A_684 : vector<16xf32>
    %sub3A_701 = arith.subf %gather3A_670, %gather3A_688 : vector<16xf32>
    %sub3A_702 = arith.subf %gather3A_674, %gather3A_692 : vector<16xf32>
    %mul3A_703 = arith.mulf %sub3A_700, %sub3A_700 : vector<16xf32>
    %mul3A_704 = arith.mulf %sub3A_701, %sub3A_701 : vector<16xf32>
    %add3A_705 = arith.addf %mul3A_703, %mul3A_704 : vector<16xf32>
    %mul3A_706 = arith.mulf %sub3A_702, %sub3A_702 : vector<16xf32>
    %add3A_707 = arith.addf %add3A_705, %mul3A_706 : vector<16xf32>
    %bitcast3A_708 = vector.bitcast %add3A_707 : vector<16xf32> to vector<16xi32>
    %shift_right_arithmetic3A_709 = arith.constant 1 : i32
    %shift_right_arithmetic3A_710 = vector.broadcast %shift_right_arithmetic3A_709 : i32 to vector<16xi32>
    %shift_right_arithmetic3A_711 = arith.shrsi %bitcast3A_708, %shift_right_arithmetic3A_710 : vector<16xi32>
    %sub3A_712 = arith.constant 1597463007 : i32
    %sub3A_713 = vector.broadcast %sub3A_712 : i32 to vector<16xi32>
    %sub3A_714 = arith.subi %sub3A_713, %shift_right_arithmetic3A_711 : vector<16xi32>
    %bitcast3A_715 = vector.bitcast %sub3A_714 : vector<16xi32> to vector<16xf32>
    %mul3A_716 = arith.constant 5.000000e-01 : f32
    %mul3A_717 = vector.broadcast %mul3A_716 : f32 to vector<16xf32>
    %mul3A_718 = arith.mulf %mul3A_717, %add3A_707 : vector<16xf32>
    %mul3A_719 = arith.mulf %mul3A_718, %bitcast3A_715 : vector<16xf32>
    %mul3A_720 = arith.mulf %mul3A_719, %bitcast3A_715 : vector<16xf32>
    %sub3A_721 = arith.constant 1.500000e+00 : f32
    %sub3A_722 = vector.broadcast %sub3A_721 : f32 to vector<16xf32>
    %sub3A_723 = arith.subf %sub3A_722, %mul3A_720 : vector<16xf32>
    %mul3A_724 = arith.mulf %bitcast3A_715, %sub3A_723 : vector<16xf32>
    %mul3A_725 = arith.mulf %mul3A_718, %mul3A_724 : vector<16xf32>
    %mul3A_726 = arith.mulf %mul3A_725, %mul3A_724 : vector<16xf32>
    %sub3A_727 = arith.constant 1.500000e+00 : f32
    %sub3A_728 = vector.broadcast %sub3A_727 : f32 to vector<16xf32>
    %sub3A_729 = arith.subf %sub3A_728, %mul3A_726 : vector<16xf32>
    %mul3A_730 = arith.mulf %mul3A_724, %sub3A_729 : vector<16xf32>
    %mul3A_731 = arith.mulf %mul3A_718, %mul3A_730 : vector<16xf32>
    %mul3A_732 = arith.mulf %mul3A_731, %mul3A_730 : vector<16xf32>
    %sub3A_733 = arith.constant 1.500000e+00 : f32
    %sub3A_734 = vector.broadcast %sub3A_733 : f32 to vector<16xf32>
    %sub3A_735 = arith.subf %sub3A_734, %mul3A_732 : vector<16xf32>
    %mul3A_736 = arith.mulf %mul3A_730, %sub3A_735 : vector<16xf32>
    %gt3A_737 = arith.constant 0.000000e+00 : f32
    %gt3A_738 = vector.broadcast %gt3A_737 : f32 to vector<16xf32>
    %gt3A_739 = arith.cmpf ogt, %add3A_707, %gt3A_738 : vector<16xf32>
    %mul3A_740 = arith.mulf %add3A_707, %mul3A_736 : vector<16xf32>
    %jit3A_741 = arith.constant 0.000000e+00 : f32
    %broadcast_in_dim3A_742 = vector.broadcast %jit3A_741 : f32 to vector<16xf32>
    %select_n3A_743 = arith.select %gt3A_739, %mul3A_740, %broadcast_in_dim3A_742 : vector<16xi1>, vector<16xf32>
    %eq3A_744 = arith.constant 0 : i32
    %eq3A_745 = vector.broadcast %eq3A_744 : i32 to vector<16xi32>
    %eq3A_746 = arith.cmpi eq, %get3A_695, %eq3A_745 : vector<16xi32>
    %jit3A_747 = arith.constant 6.000000e+00 : f32
    %jit3A_748 = arith.constant 3.46820807 : f32
    %broadcast_in_dim3A_749 = vector.broadcast %jit3A_747 : f32 to vector<16xf32>
    %broadcast_in_dim3A_750 = vector.broadcast %jit3A_748 : f32 to vector<16xf32>
    %select_n3A_751 = arith.select %eq3A_746, %broadcast_in_dim3A_749, %broadcast_in_dim3A_750 : vector<16xi1>, vector<16xf32>
    %div3A_752 = arith.divf %select_n3A_743, %select_n3A_751 : vector<16xf32>
    %add3A_753 = arith.addf %gather3A_678, %div3A_752 : vector<16xf32>
    %add3A_754 = arith.addf %add3A_753, %gather3A_693 : vector<16xf32>
    %sub3A_755 = arith.subf %get3A_697, %add3A_754 : vector<16xf32>
    %swap3A_756 = arith.constant 96 : index
    %swap3A_757 = tpu.vector_load %arg21[%swap3A_756] {strides = array<i32>} : memref<512xf32, #tpu.memory_space<vmem>>, vector<16xf32>,
    tpu.vector_store %arg21[%swap3A_756], %add3A_754 {strides = array<i32>} : memref<512xf32, #tpu.memory_space<vmem>>, vector<16xf32>,
    %swap3A_758 = arith.constant 96 : index
    %swap3A_759 = tpu.vector_load %arg22[%swap3A_758] {strides = array<i32>} : memref<512xf32, #tpu.memory_space<vmem>>, vector<16xf32>,
    tpu.vector_store %arg22[%swap3A_758], %sub3A_755 {strides = array<i32>} : memref<512xf32, #tpu.memory_space<vmem>>, vector<16xf32>,
    %abs3A_760 = math.absf %sub3A_755 : vector<16xf32>
    %le3A_761 = arith.constant 1.000000e+00 : f32
    %le3A_762 = vector.broadcast %le3A_761 : f32 to vector<16xf32>
    %le3A_763 = arith.cmpf ole, %abs3A_760, %le3A_762 : vector<16xf32>
    %mul3A_764 = arith.constant 5.000000e-01 : f32
    %mul3A_765 = vector.broadcast %mul3A_764 : f32 to vector<16xf32>
    %mul3A_766 = arith.mulf %mul3A_765, %sub3A_755 : vector<16xf32>
    %mul3A_767 = arith.mulf %mul3A_766, %sub3A_755 : vector<16xf32>
    %sub3A_768 = arith.constant 5.000000e-01 : f32
    %sub3A_769 = vector.broadcast %sub3A_768 : f32 to vector<16xf32>
    %sub3A_770 = arith.subf %abs3A_760, %sub3A_769 : vector<16xf32>
    %select_n3A_771 = arith.select %le3A_763, %mul3A_767, %sub3A_770 : vector<16xi1>, vector<16xf32>
    %mul3A_772 = arith.mulf %select_n3A_771, %get3A_699 : vector<16xf32>
    %add3A_773 = arith.addf %add3A_662, %mul3A_772 : vector<16xf32>
    %add3A_774 = arith.constant 112 : i32
    %add3A_775 = vector.broadcast %add3A_774 : i32 to vector<16xi32>
    %add3A_776 = arith.addi %iota3A, %add3A_775 : vector<16xi32>
    %gather3A_777 = tpu.vector_load_idx %arg14[%add3A_776, %broadcast_in_dim3A_3] : memref<512x16xf32, #tpu.memory_space<vmem>>[vector<16xi32>, vector<16xi32>], vector<16xf32>,
    %add3A_778 = arith.constant 1 : i32
    %add3A_779 = vector.broadcast %add3A_778 : i32 to vector<16xi32>
    %add3A_780 = arith.addi %broadcast_in_dim3A_3, %add3A_779 : vector<16xi32>
    %gather3A_781 = tpu.vector_load_idx %arg14[%add3A_776, %add3A_780] : memref<512x16xf32, #tpu.memory_space<vmem>>[vector<16xi32>, vector<16xi32>], vector<16xf32>,
    %add3A_782 = arith.constant 2 : i32
    %add3A_783 = vector.broadcast %add3A_782 : i32 to vector<16xi32>
    %add3A_784 = arith.addi %broadcast_in_dim3A_3, %add3A_783 : vector<16xi32>
    %gather3A_785 = tpu.vector_load_idx %arg14[%add3A_776, %add3A_784] : memref<512x16xf32, #tpu.memory_space<vmem>>[vector<16xi32>, vector<16xi32>], vector<16xf32>,
    %add3A_786 = arith.constant 3 : i32
    %add3A_787 = vector.broadcast %add3A_786 : i32 to vector<16xi32>
    %add3A_788 = arith.addi %broadcast_in_dim3A_3, %add3A_787 : vector<16xi32>
    %gather3A_789 = tpu.vector_load_idx %arg14[%add3A_776, %add3A_788] : memref<512x16xf32, #tpu.memory_space<vmem>>[vector<16xi32>, vector<16xi32>], vector<16xf32>,
    %get3A_790 = arith.constant 112 : index
    %get3A_791 = tpu.vector_load %arg15[%get3A_790] {strides = array<i32>} : memref<512xi32, #tpu.memory_space<vmem>>, vector<16xi32>,
    %mul3A_792 = arith.constant 3 : i32
    %mul3A_793 = vector.broadcast %mul3A_792 : i32 to vector<16xi32>
    %mul3A_794 = arith.muli %get3A_791, %mul3A_793 : vector<16xi32>
    %gather3A_795 = tpu.vector_load_idx %arg19[%mul3A_794] : memref<192xf32, #tpu.memory_space<vmem>>[vector<16xi32>], vector<16xf32>,
    %add3A_796 = arith.constant 1 : i32
    %add3A_797 = vector.broadcast %add3A_796 : i32 to vector<16xi32>
    %add3A_798 = arith.addi %mul3A_794, %add3A_797 : vector<16xi32>
    %gather3A_799 = tpu.vector_load_idx %arg19[%add3A_798] : memref<192xf32, #tpu.memory_space<vmem>>[vector<16xi32>], vector<16xf32>,
    %add3A_800 = arith.constant 2 : i32
    %add3A_801 = vector.broadcast %add3A_800 : i32 to vector<16xi32>
    %add3A_802 = arith.addi %mul3A_794, %add3A_801 : vector<16xi32>
    %gather3A_803 = tpu.vector_load_idx %arg19[%add3A_802] : memref<192xf32, #tpu.memory_space<vmem>>[vector<16xi32>], vector<16xf32>,
    %gather3A_804 = tpu.vector_load_idx %arg20[%get3A_791] : memref<64xf32, #tpu.memory_space<vmem>>[vector<16xi32>], vector<16xf32>,
    %get3A_805 = arith.constant 112 : index
    %get3A_806 = tpu.vector_load %arg16[%get3A_805] {strides = array<i32>} : memref<512xi32, #tpu.memory_space<vmem>>, vector<16xi32>,
    %get3A_807 = arith.constant 112 : index
    %get3A_808 = tpu.vector_load %arg17[%get3A_807] {strides = array<i32>} : memref<512xf32, #tpu.memory_space<vmem>>, vector<16xf32>,
    %get3A_809 = arith.constant 112 : index
    %get3A_810 = tpu.vector_load %arg18[%get3A_809] {strides = array<i32>} : memref<512xf32, #tpu.memory_space<vmem>>, vector<16xf32>,
    %sub3A_811 = arith.subf %gather3A_777, %gather3A_795 : vector<16xf32>
    %sub3A_812 = arith.subf %gather3A_781, %gather3A_799 : vector<16xf32>
    %sub3A_813 = arith.subf %gather3A_785, %gather3A_803 : vector<16xf32>
    %mul3A_814 = arith.mulf %sub3A_811, %sub3A_811 : vector<16xf32>
    %mul3A_815 = arith.mulf %sub3A_812, %sub3A_812 : vector<16xf32>
    %add3A_816 = arith.addf %mul3A_814, %mul3A_815 : vector<16xf32>
    %mul3A_817 = arith.mulf %sub3A_813, %sub3A_813 : vector<16xf32>
    %add3A_818 = arith.addf %add3A_816, %mul3A_817 : vector<16xf32>
    %bitcast3A_819 = vector.bitcast %add3A_818 : vector<16xf32> to vector<16xi32>
    %shift_right_arithmetic3A_820 = arith.constant 1 : i32
    %shift_right_arithmetic3A_821 = vector.broadcast %shift_right_arithmetic3A_820 : i32 to vector<16xi32>
    %shift_right_arithmetic3A_822 = arith.shrsi %bitcast3A_819, %shift_right_arithmetic3A_821 : vector<16xi32>
    %sub3A_823 = arith.constant 1597463007 : i32
    %sub3A_824 = vector.broadcast %sub3A_823 : i32 to vector<16xi32>
    %sub3A_825 = arith.subi %sub3A_824, %shift_right_arithmetic3A_822 : vector<16xi32>
    %bitcast3A_826 = vector.bitcast %sub3A_825 : vector<16xi32> to vector<16xf32>
    %mul3A_827 = arith.constant 5.000000e-01 : f32
    %mul3A_828 = vector.broadcast %mul3A_827 : f32 to vector<16xf32>
    %mul3A_829 = arith.mulf %mul3A_828, %add3A_818 : vector<16xf32>
    %mul3A_830 = arith.mulf %mul3A_829, %bitcast3A_826 : vector<16xf32>
    %mul3A_831 = arith.mulf %mul3A_830, %bitcast3A_826 : vector<16xf32>
    %sub3A_832 = arith.constant 1.500000e+00 : f32
    %sub3A_833 = vector.broadcast %sub3A_832 : f32 to vector<16xf32>
    %sub3A_834 = arith.subf %sub3A_833, %mul3A_831 : vector<16xf32>
    %mul3A_835 = arith.mulf %bitcast3A_826, %sub3A_834 : vector<16xf32>
    %mul3A_836 = arith.mulf %mul3A_829, %mul3A_835 : vector<16xf32>
    %mul3A_837 = arith.mulf %mul3A_836, %mul3A_835 : vector<16xf32>
    %sub3A_838 = arith.constant 1.500000e+00 : f32
    %sub3A_839 = vector.broadcast %sub3A_838 : f32 to vector<16xf32>
    %sub3A_840 = arith.subf %sub3A_839, %mul3A_837 : vector<16xf32>
    %mul3A_841 = arith.mulf %mul3A_835, %sub3A_840 : vector<16xf32>
    %mul3A_842 = arith.mulf %mul3A_829, %mul3A_841 : vector<16xf32>
    %mul3A_843 = arith.mulf %mul3A_842, %mul3A_841 : vector<16xf32>
    %sub3A_844 = arith.constant 1.500000e+00 : f32
    %sub3A_845 = vector.broadcast %sub3A_844 : f32 to vector<16xf32>
    %sub3A_846 = arith.subf %sub3A_845, %mul3A_843 : vector<16xf32>
    %mul3A_847 = arith.mulf %mul3A_841, %sub3A_846 : vector<16xf32>
    %gt3A_848 = arith.constant 0.000000e+00 : f32
    %gt3A_849 = vector.broadcast %gt3A_848 : f32 to vector<16xf32>
    %gt3A_850 = arith.cmpf ogt, %add3A_818, %gt3A_849 : vector<16xf32>
    %mul3A_851 = arith.mulf %add3A_818, %mul3A_847 : vector<16xf32>
    %jit3A_852 = arith.constant 0.000000e+00 : f32
    %broadcast_in_dim3A_853 = vector.broadcast %jit3A_852 : f32 to vector<16xf32>
    %select_n3A_854 = arith.select %gt3A_850, %mul3A_851, %broadcast_in_dim3A_853 : vector<16xi1>, vector<16xf32>
    %eq3A_855 = arith.constant 0 : i32
    %eq3A_856 = vector.broadcast %eq3A_855 : i32 to vector<16xi32>
    %eq3A_857 = arith.cmpi eq, %get3A_806, %eq3A_856 : vector<16xi32>
    %jit3A_858 = arith.constant 6.000000e+00 : f32
    %jit3A_859 = arith.constant 3.46820807 : f32
    %broadcast_in_dim3A_860 = vector.broadcast %jit3A_858 : f32 to vector<16xf32>
    %broadcast_in_dim3A_861 = vector.broadcast %jit3A_859 : f32 to vector<16xf32>
    %select_n3A_862 = arith.select %eq3A_857, %broadcast_in_dim3A_860, %broadcast_in_dim3A_861 : vector<16xi1>, vector<16xf32>
    %div3A_863 = arith.divf %select_n3A_854, %select_n3A_862 : vector<16xf32>
    %add3A_864 = arith.addf %gather3A_789, %div3A_863 : vector<16xf32>
    %add3A_865 = arith.addf %add3A_864, %gather3A_804 : vector<16xf32>
    %sub3A_866 = arith.subf %get3A_808, %add3A_865 : vector<16xf32>
    %swap3A_867 = arith.constant 112 : index
    %swap3A_868 = tpu.vector_load %arg21[%swap3A_867] {strides = array<i32>} : memref<512xf32, #tpu.memory_space<vmem>>, vector<16xf32>,
    tpu.vector_store %arg21[%swap3A_867], %add3A_865 {strides = array<i32>} : memref<512xf32, #tpu.memory_space<vmem>>, vector<16xf32>,
    %swap3A_869 = arith.constant 112 : index
    %swap3A_870 = tpu.vector_load %arg22[%swap3A_869] {strides = array<i32>} : memref<512xf32, #tpu.memory_space<vmem>>, vector<16xf32>,
    tpu.vector_store %arg22[%swap3A_869], %sub3A_866 {strides = array<i32>} : memref<512xf32, #tpu.memory_space<vmem>>, vector<16xf32>,
    %abs3A_871 = math.absf %sub3A_866 : vector<16xf32>
    %le3A_872 = arith.constant 1.000000e+00 : f32
    %le3A_873 = vector.broadcast %le3A_872 : f32 to vector<16xf32>
    %le3A_874 = arith.cmpf ole, %abs3A_871, %le3A_873 : vector<16xf32>
    %mul3A_875 = arith.constant 5.000000e-01 : f32
    %mul3A_876 = vector.broadcast %mul3A_875 : f32 to vector<16xf32>
    %mul3A_877 = arith.mulf %mul3A_876, %sub3A_866 : vector<16xf32>
    %mul3A_878 = arith.mulf %mul3A_877, %sub3A_866 : vector<16xf32>
    %sub3A_879 = arith.constant 5.000000e-01 : f32
    %sub3A_880 = vector.broadcast %sub3A_879 : f32 to vector<16xf32>
    %sub3A_881 = arith.subf %abs3A_871, %sub3A_880 : vector<16xf32>
    %select_n3A_882 = arith.select %le3A_874, %mul3A_878, %sub3A_881 : vector<16xi1>, vector<16xf32>
    %mul3A_883 = arith.mulf %select_n3A_882, %get3A_810 : vector<16xf32>
    %add3A_884 = arith.addf %add3A_773, %mul3A_883 : vector<16xf32>
    %add3A_885 = arith.constant 128 : i32
    %add3A_886 = vector.broadcast %add3A_885 : i32 to vector<16xi32>
    %add3A_887 = arith.addi %iota3A, %add3A_886 : vector<16xi32>
    %gather3A_888 = tpu.vector_load_idx %arg14[%add3A_887, %broadcast_in_dim3A_3] : memref<512x16xf32, #tpu.memory_space<vmem>>[vector<16xi32>, vector<16xi32>], vector<16xf32>,
    %add3A_889 = arith.constant 1 : i32
    %add3A_890 = vector.broadcast %add3A_889 : i32 to vector<16xi32>
    %add3A_891 = arith.addi %broadcast_in_dim3A_3, %add3A_890 : vector<16xi32>
    %gather3A_892 = tpu.vector_load_idx %arg14[%add3A_887, %add3A_891] : memref<512x16xf32, #tpu.memory_space<vmem>>[vector<16xi32>, vector<16xi32>], vector<16xf32>,
    %add3A_893 = arith.constant 2 : i32
    %add3A_894 = vector.broadcast %add3A_893 : i32 to vector<16xi32>
    %add3A_895 = arith.addi %broadcast_in_dim3A_3, %add3A_894 : vector<16xi32>
    %gather3A_896 = tpu.vector_load_idx %arg14[%add3A_887, %add3A_895] : memref<512x16xf32, #tpu.memory_space<vmem>>[vector<16xi32>, vector<16xi32>], vector<16xf32>,
    %add3A_897 = arith.constant 3 : i32
    %add3A_898 = vector.broadcast %add3A_897 : i32 to vector<16xi32>
    %add3A_899 = arith.addi %broadcast_in_dim3A_3, %add3A_898 : vector<16xi32>
    %gather3A_900 = tpu.vector_load_idx %arg14[%add3A_887, %add3A_899] : memref<512x16xf32, #tpu.memory_space<vmem>>[vector<16xi32>, vector<16xi32>], vector<16xf32>,
    %get3A_901 = arith.constant 128 : index
    %get3A_902 = tpu.vector_load %arg15[%get3A_901] {strides = array<i32>} : memref<512xi32, #tpu.memory_space<vmem>>, vector<16xi32>,
    %mul3A_903 = arith.constant 3 : i32
    %mul3A_904 = vector.broadcast %mul3A_903 : i32 to vector<16xi32>
    %mul3A_905 = arith.muli %get3A_902, %mul3A_904 : vector<16xi32>
    %gather3A_906 = tpu.vector_load_idx %arg19[%mul3A_905] : memref<192xf32, #tpu.memory_space<vmem>>[vector<16xi32>], vector<16xf32>,
    %add3A_907 = arith.constant 1 : i32
    %add3A_908 = vector.broadcast %add3A_907 : i32 to vector<16xi32>
    %add3A_909 = arith.addi %mul3A_905, %add3A_908 : vector<16xi32>
    %gather3A_910 = tpu.vector_load_idx %arg19[%add3A_909] : memref<192xf32, #tpu.memory_space<vmem>>[vector<16xi32>], vector<16xf32>,
    %add3A_911 = arith.constant 2 : i32
    %add3A_912 = vector.broadcast %add3A_911 : i32 to vector<16xi32>
    %add3A_913 = arith.addi %mul3A_905, %add3A_912 : vector<16xi32>
    %gather3A_914 = tpu.vector_load_idx %arg19[%add3A_913] : memref<192xf32, #tpu.memory_space<vmem>>[vector<16xi32>], vector<16xf32>,
    %gather3A_915 = tpu.vector_load_idx %arg20[%get3A_902] : memref<64xf32, #tpu.memory_space<vmem>>[vector<16xi32>], vector<16xf32>,
    %get3A_916 = arith.constant 128 : index
    %get3A_917 = tpu.vector_load %arg16[%get3A_916] {strides = array<i32>} : memref<512xi32, #tpu.memory_space<vmem>>, vector<16xi32>,
    %get3A_918 = arith.constant 128 : index
    %get3A_919 = tpu.vector_load %arg17[%get3A_918] {strides = array<i32>} : memref<512xf32, #tpu.memory_space<vmem>>, vector<16xf32>,
    %get3A_920 = arith.constant 128 : index
    %get3A_921 = tpu.vector_load %arg18[%get3A_920] {strides = array<i32>} : memref<512xf32, #tpu.memory_space<vmem>>, vector<16xf32>,
    %sub3A_922 = arith.subf %gather3A_888, %gather3A_906 : vector<16xf32>
    %sub3A_923 = arith.subf %gather3A_892, %gather3A_910 : vector<16xf32>
    %sub3A_924 = arith.subf %gather3A_896, %gather3A_914 : vector<16xf32>
    %mul3A_925 = arith.mulf %sub3A_922, %sub3A_922 : vector<16xf32>
    %mul3A_926 = arith.mulf %sub3A_923, %sub3A_923 : vector<16xf32>
    %add3A_927 = arith.addf %mul3A_925, %mul3A_926 : vector<16xf32>
    %mul3A_928 = arith.mulf %sub3A_924, %sub3A_924 : vector<16xf32>
    %add3A_929 = arith.addf %add3A_927, %mul3A_928 : vector<16xf32>
    %bitcast3A_930 = vector.bitcast %add3A_929 : vector<16xf32> to vector<16xi32>
    %shift_right_arithmetic3A_931 = arith.constant 1 : i32
    %shift_right_arithmetic3A_932 = vector.broadcast %shift_right_arithmetic3A_931 : i32 to vector<16xi32>
    %shift_right_arithmetic3A_933 = arith.shrsi %bitcast3A_930, %shift_right_arithmetic3A_932 : vector<16xi32>
    %sub3A_934 = arith.constant 1597463007 : i32
    %sub3A_935 = vector.broadcast %sub3A_934 : i32 to vector<16xi32>
    %sub3A_936 = arith.subi %sub3A_935, %shift_right_arithmetic3A_933 : vector<16xi32>
    %bitcast3A_937 = vector.bitcast %sub3A_936 : vector<16xi32> to vector<16xf32>
    %mul3A_938 = arith.constant 5.000000e-01 : f32
    %mul3A_939 = vector.broadcast %mul3A_938 : f32 to vector<16xf32>
    %mul3A_940 = arith.mulf %mul3A_939, %add3A_929 : vector<16xf32>
    %mul3A_941 = arith.mulf %mul3A_940, %bitcast3A_937 : vector<16xf32>
    %mul3A_942 = arith.mulf %mul3A_941, %bitcast3A_937 : vector<16xf32>
    %sub3A_943 = arith.constant 1.500000e+00 : f32
    %sub3A_944 = vector.broadcast %sub3A_943 : f32 to vector<16xf32>
    %sub3A_945 = arith.subf %sub3A_944, %mul3A_942 : vector<16xf32>
    %mul3A_946 = arith.mulf %bitcast3A_937, %sub3A_945 : vector<16xf32>
    %mul3A_947 = arith.mulf %mul3A_940, %mul3A_946 : vector<16xf32>
    %mul3A_948 = arith.mulf %mul3A_947, %mul3A_946 : vector<16xf32>
    %sub3A_949 = arith.constant 1.500000e+00 : f32
    %sub3A_950 = vector.broadcast %sub3A_949 : f32 to vector<16xf32>
    %sub3A_951 = arith.subf %sub3A_950, %mul3A_948 : vector<16xf32>
    %mul3A_952 = arith.mulf %mul3A_946, %sub3A_951 : vector<16xf32>
    %mul3A_953 = arith.mulf %mul3A_940, %mul3A_952 : vector<16xf32>
    %mul3A_954 = arith.mulf %mul3A_953, %mul3A_952 : vector<16xf32>
    %sub3A_955 = arith.constant 1.500000e+00 : f32
    %sub3A_956 = vector.broadcast %sub3A_955 : f32 to vector<16xf32>
    %sub3A_957 = arith.subf %sub3A_956, %mul3A_954 : vector<16xf32>
    %mul3A_958 = arith.mulf %mul3A_952, %sub3A_957 : vector<16xf32>
    %gt3A_959 = arith.constant 0.000000e+00 : f32
    %gt3A_960 = vector.broadcast %gt3A_959 : f32 to vector<16xf32>
    %gt3A_961 = arith.cmpf ogt, %add3A_929, %gt3A_960 : vector<16xf32>
    %mul3A_962 = arith.mulf %add3A_929, %mul3A_958 : vector<16xf32>
    %jit3A_963 = arith.constant 0.000000e+00 : f32
    %broadcast_in_dim3A_964 = vector.broadcast %jit3A_963 : f32 to vector<16xf32>
    %select_n3A_965 = arith.select %gt3A_961, %mul3A_962, %broadcast_in_dim3A_964 : vector<16xi1>, vector<16xf32>
    %eq3A_966 = arith.constant 0 : i32
    %eq3A_967 = vector.broadcast %eq3A_966 : i32 to vector<16xi32>
    %eq3A_968 = arith.cmpi eq, %get3A_917, %eq3A_967 : vector<16xi32>
    %jit3A_969 = arith.constant 6.000000e+00 : f32
    %jit3A_970 = arith.constant 3.46820807 : f32
    %broadcast_in_dim3A_971 = vector.broadcast %jit3A_969 : f32 to vector<16xf32>
    %broadcast_in_dim3A_972 = vector.broadcast %jit3A_970 : f32 to vector<16xf32>
    %select_n3A_973 = arith.select %eq3A_968, %broadcast_in_dim3A_971, %broadcast_in_dim3A_972 : vector<16xi1>, vector<16xf32>
    %div3A_974 = arith.divf %select_n3A_965, %select_n3A_973 : vector<16xf32>
    %add3A_975 = arith.addf %gather3A_900, %div3A_974 : vector<16xf32>
    %add3A_976 = arith.addf %add3A_975, %gather3A_915 : vector<16xf32>
    %sub3A_977 = arith.subf %get3A_919, %add3A_976 : vector<16xf32>
    %swap3A_978 = arith.constant 128 : index
    %swap3A_979 = tpu.vector_load %arg21[%swap3A_978] {strides = array<i32>} : memref<512xf32, #tpu.memory_space<vmem>>, vector<16xf32>,
    tpu.vector_store %arg21[%swap3A_978], %add3A_976 {strides = array<i32>} : memref<512xf32, #tpu.memory_space<vmem>>, vector<16xf32>,
    %swap3A_980 = arith.constant 128 : index
    %swap3A_981 = tpu.vector_load %arg22[%swap3A_980] {strides = array<i32>} : memref<512xf32, #tpu.memory_space<vmem>>, vector<16xf32>,
    tpu.vector_store %arg22[%swap3A_980], %sub3A_977 {strides = array<i32>} : memref<512xf32, #tpu.memory_space<vmem>>, vector<16xf32>,
    %abs3A_982 = math.absf %sub3A_977 : vector<16xf32>
    %le3A_983 = arith.constant 1.000000e+00 : f32
    %le3A_984 = vector.broadcast %le3A_983 : f32 to vector<16xf32>
    %le3A_985 = arith.cmpf ole, %abs3A_982, %le3A_984 : vector<16xf32>
    %mul3A_986 = arith.constant 5.000000e-01 : f32
    %mul3A_987 = vector.broadcast %mul3A_986 : f32 to vector<16xf32>
    %mul3A_988 = arith.mulf %mul3A_987, %sub3A_977 : vector<16xf32>
    %mul3A_989 = arith.mulf %mul3A_988, %sub3A_977 : vector<16xf32>
    %sub3A_990 = arith.constant 5.000000e-01 : f32
    %sub3A_991 = vector.broadcast %sub3A_990 : f32 to vector<16xf32>
    %sub3A_992 = arith.subf %abs3A_982, %sub3A_991 : vector<16xf32>
    %select_n3A_993 = arith.select %le3A_985, %mul3A_989, %sub3A_992 : vector<16xi1>, vector<16xf32>
    %mul3A_994 = arith.mulf %select_n3A_993, %get3A_921 : vector<16xf32>
    %add3A_995 = arith.addf %add3A_884, %mul3A_994 : vector<16xf32>
    %add3A_996 = arith.constant 144 : i32
    %add3A_997 = vector.broadcast %add3A_996 : i32 to vector<16xi32>
    %add3A_998 = arith.addi %iota3A, %add3A_997 : vector<16xi32>
    %gather3A_999 = tpu.vector_load_idx %arg14[%add3A_998, %broadcast_in_dim3A_3] : memref<512x16xf32, #tpu.memory_space<vmem>>[vector<16xi32>, vector<16xi32>], vector<16xf32>,
    %add3A_1000 = arith.constant 1 : i32
    %add3A_1001 = vector.broadcast %add3A_1000 : i32 to vector<16xi32>
    %add3A_1002 = arith.addi %broadcast_in_dim3A_3, %add3A_1001 : vector<16xi32>
    %gather3A_1003 = tpu.vector_load_idx %arg14[%add3A_998, %add3A_1002] : memref<512x16xf32, #tpu.memory_space<vmem>>[vector<16xi32>, vector<16xi32>], vector<16xf32>,
    %add3A_1004 = arith.constant 2 : i32
    %add3A_1005 = vector.broadcast %add3A_1004 : i32 to vector<16xi32>
    %add3A_1006 = arith.addi %broadcast_in_dim3A_3, %add3A_1005 : vector<16xi32>
    %gather3A_1007 = tpu.vector_load_idx %arg14[%add3A_998, %add3A_1006] : memref<512x16xf32, #tpu.memory_space<vmem>>[vector<16xi32>, vector<16xi32>], vector<16xf32>,
    %add3A_1008 = arith.constant 3 : i32
    %add3A_1009 = vector.broadcast %add3A_1008 : i32 to vector<16xi32>
    %add3A_1010 = arith.addi %broadcast_in_dim3A_3, %add3A_1009 : vector<16xi32>
    %gather3A_1011 = tpu.vector_load_idx %arg14[%add3A_998, %add3A_1010] : memref<512x16xf32, #tpu.memory_space<vmem>>[vector<16xi32>, vector<16xi32>], vector<16xf32>,
    %get3A_1012 = arith.constant 144 : index
    %get3A_1013 = tpu.vector_load %arg15[%get3A_1012] {strides = array<i32>} : memref<512xi32, #tpu.memory_space<vmem>>, vector<16xi32>,
    %mul3A_1014 = arith.constant 3 : i32
    %mul3A_1015 = vector.broadcast %mul3A_1014 : i32 to vector<16xi32>
    %mul3A_1016 = arith.muli %get3A_1013, %mul3A_1015 : vector<16xi32>
    %gather3A_1017 = tpu.vector_load_idx %arg19[%mul3A_1016] : memref<192xf32, #tpu.memory_space<vmem>>[vector<16xi32>], vector<16xf32>,
    %add3A_1018 = arith.constant 1 : i32
    %add3A_1019 = vector.broadcast %add3A_1018 : i32 to vector<16xi32>
    %add3A_1020 = arith.addi %mul3A_1016, %add3A_1019 : vector<16xi32>
    %gather3A_1021 = tpu.vector_load_idx %arg19[%add3A_1020] : memref<192xf32, #tpu.memory_space<vmem>>[vector<16xi32>], vector<16xf32>,
    %add3A_1022 = arith.constant 2 : i32
    %add3A_1023 = vector.broadcast %add3A_1022 : i32 to vector<16xi32>
    %add3A_1024 = arith.addi %mul3A_1016, %add3A_1023 : vector<16xi32>
    %gather3A_1025 = tpu.vector_load_idx %arg19[%add3A_1024] : memref<192xf32, #tpu.memory_space<vmem>>[vector<16xi32>], vector<16xf32>,
    %gather3A_1026 = tpu.vector_load_idx %arg20[%get3A_1013] : memref<64xf32, #tpu.memory_space<vmem>>[vector<16xi32>], vector<16xf32>,
    %get3A_1027 = arith.constant 144 : index
    %get3A_1028 = tpu.vector_load %arg16[%get3A_1027] {strides = array<i32>} : memref<512xi32, #tpu.memory_space<vmem>>, vector<16xi32>,
    %get3A_1029 = arith.constant 144 : index
    %get3A_1030 = tpu.vector_load %arg17[%get3A_1029] {strides = array<i32>} : memref<512xf32, #tpu.memory_space<vmem>>, vector<16xf32>,
    %get3A_1031 = arith.constant 144 : index
    %get3A_1032 = tpu.vector_load %arg18[%get3A_1031] {strides = array<i32>} : memref<512xf32, #tpu.memory_space<vmem>>, vector<16xf32>,
    %sub3A_1033 = arith.subf %gather3A_999, %gather3A_1017 : vector<16xf32>
    %sub3A_1034 = arith.subf %gather3A_1003, %gather3A_1021 : vector<16xf32>
    %sub3A_1035 = arith.subf %gather3A_1007, %gather3A_1025 : vector<16xf32>
    %mul3A_1036 = arith.mulf %sub3A_1033, %sub3A_1033 : vector<16xf32>
    %mul3A_1037 = arith.mulf %sub3A_1034, %sub3A_1034 : vector<16xf32>
    %add3A_1038 = arith.addf %mul3A_1036, %mul3A_1037 : vector<16xf32>
    %mul3A_1039 = arith.mulf %sub3A_1035, %sub3A_1035 : vector<16xf32>
    %add3A_1040 = arith.addf %add3A_1038, %mul3A_1039 : vector<16xf32>
    %bitcast3A_1041 = vector.bitcast %add3A_1040 : vector<16xf32> to vector<16xi32>
    %shift_right_arithmetic3A_1042 = arith.constant 1 : i32
    %shift_right_arithmetic3A_1043 = vector.broadcast %shift_right_arithmetic3A_1042 : i32 to vector<16xi32>
    %shift_right_arithmetic3A_1044 = arith.shrsi %bitcast3A_1041, %shift_right_arithmetic3A_1043 : vector<16xi32>
    %sub3A_1045 = arith.constant 1597463007 : i32
    %sub3A_1046 = vector.broadcast %sub3A_1045 : i32 to vector<16xi32>
    %sub3A_1047 = arith.subi %sub3A_1046, %shift_right_arithmetic3A_1044 : vector<16xi32>
    %bitcast3A_1048 = vector.bitcast %sub3A_1047 : vector<16xi32> to vector<16xf32>
    %mul3A_1049 = arith.constant 5.000000e-01 : f32
    %mul3A_1050 = vector.broadcast %mul3A_1049 : f32 to vector<16xf32>
    %mul3A_1051 = arith.mulf %mul3A_1050, %add3A_1040 : vector<16xf32>
    %mul3A_1052 = arith.mulf %mul3A_1051, %bitcast3A_1048 : vector<16xf32>
    %mul3A_1053 = arith.mulf %mul3A_1052, %bitcast3A_1048 : vector<16xf32>
    %sub3A_1054 = arith.constant 1.500000e+00 : f32
    %sub3A_1055 = vector.broadcast %sub3A_1054 : f32 to vector<16xf32>
    %sub3A_1056 = arith.subf %sub3A_1055, %mul3A_1053 : vector<16xf32>
    %mul3A_1057 = arith.mulf %bitcast3A_1048, %sub3A_1056 : vector<16xf32>
    %mul3A_1058 = arith.mulf %mul3A_1051, %mul3A_1057 : vector<16xf32>
    %mul3A_1059 = arith.mulf %mul3A_1058, %mul3A_1057 : vector<16xf32>
    %sub3A_1060 = arith.constant 1.500000e+00 : f32
    %sub3A_1061 = vector.broadcast %sub3A_1060 : f32 to vector<16xf32>
    %sub3A_1062 = arith.subf %sub3A_1061, %mul3A_1059 : vector<16xf32>
    %mul3A_1063 = arith.mulf %mul3A_1057, %sub3A_1062 : vector<16xf32>
    %mul3A_1064 = arith.mulf %mul3A_1051, %mul3A_1063 : vector<16xf32>
    %mul3A_1065 = arith.mulf %mul3A_1064, %mul3A_1063 : vector<16xf32>
    %sub3A_1066 = arith.constant 1.500000e+00 : f32
    %sub3A_1067 = vector.broadcast %sub3A_1066 : f32 to vector<16xf32>
    %sub3A_1068 = arith.subf %sub3A_1067, %mul3A_1065 : vector<16xf32>
    %mul3A_1069 = arith.mulf %mul3A_1063, %sub3A_1068 : vector<16xf32>
    %gt3A_1070 = arith.constant 0.000000e+00 : f32
    %gt3A_1071 = vector.broadcast %gt3A_1070 : f32 to vector<16xf32>
    %gt3A_1072 = arith.cmpf ogt, %add3A_1040, %gt3A_1071 : vector<16xf32>
    %mul3A_1073 = arith.mulf %add3A_1040, %mul3A_1069 : vector<16xf32>
    %jit3A_1074 = arith.constant 0.000000e+00 : f32
    %broadcast_in_dim3A_1075 = vector.broadcast %jit3A_1074 : f32 to vector<16xf32>
    %select_n3A_1076 = arith.select %gt3A_1072, %mul3A_1073, %broadcast_in_dim3A_1075 : vector<16xi1>, vector<16xf32>
    %eq3A_1077 = arith.constant 0 : i32
    %eq3A_1078 = vector.broadcast %eq3A_1077 : i32 to vector<16xi32>
    %eq3A_1079 = arith.cmpi eq, %get3A_1028, %eq3A_1078 : vector<16xi32>
    %jit3A_1080 = arith.constant 6.000000e+00 : f32
    %jit3A_1081 = arith.constant 3.46820807 : f32
    %broadcast_in_dim3A_1082 = vector.broadcast %jit3A_1080 : f32 to vector<16xf32>
    %broadcast_in_dim3A_1083 = vector.broadcast %jit3A_1081 : f32 to vector<16xf32>
    %select_n3A_1084 = arith.select %eq3A_1079, %broadcast_in_dim3A_1082, %broadcast_in_dim3A_1083 : vector<16xi1>, vector<16xf32>
    %div3A_1085 = arith.divf %select_n3A_1076, %select_n3A_1084 : vector<16xf32>
    %add3A_1086 = arith.addf %gather3A_1011, %div3A_1085 : vector<16xf32>
    %add3A_1087 = arith.addf %add3A_1086, %gather3A_1026 : vector<16xf32>
    %sub3A_1088 = arith.subf %get3A_1030, %add3A_1087 : vector<16xf32>
    %swap3A_1089 = arith.constant 144 : index
    %swap3A_1090 = tpu.vector_load %arg21[%swap3A_1089] {strides = array<i32>} : memref<512xf32, #tpu.memory_space<vmem>>, vector<16xf32>,
    tpu.vector_store %arg21[%swap3A_1089], %add3A_1087 {strides = array<i32>} : memref<512xf32, #tpu.memory_space<vmem>>, vector<16xf32>,
    %swap3A_1091 = arith.constant 144 : index
    %swap3A_1092 = tpu.vector_load %arg22[%swap3A_1091] {strides = array<i32>} : memref<512xf32, #tpu.memory_space<vmem>>, vector<16xf32>,
    tpu.vector_store %arg22[%swap3A_1091], %sub3A_1088 {strides = array<i32>} : memref<512xf32, #tpu.memory_space<vmem>>, vector<16xf32>,
    %abs3A_1093 = math.absf %sub3A_1088 : vector<16xf32>
    %le3A_1094 = arith.constant 1.000000e+00 : f32
    %le3A_1095 = vector.broadcast %le3A_1094 : f32 to vector<16xf32>
    %le3A_1096 = arith.cmpf ole, %abs3A_1093, %le3A_1095 : vector<16xf32>
    %mul3A_1097 = arith.constant 5.000000e-01 : f32
    %mul3A_1098 = vector.broadcast %mul3A_1097 : f32 to vector<16xf32>
    %mul3A_1099 = arith.mulf %mul3A_1098, %sub3A_1088 : vector<16xf32>
    %mul3A_1100 = arith.mulf %mul3A_1099, %sub3A_1088 : vector<16xf32>
    %sub3A_1101 = arith.constant 5.000000e-01 : f32
    %sub3A_1102 = vector.broadcast %sub3A_1101 : f32 to vector<16xf32>
    %sub3A_1103 = arith.subf %abs3A_1093, %sub3A_1102 : vector<16xf32>
    %select_n3A_1104 = arith.select %le3A_1096, %mul3A_1100, %sub3A_1103 : vector<16xi1>, vector<16xf32>
    %mul3A_1105 = arith.mulf %select_n3A_1104, %get3A_1032 : vector<16xf32>
    %add3A_1106 = arith.addf %add3A_995, %mul3A_1105 : vector<16xf32>
    %add3A_1107 = arith.constant 160 : i32
    %add3A_1108 = vector.broadcast %add3A_1107 : i32 to vector<16xi32>
    %add3A_1109 = arith.addi %iota3A, %add3A_1108 : vector<16xi32>
    %gather3A_1110 = tpu.vector_load_idx %arg14[%add3A_1109, %broadcast_in_dim3A_3] : memref<512x16xf32, #tpu.memory_space<vmem>>[vector<16xi32>, vector<16xi32>], vector<16xf32>,
    %add3A_1111 = arith.constant 1 : i32
    %add3A_1112 = vector.broadcast %add3A_1111 : i32 to vector<16xi32>
    %add3A_1113 = arith.addi %broadcast_in_dim3A_3, %add3A_1112 : vector<16xi32>
    %gather3A_1114 = tpu.vector_load_idx %arg14[%add3A_1109, %add3A_1113] : memref<512x16xf32, #tpu.memory_space<vmem>>[vector<16xi32>, vector<16xi32>], vector<16xf32>,
    %add3A_1115 = arith.constant 2 : i32
    %add3A_1116 = vector.broadcast %add3A_1115 : i32 to vector<16xi32>
    %add3A_1117 = arith.addi %broadcast_in_dim3A_3, %add3A_1116 : vector<16xi32>
    %gather3A_1118 = tpu.vector_load_idx %arg14[%add3A_1109, %add3A_1117] : memref<512x16xf32, #tpu.memory_space<vmem>>[vector<16xi32>, vector<16xi32>], vector<16xf32>,
    %add3A_1119 = arith.constant 3 : i32
    %add3A_1120 = vector.broadcast %add3A_1119 : i32 to vector<16xi32>
    %add3A_1121 = arith.addi %broadcast_in_dim3A_3, %add3A_1120 : vector<16xi32>
    %gather3A_1122 = tpu.vector_load_idx %arg14[%add3A_1109, %add3A_1121] : memref<512x16xf32, #tpu.memory_space<vmem>>[vector<16xi32>, vector<16xi32>], vector<16xf32>,
    %get3A_1123 = arith.constant 160 : index
    %get3A_1124 = tpu.vector_load %arg15[%get3A_1123] {strides = array<i32>} : memref<512xi32, #tpu.memory_space<vmem>>, vector<16xi32>,
    %mul3A_1125 = arith.constant 3 : i32
    %mul3A_1126 = vector.broadcast %mul3A_1125 : i32 to vector<16xi32>
    %mul3A_1127 = arith.muli %get3A_1124, %mul3A_1126 : vector<16xi32>
    %gather3A_1128 = tpu.vector_load_idx %arg19[%mul3A_1127] : memref<192xf32, #tpu.memory_space<vmem>>[vector<16xi32>], vector<16xf32>,
    %add3A_1129 = arith.constant 1 : i32
    %add3A_1130 = vector.broadcast %add3A_1129 : i32 to vector<16xi32>
    %add3A_1131 = arith.addi %mul3A_1127, %add3A_1130 : vector<16xi32>
    %gather3A_1132 = tpu.vector_load_idx %arg19[%add3A_1131] : memref<192xf32, #tpu.memory_space<vmem>>[vector<16xi32>], vector<16xf32>,
    %add3A_1133 = arith.constant 2 : i32
    %add3A_1134 = vector.broadcast %add3A_1133 : i32 to vector<16xi32>
    %add3A_1135 = arith.addi %mul3A_1127, %add3A_1134 : vector<16xi32>
    %gather3A_1136 = tpu.vector_load_idx %arg19[%add3A_1135] : memref<192xf32, #tpu.memory_space<vmem>>[vector<16xi32>], vector<16xf32>,
    %gather3A_1137 = tpu.vector_load_idx %arg20[%get3A_1124] : memref<64xf32, #tpu.memory_space<vmem>>[vector<16xi32>], vector<16xf32>,
    %get3A_1138 = arith.constant 160 : index
    %get3A_1139 = tpu.vector_load %arg16[%get3A_1138] {strides = array<i32>} : memref<512xi32, #tpu.memory_space<vmem>>, vector<16xi32>,
    %get3A_1140 = arith.constant 160 : index
    %get3A_1141 = tpu.vector_load %arg17[%get3A_1140] {strides = array<i32>} : memref<512xf32, #tpu.memory_space<vmem>>, vector<16xf32>,
    %get3A_1142 = arith.constant 160 : index
    %get3A_1143 = tpu.vector_load %arg18[%get3A_1142] {strides = array<i32>} : memref<512xf32, #tpu.memory_space<vmem>>, vector<16xf32>,
    %sub3A_1144 = arith.subf %gather3A_1110, %gather3A_1128 : vector<16xf32>
    %sub3A_1145 = arith.subf %gather3A_1114, %gather3A_1132 : vector<16xf32>
    %sub3A_1146 = arith.subf %gather3A_1118, %gather3A_1136 : vector<16xf32>
    %mul3A_1147 = arith.mulf %sub3A_1144, %sub3A_1144 : vector<16xf32>
    %mul3A_1148 = arith.mulf %sub3A_1145, %sub3A_1145 : vector<16xf32>
    %add3A_1149 = arith.addf %mul3A_1147, %mul3A_1148 : vector<16xf32>
    %mul3A_1150 = arith.mulf %sub3A_1146, %sub3A_1146 : vector<16xf32>
    %add3A_1151 = arith.addf %add3A_1149, %mul3A_1150 : vector<16xf32>
    %bitcast3A_1152 = vector.bitcast %add3A_1151 : vector<16xf32> to vector<16xi32>
    %shift_right_arithmetic3A_1153 = arith.constant 1 : i32
    %shift_right_arithmetic3A_1154 = vector.broadcast %shift_right_arithmetic3A_1153 : i32 to vector<16xi32>
    %shift_right_arithmetic3A_1155 = arith.shrsi %bitcast3A_1152, %shift_right_arithmetic3A_1154 : vector<16xi32>
    %sub3A_1156 = arith.constant 1597463007 : i32
    %sub3A_1157 = vector.broadcast %sub3A_1156 : i32 to vector<16xi32>
    %sub3A_1158 = arith.subi %sub3A_1157, %shift_right_arithmetic3A_1155 : vector<16xi32>
    %bitcast3A_1159 = vector.bitcast %sub3A_1158 : vector<16xi32> to vector<16xf32>
    %mul3A_1160 = arith.constant 5.000000e-01 : f32
    %mul3A_1161 = vector.broadcast %mul3A_1160 : f32 to vector<16xf32>
    %mul3A_1162 = arith.mulf %mul3A_1161, %add3A_1151 : vector<16xf32>
    %mul3A_1163 = arith.mulf %mul3A_1162, %bitcast3A_1159 : vector<16xf32>
    %mul3A_1164 = arith.mulf %mul3A_1163, %bitcast3A_1159 : vector<16xf32>
    %sub3A_1165 = arith.constant 1.500000e+00 : f32
    %sub3A_1166 = vector.broadcast %sub3A_1165 : f32 to vector<16xf32>
    %sub3A_1167 = arith.subf %sub3A_1166, %mul3A_1164 : vector<16xf32>
    %mul3A_1168 = arith.mulf %bitcast3A_1159, %sub3A_1167 : vector<16xf32>
    %mul3A_1169 = arith.mulf %mul3A_1162, %mul3A_1168 : vector<16xf32>
    %mul3A_1170 = arith.mulf %mul3A_1169, %mul3A_1168 : vector<16xf32>
    %sub3A_1171 = arith.constant 1.500000e+00 : f32
    %sub3A_1172 = vector.broadcast %sub3A_1171 : f32 to vector<16xf32>
    %sub3A_1173 = arith.subf %sub3A_1172, %mul3A_1170 : vector<16xf32>
    %mul3A_1174 = arith.mulf %mul3A_1168, %sub3A_1173 : vector<16xf32>
    %mul3A_1175 = arith.mulf %mul3A_1162, %mul3A_1174 : vector<16xf32>
    %mul3A_1176 = arith.mulf %mul3A_1175, %mul3A_1174 : vector<16xf32>
    %sub3A_1177 = arith.constant 1.500000e+00 : f32
    %sub3A_1178 = vector.broadcast %sub3A_1177 : f32 to vector<16xf32>
    %sub3A_1179 = arith.subf %sub3A_1178, %mul3A_1176 : vector<16xf32>
    %mul3A_1180 = arith.mulf %mul3A_1174, %sub3A_1179 : vector<16xf32>
    %gt3A_1181 = arith.constant 0.000000e+00 : f32
    %gt3A_1182 = vector.broadcast %gt3A_1181 : f32 to vector<16xf32>
    %gt3A_1183 = arith.cmpf ogt, %add3A_1151, %gt3A_1182 : vector<16xf32>
    %mul3A_1184 = arith.mulf %add3A_1151, %mul3A_1180 : vector<16xf32>
    %jit3A_1185 = arith.constant 0.000000e+00 : f32
    %broadcast_in_dim3A_1186 = vector.broadcast %jit3A_1185 : f32 to vector<16xf32>
    %select_n3A_1187 = arith.select %gt3A_1183, %mul3A_1184, %broadcast_in_dim3A_1186 : vector<16xi1>, vector<16xf32>
    %eq3A_1188 = arith.constant 0 : i32
    %eq3A_1189 = vector.broadcast %eq3A_1188 : i32 to vector<16xi32>
    %eq3A_1190 = arith.cmpi eq, %get3A_1139, %eq3A_1189 : vector<16xi32>
    %jit3A_1191 = arith.constant 6.000000e+00 : f32
    %jit3A_1192 = arith.constant 3.46820807 : f32
    %broadcast_in_dim3A_1193 = vector.broadcast %jit3A_1191 : f32 to vector<16xf32>
    %broadcast_in_dim3A_1194 = vector.broadcast %jit3A_1192 : f32 to vector<16xf32>
    %select_n3A_1195 = arith.select %eq3A_1190, %broadcast_in_dim3A_1193, %broadcast_in_dim3A_1194 : vector<16xi1>, vector<16xf32>
    %div3A_1196 = arith.divf %select_n3A_1187, %select_n3A_1195 : vector<16xf32>
    %add3A_1197 = arith.addf %gather3A_1122, %div3A_1196 : vector<16xf32>
    %add3A_1198 = arith.addf %add3A_1197, %gather3A_1137 : vector<16xf32>
    %sub3A_1199 = arith.subf %get3A_1141, %add3A_1198 : vector<16xf32>
    %swap3A_1200 = arith.constant 160 : index
    %swap3A_1201 = tpu.vector_load %arg21[%swap3A_1200] {strides = array<i32>} : memref<512xf32, #tpu.memory_space<vmem>>, vector<16xf32>,
    tpu.vector_store %arg21[%swap3A_1200], %add3A_1198 {strides = array<i32>} : memref<512xf32, #tpu.memory_space<vmem>>, vector<16xf32>,
    %swap3A_1202 = arith.constant 160 : index
    %swap3A_1203 = tpu.vector_load %arg22[%swap3A_1202] {strides = array<i32>} : memref<512xf32, #tpu.memory_space<vmem>>, vector<16xf32>,
    tpu.vector_store %arg22[%swap3A_1202], %sub3A_1199 {strides = array<i32>} : memref<512xf32, #tpu.memory_space<vmem>>, vector<16xf32>,
    %abs3A_1204 = math.absf %sub3A_1199 : vector<16xf32>
    %le3A_1205 = arith.constant 1.000000e+00 : f32
    %le3A_1206 = vector.broadcast %le3A_1205 : f32 to vector<16xf32>
    %le3A_1207 = arith.cmpf ole, %abs3A_1204, %le3A_1206 : vector<16xf32>
    %mul3A_1208 = arith.constant 5.000000e-01 : f32
    %mul3A_1209 = vector.broadcast %mul3A_1208 : f32 to vector<16xf32>
    %mul3A_1210 = arith.mulf %mul3A_1209, %sub3A_1199 : vector<16xf32>
    %mul3A_1211 = arith.mulf %mul3A_1210, %sub3A_1199 : vector<16xf32>
    %sub3A_1212 = arith.constant 5.000000e-01 : f32
    %sub3A_1213 = vector.broadcast %sub3A_1212 : f32 to vector<16xf32>
    %sub3A_1214 = arith.subf %abs3A_1204, %sub3A_1213 : vector<16xf32>
    %select_n3A_1215 = arith.select %le3A_1207, %mul3A_1211, %sub3A_1214 : vector<16xi1>, vector<16xf32>
    %mul3A_1216 = arith.mulf %select_n3A_1215, %get3A_1143 : vector<16xf32>
    %add3A_1217 = arith.addf %add3A_1106, %mul3A_1216 : vector<16xf32>
    %add3A_1218 = arith.constant 176 : i32
    %add3A_1219 = vector.broadcast %add3A_1218 : i32 to vector<16xi32>
    %add3A_1220 = arith.addi %iota3A, %add3A_1219 : vector<16xi32>
    %gather3A_1221 = tpu.vector_load_idx %arg14[%add3A_1220, %broadcast_in_dim3A_3] : memref<512x16xf32, #tpu.memory_space<vmem>>[vector<16xi32>, vector<16xi32>], vector<16xf32>,
    %add3A_1222 = arith.constant 1 : i32
    %add3A_1223 = vector.broadcast %add3A_1222 : i32 to vector<16xi32>
    %add3A_1224 = arith.addi %broadcast_in_dim3A_3, %add3A_1223 : vector<16xi32>
    %gather3A_1225 = tpu.vector_load_idx %arg14[%add3A_1220, %add3A_1224] : memref<512x16xf32, #tpu.memory_space<vmem>>[vector<16xi32>, vector<16xi32>], vector<16xf32>,
    %add3A_1226 = arith.constant 2 : i32
    %add3A_1227 = vector.broadcast %add3A_1226 : i32 to vector<16xi32>
    %add3A_1228 = arith.addi %broadcast_in_dim3A_3, %add3A_1227 : vector<16xi32>
    %gather3A_1229 = tpu.vector_load_idx %arg14[%add3A_1220, %add3A_1228] : memref<512x16xf32, #tpu.memory_space<vmem>>[vector<16xi32>, vector<16xi32>], vector<16xf32>,
    %add3A_1230 = arith.constant 3 : i32
    %add3A_1231 = vector.broadcast %add3A_1230 : i32 to vector<16xi32>
    %add3A_1232 = arith.addi %broadcast_in_dim3A_3, %add3A_1231 : vector<16xi32>
    %gather3A_1233 = tpu.vector_load_idx %arg14[%add3A_1220, %add3A_1232] : memref<512x16xf32, #tpu.memory_space<vmem>>[vector<16xi32>, vector<16xi32>], vector<16xf32>,
    %get3A_1234 = arith.constant 176 : index
    %get3A_1235 = tpu.vector_load %arg15[%get3A_1234] {strides = array<i32>} : memref<512xi32, #tpu.memory_space<vmem>>, vector<16xi32>,
    %mul3A_1236 = arith.constant 3 : i32
    %mul3A_1237 = vector.broadcast %mul3A_1236 : i32 to vector<16xi32>
    %mul3A_1238 = arith.muli %get3A_1235, %mul3A_1237 : vector<16xi32>
    %gather3A_1239 = tpu.vector_load_idx %arg19[%mul3A_1238] : memref<192xf32, #tpu.memory_space<vmem>>[vector<16xi32>], vector<16xf32>,
    %add3A_1240 = arith.constant 1 : i32
    %add3A_1241 = vector.broadcast %add3A_1240 : i32 to vector<16xi32>
    %add3A_1242 = arith.addi %mul3A_1238, %add3A_1241 : vector<16xi32>
    %gather3A_1243 = tpu.vector_load_idx %arg19[%add3A_1242] : memref<192xf32, #tpu.memory_space<vmem>>[vector<16xi32>], vector<16xf32>,
    %add3A_1244 = arith.constant 2 : i32
    %add3A_1245 = vector.broadcast %add3A_1244 : i32 to vector<16xi32>
    %add3A_1246 = arith.addi %mul3A_1238, %add3A_1245 : vector<16xi32>
    %gather3A_1247 = tpu.vector_load_idx %arg19[%add3A_1246] : memref<192xf32, #tpu.memory_space<vmem>>[vector<16xi32>], vector<16xf32>,
    %gather3A_1248 = tpu.vector_load_idx %arg20[%get3A_1235] : memref<64xf32, #tpu.memory_space<vmem>>[vector<16xi32>], vector<16xf32>,
    %get3A_1249 = arith.constant 176 : index
    %get3A_1250 = tpu.vector_load %arg16[%get3A_1249] {strides = array<i32>} : memref<512xi32, #tpu.memory_space<vmem>>, vector<16xi32>,
    %get3A_1251 = arith.constant 176 : index
    %get3A_1252 = tpu.vector_load %arg17[%get3A_1251] {strides = array<i32>} : memref<512xf32, #tpu.memory_space<vmem>>, vector<16xf32>,
    %get3A_1253 = arith.constant 176 : index
    %get3A_1254 = tpu.vector_load %arg18[%get3A_1253] {strides = array<i32>} : memref<512xf32, #tpu.memory_space<vmem>>, vector<16xf32>,
    %sub3A_1255 = arith.subf %gather3A_1221, %gather3A_1239 : vector<16xf32>
    %sub3A_1256 = arith.subf %gather3A_1225, %gather3A_1243 : vector<16xf32>
    %sub3A_1257 = arith.subf %gather3A_1229, %gather3A_1247 : vector<16xf32>
    %mul3A_1258 = arith.mulf %sub3A_1255, %sub3A_1255 : vector<16xf32>
    %mul3A_1259 = arith.mulf %sub3A_1256, %sub3A_1256 : vector<16xf32>
    %add3A_1260 = arith.addf %mul3A_1258, %mul3A_1259 : vector<16xf32>
    %mul3A_1261 = arith.mulf %sub3A_1257, %sub3A_1257 : vector<16xf32>
    %add3A_1262 = arith.addf %add3A_1260, %mul3A_1261 : vector<16xf32>
    %bitcast3A_1263 = vector.bitcast %add3A_1262 : vector<16xf32> to vector<16xi32>
    %shift_right_arithmetic3A_1264 = arith.constant 1 : i32
    %shift_right_arithmetic3A_1265 = vector.broadcast %shift_right_arithmetic3A_1264 : i32 to vector<16xi32>
    %shift_right_arithmetic3A_1266 = arith.shrsi %bitcast3A_1263, %shift_right_arithmetic3A_1265 : vector<16xi32>
    %sub3A_1267 = arith.constant 1597463007 : i32
    %sub3A_1268 = vector.broadcast %sub3A_1267 : i32 to vector<16xi32>
    %sub3A_1269 = arith.subi %sub3A_1268, %shift_right_arithmetic3A_1266 : vector<16xi32>
    %bitcast3A_1270 = vector.bitcast %sub3A_1269 : vector<16xi32> to vector<16xf32>
    %mul3A_1271 = arith.constant 5.000000e-01 : f32
    %mul3A_1272 = vector.broadcast %mul3A_1271 : f32 to vector<16xf32>
    %mul3A_1273 = arith.mulf %mul3A_1272, %add3A_1262 : vector<16xf32>
    %mul3A_1274 = arith.mulf %mul3A_1273, %bitcast3A_1270 : vector<16xf32>
    %mul3A_1275 = arith.mulf %mul3A_1274, %bitcast3A_1270 : vector<16xf32>
    %sub3A_1276 = arith.constant 1.500000e+00 : f32
    %sub3A_1277 = vector.broadcast %sub3A_1276 : f32 to vector<16xf32>
    %sub3A_1278 = arith.subf %sub3A_1277, %mul3A_1275 : vector<16xf32>
    %mul3A_1279 = arith.mulf %bitcast3A_1270, %sub3A_1278 : vector<16xf32>
    %mul3A_1280 = arith.mulf %mul3A_1273, %mul3A_1279 : vector<16xf32>
    %mul3A_1281 = arith.mulf %mul3A_1280, %mul3A_1279 : vector<16xf32>
    %sub3A_1282 = arith.constant 1.500000e+00 : f32
    %sub3A_1283 = vector.broadcast %sub3A_1282 : f32 to vector<16xf32>
    %sub3A_1284 = arith.subf %sub3A_1283, %mul3A_1281 : vector<16xf32>
    %mul3A_1285 = arith.mulf %mul3A_1279, %sub3A_1284 : vector<16xf32>
    %mul3A_1286 = arith.mulf %mul3A_1273, %mul3A_1285 : vector<16xf32>
    %mul3A_1287 = arith.mulf %mul3A_1286, %mul3A_1285 : vector<16xf32>
    %sub3A_1288 = arith.constant 1.500000e+00 : f32
    %sub3A_1289 = vector.broadcast %sub3A_1288 : f32 to vector<16xf32>
    %sub3A_1290 = arith.subf %sub3A_1289, %mul3A_1287 : vector<16xf32>
    %mul3A_1291 = arith.mulf %mul3A_1285, %sub3A_1290 : vector<16xf32>
    %gt3A_1292 = arith.constant 0.000000e+00 : f32
    %gt3A_1293 = vector.broadcast %gt3A_1292 : f32 to vector<16xf32>
    %gt3A_1294 = arith.cmpf ogt, %add3A_1262, %gt3A_1293 : vector<16xf32>
    %mul3A_1295 = arith.mulf %add3A_1262, %mul3A_1291 : vector<16xf32>
    %jit3A_1296 = arith.constant 0.000000e+00 : f32
    %broadcast_in_dim3A_1297 = vector.broadcast %jit3A_1296 : f32 to vector<16xf32>
    %select_n3A_1298 = arith.select %gt3A_1294, %mul3A_1295, %broadcast_in_dim3A_1297 : vector<16xi1>, vector<16xf32>
    %eq3A_1299 = arith.constant 0 : i32
    %eq3A_1300 = vector.broadcast %eq3A_1299 : i32 to vector<16xi32>
    %eq3A_1301 = arith.cmpi eq, %get3A_1250, %eq3A_1300 : vector<16xi32>
    %jit3A_1302 = arith.constant 6.000000e+00 : f32
    %jit3A_1303 = arith.constant 3.46820807 : f32
    %broadcast_in_dim3A_1304 = vector.broadcast %jit3A_1302 : f32 to vector<16xf32>
    %broadcast_in_dim3A_1305 = vector.broadcast %jit3A_1303 : f32 to vector<16xf32>
    %select_n3A_1306 = arith.select %eq3A_1301, %broadcast_in_dim3A_1304, %broadcast_in_dim3A_1305 : vector<16xi1>, vector<16xf32>
    %div3A_1307 = arith.divf %select_n3A_1298, %select_n3A_1306 : vector<16xf32>
    %add3A_1308 = arith.addf %gather3A_1233, %div3A_1307 : vector<16xf32>
    %add3A_1309 = arith.addf %add3A_1308, %gather3A_1248 : vector<16xf32>
    %sub3A_1310 = arith.subf %get3A_1252, %add3A_1309 : vector<16xf32>
    %swap3A_1311 = arith.constant 176 : index
    %swap3A_1312 = tpu.vector_load %arg21[%swap3A_1311] {strides = array<i32>} : memref<512xf32, #tpu.memory_space<vmem>>, vector<16xf32>,
    tpu.vector_store %arg21[%swap3A_1311], %add3A_1309 {strides = array<i32>} : memref<512xf32, #tpu.memory_space<vmem>>, vector<16xf32>,
    %swap3A_1313 = arith.constant 176 : index
    %swap3A_1314 = tpu.vector_load %arg22[%swap3A_1313] {strides = array<i32>} : memref<512xf32, #tpu.memory_space<vmem>>, vector<16xf32>,
    tpu.vector_store %arg22[%swap3A_1313], %sub3A_1310 {strides = array<i32>} : memref<512xf32, #tpu.memory_space<vmem>>, vector<16xf32>,
    %abs3A_1315 = math.absf %sub3A_1310 : vector<16xf32>
    %le3A_1316 = arith.constant 1.000000e+00 : f32
    %le3A_1317 = vector.broadcast %le3A_1316 : f32 to vector<16xf32>
    %le3A_1318 = arith.cmpf ole, %abs3A_1315, %le3A_1317 : vector<16xf32>
    %mul3A_1319 = arith.constant 5.000000e-01 : f32
    %mul3A_1320 = vector.broadcast %mul3A_1319 : f32 to vector<16xf32>
    %mul3A_1321 = arith.mulf %mul3A_1320, %sub3A_1310 : vector<16xf32>
    %mul3A_1322 = arith.mulf %mul3A_1321, %sub3A_1310 : vector<16xf32>
    %sub3A_1323 = arith.constant 5.000000e-01 : f32
    %sub3A_1324 = vector.broadcast %sub3A_1323 : f32 to vector<16xf32>
    %sub3A_1325 = arith.subf %abs3A_1315, %sub3A_1324 : vector<16xf32>
    %select_n3A_1326 = arith.select %le3A_1318, %mul3A_1322, %sub3A_1325 : vector<16xi1>, vector<16xf32>
    %mul3A_1327 = arith.mulf %select_n3A_1326, %get3A_1254 : vector<16xf32>
    %add3A_1328 = arith.addf %add3A_1217, %mul3A_1327 : vector<16xf32>
    %add3A_1329 = arith.constant 192 : i32
    %add3A_1330 = vector.broadcast %add3A_1329 : i32 to vector<16xi32>
    %add3A_1331 = arith.addi %iota3A, %add3A_1330 : vector<16xi32>
    %gather3A_1332 = tpu.vector_load_idx %arg14[%add3A_1331, %broadcast_in_dim3A_3] : memref<512x16xf32, #tpu.memory_space<vmem>>[vector<16xi32>, vector<16xi32>], vector<16xf32>,
    %add3A_1333 = arith.constant 1 : i32
    %add3A_1334 = vector.broadcast %add3A_1333 : i32 to vector<16xi32>
    %add3A_1335 = arith.addi %broadcast_in_dim3A_3, %add3A_1334 : vector<16xi32>
    %gather3A_1336 = tpu.vector_load_idx %arg14[%add3A_1331, %add3A_1335] : memref<512x16xf32, #tpu.memory_space<vmem>>[vector<16xi32>, vector<16xi32>], vector<16xf32>,
    %add3A_1337 = arith.constant 2 : i32
    %add3A_1338 = vector.broadcast %add3A_1337 : i32 to vector<16xi32>
    %add3A_1339 = arith.addi %broadcast_in_dim3A_3, %add3A_1338 : vector<16xi32>
    %gather3A_1340 = tpu.vector_load_idx %arg14[%add3A_1331, %add3A_1339] : memref<512x16xf32, #tpu.memory_space<vmem>>[vector<16xi32>, vector<16xi32>], vector<16xf32>,
    %add3A_1341 = arith.constant 3 : i32
    %add3A_1342 = vector.broadcast %add3A_1341 : i32 to vector<16xi32>
    %add3A_1343 = arith.addi %broadcast_in_dim3A_3, %add3A_1342 : vector<16xi32>
    %gather3A_1344 = tpu.vector_load_idx %arg14[%add3A_1331, %add3A_1343] : memref<512x16xf32, #tpu.memory_space<vmem>>[vector<16xi32>, vector<16xi32>], vector<16xf32>,
    %get3A_1345 = arith.constant 192 : index
    %get3A_1346 = tpu.vector_load %arg15[%get3A_1345] {strides = array<i32>} : memref<512xi32, #tpu.memory_space<vmem>>, vector<16xi32>,
    %mul3A_1347 = arith.constant 3 : i32
    %mul3A_1348 = vector.broadcast %mul3A_1347 : i32 to vector<16xi32>
    %mul3A_1349 = arith.muli %get3A_1346, %mul3A_1348 : vector<16xi32>
    %gather3A_1350 = tpu.vector_load_idx %arg19[%mul3A_1349] : memref<192xf32, #tpu.memory_space<vmem>>[vector<16xi32>], vector<16xf32>,
    %add3A_1351 = arith.constant 1 : i32
    %add3A_1352 = vector.broadcast %add3A_1351 : i32 to vector<16xi32>
    %add3A_1353 = arith.addi %mul3A_1349, %add3A_1352 : vector<16xi32>
    %gather3A_1354 = tpu.vector_load_idx %arg19[%add3A_1353] : memref<192xf32, #tpu.memory_space<vmem>>[vector<16xi32>], vector<16xf32>,
    %add3A_1355 = arith.constant 2 : i32
    %add3A_1356 = vector.broadcast %add3A_1355 : i32 to vector<16xi32>
    %add3A_1357 = arith.addi %mul3A_1349, %add3A_1356 : vector<16xi32>
    %gather3A_1358 = tpu.vector_load_idx %arg19[%add3A_1357] : memref<192xf32, #tpu.memory_space<vmem>>[vector<16xi32>], vector<16xf32>,
    %gather3A_1359 = tpu.vector_load_idx %arg20[%get3A_1346] : memref<64xf32, #tpu.memory_space<vmem>>[vector<16xi32>], vector<16xf32>,
    %get3A_1360 = arith.constant 192 : index
    %get3A_1361 = tpu.vector_load %arg16[%get3A_1360] {strides = array<i32>} : memref<512xi32, #tpu.memory_space<vmem>>, vector<16xi32>,
    %get3A_1362 = arith.constant 192 : index
    %get3A_1363 = tpu.vector_load %arg17[%get3A_1362] {strides = array<i32>} : memref<512xf32, #tpu.memory_space<vmem>>, vector<16xf32>,
    %get3A_1364 = arith.constant 192 : index
    %get3A_1365 = tpu.vector_load %arg18[%get3A_1364] {strides = array<i32>} : memref<512xf32, #tpu.memory_space<vmem>>, vector<16xf32>,
    %sub3A_1366 = arith.subf %gather3A_1332, %gather3A_1350 : vector<16xf32>
    %sub3A_1367 = arith.subf %gather3A_1336, %gather3A_1354 : vector<16xf32>
    %sub3A_1368 = arith.subf %gather3A_1340, %gather3A_1358 : vector<16xf32>
    %mul3A_1369 = arith.mulf %sub3A_1366, %sub3A_1366 : vector<16xf32>
    %mul3A_1370 = arith.mulf %sub3A_1367, %sub3A_1367 : vector<16xf32>
    %add3A_1371 = arith.addf %mul3A_1369, %mul3A_1370 : vector<16xf32>
    %mul3A_1372 = arith.mulf %sub3A_1368, %sub3A_1368 : vector<16xf32>
    %add3A_1373 = arith.addf %add3A_1371, %mul3A_1372 : vector<16xf32>
    %bitcast3A_1374 = vector.bitcast %add3A_1373 : vector<16xf32> to vector<16xi32>
    %shift_right_arithmetic3A_1375 = arith.constant 1 : i32
    %shift_right_arithmetic3A_1376 = vector.broadcast %shift_right_arithmetic3A_1375 : i32 to vector<16xi32>
    %shift_right_arithmetic3A_1377 = arith.shrsi %bitcast3A_1374, %shift_right_arithmetic3A_1376 : vector<16xi32>
    %sub3A_1378 = arith.constant 1597463007 : i32
    %sub3A_1379 = vector.broadcast %sub3A_1378 : i32 to vector<16xi32>
    %sub3A_1380 = arith.subi %sub3A_1379, %shift_right_arithmetic3A_1377 : vector<16xi32>
    %bitcast3A_1381 = vector.bitcast %sub3A_1380 : vector<16xi32> to vector<16xf32>
    %mul3A_1382 = arith.constant 5.000000e-01 : f32
    %mul3A_1383 = vector.broadcast %mul3A_1382 : f32 to vector<16xf32>
    %mul3A_1384 = arith.mulf %mul3A_1383, %add3A_1373 : vector<16xf32>
    %mul3A_1385 = arith.mulf %mul3A_1384, %bitcast3A_1381 : vector<16xf32>
    %mul3A_1386 = arith.mulf %mul3A_1385, %bitcast3A_1381 : vector<16xf32>
    %sub3A_1387 = arith.constant 1.500000e+00 : f32
    %sub3A_1388 = vector.broadcast %sub3A_1387 : f32 to vector<16xf32>
    %sub3A_1389 = arith.subf %sub3A_1388, %mul3A_1386 : vector<16xf32>
    %mul3A_1390 = arith.mulf %bitcast3A_1381, %sub3A_1389 : vector<16xf32>
    %mul3A_1391 = arith.mulf %mul3A_1384, %mul3A_1390 : vector<16xf32>
    %mul3A_1392 = arith.mulf %mul3A_1391, %mul3A_1390 : vector<16xf32>
    %sub3A_1393 = arith.constant 1.500000e+00 : f32
    %sub3A_1394 = vector.broadcast %sub3A_1393 : f32 to vector<16xf32>
    %sub3A_1395 = arith.subf %sub3A_1394, %mul3A_1392 : vector<16xf32>
    %mul3A_1396 = arith.mulf %mul3A_1390, %sub3A_1395 : vector<16xf32>
    %mul3A_1397 = arith.mulf %mul3A_1384, %mul3A_1396 : vector<16xf32>
    %mul3A_1398 = arith.mulf %mul3A_1397, %mul3A_1396 : vector<16xf32>
    %sub3A_1399 = arith.constant 1.500000e+00 : f32
    %sub3A_1400 = vector.broadcast %sub3A_1399 : f32 to vector<16xf32>
    %sub3A_1401 = arith.subf %sub3A_1400, %mul3A_1398 : vector<16xf32>
    %mul3A_1402 = arith.mulf %mul3A_1396, %sub3A_1401 : vector<16xf32>
    %gt3A_1403 = arith.constant 0.000000e+00 : f32
    %gt3A_1404 = vector.broadcast %gt3A_1403 : f32 to vector<16xf32>
    %gt3A_1405 = arith.cmpf ogt, %add3A_1373, %gt3A_1404 : vector<16xf32>
    %mul3A_1406 = arith.mulf %add3A_1373, %mul3A_1402 : vector<16xf32>
    %jit3A_1407 = arith.constant 0.000000e+00 : f32
    %broadcast_in_dim3A_1408 = vector.broadcast %jit3A_1407 : f32 to vector<16xf32>
    %select_n3A_1409 = arith.select %gt3A_1405, %mul3A_1406, %broadcast_in_dim3A_1408 : vector<16xi1>, vector<16xf32>
    %eq3A_1410 = arith.constant 0 : i32
    %eq3A_1411 = vector.broadcast %eq3A_1410 : i32 to vector<16xi32>
    %eq3A_1412 = arith.cmpi eq, %get3A_1361, %eq3A_1411 : vector<16xi32>
    %jit3A_1413 = arith.constant 6.000000e+00 : f32
    %jit3A_1414 = arith.constant 3.46820807 : f32
    %broadcast_in_dim3A_1415 = vector.broadcast %jit3A_1413 : f32 to vector<16xf32>
    %broadcast_in_dim3A_1416 = vector.broadcast %jit3A_1414 : f32 to vector<16xf32>
    %select_n3A_1417 = arith.select %eq3A_1412, %broadcast_in_dim3A_1415, %broadcast_in_dim3A_1416 : vector<16xi1>, vector<16xf32>
    %div3A_1418 = arith.divf %select_n3A_1409, %select_n3A_1417 : vector<16xf32>
    %add3A_1419 = arith.addf %gather3A_1344, %div3A_1418 : vector<16xf32>
    %add3A_1420 = arith.addf %add3A_1419, %gather3A_1359 : vector<16xf32>
    %sub3A_1421 = arith.subf %get3A_1363, %add3A_1420 : vector<16xf32>
    %swap3A_1422 = arith.constant 192 : index
    %swap3A_1423 = tpu.vector_load %arg21[%swap3A_1422] {strides = array<i32>} : memref<512xf32, #tpu.memory_space<vmem>>, vector<16xf32>,
    tpu.vector_store %arg21[%swap3A_1422], %add3A_1420 {strides = array<i32>} : memref<512xf32, #tpu.memory_space<vmem>>, vector<16xf32>,
    %swap3A_1424 = arith.constant 192 : index
    %swap3A_1425 = tpu.vector_load %arg22[%swap3A_1424] {strides = array<i32>} : memref<512xf32, #tpu.memory_space<vmem>>, vector<16xf32>,
    tpu.vector_store %arg22[%swap3A_1424], %sub3A_1421 {strides = array<i32>} : memref<512xf32, #tpu.memory_space<vmem>>, vector<16xf32>,
    %abs3A_1426 = math.absf %sub3A_1421 : vector<16xf32>
    %le3A_1427 = arith.constant 1.000000e+00 : f32
    %le3A_1428 = vector.broadcast %le3A_1427 : f32 to vector<16xf32>
    %le3A_1429 = arith.cmpf ole, %abs3A_1426, %le3A_1428 : vector<16xf32>
    %mul3A_1430 = arith.constant 5.000000e-01 : f32
    %mul3A_1431 = vector.broadcast %mul3A_1430 : f32 to vector<16xf32>
    %mul3A_1432 = arith.mulf %mul3A_1431, %sub3A_1421 : vector<16xf32>
    %mul3A_1433 = arith.mulf %mul3A_1432, %sub3A_1421 : vector<16xf32>
    %sub3A_1434 = arith.constant 5.000000e-01 : f32
    %sub3A_1435 = vector.broadcast %sub3A_1434 : f32 to vector<16xf32>
    %sub3A_1436 = arith.subf %abs3A_1426, %sub3A_1435 : vector<16xf32>
    %select_n3A_1437 = arith.select %le3A_1429, %mul3A_1433, %sub3A_1436 : vector<16xi1>, vector<16xf32>
    %mul3A_1438 = arith.mulf %select_n3A_1437, %get3A_1365 : vector<16xf32>
    %add3A_1439 = arith.addf %add3A_1328, %mul3A_1438 : vector<16xf32>
    %add3A_1440 = arith.constant 208 : i32
    %add3A_1441 = vector.broadcast %add3A_1440 : i32 to vector<16xi32>
    %add3A_1442 = arith.addi %iota3A, %add3A_1441 : vector<16xi32>
    %gather3A_1443 = tpu.vector_load_idx %arg14[%add3A_1442, %broadcast_in_dim3A_3] : memref<512x16xf32, #tpu.memory_space<vmem>>[vector<16xi32>, vector<16xi32>], vector<16xf32>,
    %add3A_1444 = arith.constant 1 : i32
    %add3A_1445 = vector.broadcast %add3A_1444 : i32 to vector<16xi32>
    %add3A_1446 = arith.addi %broadcast_in_dim3A_3, %add3A_1445 : vector<16xi32>
    %gather3A_1447 = tpu.vector_load_idx %arg14[%add3A_1442, %add3A_1446] : memref<512x16xf32, #tpu.memory_space<vmem>>[vector<16xi32>, vector<16xi32>], vector<16xf32>,
    %add3A_1448 = arith.constant 2 : i32
    %add3A_1449 = vector.broadcast %add3A_1448 : i32 to vector<16xi32>
    %add3A_1450 = arith.addi %broadcast_in_dim3A_3, %add3A_1449 : vector<16xi32>
    %gather3A_1451 = tpu.vector_load_idx %arg14[%add3A_1442, %add3A_1450] : memref<512x16xf32, #tpu.memory_space<vmem>>[vector<16xi32>, vector<16xi32>], vector<16xf32>,
    %add3A_1452 = arith.constant 3 : i32
    %add3A_1453 = vector.broadcast %add3A_1452 : i32 to vector<16xi32>
    %add3A_1454 = arith.addi %broadcast_in_dim3A_3, %add3A_1453 : vector<16xi32>
    %gather3A_1455 = tpu.vector_load_idx %arg14[%add3A_1442, %add3A_1454] : memref<512x16xf32, #tpu.memory_space<vmem>>[vector<16xi32>, vector<16xi32>], vector<16xf32>,
    %get3A_1456 = arith.constant 208 : index
    %get3A_1457 = tpu.vector_load %arg15[%get3A_1456] {strides = array<i32>} : memref<512xi32, #tpu.memory_space<vmem>>, vector<16xi32>,
    %mul3A_1458 = arith.constant 3 : i32
    %mul3A_1459 = vector.broadcast %mul3A_1458 : i32 to vector<16xi32>
    %mul3A_1460 = arith.muli %get3A_1457, %mul3A_1459 : vector<16xi32>
    %gather3A_1461 = tpu.vector_load_idx %arg19[%mul3A_1460] : memref<192xf32, #tpu.memory_space<vmem>>[vector<16xi32>], vector<16xf32>,
    %add3A_1462 = arith.constant 1 : i32
    %add3A_1463 = vector.broadcast %add3A_1462 : i32 to vector<16xi32>
    %add3A_1464 = arith.addi %mul3A_1460, %add3A_1463 : vector<16xi32>
    %gather3A_1465 = tpu.vector_load_idx %arg19[%add3A_1464] : memref<192xf32, #tpu.memory_space<vmem>>[vector<16xi32>], vector<16xf32>,
    %add3A_1466 = arith.constant 2 : i32
    %add3A_1467 = vector.broadcast %add3A_1466 : i32 to vector<16xi32>
    %add3A_1468 = arith.addi %mul3A_1460, %add3A_1467 : vector<16xi32>
    %gather3A_1469 = tpu.vector_load_idx %arg19[%add3A_1468] : memref<192xf32, #tpu.memory_space<vmem>>[vector<16xi32>], vector<16xf32>,
    %gather3A_1470 = tpu.vector_load_idx %arg20[%get3A_1457] : memref<64xf32, #tpu.memory_space<vmem>>[vector<16xi32>], vector<16xf32>,
    %get3A_1471 = arith.constant 208 : index
    %get3A_1472 = tpu.vector_load %arg16[%get3A_1471] {strides = array<i32>} : memref<512xi32, #tpu.memory_space<vmem>>, vector<16xi32>,
    %get3A_1473 = arith.constant 208 : index
    %get3A_1474 = tpu.vector_load %arg17[%get3A_1473] {strides = array<i32>} : memref<512xf32, #tpu.memory_space<vmem>>, vector<16xf32>,
    %get3A_1475 = arith.constant 208 : index
    %get3A_1476 = tpu.vector_load %arg18[%get3A_1475] {strides = array<i32>} : memref<512xf32, #tpu.memory_space<vmem>>, vector<16xf32>,
    %sub3A_1477 = arith.subf %gather3A_1443, %gather3A_1461 : vector<16xf32>
    %sub3A_1478 = arith.subf %gather3A_1447, %gather3A_1465 : vector<16xf32>
    %sub3A_1479 = arith.subf %gather3A_1451, %gather3A_1469 : vector<16xf32>
    %mul3A_1480 = arith.mulf %sub3A_1477, %sub3A_1477 : vector<16xf32>
    %mul3A_1481 = arith.mulf %sub3A_1478, %sub3A_1478 : vector<16xf32>
    %add3A_1482 = arith.addf %mul3A_1480, %mul3A_1481 : vector<16xf32>
    %mul3A_1483 = arith.mulf %sub3A_1479, %sub3A_1479 : vector<16xf32>
    %add3A_1484 = arith.addf %add3A_1482, %mul3A_1483 : vector<16xf32>
    %bitcast3A_1485 = vector.bitcast %add3A_1484 : vector<16xf32> to vector<16xi32>
    %shift_right_arithmetic3A_1486 = arith.constant 1 : i32
    %shift_right_arithmetic3A_1487 = vector.broadcast %shift_right_arithmetic3A_1486 : i32 to vector<16xi32>
    %shift_right_arithmetic3A_1488 = arith.shrsi %bitcast3A_1485, %shift_right_arithmetic3A_1487 : vector<16xi32>
    %sub3A_1489 = arith.constant 1597463007 : i32
    %sub3A_1490 = vector.broadcast %sub3A_1489 : i32 to vector<16xi32>
    %sub3A_1491 = arith.subi %sub3A_1490, %shift_right_arithmetic3A_1488 : vector<16xi32>
    %bitcast3A_1492 = vector.bitcast %sub3A_1491 : vector<16xi32> to vector<16xf32>
    %mul3A_1493 = arith.constant 5.000000e-01 : f32
    %mul3A_1494 = vector.broadcast %mul3A_1493 : f32 to vector<16xf32>
    %mul3A_1495 = arith.mulf %mul3A_1494, %add3A_1484 : vector<16xf32>
    %mul3A_1496 = arith.mulf %mul3A_1495, %bitcast3A_1492 : vector<16xf32>
    %mul3A_1497 = arith.mulf %mul3A_1496, %bitcast3A_1492 : vector<16xf32>
    %sub3A_1498 = arith.constant 1.500000e+00 : f32
    %sub3A_1499 = vector.broadcast %sub3A_1498 : f32 to vector<16xf32>
    %sub3A_1500 = arith.subf %sub3A_1499, %mul3A_1497 : vector<16xf32>
    %mul3A_1501 = arith.mulf %bitcast3A_1492, %sub3A_1500 : vector<16xf32>
    %mul3A_1502 = arith.mulf %mul3A_1495, %mul3A_1501 : vector<16xf32>
    %mul3A_1503 = arith.mulf %mul3A_1502, %mul3A_1501 : vector<16xf32>
    %sub3A_1504 = arith.constant 1.500000e+00 : f32
    %sub3A_1505 = vector.broadcast %sub3A_1504 : f32 to vector<16xf32>
    %sub3A_1506 = arith.subf %sub3A_1505, %mul3A_1503 : vector<16xf32>
    %mul3A_1507 = arith.mulf %mul3A_1501, %sub3A_1506 : vector<16xf32>
    %mul3A_1508 = arith.mulf %mul3A_1495, %mul3A_1507 : vector<16xf32>
    %mul3A_1509 = arith.mulf %mul3A_1508, %mul3A_1507 : vector<16xf32>
    %sub3A_1510 = arith.constant 1.500000e+00 : f32
    %sub3A_1511 = vector.broadcast %sub3A_1510 : f32 to vector<16xf32>
    %sub3A_1512 = arith.subf %sub3A_1511, %mul3A_1509 : vector<16xf32>
    %mul3A_1513 = arith.mulf %mul3A_1507, %sub3A_1512 : vector<16xf32>
    %gt3A_1514 = arith.constant 0.000000e+00 : f32
    %gt3A_1515 = vector.broadcast %gt3A_1514 : f32 to vector<16xf32>
    %gt3A_1516 = arith.cmpf ogt, %add3A_1484, %gt3A_1515 : vector<16xf32>
    %mul3A_1517 = arith.mulf %add3A_1484, %mul3A_1513 : vector<16xf32>
    %jit3A_1518 = arith.constant 0.000000e+00 : f32
    %broadcast_in_dim3A_1519 = vector.broadcast %jit3A_1518 : f32 to vector<16xf32>
    %select_n3A_1520 = arith.select %gt3A_1516, %mul3A_1517, %broadcast_in_dim3A_1519 : vector<16xi1>, vector<16xf32>
    %eq3A_1521 = arith.constant 0 : i32
    %eq3A_1522 = vector.broadcast %eq3A_1521 : i32 to vector<16xi32>
    %eq3A_1523 = arith.cmpi eq, %get3A_1472, %eq3A_1522 : vector<16xi32>
    %jit3A_1524 = arith.constant 6.000000e+00 : f32
    %jit3A_1525 = arith.constant 3.46820807 : f32
    %broadcast_in_dim3A_1526 = vector.broadcast %jit3A_1524 : f32 to vector<16xf32>
    %broadcast_in_dim3A_1527 = vector.broadcast %jit3A_1525 : f32 to vector<16xf32>
    %select_n3A_1528 = arith.select %eq3A_1523, %broadcast_in_dim3A_1526, %broadcast_in_dim3A_1527 : vector<16xi1>, vector<16xf32>
    %div3A_1529 = arith.divf %select_n3A_1520, %select_n3A_1528 : vector<16xf32>
    %add3A_1530 = arith.addf %gather3A_1455, %div3A_1529 : vector<16xf32>
    %add3A_1531 = arith.addf %add3A_1530, %gather3A_1470 : vector<16xf32>
    %sub3A_1532 = arith.subf %get3A_1474, %add3A_1531 : vector<16xf32>
    %swap3A_1533 = arith.constant 208 : index
    %swap3A_1534 = tpu.vector_load %arg21[%swap3A_1533] {strides = array<i32>} : memref<512xf32, #tpu.memory_space<vmem>>, vector<16xf32>,
    tpu.vector_store %arg21[%swap3A_1533], %add3A_1531 {strides = array<i32>} : memref<512xf32, #tpu.memory_space<vmem>>, vector<16xf32>,
    %swap3A_1535 = arith.constant 208 : index
    %swap3A_1536 = tpu.vector_load %arg22[%swap3A_1535] {strides = array<i32>} : memref<512xf32, #tpu.memory_space<vmem>>, vector<16xf32>,
    tpu.vector_store %arg22[%swap3A_1535], %sub3A_1532 {strides = array<i32>} : memref<512xf32, #tpu.memory_space<vmem>>, vector<16xf32>,
    %abs3A_1537 = math.absf %sub3A_1532 : vector<16xf32>
    %le3A_1538 = arith.constant 1.000000e+00 : f32
    %le3A_1539 = vector.broadcast %le3A_1538 : f32 to vector<16xf32>
    %le3A_1540 = arith.cmpf ole, %abs3A_1537, %le3A_1539 : vector<16xf32>
    %mul3A_1541 = arith.constant 5.000000e-01 : f32
    %mul3A_1542 = vector.broadcast %mul3A_1541 : f32 to vector<16xf32>
    %mul3A_1543 = arith.mulf %mul3A_1542, %sub3A_1532 : vector<16xf32>
    %mul3A_1544 = arith.mulf %mul3A_1543, %sub3A_1532 : vector<16xf32>
    %sub3A_1545 = arith.constant 5.000000e-01 : f32
    %sub3A_1546 = vector.broadcast %sub3A_1545 : f32 to vector<16xf32>
    %sub3A_1547 = arith.subf %abs3A_1537, %sub3A_1546 : vector<16xf32>
    %select_n3A_1548 = arith.select %le3A_1540, %mul3A_1544, %sub3A_1547 : vector<16xi1>, vector<16xf32>
    %mul3A_1549 = arith.mulf %select_n3A_1548, %get3A_1476 : vector<16xf32>
    %add3A_1550 = arith.addf %add3A_1439, %mul3A_1549 : vector<16xf32>
    %add3A_1551 = arith.constant 224 : i32
    %add3A_1552 = vector.broadcast %add3A_1551 : i32 to vector<16xi32>
    %add3A_1553 = arith.addi %iota3A, %add3A_1552 : vector<16xi32>
    %gather3A_1554 = tpu.vector_load_idx %arg14[%add3A_1553, %broadcast_in_dim3A_3] : memref<512x16xf32, #tpu.memory_space<vmem>>[vector<16xi32>, vector<16xi32>], vector<16xf32>,
    %add3A_1555 = arith.constant 1 : i32
    %add3A_1556 = vector.broadcast %add3A_1555 : i32 to vector<16xi32>
    %add3A_1557 = arith.addi %broadcast_in_dim3A_3, %add3A_1556 : vector<16xi32>
    %gather3A_1558 = tpu.vector_load_idx %arg14[%add3A_1553, %add3A_1557] : memref<512x16xf32, #tpu.memory_space<vmem>>[vector<16xi32>, vector<16xi32>], vector<16xf32>,
    %add3A_1559 = arith.constant 2 : i32
    %add3A_1560 = vector.broadcast %add3A_1559 : i32 to vector<16xi32>
    %add3A_1561 = arith.addi %broadcast_in_dim3A_3, %add3A_1560 : vector<16xi32>
    %gather3A_1562 = tpu.vector_load_idx %arg14[%add3A_1553, %add3A_1561] : memref<512x16xf32, #tpu.memory_space<vmem>>[vector<16xi32>, vector<16xi32>], vector<16xf32>,
    %add3A_1563 = arith.constant 3 : i32
    %add3A_1564 = vector.broadcast %add3A_1563 : i32 to vector<16xi32>
    %add3A_1565 = arith.addi %broadcast_in_dim3A_3, %add3A_1564 : vector<16xi32>
    %gather3A_1566 = tpu.vector_load_idx %arg14[%add3A_1553, %add3A_1565] : memref<512x16xf32, #tpu.memory_space<vmem>>[vector<16xi32>, vector<16xi32>], vector<16xf32>,
    %get3A_1567 = arith.constant 224 : index
    %get3A_1568 = tpu.vector_load %arg15[%get3A_1567] {strides = array<i32>} : memref<512xi32, #tpu.memory_space<vmem>>, vector<16xi32>,
    %mul3A_1569 = arith.constant 3 : i32
    %mul3A_1570 = vector.broadcast %mul3A_1569 : i32 to vector<16xi32>
    %mul3A_1571 = arith.muli %get3A_1568, %mul3A_1570 : vector<16xi32>
    %gather3A_1572 = tpu.vector_load_idx %arg19[%mul3A_1571] : memref<192xf32, #tpu.memory_space<vmem>>[vector<16xi32>], vector<16xf32>,
    %add3A_1573 = arith.constant 1 : i32
    %add3A_1574 = vector.broadcast %add3A_1573 : i32 to vector<16xi32>
    %add3A_1575 = arith.addi %mul3A_1571, %add3A_1574 : vector<16xi32>
    %gather3A_1576 = tpu.vector_load_idx %arg19[%add3A_1575] : memref<192xf32, #tpu.memory_space<vmem>>[vector<16xi32>], vector<16xf32>,
    %add3A_1577 = arith.constant 2 : i32
    %add3A_1578 = vector.broadcast %add3A_1577 : i32 to vector<16xi32>
    %add3A_1579 = arith.addi %mul3A_1571, %add3A_1578 : vector<16xi32>
    %gather3A_1580 = tpu.vector_load_idx %arg19[%add3A_1579] : memref<192xf32, #tpu.memory_space<vmem>>[vector<16xi32>], vector<16xf32>,
    %gather3A_1581 = tpu.vector_load_idx %arg20[%get3A_1568] : memref<64xf32, #tpu.memory_space<vmem>>[vector<16xi32>], vector<16xf32>,
    %get3A_1582 = arith.constant 224 : index
    %get3A_1583 = tpu.vector_load %arg16[%get3A_1582] {strides = array<i32>} : memref<512xi32, #tpu.memory_space<vmem>>, vector<16xi32>,
    %get3A_1584 = arith.constant 224 : index
    %get3A_1585 = tpu.vector_load %arg17[%get3A_1584] {strides = array<i32>} : memref<512xf32, #tpu.memory_space<vmem>>, vector<16xf32>,
    %get3A_1586 = arith.constant 224 : index
    %get3A_1587 = tpu.vector_load %arg18[%get3A_1586] {strides = array<i32>} : memref<512xf32, #tpu.memory_space<vmem>>, vector<16xf32>,
    %sub3A_1588 = arith.subf %gather3A_1554, %gather3A_1572 : vector<16xf32>
    %sub3A_1589 = arith.subf %gather3A_1558, %gather3A_1576 : vector<16xf32>
    %sub3A_1590 = arith.subf %gather3A_1562, %gather3A_1580 : vector<16xf32>
    %mul3A_1591 = arith.mulf %sub3A_1588, %sub3A_1588 : vector<16xf32>
    %mul3A_1592 = arith.mulf %sub3A_1589, %sub3A_1589 : vector<16xf32>
    %add3A_1593 = arith.addf %mul3A_1591, %mul3A_1592 : vector<16xf32>
    %mul3A_1594 = arith.mulf %sub3A_1590, %sub3A_1590 : vector<16xf32>
    %add3A_1595 = arith.addf %add3A_1593, %mul3A_1594 : vector<16xf32>
    %bitcast3A_1596 = vector.bitcast %add3A_1595 : vector<16xf32> to vector<16xi32>
    %shift_right_arithmetic3A_1597 = arith.constant 1 : i32
    %shift_right_arithmetic3A_1598 = vector.broadcast %shift_right_arithmetic3A_1597 : i32 to vector<16xi32>
    %shift_right_arithmetic3A_1599 = arith.shrsi %bitcast3A_1596, %shift_right_arithmetic3A_1598 : vector<16xi32>
    %sub3A_1600 = arith.constant 1597463007 : i32
    %sub3A_1601 = vector.broadcast %sub3A_1600 : i32 to vector<16xi32>
    %sub3A_1602 = arith.subi %sub3A_1601, %shift_right_arithmetic3A_1599 : vector<16xi32>
    %bitcast3A_1603 = vector.bitcast %sub3A_1602 : vector<16xi32> to vector<16xf32>
    %mul3A_1604 = arith.constant 5.000000e-01 : f32
    %mul3A_1605 = vector.broadcast %mul3A_1604 : f32 to vector<16xf32>
    %mul3A_1606 = arith.mulf %mul3A_1605, %add3A_1595 : vector<16xf32>
    %mul3A_1607 = arith.mulf %mul3A_1606, %bitcast3A_1603 : vector<16xf32>
    %mul3A_1608 = arith.mulf %mul3A_1607, %bitcast3A_1603 : vector<16xf32>
    %sub3A_1609 = arith.constant 1.500000e+00 : f32
    %sub3A_1610 = vector.broadcast %sub3A_1609 : f32 to vector<16xf32>
    %sub3A_1611 = arith.subf %sub3A_1610, %mul3A_1608 : vector<16xf32>
    %mul3A_1612 = arith.mulf %bitcast3A_1603, %sub3A_1611 : vector<16xf32>
    %mul3A_1613 = arith.mulf %mul3A_1606, %mul3A_1612 : vector<16xf32>
    %mul3A_1614 = arith.mulf %mul3A_1613, %mul3A_1612 : vector<16xf32>
    %sub3A_1615 = arith.constant 1.500000e+00 : f32
    %sub3A_1616 = vector.broadcast %sub3A_1615 : f32 to vector<16xf32>
    %sub3A_1617 = arith.subf %sub3A_1616, %mul3A_1614 : vector<16xf32>
    %mul3A_1618 = arith.mulf %mul3A_1612, %sub3A_1617 : vector<16xf32>
    %mul3A_1619 = arith.mulf %mul3A_1606, %mul3A_1618 : vector<16xf32>
    %mul3A_1620 = arith.mulf %mul3A_1619, %mul3A_1618 : vector<16xf32>
    %sub3A_1621 = arith.constant 1.500000e+00 : f32
    %sub3A_1622 = vector.broadcast %sub3A_1621 : f32 to vector<16xf32>
    %sub3A_1623 = arith.subf %sub3A_1622, %mul3A_1620 : vector<16xf32>
    %mul3A_1624 = arith.mulf %mul3A_1618, %sub3A_1623 : vector<16xf32>
    %gt3A_1625 = arith.constant 0.000000e+00 : f32
    %gt3A_1626 = vector.broadcast %gt3A_1625 : f32 to vector<16xf32>
    %gt3A_1627 = arith.cmpf ogt, %add3A_1595, %gt3A_1626 : vector<16xf32>
    %mul3A_1628 = arith.mulf %add3A_1595, %mul3A_1624 : vector<16xf32>
    %jit3A_1629 = arith.constant 0.000000e+00 : f32
    %broadcast_in_dim3A_1630 = vector.broadcast %jit3A_1629 : f32 to vector<16xf32>
    %select_n3A_1631 = arith.select %gt3A_1627, %mul3A_1628, %broadcast_in_dim3A_1630 : vector<16xi1>, vector<16xf32>
    %eq3A_1632 = arith.constant 0 : i32
    %eq3A_1633 = vector.broadcast %eq3A_1632 : i32 to vector<16xi32>
    %eq3A_1634 = arith.cmpi eq, %get3A_1583, %eq3A_1633 : vector<16xi32>
    %jit3A_1635 = arith.constant 6.000000e+00 : f32
    %jit3A_1636 = arith.constant 3.46820807 : f32
    %broadcast_in_dim3A_1637 = vector.broadcast %jit3A_1635 : f32 to vector<16xf32>
    %broadcast_in_dim3A_1638 = vector.broadcast %jit3A_1636 : f32 to vector<16xf32>
    %select_n3A_1639 = arith.select %eq3A_1634, %broadcast_in_dim3A_1637, %broadcast_in_dim3A_1638 : vector<16xi1>, vector<16xf32>
    %div3A_1640 = arith.divf %select_n3A_1631, %select_n3A_1639 : vector<16xf32>
    %add3A_1641 = arith.addf %gather3A_1566, %div3A_1640 : vector<16xf32>
    %add3A_1642 = arith.addf %add3A_1641, %gather3A_1581 : vector<16xf32>
    %sub3A_1643 = arith.subf %get3A_1585, %add3A_1642 : vector<16xf32>
    %swap3A_1644 = arith.constant 224 : index
    %swap3A_1645 = tpu.vector_load %arg21[%swap3A_1644] {strides = array<i32>} : memref<512xf32, #tpu.memory_space<vmem>>, vector<16xf32>,
    tpu.vector_store %arg21[%swap3A_1644], %add3A_1642 {strides = array<i32>} : memref<512xf32, #tpu.memory_space<vmem>>, vector<16xf32>,
    %swap3A_1646 = arith.constant 224 : index
    %swap3A_1647 = tpu.vector_load %arg22[%swap3A_1646] {strides = array<i32>} : memref<512xf32, #tpu.memory_space<vmem>>, vector<16xf32>,
    tpu.vector_store %arg22[%swap3A_1646], %sub3A_1643 {strides = array<i32>} : memref<512xf32, #tpu.memory_space<vmem>>, vector<16xf32>,
    %abs3A_1648 = math.absf %sub3A_1643 : vector<16xf32>
    %le3A_1649 = arith.constant 1.000000e+00 : f32
    %le3A_1650 = vector.broadcast %le3A_1649 : f32 to vector<16xf32>
    %le3A_1651 = arith.cmpf ole, %abs3A_1648, %le3A_1650 : vector<16xf32>
    %mul3A_1652 = arith.constant 5.000000e-01 : f32
    %mul3A_1653 = vector.broadcast %mul3A_1652 : f32 to vector<16xf32>
    %mul3A_1654 = arith.mulf %mul3A_1653, %sub3A_1643 : vector<16xf32>
    %mul3A_1655 = arith.mulf %mul3A_1654, %sub3A_1643 : vector<16xf32>
    %sub3A_1656 = arith.constant 5.000000e-01 : f32
    %sub3A_1657 = vector.broadcast %sub3A_1656 : f32 to vector<16xf32>
    %sub3A_1658 = arith.subf %abs3A_1648, %sub3A_1657 : vector<16xf32>
    %select_n3A_1659 = arith.select %le3A_1651, %mul3A_1655, %sub3A_1658 : vector<16xi1>, vector<16xf32>
    %mul3A_1660 = arith.mulf %select_n3A_1659, %get3A_1587 : vector<16xf32>
    %add3A_1661 = arith.addf %add3A_1550, %mul3A_1660 : vector<16xf32>
    %add3A_1662 = arith.constant 240 : i32
    %add3A_1663 = vector.broadcast %add3A_1662 : i32 to vector<16xi32>
    %add3A_1664 = arith.addi %iota3A, %add3A_1663 : vector<16xi32>
    %gather3A_1665 = tpu.vector_load_idx %arg14[%add3A_1664, %broadcast_in_dim3A_3] : memref<512x16xf32, #tpu.memory_space<vmem>>[vector<16xi32>, vector<16xi32>], vector<16xf32>,
    %add3A_1666 = arith.constant 1 : i32
    %add3A_1667 = vector.broadcast %add3A_1666 : i32 to vector<16xi32>
    %add3A_1668 = arith.addi %broadcast_in_dim3A_3, %add3A_1667 : vector<16xi32>
    %gather3A_1669 = tpu.vector_load_idx %arg14[%add3A_1664, %add3A_1668] : memref<512x16xf32, #tpu.memory_space<vmem>>[vector<16xi32>, vector<16xi32>], vector<16xf32>,
    %add3A_1670 = arith.constant 2 : i32
    %add3A_1671 = vector.broadcast %add3A_1670 : i32 to vector<16xi32>
    %add3A_1672 = arith.addi %broadcast_in_dim3A_3, %add3A_1671 : vector<16xi32>
    %gather3A_1673 = tpu.vector_load_idx %arg14[%add3A_1664, %add3A_1672] : memref<512x16xf32, #tpu.memory_space<vmem>>[vector<16xi32>, vector<16xi32>], vector<16xf32>,
    %add3A_1674 = arith.constant 3 : i32
    %add3A_1675 = vector.broadcast %add3A_1674 : i32 to vector<16xi32>
    %add3A_1676 = arith.addi %broadcast_in_dim3A_3, %add3A_1675 : vector<16xi32>
    %gather3A_1677 = tpu.vector_load_idx %arg14[%add3A_1664, %add3A_1676] : memref<512x16xf32, #tpu.memory_space<vmem>>[vector<16xi32>, vector<16xi32>], vector<16xf32>,
    %get3A_1678 = arith.constant 240 : index
    %get3A_1679 = tpu.vector_load %arg15[%get3A_1678] {strides = array<i32>} : memref<512xi32, #tpu.memory_space<vmem>>, vector<16xi32>,
    %mul3A_1680 = arith.constant 3 : i32
    %mul3A_1681 = vector.broadcast %mul3A_1680 : i32 to vector<16xi32>
    %mul3A_1682 = arith.muli %get3A_1679, %mul3A_1681 : vector<16xi32>
    %gather3A_1683 = tpu.vector_load_idx %arg19[%mul3A_1682] : memref<192xf32, #tpu.memory_space<vmem>>[vector<16xi32>], vector<16xf32>,
    %add3A_1684 = arith.constant 1 : i32
    %add3A_1685 = vector.broadcast %add3A_1684 : i32 to vector<16xi32>
    %add3A_1686 = arith.addi %mul3A_1682, %add3A_1685 : vector<16xi32>
    %gather3A_1687 = tpu.vector_load_idx %arg19[%add3A_1686] : memref<192xf32, #tpu.memory_space<vmem>>[vector<16xi32>], vector<16xf32>,
    %add3A_1688 = arith.constant 2 : i32
    %add3A_1689 = vector.broadcast %add3A_1688 : i32 to vector<16xi32>
    %add3A_1690 = arith.addi %mul3A_1682, %add3A_1689 : vector<16xi32>
    %gather3A_1691 = tpu.vector_load_idx %arg19[%add3A_1690] : memref<192xf32, #tpu.memory_space<vmem>>[vector<16xi32>], vector<16xf32>,
    %gather3A_1692 = tpu.vector_load_idx %arg20[%get3A_1679] : memref<64xf32, #tpu.memory_space<vmem>>[vector<16xi32>], vector<16xf32>,
    %get3A_1693 = arith.constant 240 : index
    %get3A_1694 = tpu.vector_load %arg16[%get3A_1693] {strides = array<i32>} : memref<512xi32, #tpu.memory_space<vmem>>, vector<16xi32>,
    %get3A_1695 = arith.constant 240 : index
    %get3A_1696 = tpu.vector_load %arg17[%get3A_1695] {strides = array<i32>} : memref<512xf32, #tpu.memory_space<vmem>>, vector<16xf32>,
    %get3A_1697 = arith.constant 240 : index
    %get3A_1698 = tpu.vector_load %arg18[%get3A_1697] {strides = array<i32>} : memref<512xf32, #tpu.memory_space<vmem>>, vector<16xf32>,
    %sub3A_1699 = arith.subf %gather3A_1665, %gather3A_1683 : vector<16xf32>
    %sub3A_1700 = arith.subf %gather3A_1669, %gather3A_1687 : vector<16xf32>
    %sub3A_1701 = arith.subf %gather3A_1673, %gather3A_1691 : vector<16xf32>
    %mul3A_1702 = arith.mulf %sub3A_1699, %sub3A_1699 : vector<16xf32>
    %mul3A_1703 = arith.mulf %sub3A_1700, %sub3A_1700 : vector<16xf32>
    %add3A_1704 = arith.addf %mul3A_1702, %mul3A_1703 : vector<16xf32>
    %mul3A_1705 = arith.mulf %sub3A_1701, %sub3A_1701 : vector<16xf32>
    %add3A_1706 = arith.addf %add3A_1704, %mul3A_1705 : vector<16xf32>
    %bitcast3A_1707 = vector.bitcast %add3A_1706 : vector<16xf32> to vector<16xi32>
    %shift_right_arithmetic3A_1708 = arith.constant 1 : i32
    %shift_right_arithmetic3A_1709 = vector.broadcast %shift_right_arithmetic3A_1708 : i32 to vector<16xi32>
    %shift_right_arithmetic3A_1710 = arith.shrsi %bitcast3A_1707, %shift_right_arithmetic3A_1709 : vector<16xi32>
    %sub3A_1711 = arith.constant 1597463007 : i32
    %sub3A_1712 = vector.broadcast %sub3A_1711 : i32 to vector<16xi32>
    %sub3A_1713 = arith.subi %sub3A_1712, %shift_right_arithmetic3A_1710 : vector<16xi32>
    %bitcast3A_1714 = vector.bitcast %sub3A_1713 : vector<16xi32> to vector<16xf32>
    %mul3A_1715 = arith.constant 5.000000e-01 : f32
    %mul3A_1716 = vector.broadcast %mul3A_1715 : f32 to vector<16xf32>
    %mul3A_1717 = arith.mulf %mul3A_1716, %add3A_1706 : vector<16xf32>
    %mul3A_1718 = arith.mulf %mul3A_1717, %bitcast3A_1714 : vector<16xf32>
    %mul3A_1719 = arith.mulf %mul3A_1718, %bitcast3A_1714 : vector<16xf32>
    %sub3A_1720 = arith.constant 1.500000e+00 : f32
    %sub3A_1721 = vector.broadcast %sub3A_1720 : f32 to vector<16xf32>
    %sub3A_1722 = arith.subf %sub3A_1721, %mul3A_1719 : vector<16xf32>
    %mul3A_1723 = arith.mulf %bitcast3A_1714, %sub3A_1722 : vector<16xf32>
    %mul3A_1724 = arith.mulf %mul3A_1717, %mul3A_1723 : vector<16xf32>
    %mul3A_1725 = arith.mulf %mul3A_1724, %mul3A_1723 : vector<16xf32>
    %sub3A_1726 = arith.constant 1.500000e+00 : f32
    %sub3A_1727 = vector.broadcast %sub3A_1726 : f32 to vector<16xf32>
    %sub3A_1728 = arith.subf %sub3A_1727, %mul3A_1725 : vector<16xf32>
    %mul3A_1729 = arith.mulf %mul3A_1723, %sub3A_1728 : vector<16xf32>
    %mul3A_1730 = arith.mulf %mul3A_1717, %mul3A_1729 : vector<16xf32>
    %mul3A_1731 = arith.mulf %mul3A_1730, %mul3A_1729 : vector<16xf32>
    %sub3A_1732 = arith.constant 1.500000e+00 : f32
    %sub3A_1733 = vector.broadcast %sub3A_1732 : f32 to vector<16xf32>
    %sub3A_1734 = arith.subf %sub3A_1733, %mul3A_1731 : vector<16xf32>
    %mul3A_1735 = arith.mulf %mul3A_1729, %sub3A_1734 : vector<16xf32>
    %gt3A_1736 = arith.constant 0.000000e+00 : f32
    %gt3A_1737 = vector.broadcast %gt3A_1736 : f32 to vector<16xf32>
    %gt3A_1738 = arith.cmpf ogt, %add3A_1706, %gt3A_1737 : vector<16xf32>
    %mul3A_1739 = arith.mulf %add3A_1706, %mul3A_1735 : vector<16xf32>
    %jit3A_1740 = arith.constant 0.000000e+00 : f32
    %broadcast_in_dim3A_1741 = vector.broadcast %jit3A_1740 : f32 to vector<16xf32>
    %select_n3A_1742 = arith.select %gt3A_1738, %mul3A_1739, %broadcast_in_dim3A_1741 : vector<16xi1>, vector<16xf32>
    %eq3A_1743 = arith.constant 0 : i32
    %eq3A_1744 = vector.broadcast %eq3A_1743 : i32 to vector<16xi32>
    %eq3A_1745 = arith.cmpi eq, %get3A_1694, %eq3A_1744 : vector<16xi32>
    %jit3A_1746 = arith.constant 6.000000e+00 : f32
    %jit3A_1747 = arith.constant 3.46820807 : f32
    %broadcast_in_dim3A_1748 = vector.broadcast %jit3A_1746 : f32 to vector<16xf32>
    %broadcast_in_dim3A_1749 = vector.broadcast %jit3A_1747 : f32 to vector<16xf32>
    %select_n3A_1750 = arith.select %eq3A_1745, %broadcast_in_dim3A_1748, %broadcast_in_dim3A_1749 : vector<16xi1>, vector<16xf32>
    %div3A_1751 = arith.divf %select_n3A_1742, %select_n3A_1750 : vector<16xf32>
    %add3A_1752 = arith.addf %gather3A_1677, %div3A_1751 : vector<16xf32>
    %add3A_1753 = arith.addf %add3A_1752, %gather3A_1692 : vector<16xf32>
    %sub3A_1754 = arith.subf %get3A_1696, %add3A_1753 : vector<16xf32>
    %swap3A_1755 = arith.constant 240 : index
    %swap3A_1756 = tpu.vector_load %arg21[%swap3A_1755] {strides = array<i32>} : memref<512xf32, #tpu.memory_space<vmem>>, vector<16xf32>,
    tpu.vector_store %arg21[%swap3A_1755], %add3A_1753 {strides = array<i32>} : memref<512xf32, #tpu.memory_space<vmem>>, vector<16xf32>,
    %swap3A_1757 = arith.constant 240 : index
    %swap3A_1758 = tpu.vector_load %arg22[%swap3A_1757] {strides = array<i32>} : memref<512xf32, #tpu.memory_space<vmem>>, vector<16xf32>,
    tpu.vector_store %arg22[%swap3A_1757], %sub3A_1754 {strides = array<i32>} : memref<512xf32, #tpu.memory_space<vmem>>, vector<16xf32>,
    %abs3A_1759 = math.absf %sub3A_1754 : vector<16xf32>
    %le3A_1760 = arith.constant 1.000000e+00 : f32
    %le3A_1761 = vector.broadcast %le3A_1760 : f32 to vector<16xf32>
    %le3A_1762 = arith.cmpf ole, %abs3A_1759, %le3A_1761 : vector<16xf32>
    %mul3A_1763 = arith.constant 5.000000e-01 : f32
    %mul3A_1764 = vector.broadcast %mul3A_1763 : f32 to vector<16xf32>
    %mul3A_1765 = arith.mulf %mul3A_1764, %sub3A_1754 : vector<16xf32>
    %mul3A_1766 = arith.mulf %mul3A_1765, %sub3A_1754 : vector<16xf32>
    %sub3A_1767 = arith.constant 5.000000e-01 : f32
    %sub3A_1768 = vector.broadcast %sub3A_1767 : f32 to vector<16xf32>
    %sub3A_1769 = arith.subf %abs3A_1759, %sub3A_1768 : vector<16xf32>
    %select_n3A_1770 = arith.select %le3A_1762, %mul3A_1766, %sub3A_1769 : vector<16xi1>, vector<16xf32>
    %mul3A_1771 = arith.mulf %select_n3A_1770, %get3A_1698 : vector<16xf32>
    %add3A_1772 = arith.addf %add3A_1661, %mul3A_1771 : vector<16xf32>
    %add3A_1773 = arith.constant 256 : i32
    %add3A_1774 = vector.broadcast %add3A_1773 : i32 to vector<16xi32>
    %add3A_1775 = arith.addi %iota3A, %add3A_1774 : vector<16xi32>
    %gather3A_1776 = tpu.vector_load_idx %arg14[%add3A_1775, %broadcast_in_dim3A_3] : memref<512x16xf32, #tpu.memory_space<vmem>>[vector<16xi32>, vector<16xi32>], vector<16xf32>,
    %add3A_1777 = arith.constant 1 : i32
    %add3A_1778 = vector.broadcast %add3A_1777 : i32 to vector<16xi32>
    %add3A_1779 = arith.addi %broadcast_in_dim3A_3, %add3A_1778 : vector<16xi32>
    %gather3A_1780 = tpu.vector_load_idx %arg14[%add3A_1775, %add3A_1779] : memref<512x16xf32, #tpu.memory_space<vmem>>[vector<16xi32>, vector<16xi32>], vector<16xf32>,
    %add3A_1781 = arith.constant 2 : i32
    %add3A_1782 = vector.broadcast %add3A_1781 : i32 to vector<16xi32>
    %add3A_1783 = arith.addi %broadcast_in_dim3A_3, %add3A_1782 : vector<16xi32>
    %gather3A_1784 = tpu.vector_load_idx %arg14[%add3A_1775, %add3A_1783] : memref<512x16xf32, #tpu.memory_space<vmem>>[vector<16xi32>, vector<16xi32>], vector<16xf32>,
    %add3A_1785 = arith.constant 3 : i32
    %add3A_1786 = vector.broadcast %add3A_1785 : i32 to vector<16xi32>
    %add3A_1787 = arith.addi %broadcast_in_dim3A_3, %add3A_1786 : vector<16xi32>
    %gather3A_1788 = tpu.vector_load_idx %arg14[%add3A_1775, %add3A_1787] : memref<512x16xf32, #tpu.memory_space<vmem>>[vector<16xi32>, vector<16xi32>], vector<16xf32>,
    %get3A_1789 = arith.constant 256 : index
    %get3A_1790 = tpu.vector_load %arg15[%get3A_1789] {strides = array<i32>} : memref<512xi32, #tpu.memory_space<vmem>>, vector<16xi32>,
    %mul3A_1791 = arith.constant 3 : i32
    %mul3A_1792 = vector.broadcast %mul3A_1791 : i32 to vector<16xi32>
    %mul3A_1793 = arith.muli %get3A_1790, %mul3A_1792 : vector<16xi32>
    %gather3A_1794 = tpu.vector_load_idx %arg19[%mul3A_1793] : memref<192xf32, #tpu.memory_space<vmem>>[vector<16xi32>], vector<16xf32>,
    %add3A_1795 = arith.constant 1 : i32
    %add3A_1796 = vector.broadcast %add3A_1795 : i32 to vector<16xi32>
    %add3A_1797 = arith.addi %mul3A_1793, %add3A_1796 : vector<16xi32>
    %gather3A_1798 = tpu.vector_load_idx %arg19[%add3A_1797] : memref<192xf32, #tpu.memory_space<vmem>>[vector<16xi32>], vector<16xf32>,
    %add3A_1799 = arith.constant 2 : i32
    %add3A_1800 = vector.broadcast %add3A_1799 : i32 to vector<16xi32>
    %add3A_1801 = arith.addi %mul3A_1793, %add3A_1800 : vector<16xi32>
    %gather3A_1802 = tpu.vector_load_idx %arg19[%add3A_1801] : memref<192xf32, #tpu.memory_space<vmem>>[vector<16xi32>], vector<16xf32>,
    %gather3A_1803 = tpu.vector_load_idx %arg20[%get3A_1790] : memref<64xf32, #tpu.memory_space<vmem>>[vector<16xi32>], vector<16xf32>,
    %get3A_1804 = arith.constant 256 : index
    %get3A_1805 = tpu.vector_load %arg16[%get3A_1804] {strides = array<i32>} : memref<512xi32, #tpu.memory_space<vmem>>, vector<16xi32>,
    %get3A_1806 = arith.constant 256 : index
    %get3A_1807 = tpu.vector_load %arg17[%get3A_1806] {strides = array<i32>} : memref<512xf32, #tpu.memory_space<vmem>>, vector<16xf32>,
    %get3A_1808 = arith.constant 256 : index
    %get3A_1809 = tpu.vector_load %arg18[%get3A_1808] {strides = array<i32>} : memref<512xf32, #tpu.memory_space<vmem>>, vector<16xf32>,
    %sub3A_1810 = arith.subf %gather3A_1776, %gather3A_1794 : vector<16xf32>
    %sub3A_1811 = arith.subf %gather3A_1780, %gather3A_1798 : vector<16xf32>
    %sub3A_1812 = arith.subf %gather3A_1784, %gather3A_1802 : vector<16xf32>
    %mul3A_1813 = arith.mulf %sub3A_1810, %sub3A_1810 : vector<16xf32>
    %mul3A_1814 = arith.mulf %sub3A_1811, %sub3A_1811 : vector<16xf32>
    %add3A_1815 = arith.addf %mul3A_1813, %mul3A_1814 : vector<16xf32>
    %mul3A_1816 = arith.mulf %sub3A_1812, %sub3A_1812 : vector<16xf32>
    %add3A_1817 = arith.addf %add3A_1815, %mul3A_1816 : vector<16xf32>
    %bitcast3A_1818 = vector.bitcast %add3A_1817 : vector<16xf32> to vector<16xi32>
    %shift_right_arithmetic3A_1819 = arith.constant 1 : i32
    %shift_right_arithmetic3A_1820 = vector.broadcast %shift_right_arithmetic3A_1819 : i32 to vector<16xi32>
    %shift_right_arithmetic3A_1821 = arith.shrsi %bitcast3A_1818, %shift_right_arithmetic3A_1820 : vector<16xi32>
    %sub3A_1822 = arith.constant 1597463007 : i32
    %sub3A_1823 = vector.broadcast %sub3A_1822 : i32 to vector<16xi32>
    %sub3A_1824 = arith.subi %sub3A_1823, %shift_right_arithmetic3A_1821 : vector<16xi32>
    %bitcast3A_1825 = vector.bitcast %sub3A_1824 : vector<16xi32> to vector<16xf32>
    %mul3A_1826 = arith.constant 5.000000e-01 : f32
    %mul3A_1827 = vector.broadcast %mul3A_1826 : f32 to vector<16xf32>
    %mul3A_1828 = arith.mulf %mul3A_1827, %add3A_1817 : vector<16xf32>
    %mul3A_1829 = arith.mulf %mul3A_1828, %bitcast3A_1825 : vector<16xf32>
    %mul3A_1830 = arith.mulf %mul3A_1829, %bitcast3A_1825 : vector<16xf32>
    %sub3A_1831 = arith.constant 1.500000e+00 : f32
    %sub3A_1832 = vector.broadcast %sub3A_1831 : f32 to vector<16xf32>
    %sub3A_1833 = arith.subf %sub3A_1832, %mul3A_1830 : vector<16xf32>
    %mul3A_1834 = arith.mulf %bitcast3A_1825, %sub3A_1833 : vector<16xf32>
    %mul3A_1835 = arith.mulf %mul3A_1828, %mul3A_1834 : vector<16xf32>
    %mul3A_1836 = arith.mulf %mul3A_1835, %mul3A_1834 : vector<16xf32>
    %sub3A_1837 = arith.constant 1.500000e+00 : f32
    %sub3A_1838 = vector.broadcast %sub3A_1837 : f32 to vector<16xf32>
    %sub3A_1839 = arith.subf %sub3A_1838, %mul3A_1836 : vector<16xf32>
    %mul3A_1840 = arith.mulf %mul3A_1834, %sub3A_1839 : vector<16xf32>
    %mul3A_1841 = arith.mulf %mul3A_1828, %mul3A_1840 : vector<16xf32>
    %mul3A_1842 = arith.mulf %mul3A_1841, %mul3A_1840 : vector<16xf32>
    %sub3A_1843 = arith.constant 1.500000e+00 : f32
    %sub3A_1844 = vector.broadcast %sub3A_1843 : f32 to vector<16xf32>
    %sub3A_1845 = arith.subf %sub3A_1844, %mul3A_1842 : vector<16xf32>
    %mul3A_1846 = arith.mulf %mul3A_1840, %sub3A_1845 : vector<16xf32>
    %gt3A_1847 = arith.constant 0.000000e+00 : f32
    %gt3A_1848 = vector.broadcast %gt3A_1847 : f32 to vector<16xf32>
    %gt3A_1849 = arith.cmpf ogt, %add3A_1817, %gt3A_1848 : vector<16xf32>
    %mul3A_1850 = arith.mulf %add3A_1817, %mul3A_1846 : vector<16xf32>
    %jit3A_1851 = arith.constant 0.000000e+00 : f32
    %broadcast_in_dim3A_1852 = vector.broadcast %jit3A_1851 : f32 to vector<16xf32>
    %select_n3A_1853 = arith.select %gt3A_1849, %mul3A_1850, %broadcast_in_dim3A_1852 : vector<16xi1>, vector<16xf32>
    %eq3A_1854 = arith.constant 0 : i32
    %eq3A_1855 = vector.broadcast %eq3A_1854 : i32 to vector<16xi32>
    %eq3A_1856 = arith.cmpi eq, %get3A_1805, %eq3A_1855 : vector<16xi32>
    %jit3A_1857 = arith.constant 6.000000e+00 : f32
    %jit3A_1858 = arith.constant 3.46820807 : f32
    %broadcast_in_dim3A_1859 = vector.broadcast %jit3A_1857 : f32 to vector<16xf32>
    %broadcast_in_dim3A_1860 = vector.broadcast %jit3A_1858 : f32 to vector<16xf32>
    %select_n3A_1861 = arith.select %eq3A_1856, %broadcast_in_dim3A_1859, %broadcast_in_dim3A_1860 : vector<16xi1>, vector<16xf32>
    %div3A_1862 = arith.divf %select_n3A_1853, %select_n3A_1861 : vector<16xf32>
    %add3A_1863 = arith.addf %gather3A_1788, %div3A_1862 : vector<16xf32>
    %add3A_1864 = arith.addf %add3A_1863, %gather3A_1803 : vector<16xf32>
    %sub3A_1865 = arith.subf %get3A_1807, %add3A_1864 : vector<16xf32>
    %swap3A_1866 = arith.constant 256 : index
    %swap3A_1867 = tpu.vector_load %arg21[%swap3A_1866] {strides = array<i32>} : memref<512xf32, #tpu.memory_space<vmem>>, vector<16xf32>,
    tpu.vector_store %arg21[%swap3A_1866], %add3A_1864 {strides = array<i32>} : memref<512xf32, #tpu.memory_space<vmem>>, vector<16xf32>,
    %swap3A_1868 = arith.constant 256 : index
    %swap3A_1869 = tpu.vector_load %arg22[%swap3A_1868] {strides = array<i32>} : memref<512xf32, #tpu.memory_space<vmem>>, vector<16xf32>,
    tpu.vector_store %arg22[%swap3A_1868], %sub3A_1865 {strides = array<i32>} : memref<512xf32, #tpu.memory_space<vmem>>, vector<16xf32>,
    %abs3A_1870 = math.absf %sub3A_1865 : vector<16xf32>
    %le3A_1871 = arith.constant 1.000000e+00 : f32
    %le3A_1872 = vector.broadcast %le3A_1871 : f32 to vector<16xf32>
    %le3A_1873 = arith.cmpf ole, %abs3A_1870, %le3A_1872 : vector<16xf32>
    %mul3A_1874 = arith.constant 5.000000e-01 : f32
    %mul3A_1875 = vector.broadcast %mul3A_1874 : f32 to vector<16xf32>
    %mul3A_1876 = arith.mulf %mul3A_1875, %sub3A_1865 : vector<16xf32>
    %mul3A_1877 = arith.mulf %mul3A_1876, %sub3A_1865 : vector<16xf32>
    %sub3A_1878 = arith.constant 5.000000e-01 : f32
    %sub3A_1879 = vector.broadcast %sub3A_1878 : f32 to vector<16xf32>
    %sub3A_1880 = arith.subf %abs3A_1870, %sub3A_1879 : vector<16xf32>
    %select_n3A_1881 = arith.select %le3A_1873, %mul3A_1877, %sub3A_1880 : vector<16xi1>, vector<16xf32>
    %mul3A_1882 = arith.mulf %select_n3A_1881, %get3A_1809 : vector<16xf32>
    %add3A_1883 = arith.addf %add3A_1772, %mul3A_1882 : vector<16xf32>
    %add3A_1884 = arith.constant 272 : i32
    %add3A_1885 = vector.broadcast %add3A_1884 : i32 to vector<16xi32>
    %add3A_1886 = arith.addi %iota3A, %add3A_1885 : vector<16xi32>
    %gather3A_1887 = tpu.vector_load_idx %arg14[%add3A_1886, %broadcast_in_dim3A_3] : memref<512x16xf32, #tpu.memory_space<vmem>>[vector<16xi32>, vector<16xi32>], vector<16xf32>,
    %add3A_1888 = arith.constant 1 : i32
    %add3A_1889 = vector.broadcast %add3A_1888 : i32 to vector<16xi32>
    %add3A_1890 = arith.addi %broadcast_in_dim3A_3, %add3A_1889 : vector<16xi32>
    %gather3A_1891 = tpu.vector_load_idx %arg14[%add3A_1886, %add3A_1890] : memref<512x16xf32, #tpu.memory_space<vmem>>[vector<16xi32>, vector<16xi32>], vector<16xf32>,
    %add3A_1892 = arith.constant 2 : i32
    %add3A_1893 = vector.broadcast %add3A_1892 : i32 to vector<16xi32>
    %add3A_1894 = arith.addi %broadcast_in_dim3A_3, %add3A_1893 : vector<16xi32>
    %gather3A_1895 = tpu.vector_load_idx %arg14[%add3A_1886, %add3A_1894] : memref<512x16xf32, #tpu.memory_space<vmem>>[vector<16xi32>, vector<16xi32>], vector<16xf32>,
    %add3A_1896 = arith.constant 3 : i32
    %add3A_1897 = vector.broadcast %add3A_1896 : i32 to vector<16xi32>
    %add3A_1898 = arith.addi %broadcast_in_dim3A_3, %add3A_1897 : vector<16xi32>
    %gather3A_1899 = tpu.vector_load_idx %arg14[%add3A_1886, %add3A_1898] : memref<512x16xf32, #tpu.memory_space<vmem>>[vector<16xi32>, vector<16xi32>], vector<16xf32>,
    %get3A_1900 = arith.constant 272 : index
    %get3A_1901 = tpu.vector_load %arg15[%get3A_1900] {strides = array<i32>} : memref<512xi32, #tpu.memory_space<vmem>>, vector<16xi32>,
    %mul3A_1902 = arith.constant 3 : i32
    %mul3A_1903 = vector.broadcast %mul3A_1902 : i32 to vector<16xi32>
    %mul3A_1904 = arith.muli %get3A_1901, %mul3A_1903 : vector<16xi32>
    %gather3A_1905 = tpu.vector_load_idx %arg19[%mul3A_1904] : memref<192xf32, #tpu.memory_space<vmem>>[vector<16xi32>], vector<16xf32>,
    %add3A_1906 = arith.constant 1 : i32
    %add3A_1907 = vector.broadcast %add3A_1906 : i32 to vector<16xi32>
    %add3A_1908 = arith.addi %mul3A_1904, %add3A_1907 : vector<16xi32>
    %gather3A_1909 = tpu.vector_load_idx %arg19[%add3A_1908] : memref<192xf32, #tpu.memory_space<vmem>>[vector<16xi32>], vector<16xf32>,
    %add3A_1910 = arith.constant 2 : i32
    %add3A_1911 = vector.broadcast %add3A_1910 : i32 to vector<16xi32>
    %add3A_1912 = arith.addi %mul3A_1904, %add3A_1911 : vector<16xi32>
    %gather3A_1913 = tpu.vector_load_idx %arg19[%add3A_1912] : memref<192xf32, #tpu.memory_space<vmem>>[vector<16xi32>], vector<16xf32>,
    %gather3A_1914 = tpu.vector_load_idx %arg20[%get3A_1901] : memref<64xf32, #tpu.memory_space<vmem>>[vector<16xi32>], vector<16xf32>,
    %get3A_1915 = arith.constant 272 : index
    %get3A_1916 = tpu.vector_load %arg16[%get3A_1915] {strides = array<i32>} : memref<512xi32, #tpu.memory_space<vmem>>, vector<16xi32>,
    %get3A_1917 = arith.constant 272 : index
    %get3A_1918 = tpu.vector_load %arg17[%get3A_1917] {strides = array<i32>} : memref<512xf32, #tpu.memory_space<vmem>>, vector<16xf32>,
    %get3A_1919 = arith.constant 272 : index
    %get3A_1920 = tpu.vector_load %arg18[%get3A_1919] {strides = array<i32>} : memref<512xf32, #tpu.memory_space<vmem>>, vector<16xf32>,
    %sub3A_1921 = arith.subf %gather3A_1887, %gather3A_1905 : vector<16xf32>
    %sub3A_1922 = arith.subf %gather3A_1891, %gather3A_1909 : vector<16xf32>
    %sub3A_1923 = arith.subf %gather3A_1895, %gather3A_1913 : vector<16xf32>
    %mul3A_1924 = arith.mulf %sub3A_1921, %sub3A_1921 : vector<16xf32>
    %mul3A_1925 = arith.mulf %sub3A_1922, %sub3A_1922 : vector<16xf32>
    %add3A_1926 = arith.addf %mul3A_1924, %mul3A_1925 : vector<16xf32>
    %mul3A_1927 = arith.mulf %sub3A_1923, %sub3A_1923 : vector<16xf32>
    %add3A_1928 = arith.addf %add3A_1926, %mul3A_1927 : vector<16xf32>
    %bitcast3A_1929 = vector.bitcast %add3A_1928 : vector<16xf32> to vector<16xi32>
    %shift_right_arithmetic3A_1930 = arith.constant 1 : i32
    %shift_right_arithmetic3A_1931 = vector.broadcast %shift_right_arithmetic3A_1930 : i32 to vector<16xi32>
    %shift_right_arithmetic3A_1932 = arith.shrsi %bitcast3A_1929, %shift_right_arithmetic3A_1931 : vector<16xi32>
    %sub3A_1933 = arith.constant 1597463007 : i32
    %sub3A_1934 = vector.broadcast %sub3A_1933 : i32 to vector<16xi32>
    %sub3A_1935 = arith.subi %sub3A_1934, %shift_right_arithmetic3A_1932 : vector<16xi32>
    %bitcast3A_1936 = vector.bitcast %sub3A_1935 : vector<16xi32> to vector<16xf32>
    %mul3A_1937 = arith.constant 5.000000e-01 : f32
    %mul3A_1938 = vector.broadcast %mul3A_1937 : f32 to vector<16xf32>
    %mul3A_1939 = arith.mulf %mul3A_1938, %add3A_1928 : vector<16xf32>
    %mul3A_1940 = arith.mulf %mul3A_1939, %bitcast3A_1936 : vector<16xf32>
    %mul3A_1941 = arith.mulf %mul3A_1940, %bitcast3A_1936 : vector<16xf32>
    %sub3A_1942 = arith.constant 1.500000e+00 : f32
    %sub3A_1943 = vector.broadcast %sub3A_1942 : f32 to vector<16xf32>
    %sub3A_1944 = arith.subf %sub3A_1943, %mul3A_1941 : vector<16xf32>
    %mul3A_1945 = arith.mulf %bitcast3A_1936, %sub3A_1944 : vector<16xf32>
    %mul3A_1946 = arith.mulf %mul3A_1939, %mul3A_1945 : vector<16xf32>
    %mul3A_1947 = arith.mulf %mul3A_1946, %mul3A_1945 : vector<16xf32>
    %sub3A_1948 = arith.constant 1.500000e+00 : f32
    %sub3A_1949 = vector.broadcast %sub3A_1948 : f32 to vector<16xf32>
    %sub3A_1950 = arith.subf %sub3A_1949, %mul3A_1947 : vector<16xf32>
    %mul3A_1951 = arith.mulf %mul3A_1945, %sub3A_1950 : vector<16xf32>
    %mul3A_1952 = arith.mulf %mul3A_1939, %mul3A_1951 : vector<16xf32>
    %mul3A_1953 = arith.mulf %mul3A_1952, %mul3A_1951 : vector<16xf32>
    %sub3A_1954 = arith.constant 1.500000e+00 : f32
    %sub3A_1955 = vector.broadcast %sub3A_1954 : f32 to vector<16xf32>
    %sub3A_1956 = arith.subf %sub3A_1955, %mul3A_1953 : vector<16xf32>
    %mul3A_1957 = arith.mulf %mul3A_1951, %sub3A_1956 : vector<16xf32>
    %gt3A_1958 = arith.constant 0.000000e+00 : f32
    %gt3A_1959 = vector.broadcast %gt3A_1958 : f32 to vector<16xf32>
    %gt3A_1960 = arith.cmpf ogt, %add3A_1928, %gt3A_1959 : vector<16xf32>
    %mul3A_1961 = arith.mulf %add3A_1928, %mul3A_1957 : vector<16xf32>
    %jit3A_1962 = arith.constant 0.000000e+00 : f32
    %broadcast_in_dim3A_1963 = vector.broadcast %jit3A_1962 : f32 to vector<16xf32>
    %select_n3A_1964 = arith.select %gt3A_1960, %mul3A_1961, %broadcast_in_dim3A_1963 : vector<16xi1>, vector<16xf32>
    %eq3A_1965 = arith.constant 0 : i32
    %eq3A_1966 = vector.broadcast %eq3A_1965 : i32 to vector<16xi32>
    %eq3A_1967 = arith.cmpi eq, %get3A_1916, %eq3A_1966 : vector<16xi32>
    %jit3A_1968 = arith.constant 6.000000e+00 : f32
    %jit3A_1969 = arith.constant 3.46820807 : f32
    %broadcast_in_dim3A_1970 = vector.broadcast %jit3A_1968 : f32 to vector<16xf32>
    %broadcast_in_dim3A_1971 = vector.broadcast %jit3A_1969 : f32 to vector<16xf32>
    %select_n3A_1972 = arith.select %eq3A_1967, %broadcast_in_dim3A_1970, %broadcast_in_dim3A_1971 : vector<16xi1>, vector<16xf32>
    %div3A_1973 = arith.divf %select_n3A_1964, %select_n3A_1972 : vector<16xf32>
    %add3A_1974 = arith.addf %gather3A_1899, %div3A_1973 : vector<16xf32>
    %add3A_1975 = arith.addf %add3A_1974, %gather3A_1914 : vector<16xf32>
    %sub3A_1976 = arith.subf %get3A_1918, %add3A_1975 : vector<16xf32>
    %swap3A_1977 = arith.constant 272 : index
    %swap3A_1978 = tpu.vector_load %arg21[%swap3A_1977] {strides = array<i32>} : memref<512xf32, #tpu.memory_space<vmem>>, vector<16xf32>,
    tpu.vector_store %arg21[%swap3A_1977], %add3A_1975 {strides = array<i32>} : memref<512xf32, #tpu.memory_space<vmem>>, vector<16xf32>,
    %swap3A_1979 = arith.constant 272 : index
    %swap3A_1980 = tpu.vector_load %arg22[%swap3A_1979] {strides = array<i32>} : memref<512xf32, #tpu.memory_space<vmem>>, vector<16xf32>,
    tpu.vector_store %arg22[%swap3A_1979], %sub3A_1976 {strides = array<i32>} : memref<512xf32, #tpu.memory_space<vmem>>, vector<16xf32>,
    %abs3A_1981 = math.absf %sub3A_1976 : vector<16xf32>
    %le3A_1982 = arith.constant 1.000000e+00 : f32
    %le3A_1983 = vector.broadcast %le3A_1982 : f32 to vector<16xf32>
    %le3A_1984 = arith.cmpf ole, %abs3A_1981, %le3A_1983 : vector<16xf32>
    %mul3A_1985 = arith.constant 5.000000e-01 : f32
    %mul3A_1986 = vector.broadcast %mul3A_1985 : f32 to vector<16xf32>
    %mul3A_1987 = arith.mulf %mul3A_1986, %sub3A_1976 : vector<16xf32>
    %mul3A_1988 = arith.mulf %mul3A_1987, %sub3A_1976 : vector<16xf32>
    %sub3A_1989 = arith.constant 5.000000e-01 : f32
    %sub3A_1990 = vector.broadcast %sub3A_1989 : f32 to vector<16xf32>
    %sub3A_1991 = arith.subf %abs3A_1981, %sub3A_1990 : vector<16xf32>
    %select_n3A_1992 = arith.select %le3A_1984, %mul3A_1988, %sub3A_1991 : vector<16xi1>, vector<16xf32>
    %mul3A_1993 = arith.mulf %select_n3A_1992, %get3A_1920 : vector<16xf32>
    %add3A_1994 = arith.addf %add3A_1883, %mul3A_1993 : vector<16xf32>
    %add3A_1995 = arith.constant 288 : i32
    %add3A_1996 = vector.broadcast %add3A_1995 : i32 to vector<16xi32>
    %add3A_1997 = arith.addi %iota3A, %add3A_1996 : vector<16xi32>
    %gather3A_1998 = tpu.vector_load_idx %arg14[%add3A_1997, %broadcast_in_dim3A_3] : memref<512x16xf32, #tpu.memory_space<vmem>>[vector<16xi32>, vector<16xi32>], vector<16xf32>,
    %add3A_1999 = arith.constant 1 : i32
    %add3A_2000 = vector.broadcast %add3A_1999 : i32 to vector<16xi32>
    %add3A_2001 = arith.addi %broadcast_in_dim3A_3, %add3A_2000 : vector<16xi32>
    %gather3A_2002 = tpu.vector_load_idx %arg14[%add3A_1997, %add3A_2001] : memref<512x16xf32, #tpu.memory_space<vmem>>[vector<16xi32>, vector<16xi32>], vector<16xf32>,
    %add3A_2003 = arith.constant 2 : i32
    %add3A_2004 = vector.broadcast %add3A_2003 : i32 to vector<16xi32>
    %add3A_2005 = arith.addi %broadcast_in_dim3A_3, %add3A_2004 : vector<16xi32>
    %gather3A_2006 = tpu.vector_load_idx %arg14[%add3A_1997, %add3A_2005] : memref<512x16xf32, #tpu.memory_space<vmem>>[vector<16xi32>, vector<16xi32>], vector<16xf32>,
    %add3A_2007 = arith.constant 3 : i32
    %add3A_2008 = vector.broadcast %add3A_2007 : i32 to vector<16xi32>
    %add3A_2009 = arith.addi %broadcast_in_dim3A_3, %add3A_2008 : vector<16xi32>
    %gather3A_2010 = tpu.vector_load_idx %arg14[%add3A_1997, %add3A_2009] : memref<512x16xf32, #tpu.memory_space<vmem>>[vector<16xi32>, vector<16xi32>], vector<16xf32>,
    %get3A_2011 = arith.constant 288 : index
    %get3A_2012 = tpu.vector_load %arg15[%get3A_2011] {strides = array<i32>} : memref<512xi32, #tpu.memory_space<vmem>>, vector<16xi32>,
    %mul3A_2013 = arith.constant 3 : i32
    %mul3A_2014 = vector.broadcast %mul3A_2013 : i32 to vector<16xi32>
    %mul3A_2015 = arith.muli %get3A_2012, %mul3A_2014 : vector<16xi32>
    %gather3A_2016 = tpu.vector_load_idx %arg19[%mul3A_2015] : memref<192xf32, #tpu.memory_space<vmem>>[vector<16xi32>], vector<16xf32>,
    %add3A_2017 = arith.constant 1 : i32
    %add3A_2018 = vector.broadcast %add3A_2017 : i32 to vector<16xi32>
    %add3A_2019 = arith.addi %mul3A_2015, %add3A_2018 : vector<16xi32>
    %gather3A_2020 = tpu.vector_load_idx %arg19[%add3A_2019] : memref<192xf32, #tpu.memory_space<vmem>>[vector<16xi32>], vector<16xf32>,
    %add3A_2021 = arith.constant 2 : i32
    %add3A_2022 = vector.broadcast %add3A_2021 : i32 to vector<16xi32>
    %add3A_2023 = arith.addi %mul3A_2015, %add3A_2022 : vector<16xi32>
    %gather3A_2024 = tpu.vector_load_idx %arg19[%add3A_2023] : memref<192xf32, #tpu.memory_space<vmem>>[vector<16xi32>], vector<16xf32>,
    %gather3A_2025 = tpu.vector_load_idx %arg20[%get3A_2012] : memref<64xf32, #tpu.memory_space<vmem>>[vector<16xi32>], vector<16xf32>,
    %get3A_2026 = arith.constant 288 : index
    %get3A_2027 = tpu.vector_load %arg16[%get3A_2026] {strides = array<i32>} : memref<512xi32, #tpu.memory_space<vmem>>, vector<16xi32>,
    %get3A_2028 = arith.constant 288 : index
    %get3A_2029 = tpu.vector_load %arg17[%get3A_2028] {strides = array<i32>} : memref<512xf32, #tpu.memory_space<vmem>>, vector<16xf32>,
    %get3A_2030 = arith.constant 288 : index
    %get3A_2031 = tpu.vector_load %arg18[%get3A_2030] {strides = array<i32>} : memref<512xf32, #tpu.memory_space<vmem>>, vector<16xf32>,
    %sub3A_2032 = arith.subf %gather3A_1998, %gather3A_2016 : vector<16xf32>
    %sub3A_2033 = arith.subf %gather3A_2002, %gather3A_2020 : vector<16xf32>
    %sub3A_2034 = arith.subf %gather3A_2006, %gather3A_2024 : vector<16xf32>
    %mul3A_2035 = arith.mulf %sub3A_2032, %sub3A_2032 : vector<16xf32>
    %mul3A_2036 = arith.mulf %sub3A_2033, %sub3A_2033 : vector<16xf32>
    %add3A_2037 = arith.addf %mul3A_2035, %mul3A_2036 : vector<16xf32>
    %mul3A_2038 = arith.mulf %sub3A_2034, %sub3A_2034 : vector<16xf32>
    %add3A_2039 = arith.addf %add3A_2037, %mul3A_2038 : vector<16xf32>
    %bitcast3A_2040 = vector.bitcast %add3A_2039 : vector<16xf32> to vector<16xi32>
    %shift_right_arithmetic3A_2041 = arith.constant 1 : i32
    %shift_right_arithmetic3A_2042 = vector.broadcast %shift_right_arithmetic3A_2041 : i32 to vector<16xi32>
    %shift_right_arithmetic3A_2043 = arith.shrsi %bitcast3A_2040, %shift_right_arithmetic3A_2042 : vector<16xi32>
    %sub3A_2044 = arith.constant 1597463007 : i32
    %sub3A_2045 = vector.broadcast %sub3A_2044 : i32 to vector<16xi32>
    %sub3A_2046 = arith.subi %sub3A_2045, %shift_right_arithmetic3A_2043 : vector<16xi32>
    %bitcast3A_2047 = vector.bitcast %sub3A_2046 : vector<16xi32> to vector<16xf32>
    %mul3A_2048 = arith.constant 5.000000e-01 : f32
    %mul3A_2049 = vector.broadcast %mul3A_2048 : f32 to vector<16xf32>
    %mul3A_2050 = arith.mulf %mul3A_2049, %add3A_2039 : vector<16xf32>
    %mul3A_2051 = arith.mulf %mul3A_2050, %bitcast3A_2047 : vector<16xf32>
    %mul3A_2052 = arith.mulf %mul3A_2051, %bitcast3A_2047 : vector<16xf32>
    %sub3A_2053 = arith.constant 1.500000e+00 : f32
    %sub3A_2054 = vector.broadcast %sub3A_2053 : f32 to vector<16xf32>
    %sub3A_2055 = arith.subf %sub3A_2054, %mul3A_2052 : vector<16xf32>
    %mul3A_2056 = arith.mulf %bitcast3A_2047, %sub3A_2055 : vector<16xf32>
    %mul3A_2057 = arith.mulf %mul3A_2050, %mul3A_2056 : vector<16xf32>
    %mul3A_2058 = arith.mulf %mul3A_2057, %mul3A_2056 : vector<16xf32>
    %sub3A_2059 = arith.constant 1.500000e+00 : f32
    %sub3A_2060 = vector.broadcast %sub3A_2059 : f32 to vector<16xf32>
    %sub3A_2061 = arith.subf %sub3A_2060, %mul3A_2058 : vector<16xf32>
    %mul3A_2062 = arith.mulf %mul3A_2056, %sub3A_2061 : vector<16xf32>
    %mul3A_2063 = arith.mulf %mul3A_2050, %mul3A_2062 : vector<16xf32>
    %mul3A_2064 = arith.mulf %mul3A_2063, %mul3A_2062 : vector<16xf32>
    %sub3A_2065 = arith.constant 1.500000e+00 : f32
    %sub3A_2066 = vector.broadcast %sub3A_2065 : f32 to vector<16xf32>
    %sub3A_2067 = arith.subf %sub3A_2066, %mul3A_2064 : vector<16xf32>
    %mul3A_2068 = arith.mulf %mul3A_2062, %sub3A_2067 : vector<16xf32>
    %gt3A_2069 = arith.constant 0.000000e+00 : f32
    %gt3A_2070 = vector.broadcast %gt3A_2069 : f32 to vector<16xf32>
    %gt3A_2071 = arith.cmpf ogt, %add3A_2039, %gt3A_2070 : vector<16xf32>
    %mul3A_2072 = arith.mulf %add3A_2039, %mul3A_2068 : vector<16xf32>
    %jit3A_2073 = arith.constant 0.000000e+00 : f32
    %broadcast_in_dim3A_2074 = vector.broadcast %jit3A_2073 : f32 to vector<16xf32>
    %select_n3A_2075 = arith.select %gt3A_2071, %mul3A_2072, %broadcast_in_dim3A_2074 : vector<16xi1>, vector<16xf32>
    %eq3A_2076 = arith.constant 0 : i32
    %eq3A_2077 = vector.broadcast %eq3A_2076 : i32 to vector<16xi32>
    %eq3A_2078 = arith.cmpi eq, %get3A_2027, %eq3A_2077 : vector<16xi32>
    %jit3A_2079 = arith.constant 6.000000e+00 : f32
    %jit3A_2080 = arith.constant 3.46820807 : f32
    %broadcast_in_dim3A_2081 = vector.broadcast %jit3A_2079 : f32 to vector<16xf32>
    %broadcast_in_dim3A_2082 = vector.broadcast %jit3A_2080 : f32 to vector<16xf32>
    %select_n3A_2083 = arith.select %eq3A_2078, %broadcast_in_dim3A_2081, %broadcast_in_dim3A_2082 : vector<16xi1>, vector<16xf32>
    %div3A_2084 = arith.divf %select_n3A_2075, %select_n3A_2083 : vector<16xf32>
    %add3A_2085 = arith.addf %gather3A_2010, %div3A_2084 : vector<16xf32>
    %add3A_2086 = arith.addf %add3A_2085, %gather3A_2025 : vector<16xf32>
    %sub3A_2087 = arith.subf %get3A_2029, %add3A_2086 : vector<16xf32>
    %swap3A_2088 = arith.constant 288 : index
    %swap3A_2089 = tpu.vector_load %arg21[%swap3A_2088] {strides = array<i32>} : memref<512xf32, #tpu.memory_space<vmem>>, vector<16xf32>,
    tpu.vector_store %arg21[%swap3A_2088], %add3A_2086 {strides = array<i32>} : memref<512xf32, #tpu.memory_space<vmem>>, vector<16xf32>,
    %swap3A_2090 = arith.constant 288 : index
    %swap3A_2091 = tpu.vector_load %arg22[%swap3A_2090] {strides = array<i32>} : memref<512xf32, #tpu.memory_space<vmem>>, vector<16xf32>,
    tpu.vector_store %arg22[%swap3A_2090], %sub3A_2087 {strides = array<i32>} : memref<512xf32, #tpu.memory_space<vmem>>, vector<16xf32>,
    %abs3A_2092 = math.absf %sub3A_2087 : vector<16xf32>
    %le3A_2093 = arith.constant 1.000000e+00 : f32
    %le3A_2094 = vector.broadcast %le3A_2093 : f32 to vector<16xf32>
    %le3A_2095 = arith.cmpf ole, %abs3A_2092, %le3A_2094 : vector<16xf32>
    %mul3A_2096 = arith.constant 5.000000e-01 : f32
    %mul3A_2097 = vector.broadcast %mul3A_2096 : f32 to vector<16xf32>
    %mul3A_2098 = arith.mulf %mul3A_2097, %sub3A_2087 : vector<16xf32>
    %mul3A_2099 = arith.mulf %mul3A_2098, %sub3A_2087 : vector<16xf32>
    %sub3A_2100 = arith.constant 5.000000e-01 : f32
    %sub3A_2101 = vector.broadcast %sub3A_2100 : f32 to vector<16xf32>
    %sub3A_2102 = arith.subf %abs3A_2092, %sub3A_2101 : vector<16xf32>
    %select_n3A_2103 = arith.select %le3A_2095, %mul3A_2099, %sub3A_2102 : vector<16xi1>, vector<16xf32>
    %mul3A_2104 = arith.mulf %select_n3A_2103, %get3A_2031 : vector<16xf32>
    %add3A_2105 = arith.addf %add3A_1994, %mul3A_2104 : vector<16xf32>
    %add3A_2106 = arith.constant 304 : i32
    %add3A_2107 = vector.broadcast %add3A_2106 : i32 to vector<16xi32>
    %add3A_2108 = arith.addi %iota3A, %add3A_2107 : vector<16xi32>
    %gather3A_2109 = tpu.vector_load_idx %arg14[%add3A_2108, %broadcast_in_dim3A_3] : memref<512x16xf32, #tpu.memory_space<vmem>>[vector<16xi32>, vector<16xi32>], vector<16xf32>,
    %add3A_2110 = arith.constant 1 : i32
    %add3A_2111 = vector.broadcast %add3A_2110 : i32 to vector<16xi32>
    %add3A_2112 = arith.addi %broadcast_in_dim3A_3, %add3A_2111 : vector<16xi32>
    %gather3A_2113 = tpu.vector_load_idx %arg14[%add3A_2108, %add3A_2112] : memref<512x16xf32, #tpu.memory_space<vmem>>[vector<16xi32>, vector<16xi32>], vector<16xf32>,
    %add3A_2114 = arith.constant 2 : i32
    %add3A_2115 = vector.broadcast %add3A_2114 : i32 to vector<16xi32>
    %add3A_2116 = arith.addi %broadcast_in_dim3A_3, %add3A_2115 : vector<16xi32>
    %gather3A_2117 = tpu.vector_load_idx %arg14[%add3A_2108, %add3A_2116] : memref<512x16xf32, #tpu.memory_space<vmem>>[vector<16xi32>, vector<16xi32>], vector<16xf32>,
    %add3A_2118 = arith.constant 3 : i32
    %add3A_2119 = vector.broadcast %add3A_2118 : i32 to vector<16xi32>
    %add3A_2120 = arith.addi %broadcast_in_dim3A_3, %add3A_2119 : vector<16xi32>
    %gather3A_2121 = tpu.vector_load_idx %arg14[%add3A_2108, %add3A_2120] : memref<512x16xf32, #tpu.memory_space<vmem>>[vector<16xi32>, vector<16xi32>], vector<16xf32>,
    %get3A_2122 = arith.constant 304 : index
    %get3A_2123 = tpu.vector_load %arg15[%get3A_2122] {strides = array<i32>} : memref<512xi32, #tpu.memory_space<vmem>>, vector<16xi32>,
    %mul3A_2124 = arith.constant 3 : i32
    %mul3A_2125 = vector.broadcast %mul3A_2124 : i32 to vector<16xi32>
    %mul3A_2126 = arith.muli %get3A_2123, %mul3A_2125 : vector<16xi32>
    %gather3A_2127 = tpu.vector_load_idx %arg19[%mul3A_2126] : memref<192xf32, #tpu.memory_space<vmem>>[vector<16xi32>], vector<16xf32>,
    %add3A_2128 = arith.constant 1 : i32
    %add3A_2129 = vector.broadcast %add3A_2128 : i32 to vector<16xi32>
    %add3A_2130 = arith.addi %mul3A_2126, %add3A_2129 : vector<16xi32>
    %gather3A_2131 = tpu.vector_load_idx %arg19[%add3A_2130] : memref<192xf32, #tpu.memory_space<vmem>>[vector<16xi32>], vector<16xf32>,
    %add3A_2132 = arith.constant 2 : i32
    %add3A_2133 = vector.broadcast %add3A_2132 : i32 to vector<16xi32>
    %add3A_2134 = arith.addi %mul3A_2126, %add3A_2133 : vector<16xi32>
    %gather3A_2135 = tpu.vector_load_idx %arg19[%add3A_2134] : memref<192xf32, #tpu.memory_space<vmem>>[vector<16xi32>], vector<16xf32>,
    %gather3A_2136 = tpu.vector_load_idx %arg20[%get3A_2123] : memref<64xf32, #tpu.memory_space<vmem>>[vector<16xi32>], vector<16xf32>,
    %get3A_2137 = arith.constant 304 : index
    %get3A_2138 = tpu.vector_load %arg16[%get3A_2137] {strides = array<i32>} : memref<512xi32, #tpu.memory_space<vmem>>, vector<16xi32>,
    %get3A_2139 = arith.constant 304 : index
    %get3A_2140 = tpu.vector_load %arg17[%get3A_2139] {strides = array<i32>} : memref<512xf32, #tpu.memory_space<vmem>>, vector<16xf32>,
    %get3A_2141 = arith.constant 304 : index
    %get3A_2142 = tpu.vector_load %arg18[%get3A_2141] {strides = array<i32>} : memref<512xf32, #tpu.memory_space<vmem>>, vector<16xf32>,
    %sub3A_2143 = arith.subf %gather3A_2109, %gather3A_2127 : vector<16xf32>
    %sub3A_2144 = arith.subf %gather3A_2113, %gather3A_2131 : vector<16xf32>
    %sub3A_2145 = arith.subf %gather3A_2117, %gather3A_2135 : vector<16xf32>
    %mul3A_2146 = arith.mulf %sub3A_2143, %sub3A_2143 : vector<16xf32>
    %mul3A_2147 = arith.mulf %sub3A_2144, %sub3A_2144 : vector<16xf32>
    %add3A_2148 = arith.addf %mul3A_2146, %mul3A_2147 : vector<16xf32>
    %mul3A_2149 = arith.mulf %sub3A_2145, %sub3A_2145 : vector<16xf32>
    %add3A_2150 = arith.addf %add3A_2148, %mul3A_2149 : vector<16xf32>
    %bitcast3A_2151 = vector.bitcast %add3A_2150 : vector<16xf32> to vector<16xi32>
    %shift_right_arithmetic3A_2152 = arith.constant 1 : i32
    %shift_right_arithmetic3A_2153 = vector.broadcast %shift_right_arithmetic3A_2152 : i32 to vector<16xi32>
    %shift_right_arithmetic3A_2154 = arith.shrsi %bitcast3A_2151, %shift_right_arithmetic3A_2153 : vector<16xi32>
    %sub3A_2155 = arith.constant 1597463007 : i32
    %sub3A_2156 = vector.broadcast %sub3A_2155 : i32 to vector<16xi32>
    %sub3A_2157 = arith.subi %sub3A_2156, %shift_right_arithmetic3A_2154 : vector<16xi32>
    %bitcast3A_2158 = vector.bitcast %sub3A_2157 : vector<16xi32> to vector<16xf32>
    %mul3A_2159 = arith.constant 5.000000e-01 : f32
    %mul3A_2160 = vector.broadcast %mul3A_2159 : f32 to vector<16xf32>
    %mul3A_2161 = arith.mulf %mul3A_2160, %add3A_2150 : vector<16xf32>
    %mul3A_2162 = arith.mulf %mul3A_2161, %bitcast3A_2158 : vector<16xf32>
    %mul3A_2163 = arith.mulf %mul3A_2162, %bitcast3A_2158 : vector<16xf32>
    %sub3A_2164 = arith.constant 1.500000e+00 : f32
    %sub3A_2165 = vector.broadcast %sub3A_2164 : f32 to vector<16xf32>
    %sub3A_2166 = arith.subf %sub3A_2165, %mul3A_2163 : vector<16xf32>
    %mul3A_2167 = arith.mulf %bitcast3A_2158, %sub3A_2166 : vector<16xf32>
    %mul3A_2168 = arith.mulf %mul3A_2161, %mul3A_2167 : vector<16xf32>
    %mul3A_2169 = arith.mulf %mul3A_2168, %mul3A_2167 : vector<16xf32>
    %sub3A_2170 = arith.constant 1.500000e+00 : f32
    %sub3A_2171 = vector.broadcast %sub3A_2170 : f32 to vector<16xf32>
    %sub3A_2172 = arith.subf %sub3A_2171, %mul3A_2169 : vector<16xf32>
    %mul3A_2173 = arith.mulf %mul3A_2167, %sub3A_2172 : vector<16xf32>
    %mul3A_2174 = arith.mulf %mul3A_2161, %mul3A_2173 : vector<16xf32>
    %mul3A_2175 = arith.mulf %mul3A_2174, %mul3A_2173 : vector<16xf32>
    %sub3A_2176 = arith.constant 1.500000e+00 : f32
    %sub3A_2177 = vector.broadcast %sub3A_2176 : f32 to vector<16xf32>
    %sub3A_2178 = arith.subf %sub3A_2177, %mul3A_2175 : vector<16xf32>
    %mul3A_2179 = arith.mulf %mul3A_2173, %sub3A_2178 : vector<16xf32>
    %gt3A_2180 = arith.constant 0.000000e+00 : f32
    %gt3A_2181 = vector.broadcast %gt3A_2180 : f32 to vector<16xf32>
    %gt3A_2182 = arith.cmpf ogt, %add3A_2150, %gt3A_2181 : vector<16xf32>
    %mul3A_2183 = arith.mulf %add3A_2150, %mul3A_2179 : vector<16xf32>
    %jit3A_2184 = arith.constant 0.000000e+00 : f32
    %broadcast_in_dim3A_2185 = vector.broadcast %jit3A_2184 : f32 to vector<16xf32>
    %select_n3A_2186 = arith.select %gt3A_2182, %mul3A_2183, %broadcast_in_dim3A_2185 : vector<16xi1>, vector<16xf32>
    %eq3A_2187 = arith.constant 0 : i32
    %eq3A_2188 = vector.broadcast %eq3A_2187 : i32 to vector<16xi32>
    %eq3A_2189 = arith.cmpi eq, %get3A_2138, %eq3A_2188 : vector<16xi32>
    %jit3A_2190 = arith.constant 6.000000e+00 : f32
    %jit3A_2191 = arith.constant 3.46820807 : f32
    %broadcast_in_dim3A_2192 = vector.broadcast %jit3A_2190 : f32 to vector<16xf32>
    %broadcast_in_dim3A_2193 = vector.broadcast %jit3A_2191 : f32 to vector<16xf32>
    %select_n3A_2194 = arith.select %eq3A_2189, %broadcast_in_dim3A_2192, %broadcast_in_dim3A_2193 : vector<16xi1>, vector<16xf32>
    %div3A_2195 = arith.divf %select_n3A_2186, %select_n3A_2194 : vector<16xf32>
    %add3A_2196 = arith.addf %gather3A_2121, %div3A_2195 : vector<16xf32>
    %add3A_2197 = arith.addf %add3A_2196, %gather3A_2136 : vector<16xf32>
    %sub3A_2198 = arith.subf %get3A_2140, %add3A_2197 : vector<16xf32>
    %swap3A_2199 = arith.constant 304 : index
    %swap3A_2200 = tpu.vector_load %arg21[%swap3A_2199] {strides = array<i32>} : memref<512xf32, #tpu.memory_space<vmem>>, vector<16xf32>,
    tpu.vector_store %arg21[%swap3A_2199], %add3A_2197 {strides = array<i32>} : memref<512xf32, #tpu.memory_space<vmem>>, vector<16xf32>,
    %swap3A_2201 = arith.constant 304 : index
    %swap3A_2202 = tpu.vector_load %arg22[%swap3A_2201] {strides = array<i32>} : memref<512xf32, #tpu.memory_space<vmem>>, vector<16xf32>,
    tpu.vector_store %arg22[%swap3A_2201], %sub3A_2198 {strides = array<i32>} : memref<512xf32, #tpu.memory_space<vmem>>, vector<16xf32>,
    %abs3A_2203 = math.absf %sub3A_2198 : vector<16xf32>
    %le3A_2204 = arith.constant 1.000000e+00 : f32
    %le3A_2205 = vector.broadcast %le3A_2204 : f32 to vector<16xf32>
    %le3A_2206 = arith.cmpf ole, %abs3A_2203, %le3A_2205 : vector<16xf32>
    %mul3A_2207 = arith.constant 5.000000e-01 : f32
    %mul3A_2208 = vector.broadcast %mul3A_2207 : f32 to vector<16xf32>
    %mul3A_2209 = arith.mulf %mul3A_2208, %sub3A_2198 : vector<16xf32>
    %mul3A_2210 = arith.mulf %mul3A_2209, %sub3A_2198 : vector<16xf32>
    %sub3A_2211 = arith.constant 5.000000e-01 : f32
    %sub3A_2212 = vector.broadcast %sub3A_2211 : f32 to vector<16xf32>
    %sub3A_2213 = arith.subf %abs3A_2203, %sub3A_2212 : vector<16xf32>
    %select_n3A_2214 = arith.select %le3A_2206, %mul3A_2210, %sub3A_2213 : vector<16xi1>, vector<16xf32>
    %mul3A_2215 = arith.mulf %select_n3A_2214, %get3A_2142 : vector<16xf32>
    %add3A_2216 = arith.addf %add3A_2105, %mul3A_2215 : vector<16xf32>
    %add3A_2217 = arith.constant 320 : i32
    %add3A_2218 = vector.broadcast %add3A_2217 : i32 to vector<16xi32>
    %add3A_2219 = arith.addi %iota3A, %add3A_2218 : vector<16xi32>
    %gather3A_2220 = tpu.vector_load_idx %arg14[%add3A_2219, %broadcast_in_dim3A_3] : memref<512x16xf32, #tpu.memory_space<vmem>>[vector<16xi32>, vector<16xi32>], vector<16xf32>,
    %add3A_2221 = arith.constant 1 : i32
    %add3A_2222 = vector.broadcast %add3A_2221 : i32 to vector<16xi32>
    %add3A_2223 = arith.addi %broadcast_in_dim3A_3, %add3A_2222 : vector<16xi32>
    %gather3A_2224 = tpu.vector_load_idx %arg14[%add3A_2219, %add3A_2223] : memref<512x16xf32, #tpu.memory_space<vmem>>[vector<16xi32>, vector<16xi32>], vector<16xf32>,
    %add3A_2225 = arith.constant 2 : i32
    %add3A_2226 = vector.broadcast %add3A_2225 : i32 to vector<16xi32>
    %add3A_2227 = arith.addi %broadcast_in_dim3A_3, %add3A_2226 : vector<16xi32>
    %gather3A_2228 = tpu.vector_load_idx %arg14[%add3A_2219, %add3A_2227] : memref<512x16xf32, #tpu.memory_space<vmem>>[vector<16xi32>, vector<16xi32>], vector<16xf32>,
    %add3A_2229 = arith.constant 3 : i32
    %add3A_2230 = vector.broadcast %add3A_2229 : i32 to vector<16xi32>
    %add3A_2231 = arith.addi %broadcast_in_dim3A_3, %add3A_2230 : vector<16xi32>
    %gather3A_2232 = tpu.vector_load_idx %arg14[%add3A_2219, %add3A_2231] : memref<512x16xf32, #tpu.memory_space<vmem>>[vector<16xi32>, vector<16xi32>], vector<16xf32>,
    %get3A_2233 = arith.constant 320 : index
    %get3A_2234 = tpu.vector_load %arg15[%get3A_2233] {strides = array<i32>} : memref<512xi32, #tpu.memory_space<vmem>>, vector<16xi32>,
    %mul3A_2235 = arith.constant 3 : i32
    %mul3A_2236 = vector.broadcast %mul3A_2235 : i32 to vector<16xi32>
    %mul3A_2237 = arith.muli %get3A_2234, %mul3A_2236 : vector<16xi32>
    %gather3A_2238 = tpu.vector_load_idx %arg19[%mul3A_2237] : memref<192xf32, #tpu.memory_space<vmem>>[vector<16xi32>], vector<16xf32>,
    %add3A_2239 = arith.constant 1 : i32
    %add3A_2240 = vector.broadcast %add3A_2239 : i32 to vector<16xi32>
    %add3A_2241 = arith.addi %mul3A_2237, %add3A_2240 : vector<16xi32>
    %gather3A_2242 = tpu.vector_load_idx %arg19[%add3A_2241] : memref<192xf32, #tpu.memory_space<vmem>>[vector<16xi32>], vector<16xf32>,
    %add3A_2243 = arith.constant 2 : i32
    %add3A_2244 = vector.broadcast %add3A_2243 : i32 to vector<16xi32>
    %add3A_2245 = arith.addi %mul3A_2237, %add3A_2244 : vector<16xi32>
    %gather3A_2246 = tpu.vector_load_idx %arg19[%add3A_2245] : memref<192xf32, #tpu.memory_space<vmem>>[vector<16xi32>], vector<16xf32>,
    %gather3A_2247 = tpu.vector_load_idx %arg20[%get3A_2234] : memref<64xf32, #tpu.memory_space<vmem>>[vector<16xi32>], vector<16xf32>,
    %get3A_2248 = arith.constant 320 : index
    %get3A_2249 = tpu.vector_load %arg16[%get3A_2248] {strides = array<i32>} : memref<512xi32, #tpu.memory_space<vmem>>, vector<16xi32>,
    %get3A_2250 = arith.constant 320 : index
    %get3A_2251 = tpu.vector_load %arg17[%get3A_2250] {strides = array<i32>} : memref<512xf32, #tpu.memory_space<vmem>>, vector<16xf32>,
    %get3A_2252 = arith.constant 320 : index
    %get3A_2253 = tpu.vector_load %arg18[%get3A_2252] {strides = array<i32>} : memref<512xf32, #tpu.memory_space<vmem>>, vector<16xf32>,
    %sub3A_2254 = arith.subf %gather3A_2220, %gather3A_2238 : vector<16xf32>
    %sub3A_2255 = arith.subf %gather3A_2224, %gather3A_2242 : vector<16xf32>
    %sub3A_2256 = arith.subf %gather3A_2228, %gather3A_2246 : vector<16xf32>
    %mul3A_2257 = arith.mulf %sub3A_2254, %sub3A_2254 : vector<16xf32>
    %mul3A_2258 = arith.mulf %sub3A_2255, %sub3A_2255 : vector<16xf32>
    %add3A_2259 = arith.addf %mul3A_2257, %mul3A_2258 : vector<16xf32>
    %mul3A_2260 = arith.mulf %sub3A_2256, %sub3A_2256 : vector<16xf32>
    %add3A_2261 = arith.addf %add3A_2259, %mul3A_2260 : vector<16xf32>
    %bitcast3A_2262 = vector.bitcast %add3A_2261 : vector<16xf32> to vector<16xi32>
    %shift_right_arithmetic3A_2263 = arith.constant 1 : i32
    %shift_right_arithmetic3A_2264 = vector.broadcast %shift_right_arithmetic3A_2263 : i32 to vector<16xi32>
    %shift_right_arithmetic3A_2265 = arith.shrsi %bitcast3A_2262, %shift_right_arithmetic3A_2264 : vector<16xi32>
    %sub3A_2266 = arith.constant 1597463007 : i32
    %sub3A_2267 = vector.broadcast %sub3A_2266 : i32 to vector<16xi32>
    %sub3A_2268 = arith.subi %sub3A_2267, %shift_right_arithmetic3A_2265 : vector<16xi32>
    %bitcast3A_2269 = vector.bitcast %sub3A_2268 : vector<16xi32> to vector<16xf32>
    %mul3A_2270 = arith.constant 5.000000e-01 : f32
    %mul3A_2271 = vector.broadcast %mul3A_2270 : f32 to vector<16xf32>
    %mul3A_2272 = arith.mulf %mul3A_2271, %add3A_2261 : vector<16xf32>
    %mul3A_2273 = arith.mulf %mul3A_2272, %bitcast3A_2269 : vector<16xf32>
    %mul3A_2274 = arith.mulf %mul3A_2273, %bitcast3A_2269 : vector<16xf32>
    %sub3A_2275 = arith.constant 1.500000e+00 : f32
    %sub3A_2276 = vector.broadcast %sub3A_2275 : f32 to vector<16xf32>
    %sub3A_2277 = arith.subf %sub3A_2276, %mul3A_2274 : vector<16xf32>
    %mul3A_2278 = arith.mulf %bitcast3A_2269, %sub3A_2277 : vector<16xf32>
    %mul3A_2279 = arith.mulf %mul3A_2272, %mul3A_2278 : vector<16xf32>
    %mul3A_2280 = arith.mulf %mul3A_2279, %mul3A_2278 : vector<16xf32>
    %sub3A_2281 = arith.constant 1.500000e+00 : f32
    %sub3A_2282 = vector.broadcast %sub3A_2281 : f32 to vector<16xf32>
    %sub3A_2283 = arith.subf %sub3A_2282, %mul3A_2280 : vector<16xf32>
    %mul3A_2284 = arith.mulf %mul3A_2278, %sub3A_2283 : vector<16xf32>
    %mul3A_2285 = arith.mulf %mul3A_2272, %mul3A_2284 : vector<16xf32>
    %mul3A_2286 = arith.mulf %mul3A_2285, %mul3A_2284 : vector<16xf32>
    %sub3A_2287 = arith.constant 1.500000e+00 : f32
    %sub3A_2288 = vector.broadcast %sub3A_2287 : f32 to vector<16xf32>
    %sub3A_2289 = arith.subf %sub3A_2288, %mul3A_2286 : vector<16xf32>
    %mul3A_2290 = arith.mulf %mul3A_2284, %sub3A_2289 : vector<16xf32>
    %gt3A_2291 = arith.constant 0.000000e+00 : f32
    %gt3A_2292 = vector.broadcast %gt3A_2291 : f32 to vector<16xf32>
    %gt3A_2293 = arith.cmpf ogt, %add3A_2261, %gt3A_2292 : vector<16xf32>
    %mul3A_2294 = arith.mulf %add3A_2261, %mul3A_2290 : vector<16xf32>
    %jit3A_2295 = arith.constant 0.000000e+00 : f32
    %broadcast_in_dim3A_2296 = vector.broadcast %jit3A_2295 : f32 to vector<16xf32>
    %select_n3A_2297 = arith.select %gt3A_2293, %mul3A_2294, %broadcast_in_dim3A_2296 : vector<16xi1>, vector<16xf32>
    %eq3A_2298 = arith.constant 0 : i32
    %eq3A_2299 = vector.broadcast %eq3A_2298 : i32 to vector<16xi32>
    %eq3A_2300 = arith.cmpi eq, %get3A_2249, %eq3A_2299 : vector<16xi32>
    %jit3A_2301 = arith.constant 6.000000e+00 : f32
    %jit3A_2302 = arith.constant 3.46820807 : f32
    %broadcast_in_dim3A_2303 = vector.broadcast %jit3A_2301 : f32 to vector<16xf32>
    %broadcast_in_dim3A_2304 = vector.broadcast %jit3A_2302 : f32 to vector<16xf32>
    %select_n3A_2305 = arith.select %eq3A_2300, %broadcast_in_dim3A_2303, %broadcast_in_dim3A_2304 : vector<16xi1>, vector<16xf32>
    %div3A_2306 = arith.divf %select_n3A_2297, %select_n3A_2305 : vector<16xf32>
    %add3A_2307 = arith.addf %gather3A_2232, %div3A_2306 : vector<16xf32>
    %add3A_2308 = arith.addf %add3A_2307, %gather3A_2247 : vector<16xf32>
    %sub3A_2309 = arith.subf %get3A_2251, %add3A_2308 : vector<16xf32>
    %swap3A_2310 = arith.constant 320 : index
    %swap3A_2311 = tpu.vector_load %arg21[%swap3A_2310] {strides = array<i32>} : memref<512xf32, #tpu.memory_space<vmem>>, vector<16xf32>,
    tpu.vector_store %arg21[%swap3A_2310], %add3A_2308 {strides = array<i32>} : memref<512xf32, #tpu.memory_space<vmem>>, vector<16xf32>,
    %swap3A_2312 = arith.constant 320 : index
    %swap3A_2313 = tpu.vector_load %arg22[%swap3A_2312] {strides = array<i32>} : memref<512xf32, #tpu.memory_space<vmem>>, vector<16xf32>,
    tpu.vector_store %arg22[%swap3A_2312], %sub3A_2309 {strides = array<i32>} : memref<512xf32, #tpu.memory_space<vmem>>, vector<16xf32>,
    %abs3A_2314 = math.absf %sub3A_2309 : vector<16xf32>
    %le3A_2315 = arith.constant 1.000000e+00 : f32
    %le3A_2316 = vector.broadcast %le3A_2315 : f32 to vector<16xf32>
    %le3A_2317 = arith.cmpf ole, %abs3A_2314, %le3A_2316 : vector<16xf32>
    %mul3A_2318 = arith.constant 5.000000e-01 : f32
    %mul3A_2319 = vector.broadcast %mul3A_2318 : f32 to vector<16xf32>
    %mul3A_2320 = arith.mulf %mul3A_2319, %sub3A_2309 : vector<16xf32>
    %mul3A_2321 = arith.mulf %mul3A_2320, %sub3A_2309 : vector<16xf32>
    %sub3A_2322 = arith.constant 5.000000e-01 : f32
    %sub3A_2323 = vector.broadcast %sub3A_2322 : f32 to vector<16xf32>
    %sub3A_2324 = arith.subf %abs3A_2314, %sub3A_2323 : vector<16xf32>
    %select_n3A_2325 = arith.select %le3A_2317, %mul3A_2321, %sub3A_2324 : vector<16xi1>, vector<16xf32>
    %mul3A_2326 = arith.mulf %select_n3A_2325, %get3A_2253 : vector<16xf32>
    %add3A_2327 = arith.addf %add3A_2216, %mul3A_2326 : vector<16xf32>
    %add3A_2328 = arith.constant 336 : i32
    %add3A_2329 = vector.broadcast %add3A_2328 : i32 to vector<16xi32>
    %add3A_2330 = arith.addi %iota3A, %add3A_2329 : vector<16xi32>
    %gather3A_2331 = tpu.vector_load_idx %arg14[%add3A_2330, %broadcast_in_dim3A_3] : memref<512x16xf32, #tpu.memory_space<vmem>>[vector<16xi32>, vector<16xi32>], vector<16xf32>,
    %add3A_2332 = arith.constant 1 : i32
    %add3A_2333 = vector.broadcast %add3A_2332 : i32 to vector<16xi32>
    %add3A_2334 = arith.addi %broadcast_in_dim3A_3, %add3A_2333 : vector<16xi32>
    %gather3A_2335 = tpu.vector_load_idx %arg14[%add3A_2330, %add3A_2334] : memref<512x16xf32, #tpu.memory_space<vmem>>[vector<16xi32>, vector<16xi32>], vector<16xf32>,
    %add3A_2336 = arith.constant 2 : i32
    %add3A_2337 = vector.broadcast %add3A_2336 : i32 to vector<16xi32>
    %add3A_2338 = arith.addi %broadcast_in_dim3A_3, %add3A_2337 : vector<16xi32>
    %gather3A_2339 = tpu.vector_load_idx %arg14[%add3A_2330, %add3A_2338] : memref<512x16xf32, #tpu.memory_space<vmem>>[vector<16xi32>, vector<16xi32>], vector<16xf32>,
    %add3A_2340 = arith.constant 3 : i32
    %add3A_2341 = vector.broadcast %add3A_2340 : i32 to vector<16xi32>
    %add3A_2342 = arith.addi %broadcast_in_dim3A_3, %add3A_2341 : vector<16xi32>
    %gather3A_2343 = tpu.vector_load_idx %arg14[%add3A_2330, %add3A_2342] : memref<512x16xf32, #tpu.memory_space<vmem>>[vector<16xi32>, vector<16xi32>], vector<16xf32>,
    %get3A_2344 = arith.constant 336 : index
    %get3A_2345 = tpu.vector_load %arg15[%get3A_2344] {strides = array<i32>} : memref<512xi32, #tpu.memory_space<vmem>>, vector<16xi32>,
    %mul3A_2346 = arith.constant 3 : i32
    %mul3A_2347 = vector.broadcast %mul3A_2346 : i32 to vector<16xi32>
    %mul3A_2348 = arith.muli %get3A_2345, %mul3A_2347 : vector<16xi32>
    %gather3A_2349 = tpu.vector_load_idx %arg19[%mul3A_2348] : memref<192xf32, #tpu.memory_space<vmem>>[vector<16xi32>], vector<16xf32>,
    %add3A_2350 = arith.constant 1 : i32
    %add3A_2351 = vector.broadcast %add3A_2350 : i32 to vector<16xi32>
    %add3A_2352 = arith.addi %mul3A_2348, %add3A_2351 : vector<16xi32>
    %gather3A_2353 = tpu.vector_load_idx %arg19[%add3A_2352] : memref<192xf32, #tpu.memory_space<vmem>>[vector<16xi32>], vector<16xf32>,
    %add3A_2354 = arith.constant 2 : i32
    %add3A_2355 = vector.broadcast %add3A_2354 : i32 to vector<16xi32>
    %add3A_2356 = arith.addi %mul3A_2348, %add3A_2355 : vector<16xi32>
    %gather3A_2357 = tpu.vector_load_idx %arg19[%add3A_2356] : memref<192xf32, #tpu.memory_space<vmem>>[vector<16xi32>], vector<16xf32>,
    %gather3A_2358 = tpu.vector_load_idx %arg20[%get3A_2345] : memref<64xf32, #tpu.memory_space<vmem>>[vector<16xi32>], vector<16xf32>,
    %get3A_2359 = arith.constant 336 : index
    %get3A_2360 = tpu.vector_load %arg16[%get3A_2359] {strides = array<i32>} : memref<512xi32, #tpu.memory_space<vmem>>, vector<16xi32>,
    %get3A_2361 = arith.constant 336 : index
    %get3A_2362 = tpu.vector_load %arg17[%get3A_2361] {strides = array<i32>} : memref<512xf32, #tpu.memory_space<vmem>>, vector<16xf32>,
    %get3A_2363 = arith.constant 336 : index
    %get3A_2364 = tpu.vector_load %arg18[%get3A_2363] {strides = array<i32>} : memref<512xf32, #tpu.memory_space<vmem>>, vector<16xf32>,
    %sub3A_2365 = arith.subf %gather3A_2331, %gather3A_2349 : vector<16xf32>
    %sub3A_2366 = arith.subf %gather3A_2335, %gather3A_2353 : vector<16xf32>
    %sub3A_2367 = arith.subf %gather3A_2339, %gather3A_2357 : vector<16xf32>
    %mul3A_2368 = arith.mulf %sub3A_2365, %sub3A_2365 : vector<16xf32>
    %mul3A_2369 = arith.mulf %sub3A_2366, %sub3A_2366 : vector<16xf32>
    %add3A_2370 = arith.addf %mul3A_2368, %mul3A_2369 : vector<16xf32>
    %mul3A_2371 = arith.mulf %sub3A_2367, %sub3A_2367 : vector<16xf32>
    %add3A_2372 = arith.addf %add3A_2370, %mul3A_2371 : vector<16xf32>
    %bitcast3A_2373 = vector.bitcast %add3A_2372 : vector<16xf32> to vector<16xi32>
    %shift_right_arithmetic3A_2374 = arith.constant 1 : i32
    %shift_right_arithmetic3A_2375 = vector.broadcast %shift_right_arithmetic3A_2374 : i32 to vector<16xi32>
    %shift_right_arithmetic3A_2376 = arith.shrsi %bitcast3A_2373, %shift_right_arithmetic3A_2375 : vector<16xi32>
    %sub3A_2377 = arith.constant 1597463007 : i32
    %sub3A_2378 = vector.broadcast %sub3A_2377 : i32 to vector<16xi32>
    %sub3A_2379 = arith.subi %sub3A_2378, %shift_right_arithmetic3A_2376 : vector<16xi32>
    %bitcast3A_2380 = vector.bitcast %sub3A_2379 : vector<16xi32> to vector<16xf32>
    %mul3A_2381 = arith.constant 5.000000e-01 : f32
    %mul3A_2382 = vector.broadcast %mul3A_2381 : f32 to vector<16xf32>
    %mul3A_2383 = arith.mulf %mul3A_2382, %add3A_2372 : vector<16xf32>
    %mul3A_2384 = arith.mulf %mul3A_2383, %bitcast3A_2380 : vector<16xf32>
    %mul3A_2385 = arith.mulf %mul3A_2384, %bitcast3A_2380 : vector<16xf32>
    %sub3A_2386 = arith.constant 1.500000e+00 : f32
    %sub3A_2387 = vector.broadcast %sub3A_2386 : f32 to vector<16xf32>
    %sub3A_2388 = arith.subf %sub3A_2387, %mul3A_2385 : vector<16xf32>
    %mul3A_2389 = arith.mulf %bitcast3A_2380, %sub3A_2388 : vector<16xf32>
    %mul3A_2390 = arith.mulf %mul3A_2383, %mul3A_2389 : vector<16xf32>
    %mul3A_2391 = arith.mulf %mul3A_2390, %mul3A_2389 : vector<16xf32>
    %sub3A_2392 = arith.constant 1.500000e+00 : f32
    %sub3A_2393 = vector.broadcast %sub3A_2392 : f32 to vector<16xf32>
    %sub3A_2394 = arith.subf %sub3A_2393, %mul3A_2391 : vector<16xf32>
    %mul3A_2395 = arith.mulf %mul3A_2389, %sub3A_2394 : vector<16xf32>
    %mul3A_2396 = arith.mulf %mul3A_2383, %mul3A_2395 : vector<16xf32>
    %mul3A_2397 = arith.mulf %mul3A_2396, %mul3A_2395 : vector<16xf32>
    %sub3A_2398 = arith.constant 1.500000e+00 : f32
    %sub3A_2399 = vector.broadcast %sub3A_2398 : f32 to vector<16xf32>
    %sub3A_2400 = arith.subf %sub3A_2399, %mul3A_2397 : vector<16xf32>
    %mul3A_2401 = arith.mulf %mul3A_2395, %sub3A_2400 : vector<16xf32>
    %gt3A_2402 = arith.constant 0.000000e+00 : f32
    %gt3A_2403 = vector.broadcast %gt3A_2402 : f32 to vector<16xf32>
    %gt3A_2404 = arith.cmpf ogt, %add3A_2372, %gt3A_2403 : vector<16xf32>
    %mul3A_2405 = arith.mulf %add3A_2372, %mul3A_2401 : vector<16xf32>
    %jit3A_2406 = arith.constant 0.000000e+00 : f32
    %broadcast_in_dim3A_2407 = vector.broadcast %jit3A_2406 : f32 to vector<16xf32>
    %select_n3A_2408 = arith.select %gt3A_2404, %mul3A_2405, %broadcast_in_dim3A_2407 : vector<16xi1>, vector<16xf32>
    %eq3A_2409 = arith.constant 0 : i32
    %eq3A_2410 = vector.broadcast %eq3A_2409 : i32 to vector<16xi32>
    %eq3A_2411 = arith.cmpi eq, %get3A_2360, %eq3A_2410 : vector<16xi32>
    %jit3A_2412 = arith.constant 6.000000e+00 : f32
    %jit3A_2413 = arith.constant 3.46820807 : f32
    %broadcast_in_dim3A_2414 = vector.broadcast %jit3A_2412 : f32 to vector<16xf32>
    %broadcast_in_dim3A_2415 = vector.broadcast %jit3A_2413 : f32 to vector<16xf32>
    %select_n3A_2416 = arith.select %eq3A_2411, %broadcast_in_dim3A_2414, %broadcast_in_dim3A_2415 : vector<16xi1>, vector<16xf32>
    %div3A_2417 = arith.divf %select_n3A_2408, %select_n3A_2416 : vector<16xf32>
    %add3A_2418 = arith.addf %gather3A_2343, %div3A_2417 : vector<16xf32>
    %add3A_2419 = arith.addf %add3A_2418, %gather3A_2358 : vector<16xf32>
    %sub3A_2420 = arith.subf %get3A_2362, %add3A_2419 : vector<16xf32>
    %swap3A_2421 = arith.constant 336 : index
    %swap3A_2422 = tpu.vector_load %arg21[%swap3A_2421] {strides = array<i32>} : memref<512xf32, #tpu.memory_space<vmem>>, vector<16xf32>,
    tpu.vector_store %arg21[%swap3A_2421], %add3A_2419 {strides = array<i32>} : memref<512xf32, #tpu.memory_space<vmem>>, vector<16xf32>,
    %swap3A_2423 = arith.constant 336 : index
    %swap3A_2424 = tpu.vector_load %arg22[%swap3A_2423] {strides = array<i32>} : memref<512xf32, #tpu.memory_space<vmem>>, vector<16xf32>,
    tpu.vector_store %arg22[%swap3A_2423], %sub3A_2420 {strides = array<i32>} : memref<512xf32, #tpu.memory_space<vmem>>, vector<16xf32>,
    %abs3A_2425 = math.absf %sub3A_2420 : vector<16xf32>
    %le3A_2426 = arith.constant 1.000000e+00 : f32
    %le3A_2427 = vector.broadcast %le3A_2426 : f32 to vector<16xf32>
    %le3A_2428 = arith.cmpf ole, %abs3A_2425, %le3A_2427 : vector<16xf32>
    %mul3A_2429 = arith.constant 5.000000e-01 : f32
    %mul3A_2430 = vector.broadcast %mul3A_2429 : f32 to vector<16xf32>
    %mul3A_2431 = arith.mulf %mul3A_2430, %sub3A_2420 : vector<16xf32>
    %mul3A_2432 = arith.mulf %mul3A_2431, %sub3A_2420 : vector<16xf32>
    %sub3A_2433 = arith.constant 5.000000e-01 : f32
    %sub3A_2434 = vector.broadcast %sub3A_2433 : f32 to vector<16xf32>
    %sub3A_2435 = arith.subf %abs3A_2425, %sub3A_2434 : vector<16xf32>
    %select_n3A_2436 = arith.select %le3A_2428, %mul3A_2432, %sub3A_2435 : vector<16xi1>, vector<16xf32>
    %mul3A_2437 = arith.mulf %select_n3A_2436, %get3A_2364 : vector<16xf32>
    %add3A_2438 = arith.addf %add3A_2327, %mul3A_2437 : vector<16xf32>
    %add3A_2439 = arith.constant 352 : i32
    %add3A_2440 = vector.broadcast %add3A_2439 : i32 to vector<16xi32>
    %add3A_2441 = arith.addi %iota3A, %add3A_2440 : vector<16xi32>
    %gather3A_2442 = tpu.vector_load_idx %arg14[%add3A_2441, %broadcast_in_dim3A_3] : memref<512x16xf32, #tpu.memory_space<vmem>>[vector<16xi32>, vector<16xi32>], vector<16xf32>,
    %add3A_2443 = arith.constant 1 : i32
    %add3A_2444 = vector.broadcast %add3A_2443 : i32 to vector<16xi32>
    %add3A_2445 = arith.addi %broadcast_in_dim3A_3, %add3A_2444 : vector<16xi32>
    %gather3A_2446 = tpu.vector_load_idx %arg14[%add3A_2441, %add3A_2445] : memref<512x16xf32, #tpu.memory_space<vmem>>[vector<16xi32>, vector<16xi32>], vector<16xf32>,
    %add3A_2447 = arith.constant 2 : i32
    %add3A_2448 = vector.broadcast %add3A_2447 : i32 to vector<16xi32>
    %add3A_2449 = arith.addi %broadcast_in_dim3A_3, %add3A_2448 : vector<16xi32>
    %gather3A_2450 = tpu.vector_load_idx %arg14[%add3A_2441, %add3A_2449] : memref<512x16xf32, #tpu.memory_space<vmem>>[vector<16xi32>, vector<16xi32>], vector<16xf32>,
    %add3A_2451 = arith.constant 3 : i32
    %add3A_2452 = vector.broadcast %add3A_2451 : i32 to vector<16xi32>
    %add3A_2453 = arith.addi %broadcast_in_dim3A_3, %add3A_2452 : vector<16xi32>
    %gather3A_2454 = tpu.vector_load_idx %arg14[%add3A_2441, %add3A_2453] : memref<512x16xf32, #tpu.memory_space<vmem>>[vector<16xi32>, vector<16xi32>], vector<16xf32>,
    %get3A_2455 = arith.constant 352 : index
    %get3A_2456 = tpu.vector_load %arg15[%get3A_2455] {strides = array<i32>} : memref<512xi32, #tpu.memory_space<vmem>>, vector<16xi32>,
    %mul3A_2457 = arith.constant 3 : i32
    %mul3A_2458 = vector.broadcast %mul3A_2457 : i32 to vector<16xi32>
    %mul3A_2459 = arith.muli %get3A_2456, %mul3A_2458 : vector<16xi32>
    %gather3A_2460 = tpu.vector_load_idx %arg19[%mul3A_2459] : memref<192xf32, #tpu.memory_space<vmem>>[vector<16xi32>], vector<16xf32>,
    %add3A_2461 = arith.constant 1 : i32
    %add3A_2462 = vector.broadcast %add3A_2461 : i32 to vector<16xi32>
    %add3A_2463 = arith.addi %mul3A_2459, %add3A_2462 : vector<16xi32>
    %gather3A_2464 = tpu.vector_load_idx %arg19[%add3A_2463] : memref<192xf32, #tpu.memory_space<vmem>>[vector<16xi32>], vector<16xf32>,
    %add3A_2465 = arith.constant 2 : i32
    %add3A_2466 = vector.broadcast %add3A_2465 : i32 to vector<16xi32>
    %add3A_2467 = arith.addi %mul3A_2459, %add3A_2466 : vector<16xi32>
    %gather3A_2468 = tpu.vector_load_idx %arg19[%add3A_2467] : memref<192xf32, #tpu.memory_space<vmem>>[vector<16xi32>], vector<16xf32>,
    %gather3A_2469 = tpu.vector_load_idx %arg20[%get3A_2456] : memref<64xf32, #tpu.memory_space<vmem>>[vector<16xi32>], vector<16xf32>,
    %get3A_2470 = arith.constant 352 : index
    %get3A_2471 = tpu.vector_load %arg16[%get3A_2470] {strides = array<i32>} : memref<512xi32, #tpu.memory_space<vmem>>, vector<16xi32>,
    %get3A_2472 = arith.constant 352 : index
    %get3A_2473 = tpu.vector_load %arg17[%get3A_2472] {strides = array<i32>} : memref<512xf32, #tpu.memory_space<vmem>>, vector<16xf32>,
    %get3A_2474 = arith.constant 352 : index
    %get3A_2475 = tpu.vector_load %arg18[%get3A_2474] {strides = array<i32>} : memref<512xf32, #tpu.memory_space<vmem>>, vector<16xf32>,
    %sub3A_2476 = arith.subf %gather3A_2442, %gather3A_2460 : vector<16xf32>
    %sub3A_2477 = arith.subf %gather3A_2446, %gather3A_2464 : vector<16xf32>
    %sub3A_2478 = arith.subf %gather3A_2450, %gather3A_2468 : vector<16xf32>
    %mul3A_2479 = arith.mulf %sub3A_2476, %sub3A_2476 : vector<16xf32>
    %mul3A_2480 = arith.mulf %sub3A_2477, %sub3A_2477 : vector<16xf32>
    %add3A_2481 = arith.addf %mul3A_2479, %mul3A_2480 : vector<16xf32>
    %mul3A_2482 = arith.mulf %sub3A_2478, %sub3A_2478 : vector<16xf32>
    %add3A_2483 = arith.addf %add3A_2481, %mul3A_2482 : vector<16xf32>
    %bitcast3A_2484 = vector.bitcast %add3A_2483 : vector<16xf32> to vector<16xi32>
    %shift_right_arithmetic3A_2485 = arith.constant 1 : i32
    %shift_right_arithmetic3A_2486 = vector.broadcast %shift_right_arithmetic3A_2485 : i32 to vector<16xi32>
    %shift_right_arithmetic3A_2487 = arith.shrsi %bitcast3A_2484, %shift_right_arithmetic3A_2486 : vector<16xi32>
    %sub3A_2488 = arith.constant 1597463007 : i32
    %sub3A_2489 = vector.broadcast %sub3A_2488 : i32 to vector<16xi32>
    %sub3A_2490 = arith.subi %sub3A_2489, %shift_right_arithmetic3A_2487 : vector<16xi32>
    %bitcast3A_2491 = vector.bitcast %sub3A_2490 : vector<16xi32> to vector<16xf32>
    %mul3A_2492 = arith.constant 5.000000e-01 : f32
    %mul3A_2493 = vector.broadcast %mul3A_2492 : f32 to vector<16xf32>
    %mul3A_2494 = arith.mulf %mul3A_2493, %add3A_2483 : vector<16xf32>
    %mul3A_2495 = arith.mulf %mul3A_2494, %bitcast3A_2491 : vector<16xf32>
    %mul3A_2496 = arith.mulf %mul3A_2495, %bitcast3A_2491 : vector<16xf32>
    %sub3A_2497 = arith.constant 1.500000e+00 : f32
    %sub3A_2498 = vector.broadcast %sub3A_2497 : f32 to vector<16xf32>
    %sub3A_2499 = arith.subf %sub3A_2498, %mul3A_2496 : vector<16xf32>
    %mul3A_2500 = arith.mulf %bitcast3A_2491, %sub3A_2499 : vector<16xf32>
    %mul3A_2501 = arith.mulf %mul3A_2494, %mul3A_2500 : vector<16xf32>
    %mul3A_2502 = arith.mulf %mul3A_2501, %mul3A_2500 : vector<16xf32>
    %sub3A_2503 = arith.constant 1.500000e+00 : f32
    %sub3A_2504 = vector.broadcast %sub3A_2503 : f32 to vector<16xf32>
    %sub3A_2505 = arith.subf %sub3A_2504, %mul3A_2502 : vector<16xf32>
    %mul3A_2506 = arith.mulf %mul3A_2500, %sub3A_2505 : vector<16xf32>
    %mul3A_2507 = arith.mulf %mul3A_2494, %mul3A_2506 : vector<16xf32>
    %mul3A_2508 = arith.mulf %mul3A_2507, %mul3A_2506 : vector<16xf32>
    %sub3A_2509 = arith.constant 1.500000e+00 : f32
    %sub3A_2510 = vector.broadcast %sub3A_2509 : f32 to vector<16xf32>
    %sub3A_2511 = arith.subf %sub3A_2510, %mul3A_2508 : vector<16xf32>
    %mul3A_2512 = arith.mulf %mul3A_2506, %sub3A_2511 : vector<16xf32>
    %gt3A_2513 = arith.constant 0.000000e+00 : f32
    %gt3A_2514 = vector.broadcast %gt3A_2513 : f32 to vector<16xf32>
    %gt3A_2515 = arith.cmpf ogt, %add3A_2483, %gt3A_2514 : vector<16xf32>
    %mul3A_2516 = arith.mulf %add3A_2483, %mul3A_2512 : vector<16xf32>
    %jit3A_2517 = arith.constant 0.000000e+00 : f32
    %broadcast_in_dim3A_2518 = vector.broadcast %jit3A_2517 : f32 to vector<16xf32>
    %select_n3A_2519 = arith.select %gt3A_2515, %mul3A_2516, %broadcast_in_dim3A_2518 : vector<16xi1>, vector<16xf32>
    %eq3A_2520 = arith.constant 0 : i32
    %eq3A_2521 = vector.broadcast %eq3A_2520 : i32 to vector<16xi32>
    %eq3A_2522 = arith.cmpi eq, %get3A_2471, %eq3A_2521 : vector<16xi32>
    %jit3A_2523 = arith.constant 6.000000e+00 : f32
    %jit3A_2524 = arith.constant 3.46820807 : f32
    %broadcast_in_dim3A_2525 = vector.broadcast %jit3A_2523 : f32 to vector<16xf32>
    %broadcast_in_dim3A_2526 = vector.broadcast %jit3A_2524 : f32 to vector<16xf32>
    %select_n3A_2527 = arith.select %eq3A_2522, %broadcast_in_dim3A_2525, %broadcast_in_dim3A_2526 : vector<16xi1>, vector<16xf32>
    %div3A_2528 = arith.divf %select_n3A_2519, %select_n3A_2527 : vector<16xf32>
    %add3A_2529 = arith.addf %gather3A_2454, %div3A_2528 : vector<16xf32>
    %add3A_2530 = arith.addf %add3A_2529, %gather3A_2469 : vector<16xf32>
    %sub3A_2531 = arith.subf %get3A_2473, %add3A_2530 : vector<16xf32>
    %swap3A_2532 = arith.constant 352 : index
    %swap3A_2533 = tpu.vector_load %arg21[%swap3A_2532] {strides = array<i32>} : memref<512xf32, #tpu.memory_space<vmem>>, vector<16xf32>,
    tpu.vector_store %arg21[%swap3A_2532], %add3A_2530 {strides = array<i32>} : memref<512xf32, #tpu.memory_space<vmem>>, vector<16xf32>,
    %swap3A_2534 = arith.constant 352 : index
    %swap3A_2535 = tpu.vector_load %arg22[%swap3A_2534] {strides = array<i32>} : memref<512xf32, #tpu.memory_space<vmem>>, vector<16xf32>,
    tpu.vector_store %arg22[%swap3A_2534], %sub3A_2531 {strides = array<i32>} : memref<512xf32, #tpu.memory_space<vmem>>, vector<16xf32>,
    %abs3A_2536 = math.absf %sub3A_2531 : vector<16xf32>
    %le3A_2537 = arith.constant 1.000000e+00 : f32
    %le3A_2538 = vector.broadcast %le3A_2537 : f32 to vector<16xf32>
    %le3A_2539 = arith.cmpf ole, %abs3A_2536, %le3A_2538 : vector<16xf32>
    %mul3A_2540 = arith.constant 5.000000e-01 : f32
    %mul3A_2541 = vector.broadcast %mul3A_2540 : f32 to vector<16xf32>
    %mul3A_2542 = arith.mulf %mul3A_2541, %sub3A_2531 : vector<16xf32>
    %mul3A_2543 = arith.mulf %mul3A_2542, %sub3A_2531 : vector<16xf32>
    %sub3A_2544 = arith.constant 5.000000e-01 : f32
    %sub3A_2545 = vector.broadcast %sub3A_2544 : f32 to vector<16xf32>
    %sub3A_2546 = arith.subf %abs3A_2536, %sub3A_2545 : vector<16xf32>
    %select_n3A_2547 = arith.select %le3A_2539, %mul3A_2543, %sub3A_2546 : vector<16xi1>, vector<16xf32>
    %mul3A_2548 = arith.mulf %select_n3A_2547, %get3A_2475 : vector<16xf32>
    %add3A_2549 = arith.addf %add3A_2438, %mul3A_2548 : vector<16xf32>
    %add3A_2550 = arith.constant 368 : i32
    %add3A_2551 = vector.broadcast %add3A_2550 : i32 to vector<16xi32>
    %add3A_2552 = arith.addi %iota3A, %add3A_2551 : vector<16xi32>
    %gather3A_2553 = tpu.vector_load_idx %arg14[%add3A_2552, %broadcast_in_dim3A_3] : memref<512x16xf32, #tpu.memory_space<vmem>>[vector<16xi32>, vector<16xi32>], vector<16xf32>,
    %add3A_2554 = arith.constant 1 : i32
    %add3A_2555 = vector.broadcast %add3A_2554 : i32 to vector<16xi32>
    %add3A_2556 = arith.addi %broadcast_in_dim3A_3, %add3A_2555 : vector<16xi32>
    %gather3A_2557 = tpu.vector_load_idx %arg14[%add3A_2552, %add3A_2556] : memref<512x16xf32, #tpu.memory_space<vmem>>[vector<16xi32>, vector<16xi32>], vector<16xf32>,
    %add3A_2558 = arith.constant 2 : i32
    %add3A_2559 = vector.broadcast %add3A_2558 : i32 to vector<16xi32>
    %add3A_2560 = arith.addi %broadcast_in_dim3A_3, %add3A_2559 : vector<16xi32>
    %gather3A_2561 = tpu.vector_load_idx %arg14[%add3A_2552, %add3A_2560] : memref<512x16xf32, #tpu.memory_space<vmem>>[vector<16xi32>, vector<16xi32>], vector<16xf32>,
    %add3A_2562 = arith.constant 3 : i32
    %add3A_2563 = vector.broadcast %add3A_2562 : i32 to vector<16xi32>
    %add3A_2564 = arith.addi %broadcast_in_dim3A_3, %add3A_2563 : vector<16xi32>
    %gather3A_2565 = tpu.vector_load_idx %arg14[%add3A_2552, %add3A_2564] : memref<512x16xf32, #tpu.memory_space<vmem>>[vector<16xi32>, vector<16xi32>], vector<16xf32>,
    %get3A_2566 = arith.constant 368 : index
    %get3A_2567 = tpu.vector_load %arg15[%get3A_2566] {strides = array<i32>} : memref<512xi32, #tpu.memory_space<vmem>>, vector<16xi32>,
    %mul3A_2568 = arith.constant 3 : i32
    %mul3A_2569 = vector.broadcast %mul3A_2568 : i32 to vector<16xi32>
    %mul3A_2570 = arith.muli %get3A_2567, %mul3A_2569 : vector<16xi32>
    %gather3A_2571 = tpu.vector_load_idx %arg19[%mul3A_2570] : memref<192xf32, #tpu.memory_space<vmem>>[vector<16xi32>], vector<16xf32>,
    %add3A_2572 = arith.constant 1 : i32
    %add3A_2573 = vector.broadcast %add3A_2572 : i32 to vector<16xi32>
    %add3A_2574 = arith.addi %mul3A_2570, %add3A_2573 : vector<16xi32>
    %gather3A_2575 = tpu.vector_load_idx %arg19[%add3A_2574] : memref<192xf32, #tpu.memory_space<vmem>>[vector<16xi32>], vector<16xf32>,
    %add3A_2576 = arith.constant 2 : i32
    %add3A_2577 = vector.broadcast %add3A_2576 : i32 to vector<16xi32>
    %add3A_2578 = arith.addi %mul3A_2570, %add3A_2577 : vector<16xi32>
    %gather3A_2579 = tpu.vector_load_idx %arg19[%add3A_2578] : memref<192xf32, #tpu.memory_space<vmem>>[vector<16xi32>], vector<16xf32>,
    %gather3A_2580 = tpu.vector_load_idx %arg20[%get3A_2567] : memref<64xf32, #tpu.memory_space<vmem>>[vector<16xi32>], vector<16xf32>,
    %get3A_2581 = arith.constant 368 : index
    %get3A_2582 = tpu.vector_load %arg16[%get3A_2581] {strides = array<i32>} : memref<512xi32, #tpu.memory_space<vmem>>, vector<16xi32>,
    %get3A_2583 = arith.constant 368 : index
    %get3A_2584 = tpu.vector_load %arg17[%get3A_2583] {strides = array<i32>} : memref<512xf32, #tpu.memory_space<vmem>>, vector<16xf32>,
    %get3A_2585 = arith.constant 368 : index
    %get3A_2586 = tpu.vector_load %arg18[%get3A_2585] {strides = array<i32>} : memref<512xf32, #tpu.memory_space<vmem>>, vector<16xf32>,
    %sub3A_2587 = arith.subf %gather3A_2553, %gather3A_2571 : vector<16xf32>
    %sub3A_2588 = arith.subf %gather3A_2557, %gather3A_2575 : vector<16xf32>
    %sub3A_2589 = arith.subf %gather3A_2561, %gather3A_2579 : vector<16xf32>
    %mul3A_2590 = arith.mulf %sub3A_2587, %sub3A_2587 : vector<16xf32>
    %mul3A_2591 = arith.mulf %sub3A_2588, %sub3A_2588 : vector<16xf32>
    %add3A_2592 = arith.addf %mul3A_2590, %mul3A_2591 : vector<16xf32>
    %mul3A_2593 = arith.mulf %sub3A_2589, %sub3A_2589 : vector<16xf32>
    %add3A_2594 = arith.addf %add3A_2592, %mul3A_2593 : vector<16xf32>
    %bitcast3A_2595 = vector.bitcast %add3A_2594 : vector<16xf32> to vector<16xi32>
    %shift_right_arithmetic3A_2596 = arith.constant 1 : i32
    %shift_right_arithmetic3A_2597 = vector.broadcast %shift_right_arithmetic3A_2596 : i32 to vector<16xi32>
    %shift_right_arithmetic3A_2598 = arith.shrsi %bitcast3A_2595, %shift_right_arithmetic3A_2597 : vector<16xi32>
    %sub3A_2599 = arith.constant 1597463007 : i32
    %sub3A_2600 = vector.broadcast %sub3A_2599 : i32 to vector<16xi32>
    %sub3A_2601 = arith.subi %sub3A_2600, %shift_right_arithmetic3A_2598 : vector<16xi32>
    %bitcast3A_2602 = vector.bitcast %sub3A_2601 : vector<16xi32> to vector<16xf32>
    %mul3A_2603 = arith.constant 5.000000e-01 : f32
    %mul3A_2604 = vector.broadcast %mul3A_2603 : f32 to vector<16xf32>
    %mul3A_2605 = arith.mulf %mul3A_2604, %add3A_2594 : vector<16xf32>
    %mul3A_2606 = arith.mulf %mul3A_2605, %bitcast3A_2602 : vector<16xf32>
    %mul3A_2607 = arith.mulf %mul3A_2606, %bitcast3A_2602 : vector<16xf32>
    %sub3A_2608 = arith.constant 1.500000e+00 : f32
    %sub3A_2609 = vector.broadcast %sub3A_2608 : f32 to vector<16xf32>
    %sub3A_2610 = arith.subf %sub3A_2609, %mul3A_2607 : vector<16xf32>
    %mul3A_2611 = arith.mulf %bitcast3A_2602, %sub3A_2610 : vector<16xf32>
    %mul3A_2612 = arith.mulf %mul3A_2605, %mul3A_2611 : vector<16xf32>
    %mul3A_2613 = arith.mulf %mul3A_2612, %mul3A_2611 : vector<16xf32>
    %sub3A_2614 = arith.constant 1.500000e+00 : f32
    %sub3A_2615 = vector.broadcast %sub3A_2614 : f32 to vector<16xf32>
    %sub3A_2616 = arith.subf %sub3A_2615, %mul3A_2613 : vector<16xf32>
    %mul3A_2617 = arith.mulf %mul3A_2611, %sub3A_2616 : vector<16xf32>
    %mul3A_2618 = arith.mulf %mul3A_2605, %mul3A_2617 : vector<16xf32>
    %mul3A_2619 = arith.mulf %mul3A_2618, %mul3A_2617 : vector<16xf32>
    %sub3A_2620 = arith.constant 1.500000e+00 : f32
    %sub3A_2621 = vector.broadcast %sub3A_2620 : f32 to vector<16xf32>
    %sub3A_2622 = arith.subf %sub3A_2621, %mul3A_2619 : vector<16xf32>
    %mul3A_2623 = arith.mulf %mul3A_2617, %sub3A_2622 : vector<16xf32>
    %gt3A_2624 = arith.constant 0.000000e+00 : f32
    %gt3A_2625 = vector.broadcast %gt3A_2624 : f32 to vector<16xf32>
    %gt3A_2626 = arith.cmpf ogt, %add3A_2594, %gt3A_2625 : vector<16xf32>
    %mul3A_2627 = arith.mulf %add3A_2594, %mul3A_2623 : vector<16xf32>
    %jit3A_2628 = arith.constant 0.000000e+00 : f32
    %broadcast_in_dim3A_2629 = vector.broadcast %jit3A_2628 : f32 to vector<16xf32>
    %select_n3A_2630 = arith.select %gt3A_2626, %mul3A_2627, %broadcast_in_dim3A_2629 : vector<16xi1>, vector<16xf32>
    %eq3A_2631 = arith.constant 0 : i32
    %eq3A_2632 = vector.broadcast %eq3A_2631 : i32 to vector<16xi32>
    %eq3A_2633 = arith.cmpi eq, %get3A_2582, %eq3A_2632 : vector<16xi32>
    %jit3A_2634 = arith.constant 6.000000e+00 : f32
    %jit3A_2635 = arith.constant 3.46820807 : f32
    %broadcast_in_dim3A_2636 = vector.broadcast %jit3A_2634 : f32 to vector<16xf32>
    %broadcast_in_dim3A_2637 = vector.broadcast %jit3A_2635 : f32 to vector<16xf32>
    %select_n3A_2638 = arith.select %eq3A_2633, %broadcast_in_dim3A_2636, %broadcast_in_dim3A_2637 : vector<16xi1>, vector<16xf32>
    %div3A_2639 = arith.divf %select_n3A_2630, %select_n3A_2638 : vector<16xf32>
    %add3A_2640 = arith.addf %gather3A_2565, %div3A_2639 : vector<16xf32>
    %add3A_2641 = arith.addf %add3A_2640, %gather3A_2580 : vector<16xf32>
    %sub3A_2642 = arith.subf %get3A_2584, %add3A_2641 : vector<16xf32>
    %swap3A_2643 = arith.constant 368 : index
    %swap3A_2644 = tpu.vector_load %arg21[%swap3A_2643] {strides = array<i32>} : memref<512xf32, #tpu.memory_space<vmem>>, vector<16xf32>,
    tpu.vector_store %arg21[%swap3A_2643], %add3A_2641 {strides = array<i32>} : memref<512xf32, #tpu.memory_space<vmem>>, vector<16xf32>,
    %swap3A_2645 = arith.constant 368 : index
    %swap3A_2646 = tpu.vector_load %arg22[%swap3A_2645] {strides = array<i32>} : memref<512xf32, #tpu.memory_space<vmem>>, vector<16xf32>,
    tpu.vector_store %arg22[%swap3A_2645], %sub3A_2642 {strides = array<i32>} : memref<512xf32, #tpu.memory_space<vmem>>, vector<16xf32>,
    %abs3A_2647 = math.absf %sub3A_2642 : vector<16xf32>
    %le3A_2648 = arith.constant 1.000000e+00 : f32
    %le3A_2649 = vector.broadcast %le3A_2648 : f32 to vector<16xf32>
    %le3A_2650 = arith.cmpf ole, %abs3A_2647, %le3A_2649 : vector<16xf32>
    %mul3A_2651 = arith.constant 5.000000e-01 : f32
    %mul3A_2652 = vector.broadcast %mul3A_2651 : f32 to vector<16xf32>
    %mul3A_2653 = arith.mulf %mul3A_2652, %sub3A_2642 : vector<16xf32>
    %mul3A_2654 = arith.mulf %mul3A_2653, %sub3A_2642 : vector<16xf32>
    %sub3A_2655 = arith.constant 5.000000e-01 : f32
    %sub3A_2656 = vector.broadcast %sub3A_2655 : f32 to vector<16xf32>
    %sub3A_2657 = arith.subf %abs3A_2647, %sub3A_2656 : vector<16xf32>
    %select_n3A_2658 = arith.select %le3A_2650, %mul3A_2654, %sub3A_2657 : vector<16xi1>, vector<16xf32>
    %mul3A_2659 = arith.mulf %select_n3A_2658, %get3A_2586 : vector<16xf32>
    %add3A_2660 = arith.addf %add3A_2549, %mul3A_2659 : vector<16xf32>
    %add3A_2661 = arith.constant 384 : i32
    %add3A_2662 = vector.broadcast %add3A_2661 : i32 to vector<16xi32>
    %add3A_2663 = arith.addi %iota3A, %add3A_2662 : vector<16xi32>
    %gather3A_2664 = tpu.vector_load_idx %arg14[%add3A_2663, %broadcast_in_dim3A_3] : memref<512x16xf32, #tpu.memory_space<vmem>>[vector<16xi32>, vector<16xi32>], vector<16xf32>,
    %add3A_2665 = arith.constant 1 : i32
    %add3A_2666 = vector.broadcast %add3A_2665 : i32 to vector<16xi32>
    %add3A_2667 = arith.addi %broadcast_in_dim3A_3, %add3A_2666 : vector<16xi32>
    %gather3A_2668 = tpu.vector_load_idx %arg14[%add3A_2663, %add3A_2667] : memref<512x16xf32, #tpu.memory_space<vmem>>[vector<16xi32>, vector<16xi32>], vector<16xf32>,
    %add3A_2669 = arith.constant 2 : i32
    %add3A_2670 = vector.broadcast %add3A_2669 : i32 to vector<16xi32>
    %add3A_2671 = arith.addi %broadcast_in_dim3A_3, %add3A_2670 : vector<16xi32>
    %gather3A_2672 = tpu.vector_load_idx %arg14[%add3A_2663, %add3A_2671] : memref<512x16xf32, #tpu.memory_space<vmem>>[vector<16xi32>, vector<16xi32>], vector<16xf32>,
    %add3A_2673 = arith.constant 3 : i32
    %add3A_2674 = vector.broadcast %add3A_2673 : i32 to vector<16xi32>
    %add3A_2675 = arith.addi %broadcast_in_dim3A_3, %add3A_2674 : vector<16xi32>
    %gather3A_2676 = tpu.vector_load_idx %arg14[%add3A_2663, %add3A_2675] : memref<512x16xf32, #tpu.memory_space<vmem>>[vector<16xi32>, vector<16xi32>], vector<16xf32>,
    %get3A_2677 = arith.constant 384 : index
    %get3A_2678 = tpu.vector_load %arg15[%get3A_2677] {strides = array<i32>} : memref<512xi32, #tpu.memory_space<vmem>>, vector<16xi32>,
    %mul3A_2679 = arith.constant 3 : i32
    %mul3A_2680 = vector.broadcast %mul3A_2679 : i32 to vector<16xi32>
    %mul3A_2681 = arith.muli %get3A_2678, %mul3A_2680 : vector<16xi32>
    %gather3A_2682 = tpu.vector_load_idx %arg19[%mul3A_2681] : memref<192xf32, #tpu.memory_space<vmem>>[vector<16xi32>], vector<16xf32>,
    %add3A_2683 = arith.constant 1 : i32
    %add3A_2684 = vector.broadcast %add3A_2683 : i32 to vector<16xi32>
    %add3A_2685 = arith.addi %mul3A_2681, %add3A_2684 : vector<16xi32>
    %gather3A_2686 = tpu.vector_load_idx %arg19[%add3A_2685] : memref<192xf32, #tpu.memory_space<vmem>>[vector<16xi32>], vector<16xf32>,
    %add3A_2687 = arith.constant 2 : i32
    %add3A_2688 = vector.broadcast %add3A_2687 : i32 to vector<16xi32>
    %add3A_2689 = arith.addi %mul3A_2681, %add3A_2688 : vector<16xi32>
    %gather3A_2690 = tpu.vector_load_idx %arg19[%add3A_2689] : memref<192xf32, #tpu.memory_space<vmem>>[vector<16xi32>], vector<16xf32>,
    %gather3A_2691 = tpu.vector_load_idx %arg20[%get3A_2678] : memref<64xf32, #tpu.memory_space<vmem>>[vector<16xi32>], vector<16xf32>,
    %get3A_2692 = arith.constant 384 : index
    %get3A_2693 = tpu.vector_load %arg16[%get3A_2692] {strides = array<i32>} : memref<512xi32, #tpu.memory_space<vmem>>, vector<16xi32>,
    %get3A_2694 = arith.constant 384 : index
    %get3A_2695 = tpu.vector_load %arg17[%get3A_2694] {strides = array<i32>} : memref<512xf32, #tpu.memory_space<vmem>>, vector<16xf32>,
    %get3A_2696 = arith.constant 384 : index
    %get3A_2697 = tpu.vector_load %arg18[%get3A_2696] {strides = array<i32>} : memref<512xf32, #tpu.memory_space<vmem>>, vector<16xf32>,
    %sub3A_2698 = arith.subf %gather3A_2664, %gather3A_2682 : vector<16xf32>
    %sub3A_2699 = arith.subf %gather3A_2668, %gather3A_2686 : vector<16xf32>
    %sub3A_2700 = arith.subf %gather3A_2672, %gather3A_2690 : vector<16xf32>
    %mul3A_2701 = arith.mulf %sub3A_2698, %sub3A_2698 : vector<16xf32>
    %mul3A_2702 = arith.mulf %sub3A_2699, %sub3A_2699 : vector<16xf32>
    %add3A_2703 = arith.addf %mul3A_2701, %mul3A_2702 : vector<16xf32>
    %mul3A_2704 = arith.mulf %sub3A_2700, %sub3A_2700 : vector<16xf32>
    %add3A_2705 = arith.addf %add3A_2703, %mul3A_2704 : vector<16xf32>
    %bitcast3A_2706 = vector.bitcast %add3A_2705 : vector<16xf32> to vector<16xi32>
    %shift_right_arithmetic3A_2707 = arith.constant 1 : i32
    %shift_right_arithmetic3A_2708 = vector.broadcast %shift_right_arithmetic3A_2707 : i32 to vector<16xi32>
    %shift_right_arithmetic3A_2709 = arith.shrsi %bitcast3A_2706, %shift_right_arithmetic3A_2708 : vector<16xi32>
    %sub3A_2710 = arith.constant 1597463007 : i32
    %sub3A_2711 = vector.broadcast %sub3A_2710 : i32 to vector<16xi32>
    %sub3A_2712 = arith.subi %sub3A_2711, %shift_right_arithmetic3A_2709 : vector<16xi32>
    %bitcast3A_2713 = vector.bitcast %sub3A_2712 : vector<16xi32> to vector<16xf32>
    %mul3A_2714 = arith.constant 5.000000e-01 : f32
    %mul3A_2715 = vector.broadcast %mul3A_2714 : f32 to vector<16xf32>
    %mul3A_2716 = arith.mulf %mul3A_2715, %add3A_2705 : vector<16xf32>
    %mul3A_2717 = arith.mulf %mul3A_2716, %bitcast3A_2713 : vector<16xf32>
    %mul3A_2718 = arith.mulf %mul3A_2717, %bitcast3A_2713 : vector<16xf32>
    %sub3A_2719 = arith.constant 1.500000e+00 : f32
    %sub3A_2720 = vector.broadcast %sub3A_2719 : f32 to vector<16xf32>
    %sub3A_2721 = arith.subf %sub3A_2720, %mul3A_2718 : vector<16xf32>
    %mul3A_2722 = arith.mulf %bitcast3A_2713, %sub3A_2721 : vector<16xf32>
    %mul3A_2723 = arith.mulf %mul3A_2716, %mul3A_2722 : vector<16xf32>
    %mul3A_2724 = arith.mulf %mul3A_2723, %mul3A_2722 : vector<16xf32>
    %sub3A_2725 = arith.constant 1.500000e+00 : f32
    %sub3A_2726 = vector.broadcast %sub3A_2725 : f32 to vector<16xf32>
    %sub3A_2727 = arith.subf %sub3A_2726, %mul3A_2724 : vector<16xf32>
    %mul3A_2728 = arith.mulf %mul3A_2722, %sub3A_2727 : vector<16xf32>
    %mul3A_2729 = arith.mulf %mul3A_2716, %mul3A_2728 : vector<16xf32>
    %mul3A_2730 = arith.mulf %mul3A_2729, %mul3A_2728 : vector<16xf32>
    %sub3A_2731 = arith.constant 1.500000e+00 : f32
    %sub3A_2732 = vector.broadcast %sub3A_2731 : f32 to vector<16xf32>
    %sub3A_2733 = arith.subf %sub3A_2732, %mul3A_2730 : vector<16xf32>
    %mul3A_2734 = arith.mulf %mul3A_2728, %sub3A_2733 : vector<16xf32>
    %gt3A_2735 = arith.constant 0.000000e+00 : f32
    %gt3A_2736 = vector.broadcast %gt3A_2735 : f32 to vector<16xf32>
    %gt3A_2737 = arith.cmpf ogt, %add3A_2705, %gt3A_2736 : vector<16xf32>
    %mul3A_2738 = arith.mulf %add3A_2705, %mul3A_2734 : vector<16xf32>
    %jit3A_2739 = arith.constant 0.000000e+00 : f32
    %broadcast_in_dim3A_2740 = vector.broadcast %jit3A_2739 : f32 to vector<16xf32>
    %select_n3A_2741 = arith.select %gt3A_2737, %mul3A_2738, %broadcast_in_dim3A_2740 : vector<16xi1>, vector<16xf32>
    %eq3A_2742 = arith.constant 0 : i32
    %eq3A_2743 = vector.broadcast %eq3A_2742 : i32 to vector<16xi32>
    %eq3A_2744 = arith.cmpi eq, %get3A_2693, %eq3A_2743 : vector<16xi32>
    %jit3A_2745 = arith.constant 6.000000e+00 : f32
    %jit3A_2746 = arith.constant 3.46820807 : f32
    %broadcast_in_dim3A_2747 = vector.broadcast %jit3A_2745 : f32 to vector<16xf32>
    %broadcast_in_dim3A_2748 = vector.broadcast %jit3A_2746 : f32 to vector<16xf32>
    %select_n3A_2749 = arith.select %eq3A_2744, %broadcast_in_dim3A_2747, %broadcast_in_dim3A_2748 : vector<16xi1>, vector<16xf32>
    %div3A_2750 = arith.divf %select_n3A_2741, %select_n3A_2749 : vector<16xf32>
    %add3A_2751 = arith.addf %gather3A_2676, %div3A_2750 : vector<16xf32>
    %add3A_2752 = arith.addf %add3A_2751, %gather3A_2691 : vector<16xf32>
    %sub3A_2753 = arith.subf %get3A_2695, %add3A_2752 : vector<16xf32>
    %swap3A_2754 = arith.constant 384 : index
    %swap3A_2755 = tpu.vector_load %arg21[%swap3A_2754] {strides = array<i32>} : memref<512xf32, #tpu.memory_space<vmem>>, vector<16xf32>,
    tpu.vector_store %arg21[%swap3A_2754], %add3A_2752 {strides = array<i32>} : memref<512xf32, #tpu.memory_space<vmem>>, vector<16xf32>,
    %swap3A_2756 = arith.constant 384 : index
    %swap3A_2757 = tpu.vector_load %arg22[%swap3A_2756] {strides = array<i32>} : memref<512xf32, #tpu.memory_space<vmem>>, vector<16xf32>,
    tpu.vector_store %arg22[%swap3A_2756], %sub3A_2753 {strides = array<i32>} : memref<512xf32, #tpu.memory_space<vmem>>, vector<16xf32>,
    %abs3A_2758 = math.absf %sub3A_2753 : vector<16xf32>
    %le3A_2759 = arith.constant 1.000000e+00 : f32
    %le3A_2760 = vector.broadcast %le3A_2759 : f32 to vector<16xf32>
    %le3A_2761 = arith.cmpf ole, %abs3A_2758, %le3A_2760 : vector<16xf32>
    %mul3A_2762 = arith.constant 5.000000e-01 : f32
    %mul3A_2763 = vector.broadcast %mul3A_2762 : f32 to vector<16xf32>
    %mul3A_2764 = arith.mulf %mul3A_2763, %sub3A_2753 : vector<16xf32>
    %mul3A_2765 = arith.mulf %mul3A_2764, %sub3A_2753 : vector<16xf32>
    %sub3A_2766 = arith.constant 5.000000e-01 : f32
    %sub3A_2767 = vector.broadcast %sub3A_2766 : f32 to vector<16xf32>
    %sub3A_2768 = arith.subf %abs3A_2758, %sub3A_2767 : vector<16xf32>
    %select_n3A_2769 = arith.select %le3A_2761, %mul3A_2765, %sub3A_2768 : vector<16xi1>, vector<16xf32>
    %mul3A_2770 = arith.mulf %select_n3A_2769, %get3A_2697 : vector<16xf32>
    %add3A_2771 = arith.addf %add3A_2660, %mul3A_2770 : vector<16xf32>
    %add3A_2772 = arith.constant 400 : i32
    %add3A_2773 = vector.broadcast %add3A_2772 : i32 to vector<16xi32>
    %add3A_2774 = arith.addi %iota3A, %add3A_2773 : vector<16xi32>
    %gather3A_2775 = tpu.vector_load_idx %arg14[%add3A_2774, %broadcast_in_dim3A_3] : memref<512x16xf32, #tpu.memory_space<vmem>>[vector<16xi32>, vector<16xi32>], vector<16xf32>,
    %add3A_2776 = arith.constant 1 : i32
    %add3A_2777 = vector.broadcast %add3A_2776 : i32 to vector<16xi32>
    %add3A_2778 = arith.addi %broadcast_in_dim3A_3, %add3A_2777 : vector<16xi32>
    %gather3A_2779 = tpu.vector_load_idx %arg14[%add3A_2774, %add3A_2778] : memref<512x16xf32, #tpu.memory_space<vmem>>[vector<16xi32>, vector<16xi32>], vector<16xf32>,
    %add3A_2780 = arith.constant 2 : i32
    %add3A_2781 = vector.broadcast %add3A_2780 : i32 to vector<16xi32>
    %add3A_2782 = arith.addi %broadcast_in_dim3A_3, %add3A_2781 : vector<16xi32>
    %gather3A_2783 = tpu.vector_load_idx %arg14[%add3A_2774, %add3A_2782] : memref<512x16xf32, #tpu.memory_space<vmem>>[vector<16xi32>, vector<16xi32>], vector<16xf32>,
    %add3A_2784 = arith.constant 3 : i32
    %add3A_2785 = vector.broadcast %add3A_2784 : i32 to vector<16xi32>
    %add3A_2786 = arith.addi %broadcast_in_dim3A_3, %add3A_2785 : vector<16xi32>
    %gather3A_2787 = tpu.vector_load_idx %arg14[%add3A_2774, %add3A_2786] : memref<512x16xf32, #tpu.memory_space<vmem>>[vector<16xi32>, vector<16xi32>], vector<16xf32>,
    %get3A_2788 = arith.constant 400 : index
    %get3A_2789 = tpu.vector_load %arg15[%get3A_2788] {strides = array<i32>} : memref<512xi32, #tpu.memory_space<vmem>>, vector<16xi32>,
    %mul3A_2790 = arith.constant 3 : i32
    %mul3A_2791 = vector.broadcast %mul3A_2790 : i32 to vector<16xi32>
    %mul3A_2792 = arith.muli %get3A_2789, %mul3A_2791 : vector<16xi32>
    %gather3A_2793 = tpu.vector_load_idx %arg19[%mul3A_2792] : memref<192xf32, #tpu.memory_space<vmem>>[vector<16xi32>], vector<16xf32>,
    %add3A_2794 = arith.constant 1 : i32
    %add3A_2795 = vector.broadcast %add3A_2794 : i32 to vector<16xi32>
    %add3A_2796 = arith.addi %mul3A_2792, %add3A_2795 : vector<16xi32>
    %gather3A_2797 = tpu.vector_load_idx %arg19[%add3A_2796] : memref<192xf32, #tpu.memory_space<vmem>>[vector<16xi32>], vector<16xf32>,
    %add3A_2798 = arith.constant 2 : i32
    %add3A_2799 = vector.broadcast %add3A_2798 : i32 to vector<16xi32>
    %add3A_2800 = arith.addi %mul3A_2792, %add3A_2799 : vector<16xi32>
    %gather3A_2801 = tpu.vector_load_idx %arg19[%add3A_2800] : memref<192xf32, #tpu.memory_space<vmem>>[vector<16xi32>], vector<16xf32>,
    %gather3A_2802 = tpu.vector_load_idx %arg20[%get3A_2789] : memref<64xf32, #tpu.memory_space<vmem>>[vector<16xi32>], vector<16xf32>,
    %get3A_2803 = arith.constant 400 : index
    %get3A_2804 = tpu.vector_load %arg16[%get3A_2803] {strides = array<i32>} : memref<512xi32, #tpu.memory_space<vmem>>, vector<16xi32>,
    %get3A_2805 = arith.constant 400 : index
    %get3A_2806 = tpu.vector_load %arg17[%get3A_2805] {strides = array<i32>} : memref<512xf32, #tpu.memory_space<vmem>>, vector<16xf32>,
    %get3A_2807 = arith.constant 400 : index
    %get3A_2808 = tpu.vector_load %arg18[%get3A_2807] {strides = array<i32>} : memref<512xf32, #tpu.memory_space<vmem>>, vector<16xf32>,
    %sub3A_2809 = arith.subf %gather3A_2775, %gather3A_2793 : vector<16xf32>
    %sub3A_2810 = arith.subf %gather3A_2779, %gather3A_2797 : vector<16xf32>
    %sub3A_2811 = arith.subf %gather3A_2783, %gather3A_2801 : vector<16xf32>
    %mul3A_2812 = arith.mulf %sub3A_2809, %sub3A_2809 : vector<16xf32>
    %mul3A_2813 = arith.mulf %sub3A_2810, %sub3A_2810 : vector<16xf32>
    %add3A_2814 = arith.addf %mul3A_2812, %mul3A_2813 : vector<16xf32>
    %mul3A_2815 = arith.mulf %sub3A_2811, %sub3A_2811 : vector<16xf32>
    %add3A_2816 = arith.addf %add3A_2814, %mul3A_2815 : vector<16xf32>
    %bitcast3A_2817 = vector.bitcast %add3A_2816 : vector<16xf32> to vector<16xi32>
    %shift_right_arithmetic3A_2818 = arith.constant 1 : i32
    %shift_right_arithmetic3A_2819 = vector.broadcast %shift_right_arithmetic3A_2818 : i32 to vector<16xi32>
    %shift_right_arithmetic3A_2820 = arith.shrsi %bitcast3A_2817, %shift_right_arithmetic3A_2819 : vector<16xi32>
    %sub3A_2821 = arith.constant 1597463007 : i32
    %sub3A_2822 = vector.broadcast %sub3A_2821 : i32 to vector<16xi32>
    %sub3A_2823 = arith.subi %sub3A_2822, %shift_right_arithmetic3A_2820 : vector<16xi32>
    %bitcast3A_2824 = vector.bitcast %sub3A_2823 : vector<16xi32> to vector<16xf32>
    %mul3A_2825 = arith.constant 5.000000e-01 : f32
    %mul3A_2826 = vector.broadcast %mul3A_2825 : f32 to vector<16xf32>
    %mul3A_2827 = arith.mulf %mul3A_2826, %add3A_2816 : vector<16xf32>
    %mul3A_2828 = arith.mulf %mul3A_2827, %bitcast3A_2824 : vector<16xf32>
    %mul3A_2829 = arith.mulf %mul3A_2828, %bitcast3A_2824 : vector<16xf32>
    %sub3A_2830 = arith.constant 1.500000e+00 : f32
    %sub3A_2831 = vector.broadcast %sub3A_2830 : f32 to vector<16xf32>
    %sub3A_2832 = arith.subf %sub3A_2831, %mul3A_2829 : vector<16xf32>
    %mul3A_2833 = arith.mulf %bitcast3A_2824, %sub3A_2832 : vector<16xf32>
    %mul3A_2834 = arith.mulf %mul3A_2827, %mul3A_2833 : vector<16xf32>
    %mul3A_2835 = arith.mulf %mul3A_2834, %mul3A_2833 : vector<16xf32>
    %sub3A_2836 = arith.constant 1.500000e+00 : f32
    %sub3A_2837 = vector.broadcast %sub3A_2836 : f32 to vector<16xf32>
    %sub3A_2838 = arith.subf %sub3A_2837, %mul3A_2835 : vector<16xf32>
    %mul3A_2839 = arith.mulf %mul3A_2833, %sub3A_2838 : vector<16xf32>
    %mul3A_2840 = arith.mulf %mul3A_2827, %mul3A_2839 : vector<16xf32>
    %mul3A_2841 = arith.mulf %mul3A_2840, %mul3A_2839 : vector<16xf32>
    %sub3A_2842 = arith.constant 1.500000e+00 : f32
    %sub3A_2843 = vector.broadcast %sub3A_2842 : f32 to vector<16xf32>
    %sub3A_2844 = arith.subf %sub3A_2843, %mul3A_2841 : vector<16xf32>
    %mul3A_2845 = arith.mulf %mul3A_2839, %sub3A_2844 : vector<16xf32>
    %gt3A_2846 = arith.constant 0.000000e+00 : f32
    %gt3A_2847 = vector.broadcast %gt3A_2846 : f32 to vector<16xf32>
    %gt3A_2848 = arith.cmpf ogt, %add3A_2816, %gt3A_2847 : vector<16xf32>
    %mul3A_2849 = arith.mulf %add3A_2816, %mul3A_2845 : vector<16xf32>
    %jit3A_2850 = arith.constant 0.000000e+00 : f32
    %broadcast_in_dim3A_2851 = vector.broadcast %jit3A_2850 : f32 to vector<16xf32>
    %select_n3A_2852 = arith.select %gt3A_2848, %mul3A_2849, %broadcast_in_dim3A_2851 : vector<16xi1>, vector<16xf32>
    %eq3A_2853 = arith.constant 0 : i32
    %eq3A_2854 = vector.broadcast %eq3A_2853 : i32 to vector<16xi32>
    %eq3A_2855 = arith.cmpi eq, %get3A_2804, %eq3A_2854 : vector<16xi32>
    %jit3A_2856 = arith.constant 6.000000e+00 : f32
    %jit3A_2857 = arith.constant 3.46820807 : f32
    %broadcast_in_dim3A_2858 = vector.broadcast %jit3A_2856 : f32 to vector<16xf32>
    %broadcast_in_dim3A_2859 = vector.broadcast %jit3A_2857 : f32 to vector<16xf32>
    %select_n3A_2860 = arith.select %eq3A_2855, %broadcast_in_dim3A_2858, %broadcast_in_dim3A_2859 : vector<16xi1>, vector<16xf32>
    %div3A_2861 = arith.divf %select_n3A_2852, %select_n3A_2860 : vector<16xf32>
    %add3A_2862 = arith.addf %gather3A_2787, %div3A_2861 : vector<16xf32>
    %add3A_2863 = arith.addf %add3A_2862, %gather3A_2802 : vector<16xf32>
    %sub3A_2864 = arith.subf %get3A_2806, %add3A_2863 : vector<16xf32>
    %swap3A_2865 = arith.constant 400 : index
    %swap3A_2866 = tpu.vector_load %arg21[%swap3A_2865] {strides = array<i32>} : memref<512xf32, #tpu.memory_space<vmem>>, vector<16xf32>,
    tpu.vector_store %arg21[%swap3A_2865], %add3A_2863 {strides = array<i32>} : memref<512xf32, #tpu.memory_space<vmem>>, vector<16xf32>,
    %swap3A_2867 = arith.constant 400 : index
    %swap3A_2868 = tpu.vector_load %arg22[%swap3A_2867] {strides = array<i32>} : memref<512xf32, #tpu.memory_space<vmem>>, vector<16xf32>,
    tpu.vector_store %arg22[%swap3A_2867], %sub3A_2864 {strides = array<i32>} : memref<512xf32, #tpu.memory_space<vmem>>, vector<16xf32>,
    %abs3A_2869 = math.absf %sub3A_2864 : vector<16xf32>
    %le3A_2870 = arith.constant 1.000000e+00 : f32
    %le3A_2871 = vector.broadcast %le3A_2870 : f32 to vector<16xf32>
    %le3A_2872 = arith.cmpf ole, %abs3A_2869, %le3A_2871 : vector<16xf32>
    %mul3A_2873 = arith.constant 5.000000e-01 : f32
    %mul3A_2874 = vector.broadcast %mul3A_2873 : f32 to vector<16xf32>
    %mul3A_2875 = arith.mulf %mul3A_2874, %sub3A_2864 : vector<16xf32>
    %mul3A_2876 = arith.mulf %mul3A_2875, %sub3A_2864 : vector<16xf32>
    %sub3A_2877 = arith.constant 5.000000e-01 : f32
    %sub3A_2878 = vector.broadcast %sub3A_2877 : f32 to vector<16xf32>
    %sub3A_2879 = arith.subf %abs3A_2869, %sub3A_2878 : vector<16xf32>
    %select_n3A_2880 = arith.select %le3A_2872, %mul3A_2876, %sub3A_2879 : vector<16xi1>, vector<16xf32>
    %mul3A_2881 = arith.mulf %select_n3A_2880, %get3A_2808 : vector<16xf32>
    %add3A_2882 = arith.addf %add3A_2771, %mul3A_2881 : vector<16xf32>
    %add3A_2883 = arith.constant 416 : i32
    %add3A_2884 = vector.broadcast %add3A_2883 : i32 to vector<16xi32>
    %add3A_2885 = arith.addi %iota3A, %add3A_2884 : vector<16xi32>
    %gather3A_2886 = tpu.vector_load_idx %arg14[%add3A_2885, %broadcast_in_dim3A_3] : memref<512x16xf32, #tpu.memory_space<vmem>>[vector<16xi32>, vector<16xi32>], vector<16xf32>,
    %add3A_2887 = arith.constant 1 : i32
    %add3A_2888 = vector.broadcast %add3A_2887 : i32 to vector<16xi32>
    %add3A_2889 = arith.addi %broadcast_in_dim3A_3, %add3A_2888 : vector<16xi32>
    %gather3A_2890 = tpu.vector_load_idx %arg14[%add3A_2885, %add3A_2889] : memref<512x16xf32, #tpu.memory_space<vmem>>[vector<16xi32>, vector<16xi32>], vector<16xf32>,
    %add3A_2891 = arith.constant 2 : i32
    %add3A_2892 = vector.broadcast %add3A_2891 : i32 to vector<16xi32>
    %add3A_2893 = arith.addi %broadcast_in_dim3A_3, %add3A_2892 : vector<16xi32>
    %gather3A_2894 = tpu.vector_load_idx %arg14[%add3A_2885, %add3A_2893] : memref<512x16xf32, #tpu.memory_space<vmem>>[vector<16xi32>, vector<16xi32>], vector<16xf32>,
    %add3A_2895 = arith.constant 3 : i32
    %add3A_2896 = vector.broadcast %add3A_2895 : i32 to vector<16xi32>
    %add3A_2897 = arith.addi %broadcast_in_dim3A_3, %add3A_2896 : vector<16xi32>
    %gather3A_2898 = tpu.vector_load_idx %arg14[%add3A_2885, %add3A_2897] : memref<512x16xf32, #tpu.memory_space<vmem>>[vector<16xi32>, vector<16xi32>], vector<16xf32>,
    %get3A_2899 = arith.constant 416 : index
    %get3A_2900 = tpu.vector_load %arg15[%get3A_2899] {strides = array<i32>} : memref<512xi32, #tpu.memory_space<vmem>>, vector<16xi32>,
    %mul3A_2901 = arith.constant 3 : i32
    %mul3A_2902 = vector.broadcast %mul3A_2901 : i32 to vector<16xi32>
    %mul3A_2903 = arith.muli %get3A_2900, %mul3A_2902 : vector<16xi32>
    %gather3A_2904 = tpu.vector_load_idx %arg19[%mul3A_2903] : memref<192xf32, #tpu.memory_space<vmem>>[vector<16xi32>], vector<16xf32>,
    %add3A_2905 = arith.constant 1 : i32
    %add3A_2906 = vector.broadcast %add3A_2905 : i32 to vector<16xi32>
    %add3A_2907 = arith.addi %mul3A_2903, %add3A_2906 : vector<16xi32>
    %gather3A_2908 = tpu.vector_load_idx %arg19[%add3A_2907] : memref<192xf32, #tpu.memory_space<vmem>>[vector<16xi32>], vector<16xf32>,
    %add3A_2909 = arith.constant 2 : i32
    %add3A_2910 = vector.broadcast %add3A_2909 : i32 to vector<16xi32>
    %add3A_2911 = arith.addi %mul3A_2903, %add3A_2910 : vector<16xi32>
    %gather3A_2912 = tpu.vector_load_idx %arg19[%add3A_2911] : memref<192xf32, #tpu.memory_space<vmem>>[vector<16xi32>], vector<16xf32>,
    %gather3A_2913 = tpu.vector_load_idx %arg20[%get3A_2900] : memref<64xf32, #tpu.memory_space<vmem>>[vector<16xi32>], vector<16xf32>,
    %get3A_2914 = arith.constant 416 : index
    %get3A_2915 = tpu.vector_load %arg16[%get3A_2914] {strides = array<i32>} : memref<512xi32, #tpu.memory_space<vmem>>, vector<16xi32>,
    %get3A_2916 = arith.constant 416 : index
    %get3A_2917 = tpu.vector_load %arg17[%get3A_2916] {strides = array<i32>} : memref<512xf32, #tpu.memory_space<vmem>>, vector<16xf32>,
    %get3A_2918 = arith.constant 416 : index
    %get3A_2919 = tpu.vector_load %arg18[%get3A_2918] {strides = array<i32>} : memref<512xf32, #tpu.memory_space<vmem>>, vector<16xf32>,
    %sub3A_2920 = arith.subf %gather3A_2886, %gather3A_2904 : vector<16xf32>
    %sub3A_2921 = arith.subf %gather3A_2890, %gather3A_2908 : vector<16xf32>
    %sub3A_2922 = arith.subf %gather3A_2894, %gather3A_2912 : vector<16xf32>
    %mul3A_2923 = arith.mulf %sub3A_2920, %sub3A_2920 : vector<16xf32>
    %mul3A_2924 = arith.mulf %sub3A_2921, %sub3A_2921 : vector<16xf32>
    %add3A_2925 = arith.addf %mul3A_2923, %mul3A_2924 : vector<16xf32>
    %mul3A_2926 = arith.mulf %sub3A_2922, %sub3A_2922 : vector<16xf32>
    %add3A_2927 = arith.addf %add3A_2925, %mul3A_2926 : vector<16xf32>
    %bitcast3A_2928 = vector.bitcast %add3A_2927 : vector<16xf32> to vector<16xi32>
    %shift_right_arithmetic3A_2929 = arith.constant 1 : i32
    %shift_right_arithmetic3A_2930 = vector.broadcast %shift_right_arithmetic3A_2929 : i32 to vector<16xi32>
    %shift_right_arithmetic3A_2931 = arith.shrsi %bitcast3A_2928, %shift_right_arithmetic3A_2930 : vector<16xi32>
    %sub3A_2932 = arith.constant 1597463007 : i32
    %sub3A_2933 = vector.broadcast %sub3A_2932 : i32 to vector<16xi32>
    %sub3A_2934 = arith.subi %sub3A_2933, %shift_right_arithmetic3A_2931 : vector<16xi32>
    %bitcast3A_2935 = vector.bitcast %sub3A_2934 : vector<16xi32> to vector<16xf32>
    %mul3A_2936 = arith.constant 5.000000e-01 : f32
    %mul3A_2937 = vector.broadcast %mul3A_2936 : f32 to vector<16xf32>
    %mul3A_2938 = arith.mulf %mul3A_2937, %add3A_2927 : vector<16xf32>
    %mul3A_2939 = arith.mulf %mul3A_2938, %bitcast3A_2935 : vector<16xf32>
    %mul3A_2940 = arith.mulf %mul3A_2939, %bitcast3A_2935 : vector<16xf32>
    %sub3A_2941 = arith.constant 1.500000e+00 : f32
    %sub3A_2942 = vector.broadcast %sub3A_2941 : f32 to vector<16xf32>
    %sub3A_2943 = arith.subf %sub3A_2942, %mul3A_2940 : vector<16xf32>
    %mul3A_2944 = arith.mulf %bitcast3A_2935, %sub3A_2943 : vector<16xf32>
    %mul3A_2945 = arith.mulf %mul3A_2938, %mul3A_2944 : vector<16xf32>
    %mul3A_2946 = arith.mulf %mul3A_2945, %mul3A_2944 : vector<16xf32>
    %sub3A_2947 = arith.constant 1.500000e+00 : f32
    %sub3A_2948 = vector.broadcast %sub3A_2947 : f32 to vector<16xf32>
    %sub3A_2949 = arith.subf %sub3A_2948, %mul3A_2946 : vector<16xf32>
    %mul3A_2950 = arith.mulf %mul3A_2944, %sub3A_2949 : vector<16xf32>
    %mul3A_2951 = arith.mulf %mul3A_2938, %mul3A_2950 : vector<16xf32>
    %mul3A_2952 = arith.mulf %mul3A_2951, %mul3A_2950 : vector<16xf32>
    %sub3A_2953 = arith.constant 1.500000e+00 : f32
    %sub3A_2954 = vector.broadcast %sub3A_2953 : f32 to vector<16xf32>
    %sub3A_2955 = arith.subf %sub3A_2954, %mul3A_2952 : vector<16xf32>
    %mul3A_2956 = arith.mulf %mul3A_2950, %sub3A_2955 : vector<16xf32>
    %gt3A_2957 = arith.constant 0.000000e+00 : f32
    %gt3A_2958 = vector.broadcast %gt3A_2957 : f32 to vector<16xf32>
    %gt3A_2959 = arith.cmpf ogt, %add3A_2927, %gt3A_2958 : vector<16xf32>
    %mul3A_2960 = arith.mulf %add3A_2927, %mul3A_2956 : vector<16xf32>
    %jit3A_2961 = arith.constant 0.000000e+00 : f32
    %broadcast_in_dim3A_2962 = vector.broadcast %jit3A_2961 : f32 to vector<16xf32>
    %select_n3A_2963 = arith.select %gt3A_2959, %mul3A_2960, %broadcast_in_dim3A_2962 : vector<16xi1>, vector<16xf32>
    %eq3A_2964 = arith.constant 0 : i32
    %eq3A_2965 = vector.broadcast %eq3A_2964 : i32 to vector<16xi32>
    %eq3A_2966 = arith.cmpi eq, %get3A_2915, %eq3A_2965 : vector<16xi32>
    %jit3A_2967 = arith.constant 6.000000e+00 : f32
    %jit3A_2968 = arith.constant 3.46820807 : f32
    %broadcast_in_dim3A_2969 = vector.broadcast %jit3A_2967 : f32 to vector<16xf32>
    %broadcast_in_dim3A_2970 = vector.broadcast %jit3A_2968 : f32 to vector<16xf32>
    %select_n3A_2971 = arith.select %eq3A_2966, %broadcast_in_dim3A_2969, %broadcast_in_dim3A_2970 : vector<16xi1>, vector<16xf32>
    %div3A_2972 = arith.divf %select_n3A_2963, %select_n3A_2971 : vector<16xf32>
    %add3A_2973 = arith.addf %gather3A_2898, %div3A_2972 : vector<16xf32>
    %add3A_2974 = arith.addf %add3A_2973, %gather3A_2913 : vector<16xf32>
    %sub3A_2975 = arith.subf %get3A_2917, %add3A_2974 : vector<16xf32>
    %swap3A_2976 = arith.constant 416 : index
    %swap3A_2977 = tpu.vector_load %arg21[%swap3A_2976] {strides = array<i32>} : memref<512xf32, #tpu.memory_space<vmem>>, vector<16xf32>,
    tpu.vector_store %arg21[%swap3A_2976], %add3A_2974 {strides = array<i32>} : memref<512xf32, #tpu.memory_space<vmem>>, vector<16xf32>,
    %swap3A_2978 = arith.constant 416 : index
    %swap3A_2979 = tpu.vector_load %arg22[%swap3A_2978] {strides = array<i32>} : memref<512xf32, #tpu.memory_space<vmem>>, vector<16xf32>,
    tpu.vector_store %arg22[%swap3A_2978], %sub3A_2975 {strides = array<i32>} : memref<512xf32, #tpu.memory_space<vmem>>, vector<16xf32>,
    %abs3A_2980 = math.absf %sub3A_2975 : vector<16xf32>
    %le3A_2981 = arith.constant 1.000000e+00 : f32
    %le3A_2982 = vector.broadcast %le3A_2981 : f32 to vector<16xf32>
    %le3A_2983 = arith.cmpf ole, %abs3A_2980, %le3A_2982 : vector<16xf32>
    %mul3A_2984 = arith.constant 5.000000e-01 : f32
    %mul3A_2985 = vector.broadcast %mul3A_2984 : f32 to vector<16xf32>
    %mul3A_2986 = arith.mulf %mul3A_2985, %sub3A_2975 : vector<16xf32>
    %mul3A_2987 = arith.mulf %mul3A_2986, %sub3A_2975 : vector<16xf32>
    %sub3A_2988 = arith.constant 5.000000e-01 : f32
    %sub3A_2989 = vector.broadcast %sub3A_2988 : f32 to vector<16xf32>
    %sub3A_2990 = arith.subf %abs3A_2980, %sub3A_2989 : vector<16xf32>
    %select_n3A_2991 = arith.select %le3A_2983, %mul3A_2987, %sub3A_2990 : vector<16xi1>, vector<16xf32>
    %mul3A_2992 = arith.mulf %select_n3A_2991, %get3A_2919 : vector<16xf32>
    %add3A_2993 = arith.addf %add3A_2882, %mul3A_2992 : vector<16xf32>
    %add3A_2994 = arith.constant 432 : i32
    %add3A_2995 = vector.broadcast %add3A_2994 : i32 to vector<16xi32>
    %add3A_2996 = arith.addi %iota3A, %add3A_2995 : vector<16xi32>
    %gather3A_2997 = tpu.vector_load_idx %arg14[%add3A_2996, %broadcast_in_dim3A_3] : memref<512x16xf32, #tpu.memory_space<vmem>>[vector<16xi32>, vector<16xi32>], vector<16xf32>,
    %add3A_2998 = arith.constant 1 : i32
    %add3A_2999 = vector.broadcast %add3A_2998 : i32 to vector<16xi32>
    %add3A_3000 = arith.addi %broadcast_in_dim3A_3, %add3A_2999 : vector<16xi32>
    %gather3A_3001 = tpu.vector_load_idx %arg14[%add3A_2996, %add3A_3000] : memref<512x16xf32, #tpu.memory_space<vmem>>[vector<16xi32>, vector<16xi32>], vector<16xf32>,
    %add3A_3002 = arith.constant 2 : i32
    %add3A_3003 = vector.broadcast %add3A_3002 : i32 to vector<16xi32>
    %add3A_3004 = arith.addi %broadcast_in_dim3A_3, %add3A_3003 : vector<16xi32>
    %gather3A_3005 = tpu.vector_load_idx %arg14[%add3A_2996, %add3A_3004] : memref<512x16xf32, #tpu.memory_space<vmem>>[vector<16xi32>, vector<16xi32>], vector<16xf32>,
    %add3A_3006 = arith.constant 3 : i32
    %add3A_3007 = vector.broadcast %add3A_3006 : i32 to vector<16xi32>
    %add3A_3008 = arith.addi %broadcast_in_dim3A_3, %add3A_3007 : vector<16xi32>
    %gather3A_3009 = tpu.vector_load_idx %arg14[%add3A_2996, %add3A_3008] : memref<512x16xf32, #tpu.memory_space<vmem>>[vector<16xi32>, vector<16xi32>], vector<16xf32>,
    %get3A_3010 = arith.constant 432 : index
    %get3A_3011 = tpu.vector_load %arg15[%get3A_3010] {strides = array<i32>} : memref<512xi32, #tpu.memory_space<vmem>>, vector<16xi32>,
    %mul3A_3012 = arith.constant 3 : i32
    %mul3A_3013 = vector.broadcast %mul3A_3012 : i32 to vector<16xi32>
    %mul3A_3014 = arith.muli %get3A_3011, %mul3A_3013 : vector<16xi32>
    %gather3A_3015 = tpu.vector_load_idx %arg19[%mul3A_3014] : memref<192xf32, #tpu.memory_space<vmem>>[vector<16xi32>], vector<16xf32>,
    %add3A_3016 = arith.constant 1 : i32
    %add3A_3017 = vector.broadcast %add3A_3016 : i32 to vector<16xi32>
    %add3A_3018 = arith.addi %mul3A_3014, %add3A_3017 : vector<16xi32>
    %gather3A_3019 = tpu.vector_load_idx %arg19[%add3A_3018] : memref<192xf32, #tpu.memory_space<vmem>>[vector<16xi32>], vector<16xf32>,
    %add3A_3020 = arith.constant 2 : i32
    %add3A_3021 = vector.broadcast %add3A_3020 : i32 to vector<16xi32>
    %add3A_3022 = arith.addi %mul3A_3014, %add3A_3021 : vector<16xi32>
    %gather3A_3023 = tpu.vector_load_idx %arg19[%add3A_3022] : memref<192xf32, #tpu.memory_space<vmem>>[vector<16xi32>], vector<16xf32>,
    %gather3A_3024 = tpu.vector_load_idx %arg20[%get3A_3011] : memref<64xf32, #tpu.memory_space<vmem>>[vector<16xi32>], vector<16xf32>,
    %get3A_3025 = arith.constant 432 : index
    %get3A_3026 = tpu.vector_load %arg16[%get3A_3025] {strides = array<i32>} : memref<512xi32, #tpu.memory_space<vmem>>, vector<16xi32>,
    %get3A_3027 = arith.constant 432 : index
    %get3A_3028 = tpu.vector_load %arg17[%get3A_3027] {strides = array<i32>} : memref<512xf32, #tpu.memory_space<vmem>>, vector<16xf32>,
    %get3A_3029 = arith.constant 432 : index
    %get3A_3030 = tpu.vector_load %arg18[%get3A_3029] {strides = array<i32>} : memref<512xf32, #tpu.memory_space<vmem>>, vector<16xf32>,
    %sub3A_3031 = arith.subf %gather3A_2997, %gather3A_3015 : vector<16xf32>
    %sub3A_3032 = arith.subf %gather3A_3001, %gather3A_3019 : vector<16xf32>
    %sub3A_3033 = arith.subf %gather3A_3005, %gather3A_3023 : vector<16xf32>
    %mul3A_3034 = arith.mulf %sub3A_3031, %sub3A_3031 : vector<16xf32>
    %mul3A_3035 = arith.mulf %sub3A_3032, %sub3A_3032 : vector<16xf32>
    %add3A_3036 = arith.addf %mul3A_3034, %mul3A_3035 : vector<16xf32>
    %mul3A_3037 = arith.mulf %sub3A_3033, %sub3A_3033 : vector<16xf32>
    %add3A_3038 = arith.addf %add3A_3036, %mul3A_3037 : vector<16xf32>
    %bitcast3A_3039 = vector.bitcast %add3A_3038 : vector<16xf32> to vector<16xi32>
    %shift_right_arithmetic3A_3040 = arith.constant 1 : i32
    %shift_right_arithmetic3A_3041 = vector.broadcast %shift_right_arithmetic3A_3040 : i32 to vector<16xi32>
    %shift_right_arithmetic3A_3042 = arith.shrsi %bitcast3A_3039, %shift_right_arithmetic3A_3041 : vector<16xi32>
    %sub3A_3043 = arith.constant 1597463007 : i32
    %sub3A_3044 = vector.broadcast %sub3A_3043 : i32 to vector<16xi32>
    %sub3A_3045 = arith.subi %sub3A_3044, %shift_right_arithmetic3A_3042 : vector<16xi32>
    %bitcast3A_3046 = vector.bitcast %sub3A_3045 : vector<16xi32> to vector<16xf32>
    %mul3A_3047 = arith.constant 5.000000e-01 : f32
    %mul3A_3048 = vector.broadcast %mul3A_3047 : f32 to vector<16xf32>
    %mul3A_3049 = arith.mulf %mul3A_3048, %add3A_3038 : vector<16xf32>
    %mul3A_3050 = arith.mulf %mul3A_3049, %bitcast3A_3046 : vector<16xf32>
    %mul3A_3051 = arith.mulf %mul3A_3050, %bitcast3A_3046 : vector<16xf32>
    %sub3A_3052 = arith.constant 1.500000e+00 : f32
    %sub3A_3053 = vector.broadcast %sub3A_3052 : f32 to vector<16xf32>
    %sub3A_3054 = arith.subf %sub3A_3053, %mul3A_3051 : vector<16xf32>
    %mul3A_3055 = arith.mulf %bitcast3A_3046, %sub3A_3054 : vector<16xf32>
    %mul3A_3056 = arith.mulf %mul3A_3049, %mul3A_3055 : vector<16xf32>
    %mul3A_3057 = arith.mulf %mul3A_3056, %mul3A_3055 : vector<16xf32>
    %sub3A_3058 = arith.constant 1.500000e+00 : f32
    %sub3A_3059 = vector.broadcast %sub3A_3058 : f32 to vector<16xf32>
    %sub3A_3060 = arith.subf %sub3A_3059, %mul3A_3057 : vector<16xf32>
    %mul3A_3061 = arith.mulf %mul3A_3055, %sub3A_3060 : vector<16xf32>
    %mul3A_3062 = arith.mulf %mul3A_3049, %mul3A_3061 : vector<16xf32>
    %mul3A_3063 = arith.mulf %mul3A_3062, %mul3A_3061 : vector<16xf32>
    %sub3A_3064 = arith.constant 1.500000e+00 : f32
    %sub3A_3065 = vector.broadcast %sub3A_3064 : f32 to vector<16xf32>
    %sub3A_3066 = arith.subf %sub3A_3065, %mul3A_3063 : vector<16xf32>
    %mul3A_3067 = arith.mulf %mul3A_3061, %sub3A_3066 : vector<16xf32>
    %gt3A_3068 = arith.constant 0.000000e+00 : f32
    %gt3A_3069 = vector.broadcast %gt3A_3068 : f32 to vector<16xf32>
    %gt3A_3070 = arith.cmpf ogt, %add3A_3038, %gt3A_3069 : vector<16xf32>
    %mul3A_3071 = arith.mulf %add3A_3038, %mul3A_3067 : vector<16xf32>
    %jit3A_3072 = arith.constant 0.000000e+00 : f32
    %broadcast_in_dim3A_3073 = vector.broadcast %jit3A_3072 : f32 to vector<16xf32>
    %select_n3A_3074 = arith.select %gt3A_3070, %mul3A_3071, %broadcast_in_dim3A_3073 : vector<16xi1>, vector<16xf32>
    %eq3A_3075 = arith.constant 0 : i32
    %eq3A_3076 = vector.broadcast %eq3A_3075 : i32 to vector<16xi32>
    %eq3A_3077 = arith.cmpi eq, %get3A_3026, %eq3A_3076 : vector<16xi32>
    %jit3A_3078 = arith.constant 6.000000e+00 : f32
    %jit3A_3079 = arith.constant 3.46820807 : f32
    %broadcast_in_dim3A_3080 = vector.broadcast %jit3A_3078 : f32 to vector<16xf32>
    %broadcast_in_dim3A_3081 = vector.broadcast %jit3A_3079 : f32 to vector<16xf32>
    %select_n3A_3082 = arith.select %eq3A_3077, %broadcast_in_dim3A_3080, %broadcast_in_dim3A_3081 : vector<16xi1>, vector<16xf32>
    %div3A_3083 = arith.divf %select_n3A_3074, %select_n3A_3082 : vector<16xf32>
    %add3A_3084 = arith.addf %gather3A_3009, %div3A_3083 : vector<16xf32>
    %add3A_3085 = arith.addf %add3A_3084, %gather3A_3024 : vector<16xf32>
    %sub3A_3086 = arith.subf %get3A_3028, %add3A_3085 : vector<16xf32>
    %swap3A_3087 = arith.constant 432 : index
    %swap3A_3088 = tpu.vector_load %arg21[%swap3A_3087] {strides = array<i32>} : memref<512xf32, #tpu.memory_space<vmem>>, vector<16xf32>,
    tpu.vector_store %arg21[%swap3A_3087], %add3A_3085 {strides = array<i32>} : memref<512xf32, #tpu.memory_space<vmem>>, vector<16xf32>,
    %swap3A_3089 = arith.constant 432 : index
    %swap3A_3090 = tpu.vector_load %arg22[%swap3A_3089] {strides = array<i32>} : memref<512xf32, #tpu.memory_space<vmem>>, vector<16xf32>,
    tpu.vector_store %arg22[%swap3A_3089], %sub3A_3086 {strides = array<i32>} : memref<512xf32, #tpu.memory_space<vmem>>, vector<16xf32>,
    %abs3A_3091 = math.absf %sub3A_3086 : vector<16xf32>
    %le3A_3092 = arith.constant 1.000000e+00 : f32
    %le3A_3093 = vector.broadcast %le3A_3092 : f32 to vector<16xf32>
    %le3A_3094 = arith.cmpf ole, %abs3A_3091, %le3A_3093 : vector<16xf32>
    %mul3A_3095 = arith.constant 5.000000e-01 : f32
    %mul3A_3096 = vector.broadcast %mul3A_3095 : f32 to vector<16xf32>
    %mul3A_3097 = arith.mulf %mul3A_3096, %sub3A_3086 : vector<16xf32>
    %mul3A_3098 = arith.mulf %mul3A_3097, %sub3A_3086 : vector<16xf32>
    %sub3A_3099 = arith.constant 5.000000e-01 : f32
    %sub3A_3100 = vector.broadcast %sub3A_3099 : f32 to vector<16xf32>
    %sub3A_3101 = arith.subf %abs3A_3091, %sub3A_3100 : vector<16xf32>
    %select_n3A_3102 = arith.select %le3A_3094, %mul3A_3098, %sub3A_3101 : vector<16xi1>, vector<16xf32>
    %mul3A_3103 = arith.mulf %select_n3A_3102, %get3A_3030 : vector<16xf32>
    %add3A_3104 = arith.addf %add3A_2993, %mul3A_3103 : vector<16xf32>
    %add3A_3105 = arith.constant 448 : i32
    %add3A_3106 = vector.broadcast %add3A_3105 : i32 to vector<16xi32>
    %add3A_3107 = arith.addi %iota3A, %add3A_3106 : vector<16xi32>
    %gather3A_3108 = tpu.vector_load_idx %arg14[%add3A_3107, %broadcast_in_dim3A_3] : memref<512x16xf32, #tpu.memory_space<vmem>>[vector<16xi32>, vector<16xi32>], vector<16xf32>,
    %add3A_3109 = arith.constant 1 : i32
    %add3A_3110 = vector.broadcast %add3A_3109 : i32 to vector<16xi32>
    %add3A_3111 = arith.addi %broadcast_in_dim3A_3, %add3A_3110 : vector<16xi32>
    %gather3A_3112 = tpu.vector_load_idx %arg14[%add3A_3107, %add3A_3111] : memref<512x16xf32, #tpu.memory_space<vmem>>[vector<16xi32>, vector<16xi32>], vector<16xf32>,
    %add3A_3113 = arith.constant 2 : i32
    %add3A_3114 = vector.broadcast %add3A_3113 : i32 to vector<16xi32>
    %add3A_3115 = arith.addi %broadcast_in_dim3A_3, %add3A_3114 : vector<16xi32>
    %gather3A_3116 = tpu.vector_load_idx %arg14[%add3A_3107, %add3A_3115] : memref<512x16xf32, #tpu.memory_space<vmem>>[vector<16xi32>, vector<16xi32>], vector<16xf32>,
    %add3A_3117 = arith.constant 3 : i32
    %add3A_3118 = vector.broadcast %add3A_3117 : i32 to vector<16xi32>
    %add3A_3119 = arith.addi %broadcast_in_dim3A_3, %add3A_3118 : vector<16xi32>
    %gather3A_3120 = tpu.vector_load_idx %arg14[%add3A_3107, %add3A_3119] : memref<512x16xf32, #tpu.memory_space<vmem>>[vector<16xi32>, vector<16xi32>], vector<16xf32>,
    %get3A_3121 = arith.constant 448 : index
    %get3A_3122 = tpu.vector_load %arg15[%get3A_3121] {strides = array<i32>} : memref<512xi32, #tpu.memory_space<vmem>>, vector<16xi32>,
    %mul3A_3123 = arith.constant 3 : i32
    %mul3A_3124 = vector.broadcast %mul3A_3123 : i32 to vector<16xi32>
    %mul3A_3125 = arith.muli %get3A_3122, %mul3A_3124 : vector<16xi32>
    %gather3A_3126 = tpu.vector_load_idx %arg19[%mul3A_3125] : memref<192xf32, #tpu.memory_space<vmem>>[vector<16xi32>], vector<16xf32>,
    %add3A_3127 = arith.constant 1 : i32
    %add3A_3128 = vector.broadcast %add3A_3127 : i32 to vector<16xi32>
    %add3A_3129 = arith.addi %mul3A_3125, %add3A_3128 : vector<16xi32>
    %gather3A_3130 = tpu.vector_load_idx %arg19[%add3A_3129] : memref<192xf32, #tpu.memory_space<vmem>>[vector<16xi32>], vector<16xf32>,
    %add3A_3131 = arith.constant 2 : i32
    %add3A_3132 = vector.broadcast %add3A_3131 : i32 to vector<16xi32>
    %add3A_3133 = arith.addi %mul3A_3125, %add3A_3132 : vector<16xi32>
    %gather3A_3134 = tpu.vector_load_idx %arg19[%add3A_3133] : memref<192xf32, #tpu.memory_space<vmem>>[vector<16xi32>], vector<16xf32>,
    %gather3A_3135 = tpu.vector_load_idx %arg20[%get3A_3122] : memref<64xf32, #tpu.memory_space<vmem>>[vector<16xi32>], vector<16xf32>,
    %get3A_3136 = arith.constant 448 : index
    %get3A_3137 = tpu.vector_load %arg16[%get3A_3136] {strides = array<i32>} : memref<512xi32, #tpu.memory_space<vmem>>, vector<16xi32>,
    %get3A_3138 = arith.constant 448 : index
    %get3A_3139 = tpu.vector_load %arg17[%get3A_3138] {strides = array<i32>} : memref<512xf32, #tpu.memory_space<vmem>>, vector<16xf32>,
    %get3A_3140 = arith.constant 448 : index
    %get3A_3141 = tpu.vector_load %arg18[%get3A_3140] {strides = array<i32>} : memref<512xf32, #tpu.memory_space<vmem>>, vector<16xf32>,
    %sub3A_3142 = arith.subf %gather3A_3108, %gather3A_3126 : vector<16xf32>
    %sub3A_3143 = arith.subf %gather3A_3112, %gather3A_3130 : vector<16xf32>
    %sub3A_3144 = arith.subf %gather3A_3116, %gather3A_3134 : vector<16xf32>
    %mul3A_3145 = arith.mulf %sub3A_3142, %sub3A_3142 : vector<16xf32>
    %mul3A_3146 = arith.mulf %sub3A_3143, %sub3A_3143 : vector<16xf32>
    %add3A_3147 = arith.addf %mul3A_3145, %mul3A_3146 : vector<16xf32>
    %mul3A_3148 = arith.mulf %sub3A_3144, %sub3A_3144 : vector<16xf32>
    %add3A_3149 = arith.addf %add3A_3147, %mul3A_3148 : vector<16xf32>
    %bitcast3A_3150 = vector.bitcast %add3A_3149 : vector<16xf32> to vector<16xi32>
    %shift_right_arithmetic3A_3151 = arith.constant 1 : i32
    %shift_right_arithmetic3A_3152 = vector.broadcast %shift_right_arithmetic3A_3151 : i32 to vector<16xi32>
    %shift_right_arithmetic3A_3153 = arith.shrsi %bitcast3A_3150, %shift_right_arithmetic3A_3152 : vector<16xi32>
    %sub3A_3154 = arith.constant 1597463007 : i32
    %sub3A_3155 = vector.broadcast %sub3A_3154 : i32 to vector<16xi32>
    %sub3A_3156 = arith.subi %sub3A_3155, %shift_right_arithmetic3A_3153 : vector<16xi32>
    %bitcast3A_3157 = vector.bitcast %sub3A_3156 : vector<16xi32> to vector<16xf32>
    %mul3A_3158 = arith.constant 5.000000e-01 : f32
    %mul3A_3159 = vector.broadcast %mul3A_3158 : f32 to vector<16xf32>
    %mul3A_3160 = arith.mulf %mul3A_3159, %add3A_3149 : vector<16xf32>
    %mul3A_3161 = arith.mulf %mul3A_3160, %bitcast3A_3157 : vector<16xf32>
    %mul3A_3162 = arith.mulf %mul3A_3161, %bitcast3A_3157 : vector<16xf32>
    %sub3A_3163 = arith.constant 1.500000e+00 : f32
    %sub3A_3164 = vector.broadcast %sub3A_3163 : f32 to vector<16xf32>
    %sub3A_3165 = arith.subf %sub3A_3164, %mul3A_3162 : vector<16xf32>
    %mul3A_3166 = arith.mulf %bitcast3A_3157, %sub3A_3165 : vector<16xf32>
    %mul3A_3167 = arith.mulf %mul3A_3160, %mul3A_3166 : vector<16xf32>
    %mul3A_3168 = arith.mulf %mul3A_3167, %mul3A_3166 : vector<16xf32>
    %sub3A_3169 = arith.constant 1.500000e+00 : f32
    %sub3A_3170 = vector.broadcast %sub3A_3169 : f32 to vector<16xf32>
    %sub3A_3171 = arith.subf %sub3A_3170, %mul3A_3168 : vector<16xf32>
    %mul3A_3172 = arith.mulf %mul3A_3166, %sub3A_3171 : vector<16xf32>
    %mul3A_3173 = arith.mulf %mul3A_3160, %mul3A_3172 : vector<16xf32>
    %mul3A_3174 = arith.mulf %mul3A_3173, %mul3A_3172 : vector<16xf32>
    %sub3A_3175 = arith.constant 1.500000e+00 : f32
    %sub3A_3176 = vector.broadcast %sub3A_3175 : f32 to vector<16xf32>
    %sub3A_3177 = arith.subf %sub3A_3176, %mul3A_3174 : vector<16xf32>
    %mul3A_3178 = arith.mulf %mul3A_3172, %sub3A_3177 : vector<16xf32>
    %gt3A_3179 = arith.constant 0.000000e+00 : f32
    %gt3A_3180 = vector.broadcast %gt3A_3179 : f32 to vector<16xf32>
    %gt3A_3181 = arith.cmpf ogt, %add3A_3149, %gt3A_3180 : vector<16xf32>
    %mul3A_3182 = arith.mulf %add3A_3149, %mul3A_3178 : vector<16xf32>
    %jit3A_3183 = arith.constant 0.000000e+00 : f32
    %broadcast_in_dim3A_3184 = vector.broadcast %jit3A_3183 : f32 to vector<16xf32>
    %select_n3A_3185 = arith.select %gt3A_3181, %mul3A_3182, %broadcast_in_dim3A_3184 : vector<16xi1>, vector<16xf32>
    %eq3A_3186 = arith.constant 0 : i32
    %eq3A_3187 = vector.broadcast %eq3A_3186 : i32 to vector<16xi32>
    %eq3A_3188 = arith.cmpi eq, %get3A_3137, %eq3A_3187 : vector<16xi32>
    %jit3A_3189 = arith.constant 6.000000e+00 : f32
    %jit3A_3190 = arith.constant 3.46820807 : f32
    %broadcast_in_dim3A_3191 = vector.broadcast %jit3A_3189 : f32 to vector<16xf32>
    %broadcast_in_dim3A_3192 = vector.broadcast %jit3A_3190 : f32 to vector<16xf32>
    %select_n3A_3193 = arith.select %eq3A_3188, %broadcast_in_dim3A_3191, %broadcast_in_dim3A_3192 : vector<16xi1>, vector<16xf32>
    %div3A_3194 = arith.divf %select_n3A_3185, %select_n3A_3193 : vector<16xf32>
    %add3A_3195 = arith.addf %gather3A_3120, %div3A_3194 : vector<16xf32>
    %add3A_3196 = arith.addf %add3A_3195, %gather3A_3135 : vector<16xf32>
    %sub3A_3197 = arith.subf %get3A_3139, %add3A_3196 : vector<16xf32>
    %swap3A_3198 = arith.constant 448 : index
    %swap3A_3199 = tpu.vector_load %arg21[%swap3A_3198] {strides = array<i32>} : memref<512xf32, #tpu.memory_space<vmem>>, vector<16xf32>,
    tpu.vector_store %arg21[%swap3A_3198], %add3A_3196 {strides = array<i32>} : memref<512xf32, #tpu.memory_space<vmem>>, vector<16xf32>,
    %swap3A_3200 = arith.constant 448 : index
    %swap3A_3201 = tpu.vector_load %arg22[%swap3A_3200] {strides = array<i32>} : memref<512xf32, #tpu.memory_space<vmem>>, vector<16xf32>,
    tpu.vector_store %arg22[%swap3A_3200], %sub3A_3197 {strides = array<i32>} : memref<512xf32, #tpu.memory_space<vmem>>, vector<16xf32>,
    %abs3A_3202 = math.absf %sub3A_3197 : vector<16xf32>
    %le3A_3203 = arith.constant 1.000000e+00 : f32
    %le3A_3204 = vector.broadcast %le3A_3203 : f32 to vector<16xf32>
    %le3A_3205 = arith.cmpf ole, %abs3A_3202, %le3A_3204 : vector<16xf32>
    %mul3A_3206 = arith.constant 5.000000e-01 : f32
    %mul3A_3207 = vector.broadcast %mul3A_3206 : f32 to vector<16xf32>
    %mul3A_3208 = arith.mulf %mul3A_3207, %sub3A_3197 : vector<16xf32>
    %mul3A_3209 = arith.mulf %mul3A_3208, %sub3A_3197 : vector<16xf32>
    %sub3A_3210 = arith.constant 5.000000e-01 : f32
    %sub3A_3211 = vector.broadcast %sub3A_3210 : f32 to vector<16xf32>
    %sub3A_3212 = arith.subf %abs3A_3202, %sub3A_3211 : vector<16xf32>
    %select_n3A_3213 = arith.select %le3A_3205, %mul3A_3209, %sub3A_3212 : vector<16xi1>, vector<16xf32>
    %mul3A_3214 = arith.mulf %select_n3A_3213, %get3A_3141 : vector<16xf32>
    %add3A_3215 = arith.addf %add3A_3104, %mul3A_3214 : vector<16xf32>
    %add3A_3216 = arith.constant 464 : i32
    %add3A_3217 = vector.broadcast %add3A_3216 : i32 to vector<16xi32>
    %add3A_3218 = arith.addi %iota3A, %add3A_3217 : vector<16xi32>
    %gather3A_3219 = tpu.vector_load_idx %arg14[%add3A_3218, %broadcast_in_dim3A_3] : memref<512x16xf32, #tpu.memory_space<vmem>>[vector<16xi32>, vector<16xi32>], vector<16xf32>,
    %add3A_3220 = arith.constant 1 : i32
    %add3A_3221 = vector.broadcast %add3A_3220 : i32 to vector<16xi32>
    %add3A_3222 = arith.addi %broadcast_in_dim3A_3, %add3A_3221 : vector<16xi32>
    %gather3A_3223 = tpu.vector_load_idx %arg14[%add3A_3218, %add3A_3222] : memref<512x16xf32, #tpu.memory_space<vmem>>[vector<16xi32>, vector<16xi32>], vector<16xf32>,
    %add3A_3224 = arith.constant 2 : i32
    %add3A_3225 = vector.broadcast %add3A_3224 : i32 to vector<16xi32>
    %add3A_3226 = arith.addi %broadcast_in_dim3A_3, %add3A_3225 : vector<16xi32>
    %gather3A_3227 = tpu.vector_load_idx %arg14[%add3A_3218, %add3A_3226] : memref<512x16xf32, #tpu.memory_space<vmem>>[vector<16xi32>, vector<16xi32>], vector<16xf32>,
    %add3A_3228 = arith.constant 3 : i32
    %add3A_3229 = vector.broadcast %add3A_3228 : i32 to vector<16xi32>
    %add3A_3230 = arith.addi %broadcast_in_dim3A_3, %add3A_3229 : vector<16xi32>
    %gather3A_3231 = tpu.vector_load_idx %arg14[%add3A_3218, %add3A_3230] : memref<512x16xf32, #tpu.memory_space<vmem>>[vector<16xi32>, vector<16xi32>], vector<16xf32>,
    %get3A_3232 = arith.constant 464 : index
    %get3A_3233 = tpu.vector_load %arg15[%get3A_3232] {strides = array<i32>} : memref<512xi32, #tpu.memory_space<vmem>>, vector<16xi32>,
    %mul3A_3234 = arith.constant 3 : i32
    %mul3A_3235 = vector.broadcast %mul3A_3234 : i32 to vector<16xi32>
    %mul3A_3236 = arith.muli %get3A_3233, %mul3A_3235 : vector<16xi32>
    %gather3A_3237 = tpu.vector_load_idx %arg19[%mul3A_3236] : memref<192xf32, #tpu.memory_space<vmem>>[vector<16xi32>], vector<16xf32>,
    %add3A_3238 = arith.constant 1 : i32
    %add3A_3239 = vector.broadcast %add3A_3238 : i32 to vector<16xi32>
    %add3A_3240 = arith.addi %mul3A_3236, %add3A_3239 : vector<16xi32>
    %gather3A_3241 = tpu.vector_load_idx %arg19[%add3A_3240] : memref<192xf32, #tpu.memory_space<vmem>>[vector<16xi32>], vector<16xf32>,
    %add3A_3242 = arith.constant 2 : i32
    %add3A_3243 = vector.broadcast %add3A_3242 : i32 to vector<16xi32>
    %add3A_3244 = arith.addi %mul3A_3236, %add3A_3243 : vector<16xi32>
    %gather3A_3245 = tpu.vector_load_idx %arg19[%add3A_3244] : memref<192xf32, #tpu.memory_space<vmem>>[vector<16xi32>], vector<16xf32>,
    %gather3A_3246 = tpu.vector_load_idx %arg20[%get3A_3233] : memref<64xf32, #tpu.memory_space<vmem>>[vector<16xi32>], vector<16xf32>,
    %get3A_3247 = arith.constant 464 : index
    %get3A_3248 = tpu.vector_load %arg16[%get3A_3247] {strides = array<i32>} : memref<512xi32, #tpu.memory_space<vmem>>, vector<16xi32>,
    %get3A_3249 = arith.constant 464 : index
    %get3A_3250 = tpu.vector_load %arg17[%get3A_3249] {strides = array<i32>} : memref<512xf32, #tpu.memory_space<vmem>>, vector<16xf32>,
    %get3A_3251 = arith.constant 464 : index
    %get3A_3252 = tpu.vector_load %arg18[%get3A_3251] {strides = array<i32>} : memref<512xf32, #tpu.memory_space<vmem>>, vector<16xf32>,
    %sub3A_3253 = arith.subf %gather3A_3219, %gather3A_3237 : vector<16xf32>
    %sub3A_3254 = arith.subf %gather3A_3223, %gather3A_3241 : vector<16xf32>
    %sub3A_3255 = arith.subf %gather3A_3227, %gather3A_3245 : vector<16xf32>
    %mul3A_3256 = arith.mulf %sub3A_3253, %sub3A_3253 : vector<16xf32>
    %mul3A_3257 = arith.mulf %sub3A_3254, %sub3A_3254 : vector<16xf32>
    %add3A_3258 = arith.addf %mul3A_3256, %mul3A_3257 : vector<16xf32>
    %mul3A_3259 = arith.mulf %sub3A_3255, %sub3A_3255 : vector<16xf32>
    %add3A_3260 = arith.addf %add3A_3258, %mul3A_3259 : vector<16xf32>
    %bitcast3A_3261 = vector.bitcast %add3A_3260 : vector<16xf32> to vector<16xi32>
    %shift_right_arithmetic3A_3262 = arith.constant 1 : i32
    %shift_right_arithmetic3A_3263 = vector.broadcast %shift_right_arithmetic3A_3262 : i32 to vector<16xi32>
    %shift_right_arithmetic3A_3264 = arith.shrsi %bitcast3A_3261, %shift_right_arithmetic3A_3263 : vector<16xi32>
    %sub3A_3265 = arith.constant 1597463007 : i32
    %sub3A_3266 = vector.broadcast %sub3A_3265 : i32 to vector<16xi32>
    %sub3A_3267 = arith.subi %sub3A_3266, %shift_right_arithmetic3A_3264 : vector<16xi32>
    %bitcast3A_3268 = vector.bitcast %sub3A_3267 : vector<16xi32> to vector<16xf32>
    %mul3A_3269 = arith.constant 5.000000e-01 : f32
    %mul3A_3270 = vector.broadcast %mul3A_3269 : f32 to vector<16xf32>
    %mul3A_3271 = arith.mulf %mul3A_3270, %add3A_3260 : vector<16xf32>
    %mul3A_3272 = arith.mulf %mul3A_3271, %bitcast3A_3268 : vector<16xf32>
    %mul3A_3273 = arith.mulf %mul3A_3272, %bitcast3A_3268 : vector<16xf32>
    %sub3A_3274 = arith.constant 1.500000e+00 : f32
    %sub3A_3275 = vector.broadcast %sub3A_3274 : f32 to vector<16xf32>
    %sub3A_3276 = arith.subf %sub3A_3275, %mul3A_3273 : vector<16xf32>
    %mul3A_3277 = arith.mulf %bitcast3A_3268, %sub3A_3276 : vector<16xf32>
    %mul3A_3278 = arith.mulf %mul3A_3271, %mul3A_3277 : vector<16xf32>
    %mul3A_3279 = arith.mulf %mul3A_3278, %mul3A_3277 : vector<16xf32>
    %sub3A_3280 = arith.constant 1.500000e+00 : f32
    %sub3A_3281 = vector.broadcast %sub3A_3280 : f32 to vector<16xf32>
    %sub3A_3282 = arith.subf %sub3A_3281, %mul3A_3279 : vector<16xf32>
    %mul3A_3283 = arith.mulf %mul3A_3277, %sub3A_3282 : vector<16xf32>
    %mul3A_3284 = arith.mulf %mul3A_3271, %mul3A_3283 : vector<16xf32>
    %mul3A_3285 = arith.mulf %mul3A_3284, %mul3A_3283 : vector<16xf32>
    %sub3A_3286 = arith.constant 1.500000e+00 : f32
    %sub3A_3287 = vector.broadcast %sub3A_3286 : f32 to vector<16xf32>
    %sub3A_3288 = arith.subf %sub3A_3287, %mul3A_3285 : vector<16xf32>
    %mul3A_3289 = arith.mulf %mul3A_3283, %sub3A_3288 : vector<16xf32>
    %gt3A_3290 = arith.constant 0.000000e+00 : f32
    %gt3A_3291 = vector.broadcast %gt3A_3290 : f32 to vector<16xf32>
    %gt3A_3292 = arith.cmpf ogt, %add3A_3260, %gt3A_3291 : vector<16xf32>
    %mul3A_3293 = arith.mulf %add3A_3260, %mul3A_3289 : vector<16xf32>
    %jit3A_3294 = arith.constant 0.000000e+00 : f32
    %broadcast_in_dim3A_3295 = vector.broadcast %jit3A_3294 : f32 to vector<16xf32>
    %select_n3A_3296 = arith.select %gt3A_3292, %mul3A_3293, %broadcast_in_dim3A_3295 : vector<16xi1>, vector<16xf32>
    %eq3A_3297 = arith.constant 0 : i32
    %eq3A_3298 = vector.broadcast %eq3A_3297 : i32 to vector<16xi32>
    %eq3A_3299 = arith.cmpi eq, %get3A_3248, %eq3A_3298 : vector<16xi32>
    %jit3A_3300 = arith.constant 6.000000e+00 : f32
    %jit3A_3301 = arith.constant 3.46820807 : f32
    %broadcast_in_dim3A_3302 = vector.broadcast %jit3A_3300 : f32 to vector<16xf32>
    %broadcast_in_dim3A_3303 = vector.broadcast %jit3A_3301 : f32 to vector<16xf32>
    %select_n3A_3304 = arith.select %eq3A_3299, %broadcast_in_dim3A_3302, %broadcast_in_dim3A_3303 : vector<16xi1>, vector<16xf32>
    %div3A_3305 = arith.divf %select_n3A_3296, %select_n3A_3304 : vector<16xf32>
    %add3A_3306 = arith.addf %gather3A_3231, %div3A_3305 : vector<16xf32>
    %add3A_3307 = arith.addf %add3A_3306, %gather3A_3246 : vector<16xf32>
    %sub3A_3308 = arith.subf %get3A_3250, %add3A_3307 : vector<16xf32>
    %swap3A_3309 = arith.constant 464 : index
    %swap3A_3310 = tpu.vector_load %arg21[%swap3A_3309] {strides = array<i32>} : memref<512xf32, #tpu.memory_space<vmem>>, vector<16xf32>,
    tpu.vector_store %arg21[%swap3A_3309], %add3A_3307 {strides = array<i32>} : memref<512xf32, #tpu.memory_space<vmem>>, vector<16xf32>,
    %swap3A_3311 = arith.constant 464 : index
    %swap3A_3312 = tpu.vector_load %arg22[%swap3A_3311] {strides = array<i32>} : memref<512xf32, #tpu.memory_space<vmem>>, vector<16xf32>,
    tpu.vector_store %arg22[%swap3A_3311], %sub3A_3308 {strides = array<i32>} : memref<512xf32, #tpu.memory_space<vmem>>, vector<16xf32>,
    %abs3A_3313 = math.absf %sub3A_3308 : vector<16xf32>
    %le3A_3314 = arith.constant 1.000000e+00 : f32
    %le3A_3315 = vector.broadcast %le3A_3314 : f32 to vector<16xf32>
    %le3A_3316 = arith.cmpf ole, %abs3A_3313, %le3A_3315 : vector<16xf32>
    %mul3A_3317 = arith.constant 5.000000e-01 : f32
    %mul3A_3318 = vector.broadcast %mul3A_3317 : f32 to vector<16xf32>
    %mul3A_3319 = arith.mulf %mul3A_3318, %sub3A_3308 : vector<16xf32>
    %mul3A_3320 = arith.mulf %mul3A_3319, %sub3A_3308 : vector<16xf32>
    %sub3A_3321 = arith.constant 5.000000e-01 : f32
    %sub3A_3322 = vector.broadcast %sub3A_3321 : f32 to vector<16xf32>
    %sub3A_3323 = arith.subf %abs3A_3313, %sub3A_3322 : vector<16xf32>
    %select_n3A_3324 = arith.select %le3A_3316, %mul3A_3320, %sub3A_3323 : vector<16xi1>, vector<16xf32>
    %mul3A_3325 = arith.mulf %select_n3A_3324, %get3A_3252 : vector<16xf32>
    %add3A_3326 = arith.addf %add3A_3215, %mul3A_3325 : vector<16xf32>
    %add3A_3327 = arith.constant 480 : i32
    %add3A_3328 = vector.broadcast %add3A_3327 : i32 to vector<16xi32>
    %add3A_3329 = arith.addi %iota3A, %add3A_3328 : vector<16xi32>
    %gather3A_3330 = tpu.vector_load_idx %arg14[%add3A_3329, %broadcast_in_dim3A_3] : memref<512x16xf32, #tpu.memory_space<vmem>>[vector<16xi32>, vector<16xi32>], vector<16xf32>,
    %add3A_3331 = arith.constant 1 : i32
    %add3A_3332 = vector.broadcast %add3A_3331 : i32 to vector<16xi32>
    %add3A_3333 = arith.addi %broadcast_in_dim3A_3, %add3A_3332 : vector<16xi32>
    %gather3A_3334 = tpu.vector_load_idx %arg14[%add3A_3329, %add3A_3333] : memref<512x16xf32, #tpu.memory_space<vmem>>[vector<16xi32>, vector<16xi32>], vector<16xf32>,
    %add3A_3335 = arith.constant 2 : i32
    %add3A_3336 = vector.broadcast %add3A_3335 : i32 to vector<16xi32>
    %add3A_3337 = arith.addi %broadcast_in_dim3A_3, %add3A_3336 : vector<16xi32>
    %gather3A_3338 = tpu.vector_load_idx %arg14[%add3A_3329, %add3A_3337] : memref<512x16xf32, #tpu.memory_space<vmem>>[vector<16xi32>, vector<16xi32>], vector<16xf32>,
    %add3A_3339 = arith.constant 3 : i32
    %add3A_3340 = vector.broadcast %add3A_3339 : i32 to vector<16xi32>
    %add3A_3341 = arith.addi %broadcast_in_dim3A_3, %add3A_3340 : vector<16xi32>
    %gather3A_3342 = tpu.vector_load_idx %arg14[%add3A_3329, %add3A_3341] : memref<512x16xf32, #tpu.memory_space<vmem>>[vector<16xi32>, vector<16xi32>], vector<16xf32>,
    %get3A_3343 = arith.constant 480 : index
    %get3A_3344 = tpu.vector_load %arg15[%get3A_3343] {strides = array<i32>} : memref<512xi32, #tpu.memory_space<vmem>>, vector<16xi32>,
    %mul3A_3345 = arith.constant 3 : i32
    %mul3A_3346 = vector.broadcast %mul3A_3345 : i32 to vector<16xi32>
    %mul3A_3347 = arith.muli %get3A_3344, %mul3A_3346 : vector<16xi32>
    %gather3A_3348 = tpu.vector_load_idx %arg19[%mul3A_3347] : memref<192xf32, #tpu.memory_space<vmem>>[vector<16xi32>], vector<16xf32>,
    %add3A_3349 = arith.constant 1 : i32
    %add3A_3350 = vector.broadcast %add3A_3349 : i32 to vector<16xi32>
    %add3A_3351 = arith.addi %mul3A_3347, %add3A_3350 : vector<16xi32>
    %gather3A_3352 = tpu.vector_load_idx %arg19[%add3A_3351] : memref<192xf32, #tpu.memory_space<vmem>>[vector<16xi32>], vector<16xf32>,
    %add3A_3353 = arith.constant 2 : i32
    %add3A_3354 = vector.broadcast %add3A_3353 : i32 to vector<16xi32>
    %add3A_3355 = arith.addi %mul3A_3347, %add3A_3354 : vector<16xi32>
    %gather3A_3356 = tpu.vector_load_idx %arg19[%add3A_3355] : memref<192xf32, #tpu.memory_space<vmem>>[vector<16xi32>], vector<16xf32>,
    %gather3A_3357 = tpu.vector_load_idx %arg20[%get3A_3344] : memref<64xf32, #tpu.memory_space<vmem>>[vector<16xi32>], vector<16xf32>,
    %get3A_3358 = arith.constant 480 : index
    %get3A_3359 = tpu.vector_load %arg16[%get3A_3358] {strides = array<i32>} : memref<512xi32, #tpu.memory_space<vmem>>, vector<16xi32>,
    %get3A_3360 = arith.constant 480 : index
    %get3A_3361 = tpu.vector_load %arg17[%get3A_3360] {strides = array<i32>} : memref<512xf32, #tpu.memory_space<vmem>>, vector<16xf32>,
    %get3A_3362 = arith.constant 480 : index
    %get3A_3363 = tpu.vector_load %arg18[%get3A_3362] {strides = array<i32>} : memref<512xf32, #tpu.memory_space<vmem>>, vector<16xf32>,
    %sub3A_3364 = arith.subf %gather3A_3330, %gather3A_3348 : vector<16xf32>
    %sub3A_3365 = arith.subf %gather3A_3334, %gather3A_3352 : vector<16xf32>
    %sub3A_3366 = arith.subf %gather3A_3338, %gather3A_3356 : vector<16xf32>
    %mul3A_3367 = arith.mulf %sub3A_3364, %sub3A_3364 : vector<16xf32>
    %mul3A_3368 = arith.mulf %sub3A_3365, %sub3A_3365 : vector<16xf32>
    %add3A_3369 = arith.addf %mul3A_3367, %mul3A_3368 : vector<16xf32>
    %mul3A_3370 = arith.mulf %sub3A_3366, %sub3A_3366 : vector<16xf32>
    %add3A_3371 = arith.addf %add3A_3369, %mul3A_3370 : vector<16xf32>
    %bitcast3A_3372 = vector.bitcast %add3A_3371 : vector<16xf32> to vector<16xi32>
    %shift_right_arithmetic3A_3373 = arith.constant 1 : i32
    %shift_right_arithmetic3A_3374 = vector.broadcast %shift_right_arithmetic3A_3373 : i32 to vector<16xi32>
    %shift_right_arithmetic3A_3375 = arith.shrsi %bitcast3A_3372, %shift_right_arithmetic3A_3374 : vector<16xi32>
    %sub3A_3376 = arith.constant 1597463007 : i32
    %sub3A_3377 = vector.broadcast %sub3A_3376 : i32 to vector<16xi32>
    %sub3A_3378 = arith.subi %sub3A_3377, %shift_right_arithmetic3A_3375 : vector<16xi32>
    %bitcast3A_3379 = vector.bitcast %sub3A_3378 : vector<16xi32> to vector<16xf32>
    %mul3A_3380 = arith.constant 5.000000e-01 : f32
    %mul3A_3381 = vector.broadcast %mul3A_3380 : f32 to vector<16xf32>
    %mul3A_3382 = arith.mulf %mul3A_3381, %add3A_3371 : vector<16xf32>
    %mul3A_3383 = arith.mulf %mul3A_3382, %bitcast3A_3379 : vector<16xf32>
    %mul3A_3384 = arith.mulf %mul3A_3383, %bitcast3A_3379 : vector<16xf32>
    %sub3A_3385 = arith.constant 1.500000e+00 : f32
    %sub3A_3386 = vector.broadcast %sub3A_3385 : f32 to vector<16xf32>
    %sub3A_3387 = arith.subf %sub3A_3386, %mul3A_3384 : vector<16xf32>
    %mul3A_3388 = arith.mulf %bitcast3A_3379, %sub3A_3387 : vector<16xf32>
    %mul3A_3389 = arith.mulf %mul3A_3382, %mul3A_3388 : vector<16xf32>
    %mul3A_3390 = arith.mulf %mul3A_3389, %mul3A_3388 : vector<16xf32>
    %sub3A_3391 = arith.constant 1.500000e+00 : f32
    %sub3A_3392 = vector.broadcast %sub3A_3391 : f32 to vector<16xf32>
    %sub3A_3393 = arith.subf %sub3A_3392, %mul3A_3390 : vector<16xf32>
    %mul3A_3394 = arith.mulf %mul3A_3388, %sub3A_3393 : vector<16xf32>
    %mul3A_3395 = arith.mulf %mul3A_3382, %mul3A_3394 : vector<16xf32>
    %mul3A_3396 = arith.mulf %mul3A_3395, %mul3A_3394 : vector<16xf32>
    %sub3A_3397 = arith.constant 1.500000e+00 : f32
    %sub3A_3398 = vector.broadcast %sub3A_3397 : f32 to vector<16xf32>
    %sub3A_3399 = arith.subf %sub3A_3398, %mul3A_3396 : vector<16xf32>
    %mul3A_3400 = arith.mulf %mul3A_3394, %sub3A_3399 : vector<16xf32>
    %gt3A_3401 = arith.constant 0.000000e+00 : f32
    %gt3A_3402 = vector.broadcast %gt3A_3401 : f32 to vector<16xf32>
    %gt3A_3403 = arith.cmpf ogt, %add3A_3371, %gt3A_3402 : vector<16xf32>
    %mul3A_3404 = arith.mulf %add3A_3371, %mul3A_3400 : vector<16xf32>
    %jit3A_3405 = arith.constant 0.000000e+00 : f32
    %broadcast_in_dim3A_3406 = vector.broadcast %jit3A_3405 : f32 to vector<16xf32>
    %select_n3A_3407 = arith.select %gt3A_3403, %mul3A_3404, %broadcast_in_dim3A_3406 : vector<16xi1>, vector<16xf32>
    %eq3A_3408 = arith.constant 0 : i32
    %eq3A_3409 = vector.broadcast %eq3A_3408 : i32 to vector<16xi32>
    %eq3A_3410 = arith.cmpi eq, %get3A_3359, %eq3A_3409 : vector<16xi32>
    %jit3A_3411 = arith.constant 6.000000e+00 : f32
    %jit3A_3412 = arith.constant 3.46820807 : f32
    %broadcast_in_dim3A_3413 = vector.broadcast %jit3A_3411 : f32 to vector<16xf32>
    %broadcast_in_dim3A_3414 = vector.broadcast %jit3A_3412 : f32 to vector<16xf32>
    %select_n3A_3415 = arith.select %eq3A_3410, %broadcast_in_dim3A_3413, %broadcast_in_dim3A_3414 : vector<16xi1>, vector<16xf32>
    %div3A_3416 = arith.divf %select_n3A_3407, %select_n3A_3415 : vector<16xf32>
    %add3A_3417 = arith.addf %gather3A_3342, %div3A_3416 : vector<16xf32>
    %add3A_3418 = arith.addf %add3A_3417, %gather3A_3357 : vector<16xf32>
    %sub3A_3419 = arith.subf %get3A_3361, %add3A_3418 : vector<16xf32>
    %swap3A_3420 = arith.constant 480 : index
    %swap3A_3421 = tpu.vector_load %arg21[%swap3A_3420] {strides = array<i32>} : memref<512xf32, #tpu.memory_space<vmem>>, vector<16xf32>,
    tpu.vector_store %arg21[%swap3A_3420], %add3A_3418 {strides = array<i32>} : memref<512xf32, #tpu.memory_space<vmem>>, vector<16xf32>,
    %swap3A_3422 = arith.constant 480 : index
    %swap3A_3423 = tpu.vector_load %arg22[%swap3A_3422] {strides = array<i32>} : memref<512xf32, #tpu.memory_space<vmem>>, vector<16xf32>,
    tpu.vector_store %arg22[%swap3A_3422], %sub3A_3419 {strides = array<i32>} : memref<512xf32, #tpu.memory_space<vmem>>, vector<16xf32>,
    %abs3A_3424 = math.absf %sub3A_3419 : vector<16xf32>
    %le3A_3425 = arith.constant 1.000000e+00 : f32
    %le3A_3426 = vector.broadcast %le3A_3425 : f32 to vector<16xf32>
    %le3A_3427 = arith.cmpf ole, %abs3A_3424, %le3A_3426 : vector<16xf32>
    %mul3A_3428 = arith.constant 5.000000e-01 : f32
    %mul3A_3429 = vector.broadcast %mul3A_3428 : f32 to vector<16xf32>
    %mul3A_3430 = arith.mulf %mul3A_3429, %sub3A_3419 : vector<16xf32>
    %mul3A_3431 = arith.mulf %mul3A_3430, %sub3A_3419 : vector<16xf32>
    %sub3A_3432 = arith.constant 5.000000e-01 : f32
    %sub3A_3433 = vector.broadcast %sub3A_3432 : f32 to vector<16xf32>
    %sub3A_3434 = arith.subf %abs3A_3424, %sub3A_3433 : vector<16xf32>
    %select_n3A_3435 = arith.select %le3A_3427, %mul3A_3431, %sub3A_3434 : vector<16xi1>, vector<16xf32>
    %mul3A_3436 = arith.mulf %select_n3A_3435, %get3A_3363 : vector<16xf32>
    %add3A_3437 = arith.addf %add3A_3326, %mul3A_3436 : vector<16xf32>
    %add3A_3438 = arith.constant 496 : i32
    %add3A_3439 = vector.broadcast %add3A_3438 : i32 to vector<16xi32>
    %add3A_3440 = arith.addi %iota3A, %add3A_3439 : vector<16xi32>
    %gather3A_3441 = tpu.vector_load_idx %arg14[%add3A_3440, %broadcast_in_dim3A_3] : memref<512x16xf32, #tpu.memory_space<vmem>>[vector<16xi32>, vector<16xi32>], vector<16xf32>,
    %add3A_3442 = arith.constant 1 : i32
    %add3A_3443 = vector.broadcast %add3A_3442 : i32 to vector<16xi32>
    %add3A_3444 = arith.addi %broadcast_in_dim3A_3, %add3A_3443 : vector<16xi32>
    %gather3A_3445 = tpu.vector_load_idx %arg14[%add3A_3440, %add3A_3444] : memref<512x16xf32, #tpu.memory_space<vmem>>[vector<16xi32>, vector<16xi32>], vector<16xf32>,
    %add3A_3446 = arith.constant 2 : i32
    %add3A_3447 = vector.broadcast %add3A_3446 : i32 to vector<16xi32>
    %add3A_3448 = arith.addi %broadcast_in_dim3A_3, %add3A_3447 : vector<16xi32>
    %gather3A_3449 = tpu.vector_load_idx %arg14[%add3A_3440, %add3A_3448] : memref<512x16xf32, #tpu.memory_space<vmem>>[vector<16xi32>, vector<16xi32>], vector<16xf32>,
    %add3A_3450 = arith.constant 3 : i32
    %add3A_3451 = vector.broadcast %add3A_3450 : i32 to vector<16xi32>
    %add3A_3452 = arith.addi %broadcast_in_dim3A_3, %add3A_3451 : vector<16xi32>
    %gather3A_3453 = tpu.vector_load_idx %arg14[%add3A_3440, %add3A_3452] : memref<512x16xf32, #tpu.memory_space<vmem>>[vector<16xi32>, vector<16xi32>], vector<16xf32>,
    %get3A_3454 = arith.constant 496 : index
    %get3A_3455 = tpu.vector_load %arg15[%get3A_3454] {strides = array<i32>} : memref<512xi32, #tpu.memory_space<vmem>>, vector<16xi32>,
    %mul3A_3456 = arith.constant 3 : i32
    %mul3A_3457 = vector.broadcast %mul3A_3456 : i32 to vector<16xi32>
    %mul3A_3458 = arith.muli %get3A_3455, %mul3A_3457 : vector<16xi32>
    %gather3A_3459 = tpu.vector_load_idx %arg19[%mul3A_3458] : memref<192xf32, #tpu.memory_space<vmem>>[vector<16xi32>], vector<16xf32>,
    %add3A_3460 = arith.constant 1 : i32
    %add3A_3461 = vector.broadcast %add3A_3460 : i32 to vector<16xi32>
    %add3A_3462 = arith.addi %mul3A_3458, %add3A_3461 : vector<16xi32>
    %gather3A_3463 = tpu.vector_load_idx %arg19[%add3A_3462] : memref<192xf32, #tpu.memory_space<vmem>>[vector<16xi32>], vector<16xf32>,
    %add3A_3464 = arith.constant 2 : i32
    %add3A_3465 = vector.broadcast %add3A_3464 : i32 to vector<16xi32>
    %add3A_3466 = arith.addi %mul3A_3458, %add3A_3465 : vector<16xi32>
    %gather3A_3467 = tpu.vector_load_idx %arg19[%add3A_3466] : memref<192xf32, #tpu.memory_space<vmem>>[vector<16xi32>], vector<16xf32>,
    %gather3A_3468 = tpu.vector_load_idx %arg20[%get3A_3455] : memref<64xf32, #tpu.memory_space<vmem>>[vector<16xi32>], vector<16xf32>,
    %get3A_3469 = arith.constant 496 : index
    %get3A_3470 = tpu.vector_load %arg16[%get3A_3469] {strides = array<i32>} : memref<512xi32, #tpu.memory_space<vmem>>, vector<16xi32>,
    %get3A_3471 = arith.constant 496 : index
    %get3A_3472 = tpu.vector_load %arg17[%get3A_3471] {strides = array<i32>} : memref<512xf32, #tpu.memory_space<vmem>>, vector<16xf32>,
    %get3A_3473 = arith.constant 496 : index
    %get3A_3474 = tpu.vector_load %arg18[%get3A_3473] {strides = array<i32>} : memref<512xf32, #tpu.memory_space<vmem>>, vector<16xf32>,
    %sub3A_3475 = arith.subf %gather3A_3441, %gather3A_3459 : vector<16xf32>
    %sub3A_3476 = arith.subf %gather3A_3445, %gather3A_3463 : vector<16xf32>
    %sub3A_3477 = arith.subf %gather3A_3449, %gather3A_3467 : vector<16xf32>
    %mul3A_3478 = arith.mulf %sub3A_3475, %sub3A_3475 : vector<16xf32>
    %mul3A_3479 = arith.mulf %sub3A_3476, %sub3A_3476 : vector<16xf32>
    %add3A_3480 = arith.addf %mul3A_3478, %mul3A_3479 : vector<16xf32>
    %mul3A_3481 = arith.mulf %sub3A_3477, %sub3A_3477 : vector<16xf32>
    %add3A_3482 = arith.addf %add3A_3480, %mul3A_3481 : vector<16xf32>
    %bitcast3A_3483 = vector.bitcast %add3A_3482 : vector<16xf32> to vector<16xi32>
    %shift_right_arithmetic3A_3484 = arith.constant 1 : i32
    %shift_right_arithmetic3A_3485 = vector.broadcast %shift_right_arithmetic3A_3484 : i32 to vector<16xi32>
    %shift_right_arithmetic3A_3486 = arith.shrsi %bitcast3A_3483, %shift_right_arithmetic3A_3485 : vector<16xi32>
    %sub3A_3487 = arith.constant 1597463007 : i32
    %sub3A_3488 = vector.broadcast %sub3A_3487 : i32 to vector<16xi32>
    %sub3A_3489 = arith.subi %sub3A_3488, %shift_right_arithmetic3A_3486 : vector<16xi32>
    %bitcast3A_3490 = vector.bitcast %sub3A_3489 : vector<16xi32> to vector<16xf32>
    %mul3A_3491 = arith.constant 5.000000e-01 : f32
    %mul3A_3492 = vector.broadcast %mul3A_3491 : f32 to vector<16xf32>
    %mul3A_3493 = arith.mulf %mul3A_3492, %add3A_3482 : vector<16xf32>
    %mul3A_3494 = arith.mulf %mul3A_3493, %bitcast3A_3490 : vector<16xf32>
    %mul3A_3495 = arith.mulf %mul3A_3494, %bitcast3A_3490 : vector<16xf32>
    %sub3A_3496 = arith.constant 1.500000e+00 : f32
    %sub3A_3497 = vector.broadcast %sub3A_3496 : f32 to vector<16xf32>
    %sub3A_3498 = arith.subf %sub3A_3497, %mul3A_3495 : vector<16xf32>
    %mul3A_3499 = arith.mulf %bitcast3A_3490, %sub3A_3498 : vector<16xf32>
    %mul3A_3500 = arith.mulf %mul3A_3493, %mul3A_3499 : vector<16xf32>
    %mul3A_3501 = arith.mulf %mul3A_3500, %mul3A_3499 : vector<16xf32>
    %sub3A_3502 = arith.constant 1.500000e+00 : f32
    %sub3A_3503 = vector.broadcast %sub3A_3502 : f32 to vector<16xf32>
    %sub3A_3504 = arith.subf %sub3A_3503, %mul3A_3501 : vector<16xf32>
    %mul3A_3505 = arith.mulf %mul3A_3499, %sub3A_3504 : vector<16xf32>
    %mul3A_3506 = arith.mulf %mul3A_3493, %mul3A_3505 : vector<16xf32>
    %mul3A_3507 = arith.mulf %mul3A_3506, %mul3A_3505 : vector<16xf32>
    %sub3A_3508 = arith.constant 1.500000e+00 : f32
    %sub3A_3509 = vector.broadcast %sub3A_3508 : f32 to vector<16xf32>
    %sub3A_3510 = arith.subf %sub3A_3509, %mul3A_3507 : vector<16xf32>
    %mul3A_3511 = arith.mulf %mul3A_3505, %sub3A_3510 : vector<16xf32>
    %gt3A_3512 = arith.constant 0.000000e+00 : f32
    %gt3A_3513 = vector.broadcast %gt3A_3512 : f32 to vector<16xf32>
    %gt3A_3514 = arith.cmpf ogt, %add3A_3482, %gt3A_3513 : vector<16xf32>
    %mul3A_3515 = arith.mulf %add3A_3482, %mul3A_3511 : vector<16xf32>
    %jit3A_3516 = arith.constant 0.000000e+00 : f32
    %broadcast_in_dim3A_3517 = vector.broadcast %jit3A_3516 : f32 to vector<16xf32>
    %select_n3A_3518 = arith.select %gt3A_3514, %mul3A_3515, %broadcast_in_dim3A_3517 : vector<16xi1>, vector<16xf32>
    %eq3A_3519 = arith.constant 0 : i32
    %eq3A_3520 = vector.broadcast %eq3A_3519 : i32 to vector<16xi32>
    %eq3A_3521 = arith.cmpi eq, %get3A_3470, %eq3A_3520 : vector<16xi32>
    %jit3A_3522 = arith.constant 6.000000e+00 : f32
    %jit3A_3523 = arith.constant 3.46820807 : f32
    %broadcast_in_dim3A_3524 = vector.broadcast %jit3A_3522 : f32 to vector<16xf32>
    %broadcast_in_dim3A_3525 = vector.broadcast %jit3A_3523 : f32 to vector<16xf32>
    %select_n3A_3526 = arith.select %eq3A_3521, %broadcast_in_dim3A_3524, %broadcast_in_dim3A_3525 : vector<16xi1>, vector<16xf32>
    %div3A_3527 = arith.divf %select_n3A_3518, %select_n3A_3526 : vector<16xf32>
    %add3A_3528 = arith.addf %gather3A_3453, %div3A_3527 : vector<16xf32>
    %add3A_3529 = arith.addf %add3A_3528, %gather3A_3468 : vector<16xf32>
    %sub3A_3530 = arith.subf %get3A_3472, %add3A_3529 : vector<16xf32>
    %swap3A_3531 = arith.constant 496 : index
    %swap3A_3532 = tpu.vector_load %arg21[%swap3A_3531] {strides = array<i32>} : memref<512xf32, #tpu.memory_space<vmem>>, vector<16xf32>,
    tpu.vector_store %arg21[%swap3A_3531], %add3A_3529 {strides = array<i32>} : memref<512xf32, #tpu.memory_space<vmem>>, vector<16xf32>,
    %swap3A_3533 = arith.constant 496 : index
    %swap3A_3534 = tpu.vector_load %arg22[%swap3A_3533] {strides = array<i32>} : memref<512xf32, #tpu.memory_space<vmem>>, vector<16xf32>,
    tpu.vector_store %arg22[%swap3A_3533], %sub3A_3530 {strides = array<i32>} : memref<512xf32, #tpu.memory_space<vmem>>, vector<16xf32>,
    %abs3A_3535 = math.absf %sub3A_3530 : vector<16xf32>
    %le3A_3536 = arith.constant 1.000000e+00 : f32
    %le3A_3537 = vector.broadcast %le3A_3536 : f32 to vector<16xf32>
    %le3A_3538 = arith.cmpf ole, %abs3A_3535, %le3A_3537 : vector<16xf32>
    %mul3A_3539 = arith.constant 5.000000e-01 : f32
    %mul3A_3540 = vector.broadcast %mul3A_3539 : f32 to vector<16xf32>
    %mul3A_3541 = arith.mulf %mul3A_3540, %sub3A_3530 : vector<16xf32>
    %mul3A_3542 = arith.mulf %mul3A_3541, %sub3A_3530 : vector<16xf32>
    %sub3A_3543 = arith.constant 5.000000e-01 : f32
    %sub3A_3544 = vector.broadcast %sub3A_3543 : f32 to vector<16xf32>
    %sub3A_3545 = arith.subf %abs3A_3535, %sub3A_3544 : vector<16xf32>
    %select_n3A_3546 = arith.select %le3A_3538, %mul3A_3542, %sub3A_3545 : vector<16xi1>, vector<16xf32>
    %mul3A_3547 = arith.mulf %select_n3A_3546, %get3A_3474 : vector<16xf32>
    %add3A_3548 = arith.addf %add3A_3437, %mul3A_3547 : vector<16xf32>
    %swap3A_3549 = arith.constant 0 : index
    %swap3A_3550 = tpu.vector_load %arg23[%swap3A_3549] {strides = array<i32>} : memref<16xf32, #tpu.memory_space<vmem>>, vector<16xf32>,
    tpu.vector_store %arg23[%swap3A_3549], %add3A_3548 {strides = array<i32>} : memref<16xf32, #tpu.memory_space<vmem>>, vector<16xf32>,
    "tpu.region"() ({
      %run_scoped3A = tpu.sem_alloc : memref<!tpu.dma_semaphore, #tpu.memory_space<semaphore_mem>>
      %dma_start3A_3551 = tpu.memref_slice %arg10[%mul3A_2] : memref<16384xf32, #tpu.memory_space<hbm>> -> memref<512xf32, #tpu.memory_space<hbm>>
      %dma_start3A_3552 = tpu.memref_slice %arg10[%mul3A_2] : memref<16384xf32, #tpu.memory_space<hbm>> -> memref<512xf32, #tpu.memory_space<hbm>>
      tpu.enqueue_dma source(%arg21 : memref<512xf32, #tpu.memory_space<vmem>>) target(%dma_start3A_3552 : memref<512xf32, #tpu.memory_space<hbm>>) target_semaphore(%run_scoped3A : memref<!tpu.dma_semaphore, #tpu.memory_space<semaphore_mem>>)
      %dma_wait3A_3553 = tpu.memref_slice %arg10[%mul3A_2] : memref<16384xf32, #tpu.memory_space<hbm>> -> memref<512xf32, #tpu.memory_space<hbm>>
      %dma_wait3A_3554 = tpu.memref_slice %arg10[%mul3A_2] : memref<16384xf32, #tpu.memory_space<hbm>> -> memref<512xf32, #tpu.memory_space<hbm>>
      tpu.wait_dma2 semaphore(%run_scoped3A : memref<!tpu.dma_semaphore, #tpu.memory_space<semaphore_mem>>) src(%arg21 : memref<512xf32, #tpu.memory_space<vmem>>) dst(%dma_wait3A_3554 : memref<512xf32, #tpu.memory_space<hbm>>)
      tpu.yield
    }) : () -> ()
    "tpu.region"() ({
      %run_scoped3A = tpu.sem_alloc : memref<!tpu.dma_semaphore, #tpu.memory_space<semaphore_mem>>
      %dma_start3A_3551 = tpu.memref_slice %arg11[%mul3A_2] : memref<16384xf32, #tpu.memory_space<hbm>> -> memref<512xf32, #tpu.memory_space<hbm>>
      %dma_start3A_3552 = tpu.memref_slice %arg11[%mul3A_2] : memref<16384xf32, #tpu.memory_space<hbm>> -> memref<512xf32, #tpu.memory_space<hbm>>
      tpu.enqueue_dma source(%arg22 : memref<512xf32, #tpu.memory_space<vmem>>) target(%dma_start3A_3552 : memref<512xf32, #tpu.memory_space<hbm>>) target_semaphore(%run_scoped3A : memref<!tpu.dma_semaphore, #tpu.memory_space<semaphore_mem>>)
      %dma_wait3A_3553 = tpu.memref_slice %arg11[%mul3A_2] : memref<16384xf32, #tpu.memory_space<hbm>> -> memref<512xf32, #tpu.memory_space<hbm>>
      %dma_wait3A_3554 = tpu.memref_slice %arg11[%mul3A_2] : memref<16384xf32, #tpu.memory_space<hbm>> -> memref<512xf32, #tpu.memory_space<hbm>>
      tpu.wait_dma2 semaphore(%run_scoped3A : memref<!tpu.dma_semaphore, #tpu.memory_space<semaphore_mem>>) src(%arg22 : memref<512xf32, #tpu.memory_space<vmem>>) dst(%dma_wait3A_3554 : memref<512xf32, #tpu.memory_space<hbm>>)
      tpu.yield
    }) : () -> ()
    "tpu.region"() ({
      %run_scoped3A = tpu.sem_alloc : memref<!tpu.dma_semaphore, #tpu.memory_space<semaphore_mem>>
      %dma_start3A_3551 = arith.constant 0 : i32
      %dma_start3A_3552 = tpu.memref_slice %arg12[%add3A, %dma_start3A_3551] : memref<32x16xf32, #tpu.memory_space<hbm>> -> memref<1x16xf32, #tpu.memory_space<hbm>>
      %dma_start3A_3553 = tpu.memref_squeeze %dma_start3A_3552 : memref<1x16xf32, #tpu.memory_space<hbm>> -> memref<16xf32, #tpu.memory_space<hbm>>
      %dma_start3A_3554 = arith.constant 0 : i32
      %dma_start3A_3555 = tpu.memref_slice %arg12[%add3A, %dma_start3A_3554] : memref<32x16xf32, #tpu.memory_space<hbm>> -> memref<1x16xf32, #tpu.memory_space<hbm>>
      %dma_start3A_3556 = tpu.memref_squeeze %dma_start3A_3555 : memref<1x16xf32, #tpu.memory_space<hbm>> -> memref<16xf32, #tpu.memory_space<hbm>>
      tpu.enqueue_dma source(%arg23 : memref<16xf32, #tpu.memory_space<vmem>>) target(%dma_start3A_3556 : memref<16xf32, #tpu.memory_space<hbm>>) target_semaphore(%run_scoped3A : memref<!tpu.dma_semaphore, #tpu.memory_space<semaphore_mem>>)
      %dma_wait3A_3557 = arith.constant 0 : i32
      %dma_wait3A_3558 = tpu.memref_slice %arg12[%add3A, %dma_wait3A_3557] : memref<32x16xf32, #tpu.memory_space<hbm>> -> memref<1x16xf32, #tpu.memory_space<hbm>>
      %dma_wait3A_3559 = tpu.memref_squeeze %dma_wait3A_3558 : memref<1x16xf32, #tpu.memory_space<hbm>> -> memref<16xf32, #tpu.memory_space<hbm>>
      %dma_wait3A_3560 = arith.constant 0 : i32
      %dma_wait3A_3561 = tpu.memref_slice %arg12[%add3A, %dma_wait3A_3560] : memref<32x16xf32, #tpu.memory_space<hbm>> -> memref<1x16xf32, #tpu.memory_space<hbm>>
      %dma_wait3A_3562 = tpu.memref_squeeze %dma_wait3A_3561 : memref<1x16xf32, #tpu.memory_space<hbm>> -> memref<16xf32, #tpu.memory_space<hbm>>
      tpu.wait_dma2 semaphore(%run_scoped3A : memref<!tpu.dma_semaphore, #tpu.memory_space<semaphore_mem>>) src(%arg23 : memref<16xf32, #tpu.memory_space<vmem>>) dst(%dma_wait3A_3562 : memref<16xf32, #tpu.memory_space<hbm>>)
      tpu.yield
    }) : () -> ()
    return
  }
}

</mosaic_0001>

<sc_bundles>
// kernel: kernel.3.cloned.1.call-start
scs
__scs_entry_jumppad:
0x0: {  	(pc) =	sbr.rel $0x88, $3  }
0x1: {  	(tag) =	ssettag $0x0;
	lr =	simm.s32 $0x1  }
0x2: {  	[smem:$0x3F98] =	sst lr;
	_ =	strace $0xD0000000  }
0x3: {  	_ = 	snop  }
0x4: {  	_ = 	snop  }
0x5: {  	_ = 	snop  }
0x6: {  	_ = 	snop  }
0x7: {  	_ = 	snop  }
__scs_overlays_trampoline_lowered:
0x8: {  	[smem:$0x3FA7] =	sst s0  }
0x9: {  	[smem:$0x3FA8] =	sst s1  }
0xa: {  	[smem:$0x3FA9] =	sst s2  }
0xb: {  	[smem:$0x3FAA] =	sst s3  }
0xc: {  	[smem:$0x3FAB] =	sst s4  }
0xd: {  	[smem:$0x3FAC] =	sst s5  }
0xe: {  	[smem:$0x3FAD] =	sst s6  }
0xf: {  	[smem:$0x3FAE] =	sst s7  }
0x10: {  	[smem:$0x3FAF] =	sst s8  }
0x11: {  	[smem:$0x3FB0] =	sst s9;
	s0 =	simm.s32 @!p0 $0x0  }
0x12: {  	s1 =	sld [smem:$0x3F96];
	s0 =	simm.s32 @p0 $0x1  }
0x13: {  	[smem:$0x3FB1] =	sst s0;
	s0 =	simm.s32 @!p1 $0x0  }
0x14: {  	s2 =	sld [smem:$0x3F95];
	s0 =	simm.s32 @p1 $0x1  }
0x15: {  	[smem:$0x3FB2] =	sst s0;
	s0 =	simm.s32 @!p2 $0x0  }
0x16: {  	s3 =	sld [smem:$0x3FDB];
	s0 =	simm.s32 @p2 $0x1  }
0x17: {  	s4 =	simm.s32 $0x1BF5;
	[smem:$0x3FB4] =	sst s0  }
0x18: {  	s0 =	sld [smem:$0x3F97];
	_ =	swait.ge [sflag:s4], $0x0  }
0x19: {  	s7 =	sld [smem:$0x3F98]  }
0x1a: {  	s8 =	sadd.s32 $0xFFFFE003, lr  }
0x1b: {  	s9 =	sadd.s32 $0xFFFFFEF7, lr;
	s5 =	simm.s32 $0xFFFFFFFF;
	p2 =	slt.u32 s8, $0xFFFFF086  }
0x1c: {  	p1 =	slt.u32 s9, $0xF7A;
	s5 =	simm.s32 @!p2 $0x0  }
0x1d: {  	s5 =	simm.s32 @p1 $0x1;
	p0 =	seq.s32 s7, s2  }
0x1e: {  	s7 =	smul.u32 @!p0 $0xF7A, s2;
	p2 =	seq.s32 @!p0 s5, $0x0  }
0x1f: {  	s9 =	smul.u32 $0xF7A, s1;
	s8 =	simm.s32 @!p0 $0x1BF5;
	p2 =	por !p2, p0  }
0x20: {  	[sflag:s8] =	ssyncset.s32 @!p0 $0xFFFFF086;
	s6 =	sadd.s32 @!p0 s3, s7;
	s7 =	simm.s32 @!p0 $0x108  }
0x21: {  	s3 =	sadd.s32 s3, s9;
	s6 =	sadd.s32 @!p0 $0x88, s6;
	s7 =	simm.s32 @p2 $0x1082  }
0x22: {  	[simem:s7], [sflag:s8] =	dma.local @!p0 [hbm:s6], $0xF7A  }
0x23: {  	s9 =	sor.u32 $0xD0000000, s2;
	s6 =	simm.s32 $0x108;
	_ =	swait.ge @!p0 [sflag:s8], $0x0  }
0x24: {  	s3 =	sadd.s32 $0x88, s3;
	s6 =	simm.s32 @!p1 $0x1082;
	[sflag:s4] =	ssyncset.s32 $0xFFFFF086  }
0x25: {  	[simem:s6], [sflag:s4] =	dma.local [hbm:s3], $0xF7A  }
0x26: {  	[smem:$0x3F98] =	sst s1;
	(tag) =	ssettag s2;
	_ =	strace s9  }
0x27: {  	s1 =	sld [smem:$0x3FA8]  }
0x28: {  	s2 =	sld [smem:$0x3FA9]  }
0x29: {  	s4 =	sld [smem:$0x3FAB]  }
0x2a: {  	p0 =	seq.s32 s5, $0x0;
	s5 =	sld [smem:$0x3FAC]  }
0x2b: {  	s6 =	sld [smem:$0x3FAD]  }
0x2c: {  	s7 =	sld [smem:$0x3FAE]  }
0x2d: {  	s3 =	simm.s32 $0x108;
	s8 =	sld [smem:$0x3FAF]  }
0x2e: {  	s3 =	simm.s32 @!p0 $0x1082;
	s9 =	sld [smem:$0x3FB0]  }
0x2f: {  	lr =	sadd.s32 s0, s3;
	s0 =	sld [smem:$0x3FA7]  }
0x30: {  	s3 =	sld [smem:$0x3FAA]  }
0x31: {  	[smem:$0x3FB3] =	sst s10  }
0x32: {  	s10 =	sld [smem:$0x3FB1];
	_ =	sdelay $0x3  }
0x33: {  	p0 =	seq.s32 s10, $0x1;
	s10 =	sld [smem:$0x3FB3];
	_ =	sdelay $0x3  }
0x34: {  	[smem:$0x3FB3] =	sst s10  }
0x35: {  	s10 =	sld [smem:$0x3FB2];
	_ =	sdelay $0x3  }
0x36: {  	p1 =	seq.s32 s10, $0x1;
	s10 =	sld [smem:$0x3FB3];
	_ =	sdelay $0x3  }
0x37: {  	[smem:$0x3FB3] =	sst s10  }
0x38: {  	s10 =	sld [smem:$0x3FB4]  }
0x39: {  	_ = 	snop;
	(pc) =	sbr.ind lr, $3  }
0x3a: {  	_ = 	snop  }
0x3b: {  	_ = 	snop  }
0x3c: {  	p2 =	seq.s32 s10, $0x1;
	s10 =	sld [smem:$0x3FB3]  }
0x3d: {  	_ =	shalt  }
0x3e: {  	_ =	shalt  }
0x3f: {  	_ =	shalt  }
0x40: {  	_ =	shalt  }
0x41: {  	_ =	shalt  }
0x42: {  	_ =	shalt  }
0x43: {  	_ =	shalt  }
0x44: {  	_ =	shalt  }
0x45: {  	_ =	shalt  }
0x46: {  	_ =	shalt  }
0x47: {  	_ =	shalt  }
0x48: {  	_ =	shalt  }
0x49: {  	_ =	shalt  }
0x4a: {  	_ =	shalt  }
0x4b: {  	_ =	shalt  }
0x4c: {  	_ =	shalt  }
0x4d: {  	_ =	shalt  }
0x4e: {  	_ =	shalt  }
0x4f: {  	_ =	shalt  }
0x50: {  	_ =	shalt  }
0x51: {  	_ =	shalt  }
0x52: {  	_ =	shalt  }
0x53: {  	_ =	shalt  }
0x54: {  	_ =	shalt  }
0x55: {  	_ =	shalt  }
0x56: {  	_ =	shalt  }
0x57: {  	_ =	shalt  }
0x58: {  	_ =	shalt  }
0x59: {  	_ =	shalt  }
0x5a: {  	_ =	shalt  }
0x5b: {  	_ =	shalt  }
0x5c: {  	_ =	shalt  }
0x5d: {  	_ =	shalt  }
0x5e: {  	_ =	shalt  }
0x5f: {  	_ =	shalt  }
0x60: {  	_ =	shalt  }
0x61: {  	_ =	shalt  }
0x62: {  	_ =	shalt  }
0x63: {  	_ =	shalt  }
0x64: {  	_ =	shalt  }
0x65: {  	_ =	shalt  }
0x66: {  	_ =	shalt  }
0x67: {  	_ =	shalt  }
0x68: {  	_ =	shalt  }
0x69: {  	_ =	shalt  }
0x6a: {  	_ =	shalt  }
0x6b: {  	_ =	shalt  }
0x6c: {  	_ =	shalt  }
0x6d: {  	_ =	shalt  }
0x6e: {  	_ =	shalt  }
0x6f: {  	_ =	shalt  }
0x70: {  	_ =	shalt  }
0x71: {  	_ =	shalt  }
0x72: {  	_ =	shalt  }
0x73: {  	_ =	shalt  }
0x74: {  	_ =	shalt  }
0x75: {  	_ =	shalt  }
0x76: {  	_ =	shalt  }
0x77: {  	_ =	shalt  }
0x78: {  	_ =	shalt  }
0x79: {  	_ =	shalt  }
0x7a: {  	_ =	shalt  }
0x7b: {  	_ =	shalt  }
0x7c: {  	_ =	shalt  }
0x7d: {  	_ =	shalt  }
0x7e: {  	_ =	shalt  }
0x7f: {  	_ =	shalt  }
0x80: {  	_ =	shalt  }
0x81: {  	_ =	shalt  }
0x82: {  	_ =	shalt  }
0x83: {  	_ =	shalt  }
0x84: {  	_ =	shalt  }
0x85: {  	_ =	shalt  }
0x86: {  	_ =	shalt  }
0x87: {  	_ =	shalt  }
.Lfunc_end0:
.L_simem_size_0:
called_computation_lowered:
.L_overlay_start_0:
0x88: {  	s2 =	sld [smem:$0x3FD9]  }
0x89: {  	s3 =	sld [smem:$0x3FFE];
	_ =	sdelay $0x1  }
0x8a: {  	s1 =	srdreg.scid  }
0x8b: {  	s0 =	sand.u32 $0x1, s1  }
0x8c: {  	s14 =	sshll.u32 s0, $0xA;
	s2 =	sadd.s32 s3, s2  }
0x8d: {  	s2 =	sadd.s32 s2, s14  }
0x8e: {  	[smem:$0x3FBF] =	sst s2  }
0x8f: {  	_ = 	snop  }
0x90: {  	s2 =	sld [smem:$0x3FC9]  }
0x91: {  	s15 =	sld [smem:$0x3FC8]  }
0x92: {  	s4 =	sld [smem:$0x3FC7]  }
0x93: {  	s5 =	sld [smem:$0x3FD0]  }
0x94: {  	s6 =	sld [smem:$0x3FC6]  }
0x95: {  	s7 =	sld [smem:$0x3FC5]  }
0x96: {  	s9 =	simm.s32 $0xA;
	s10 =	simm.s32 $0x10;
	s8 =	sld [smem:$0x3FC1]  }
0x97: {  	[smem:s10], [sflag:s9] =	dma.local [hbm:s5], $0x1  }
0x98: {  	_ =	swait.eq [sflag:s9], $0x1  }
0x99: {  	[sflag:s9] =	ssyncset.done $0x0  }
0x9a: {  	s16 =	sld [smem:$0x10];
	[sflag:s9] =	ssyncadd.s32 $0xFFFFFFFF  }
0x9b: {  	s17 =	sld [smem:$0x11];
	(tm) =	ssettm $0x1  }
0x9c: {  	s18 =	sld [smem:$0x3FFB];
	_ =	sdelay $0x3  }
0x9d: {  	_ =	strace s18  }
0x9e: {  	s10 =	sld [smem:$0x3FFC];
	_ =	sdelay $0x3  }
0x9f: {  	_ =	strace s10  }
0xa0: {  	s10 =	sld [smem:$0x3FFD];
	_ =	sdelay $0x3  }
0xa1: {  	_ =	strace s10  }
0xa2: {  	_ =	strace $0x8FFFFFFF  }
0xa3: {  	s19 =	sld [smem:$0x3FDB];
	_ =	sdelay $0x1  }
0xa4: {  	s11 =	simm.s32 $_scs_section_size  }
0xa5: {  	s12 =	simm.s32 $_size__tile_overlayer_lowered;
	s13 =	simm.s32 $_tile_overlayer_lowered  }
0xa6: {  	s22 =	simm.s32 $0x1BFF;
	s21 =	sshll.u32 s13, $0x1;
	s10 =	sadd.s32 s11, s19  }
0xa7: {  	s20 =	sshll.u32 s12, $0x1;
	s14 =	simm.s32 $0x0;
	s12 =	sadd.s32 s21, s10  }
0xa8: {  	[timem:s14], [sflag:s22] =	dma.local [hbm:s12], s20  }
0xa9: {  	_ =	swait.ge [sflag:s22], s20  }
0xaa: {  	s11 =	ssub.s32 $0x0, s20;
	[sflag:s22] =	ssyncset.done $0x0  }
0xab: {  	[sflag:s22] =	ssyncadd.s32 s11;
	_ =	sdelay $0x1  }
0xac: {  	s23 =	simm.s32 $0x1B8B  }
0xad: {  	_ =	swait.ge [sflag:s23], $0x1  }
0xae: {  	[sflag:s23] =	ssyncset.done $0x0  }
0xaf: {  	s25 =	simm.s32 $0x1B8E;
	s24 =	sld [smem:$0x3FFE];
	[sflag:s23] =	ssyncadd.s32 $0xFFFFFFFF  }
0xb0: {  	s26 =	simm.s32 $execute0_lowered;
	[smem:$0x3FD2] =	sst s25  }
0xb1: {  	s12 =	sshll.u32 s26, $0x1;
	_ =	strace $0x80000046;
	[dreg:$0x1] =	wrdreg $0xFFFFFFFF  }
0xb2: {  	s28 =	simm.s32 $_size_execute0_lowered;
	s10 =	sadd.s32 s10, s12;
	[dreg:$0x0] =	wrdreg $0x0  }
0xb3: {  	s12 =	sshll.u32 s28, $0x1;
	[dreg:$0x2] =	wrdreg s10  }
0xb4: {  	[dreg:$0x3] =	wrdreg s12  }
0xb5: {  	[dreg:$0x4] =	wrdreg $0xC0  }
0xb6: {  	_ =	task [dreg:s14], $0x5FFFF  }
0xb7: {  	[dreg:$0x1] =	wrdreg $0xFFFFFFFF  }
0xb8: {  	[dreg:$0x0] =	wrdreg $0x60  }
0xb9: {  	[dreg:$0x2] =	wrdreg s2  }
0xba: {  	[dreg:$0x3] =	wrdreg s15  }
0xbb: {  	[dreg:$0x4] =	wrdreg s4  }
0xbc: {  	[dreg:$0x5] =	wrdreg s6  }
0xbd: {  	[dreg:$0x6] =	wrdreg s7  }
0xbe: {  	[dreg:$0x7] =	wrdreg s24  }
0xbf: {  	[dreg:$0x8] =	wrdreg s8  }
0xc0: {  	[dreg:$0x9] =	wrdreg s16  }
0xc1: {  	[dreg:$0xa] =	wrdreg s17  }
0xc2: {  	[dreg:$0xb] =	wrdreg $0x9  }
0xc3: {  	_ =	task.clear_ibuf [dreg:s14], $0xCFFFF;
	_ =	strace $0x90000046  }
0xc4: {  	s29 =	simm.s32 $0x9;
	_ =	strace $0x80000048  }
0xc5: {  	_ =	swait.ge [sflag:s29], $0x1  }
0xc6: {  	[sflag:s29] =	ssyncadd.s32 $0xFFFFFFFF  }
0xc7: {  	_ =	strace $0x90000048  }
0xc8: {  	_ =	sfence  }
0xc9: {  	s30 =	sld [smem:$0x0];
	_ =	sdelay $0x2  }
0xca: {  	s31 =	sshll.u32 s1, $0xD;
	s1 =	sshrl.u32 s1, $0x2  }
0xcb: {  	s3 =	sand.u32 $0x4000, s31;
	s1 =	sadd.s32 s1, s30  }
0xcc: {  	s0 =	sor.u32 s3, s0;
	s1 =	sshll.u32 s1, $0x11  }
0xcd: {  	s0 =	sor.u32 s1, s0  }
0xce: {  	s0 =	sadd.s32 $0x8F2B, s0  }
0xcf: {  	[sflag:s0] =	ssyncadd.remote.s32 $0x1  }
0xd0: {  	_ =	sfence.sel $0xFFFF  }
0xd1: {  	[dreg:$0x0] =	wrdreg $0xFFFFFFFF;
	(pc) =	sbr.abs _section_cstart, $3  }
0xd2: {  	[dreg:$0x1] =	wrdreg $0xFFFFFFFF  }
0xd3: {  	_ =	task.clear_ibuf [dreg:s14], $0x2FFFF;
	_ =	strace $0x9FFFFFFF  }
0xd4: {  	(tm) =	ssettm $0x7FFFFFFF  }
0xd5: {  	_ =	shalt  }
tec
execute0_lowered:
.L_overlay_start_1:
0x0: {  	(tag) =	ssettag $0x1  }
0x1: {  	v0 =	vlaneseq.u32  }
0x2: {  	v0 =	vmul.u32 $0x10, v0;
	_ =	sdelay $0x1  }
0x3: {  	v1 =	vor.u32 $0x1, v0  }
0x4: {  	[tilespmem:$0x1FD70] =	vst v1;
	v1 =	vor.u32 $0x2, v0  }
0x5: {  	[tilespmem:$0x1FD80] =	vst v1;
	v1 =	vor.u32 $0x3, v0  }
0x6: {  	[tilespmem:$0x1FD90] =	vst v1;
	v1 =	vor.u32 $0x100, v0  }
0x7: {  	[tilespmem:$0x1FDA0] =	vst v1;
	v1 =	vor.u32 $0x101, v0  }
0x8: {  	[tilespmem:$0x1FDB0] =	vst v1;
	v1 =	vor.u32 $0x102, v0  }
0x9: {  	[tilespmem:$0x1FDC0] =	vst v1;
	v1 =	vor.u32 $0x103, v0  }
0xa: {  	[tilespmem:$0x1FDD0] =	vst v1;
	v1 =	vor.u32 $0x200, v0  }
0xb: {  	[tilespmem:$0x1FDE0] =	vst v1;
	v1 =	vor.u32 $0x201, v0  }
0xc: {  	[tilespmem:$0x1FDF0] =	vst v1;
	v1 =	vor.u32 $0x202, v0  }
0xd: {  	[tilespmem:$0x1FE00] =	vst v1;
	v1 =	vor.u32 $0x203, v0  }
0xe: {  	[tilespmem:$0x1FE10] =	vst v1;
	v1 =	vor.u32 $0x300, v0  }
0xf: {  	[tilespmem:$0x1FE20] =	vst v1;
	v1 =	vor.u32 $0x301, v0  }
0x10: {  	[tilespmem:$0x1FE30] =	vst v1;
	v1 =	vor.u32 $0x302, v0  }
0x11: {  	[tilespmem:$0x1FE40] =	vst v1;
	v1 =	vor.u32 $0x303, v0  }
0x12: {  	[tilespmem:$0x1FE50] =	vst v1;
	v1 =	vor.u32 $0x400, v0  }
0x13: {  	[tilespmem:$0x1FE60] =	vst v1;
	v1 =	vor.u32 $0x401, v0  }
0x14: {  	[tilespmem:$0x1FE70] =	vst v1;
	v1 =	vor.u32 $0x402, v0  }
0x15: {  	[tilespmem:$0x1FE80] =	vst v1;
	v1 =	vor.u32 $0x403, v0  }
0x16: {  	[tilespmem:$0x1FE90] =	vst v1;
	v1 =	vor.u32 $0x500, v0  }
0x17: {  	s7 =	rddreg [dreg:$0x0];
	[tilespmem:$0x1FEA0] =	vst v1;
	v1 =	vor.u32 $0x501, v0  }
0x18: {  	s6 =	rddreg [dreg:$0x1];
	[tilespmem:$0x1FEB0] =	vst v1;
	v1 =	vor.u32 $0x502, v0  }
0x19: {  	s8 =	rddreg [dreg:$0x2];
	[tilespmem:$0x1FEC0] =	vst v1;
	v1 =	vor.u32 $0x503, v0  }
0x1a: {  	s9 =	rddreg [dreg:$0x3];
	[tilespmem:$0x1FED0] =	vst v1;
	v1 =	vor.u32 $0x600, v0  }
0x1b: {  	s10 =	rddreg [dreg:$0x4];
	[tilespmem:$0x1FEE0] =	vst v1;
	v1 =	vor.u32 $0x601, v0  }
0x1c: {  	s11 =	rddreg [dreg:$0x5];
	[tilespmem:$0x1FEF0] =	vst v1;
	v1 =	vor.u32 $0x602, v0  }
0x1d: {  	s0 =	rddreg [dreg:$0x6];
	[tilespmem:$0x1FF00] =	vst v1;
	v1 =	vor.u32 $0x603, v0  }
0x1e: {  	s12 =	rddreg [dreg:$0x7];
	[tilespmem:$0x1FF10] =	vst v1;
	v1 =	vor.u32 $0x700, v0  }
0x1f: {  	s13 =	rddreg [dreg:$0x8];
	s2 =	simm.s32 $0x0;
	[tilespmem:$0x1FF20] =	vst v1;
	v1 =	vor.u32 $0x701, v0  }
0x20: {  	[smem:$0x7FF] =	sst s2;
	[tilespmem:$0x1FF30] =	vst v1;
	v1 =	vor.u32 $0x702, v0  }
0x21: {  	v4 =	vimm.f32 $3.468208070e+00;
	s1 =	rddreg [dreg:$0x9];
	s4 =	srdreg.scid;
	_ =	strace $0x80000047;
	[tilespmem:$0x1FF40] =	vst v1;
	v1 =	vor.u32 $0x703, v0  }
0x22: {  	s18 =	simm.s32 $0x2400;
	s19 =	simm.s32 $0x2600;
	s20 =	simm.s32 $0x2800;
	[tilespmem:$0x1FF50] =	vst v1;
	v1 =	vor.u32 $0x800, v0  }
0x23: {  	s3 =	stileid.u32;
	s21 =	simm.s32 $0x2A00;
	s22 =	simm.s32 $0x2AC0;
	v43 =	vor.u32 $0xA02, v0;
	v44 =	vor.u32 $0xA03, v0;
	[tilespmem:$0x1FF60] =	vst v1;
	v1 =	vor.u32 $0x801, v0  }
0x24: {  	s23 =	simm.s32 $0x1;
	s24 =	simm.s32 $0x2B00;
	s25 =	simm.s32 $0x2D00;
	v45 =	vor.u32 $0xB00, v0;
	v46 =	vor.u32 $0xB01, v0;
	[tilespmem:$0x1FF70] =	vst v1;
	v1 =	vor.u32 $0x802, v0  }
0x25: {  	s26 =	simm.s32 $0x2F00;
	s5 =	sand.u32 $0x1, s4;
	s14 =	sshll.u32 s3, $0x1;
	v47 =	vor.u32 $0xB02, v0;
	v48 =	vor.u32 $0xB03, v0;
	[tilespmem:$0x1FF80] =	vst v1;
	v1 =	vor.u32 $0x803, v0  }
0x26: {  	s4 =	sadd.s32 $0x187000, s11;
	s14 =	sor.u32 s5, s14;
	s15 =	ssub.s32 $0x2, s5;
	v49 =	vor.u32 $0xC00, v0;
	v50 =	vor.u32 $0xC01, v0;
	[tilespmem:$0x1FF90] =	vst v1;
	v1 =	vor.u32 $0x900, v0  }
0x27: {  	s5 =	sadd.s32 $0x600, s11;
	s16 =	sshll.u32 s14, $0x1;
	s17 =	sshrl.u32 s15, $0x1;
	v51 =	vor.u32 $0xC02, v0;
	v52 =	vor.u32 $0xC03, v0;
	[tilespmem:$0x1FFA0] =	vst v1;
	v1 =	vor.u32 $0x901, v0  }
0x28: {  	s14 =	sshll.u32 s14, $0x6;
	v53 =	vor.u32 $0xD00, v0;
	v54 =	vor.u32 $0xD01, v0;
	s16 =	sadd.s32 s16, s11;
	s15 =	ssub.s32 s15, s17;
	[tilespmem:$0x1FFB0] =	vst v1;
	v1 =	vor.u32 $0x902, v0  }
0x29: {  	v55 =	vor.u32 $0xD02, v0;
	v56 =	vor.u32 $0xD03, v0;
	s6 =	sadd.s32 s6, s14;
	s7 =	sadd.s32 s7, s14;
	s8 =	sadd.s32 s8, s14;
	[tilespmem:$0x1FFC0] =	vst v1;
	v1 =	vor.u32 $0x903, v0  }
0x2a: {  	v57 =	vor.u32 $0xE00, v0;
	v58 =	vor.u32 $0xE01, v0;
	s9 =	sadd.s32 s9, s14;
	s10 =	sadd.s32 s10, s14;
	s11 =	sadd.s32 s12, s14;
	[tilespmem:$0x1FFD0] =	vst v1;
	v1 =	vor.u32 $0xA00, v0  }
0x2b: {  	v59 =	vor.u32 $0xE02, v0;
	v60 =	vor.u32 $0xE03, v0;
	s12 =	sadd.s32 s13, s14;
	s17 =	simm.s32 $0x2200;
	s13 =	sadd.s32 $0x800, s16;
	[tilespmem:$0x1FFE0] =	vst v1;
	v1 =	vor.u32 $0xA01, v0  }
0x2c: {  	v61 =	vor.u32 $0xF00, v0;
	v62 =	vor.u32 $0xF01, v0;
	v63 =	vor.u32 $0xF02, v0;
	s14 =	smax.u32 s15, $0x1;
	s15 =	simm.s32 $0x2;
	s16 =	simm.s32 $0x200;
	[tilespmem:$0x1FFF0] =	vst v1  }
.LBB2_1:
0x2d: {  	[tilespmem:s2], [sflag:$0x2] =	stream.linear.gather [hbm4b:s6+s2], $0x200, $0x38;
	[tilespmem:$0x2F10] =	vst v63  }
0x2e: {  	_ =	swait.ge [sflag:s15], $0x200  }
0x2f: {  	[sflag:s15] =	ssyncset.done $0x0  }
0x30: {  	[sflag:s15] =	ssyncadd.s32 $0xFFFFFE00  }
0x31: {  	[tilespmem:s16], [sflag:$0x1] =	stream.indirect.gather [hbm4b:s4+s16], $0x10, s2, s16, $0xb8;
	[tilespmem:$0x2F10] =	vst v63  }
0x32: {  	_ = 	snop  }
0x33: {  	[tilespmem:s17], [sflag:$0x2] =	stream.linear.gather [hbm4b:s7+s2], $0x200, $0x38;
	[tilespmem:$0x2F10] =	vst v63  }
0x34: {  	_ =	swait.ge [sflag:s15], $0x200  }
0x35: {  	[sflag:s15] =	ssyncset.done $0x0  }
0x36: {  	[sflag:s15] =	ssyncadd.s32 $0xFFFFFE00  }
0x37: {  	[tilespmem:s18], [sflag:$0x2] =	stream.linear.gather [hbm4b:s8+s2], $0x200, $0x38;
	[tilespmem:$0x2F10] =	vst v63  }
0x38: {  	_ =	swait.ge [sflag:s15], $0x200  }
0x39: {  	[sflag:s15] =	ssyncset.done $0x0  }
0x3a: {  	[sflag:s15] =	ssyncadd.s32 $0xFFFFFE00  }
0x3b: {  	[tilespmem:s19], [sflag:$0x2] =	stream.linear.gather [hbm4b:s9+s2], $0x200, $0x38;
	[tilespmem:$0x2F10] =	vst v63  }
0x3c: {  	_ =	swait.ge [sflag:s15], $0x200  }
0x3d: {  	[sflag:s15] =	ssyncset.done $0x0  }
0x3e: {  	[sflag:s15] =	ssyncadd.s32 $0xFFFFFE00  }
0x3f: {  	[tilespmem:s20], [sflag:$0x2] =	stream.linear.gather [hbm4b:s10+s2], $0x200, $0x38;
	[tilespmem:$0x2F10] =	vst v63  }
0x40: {  	_ =	swait.ge [sflag:s15], $0x200  }
0x41: {  	[sflag:s15] =	ssyncset.done $0x0  }
0x42: {  	[sflag:s15] =	ssyncadd.s32 $0xFFFFFE00  }
0x43: {  	[tilespmem:s21], [sflag:$0x2] =	stream.linear.gather [hbm4b:s5+s2], $0xC0, $0x38;
	[tilespmem:$0x2F10] =	vst v63  }
0x44: {  	_ =	swait.ge [sflag:s15], $0xC0  }
0x45: {  	[sflag:s15] =	ssyncset.done $0x0  }
0x46: {  	[sflag:s15] =	ssyncadd.s32 $0xFFFFFF40  }
0x47: {  	[tilespmem:s22], [sflag:$0x2] =	stream.linear.gather [hbm4b:s0+s2], $0x40, $0x38;
	[tilespmem:$0x2F10] =	vst v63  }
0x48: {  	_ =	swait.ge [sflag:s15], $0x40  }
0x49: {  	[sflag:s15] =	ssyncset.done $0x0  }
0x4a: {  	[sflag:s15] =	ssyncadd.s32 $0xFFFFFFC0  }
0x4b: {  	_ =	swait.ge [sflag:s23], $0x2000  }
0x4c: {  	[sflag:s23] =	ssyncset.done $0x0  }
0x4d: {  	[sflag:s23] =	ssyncadd.s32 $0xFFFFE000  }
0x4e: {  	v1 =	vld [tilespmem:$0x2200];
	_ =	sdelay $0x1  }
0x4f: {  	v7 =	vld [tilespmem:$0x1FD70];
	_ =	sdelay $0x2  }
0x50: {  	v8 =	vld [tilespmem:$0x1FD80];
	v2 =	vmul.u32 $0x3, v1;
	_ =	sdelay $0x1  }
0x51: {  	v3 =	vadd.s32 $0x1, v2;
	_ =	sdelay $0x1  }
0x52: {  	v5 =	vld.idx.msk [tilespmem:v0+s16+$0x0], $0xffff;
	v6 =	vadd.s32 $0x2, v2  }
0x53: {  	v7 =	vld.idx.msk [tilespmem:v7+s16+$0x0], $0xffff  }
0x54: {  	v2 =	vld.idx.msk [tilespmem:v2+s21+$0x0], $0xffff  }
0x55: {  	v3 =	vld.idx.msk [tilespmem:v3+s21+$0x0], $0xffff  }
0x56: {  	v8 =	vld.idx.msk [tilespmem:v8+s16+$0x0], $0xffff  }
0x57: {  	v6 =	vld.idx.msk [tilespmem:v6+s21+$0x0], $0xffff;
	_ =	sdelay $0x2  }
0x58: {  	v2 =	vsub.f32 v5, v2;
	v3 =	vsub.f32 v7, v3;
	_ =	sdelay $0x1  }
0x59: {  	v5 =	vsub.f32 v8, v6;
	v2 =	vmul.f32 v2, v2;
	v3 =	vmul.f32 v3, v3;
	_ =	sdelay $0x1  }
0x5a: {  	v2 =	vadd.f32 v3, v2;
	v3 =	vmul.f32 v5, v5;
	_ =	sdelay $0x1  }
0x5b: {  	v2 =	vadd.f32 v3, v2;
	_ =	sdelay $0x1  }
0x5c: {  	v3 =	vshra.s32 v2, $0x1;
	v5 =	vmul.f32 $5.000000000e-01, v2  }
0x5d: {  	v3 =	vsub.s32 $0x5F3759DF, v3  }
0x5e: {  	v6 =	vmul.f32 v3, v5;
	_ =	sdelay $0x1  }
0x5f: {  	v6 =	vmul.f32 v3, v6;
	_ =	sdelay $0x1  }
0x60: {  	v6 =	vsub.f32 $1.500000000e+00, v6;
	_ =	sdelay $0x1  }
0x61: {  	v3 =	vmul.f32 v3, v6;
	_ =	sdelay $0x1  }
0x62: {  	v6 =	vmul.f32 v3, v5;
	_ =	sdelay $0x1  }
0x63: {  	v6 =	vmul.f32 v6, v3;
	_ =	sdelay $0x1  }
0x64: {  	v6 =	vsub.f32 $1.500000000e+00, v6;
	_ =	sdelay $0x1  }
0x65: {  	v3 =	vmul.f32 v6, v3;
	_ =	sdelay $0x1  }
0x66: {  	v7 =	vld [tilespmem:$0x2400];
	v5 =	vmul.f32 v3, v5;
	_ =	sdelay $0x1  }
0x67: {  	v5 =	vmul.f32 v5, v3;
	_ =	sdelay $0x1  }
0x68: {  	v5 =	vsub.f32 $1.500000000e+00, v5  }
0x69: {  	vm0 =	veq.s32 v7, $0x0  }
0x6a: {  	v6 =	vsel vm0, $0x40C00000, v4;
	v3 =	vmul.f32 v5, v3;
	v5 =	vld [tilespmem:$0x1FD90]  }
0x6b: {  	(erf) = vrcp.f32 v6;
	_ =	sdelay $0x4  }
0x6c: {  	v3 =	vmul.f32 v3, v2;
	_ =	sdelay $0x1  }
0x6d: {  	v5 =	vld.idx.msk [tilespmem:v5+s16+$0x0], $0xffff  }
0x6e: {  	vm5 =	vgt.f32 v2, $0.0e+00  }
0x6f: {  	v2 =	vnsel vm5, $0x0, v3;
	v3 =	vpop (erf)  }
0x70: {  	v1 =	vld.idx.msk [tilespmem:v1+s22+$0x0], $0xffff;
	v2 =	vmul.f32 v2, v3  }
0x71: {  	v3 =	vld [tilespmem:$0x2600]  }
0x72: {  	v2 =	vadd.f32 v2, v5;
	v5 =	vld [tilespmem:$0x2210]  }
0x73: {  	v6 =	vld [tilespmem:$0x1FDA0]  }
0x74: {  	v25 =	vld [tilespmem:$0x1FDB0]  }
0x75: {  	v1 =	vadd.f32 v2, v1;
	_ =	sdelay $0x1  }
0x76: {  	v9 =	vld [tilespmem:$0x1FDC0];
	v2 =	vsub.f32 v3, v1;
	v3 =	vmul.u32 $0x3, v5;
	_ =	sdelay $0x1  }
0x77: {  	[tilespmem:$0x2B00] =	vst v1;
	v7 =	vadd.s32 $0x1, v3  }
0x78: {  	[tilespmem:$0x2D00] =	vst v2  }
0x79: {  	v6 =	vld.idx.msk [tilespmem:v6+s16+$0x0], $0xffff;
	v10 =	vadd.s32 $0x2, v3  }
0x7a: {  	v8 =	vld.idx.msk [tilespmem:v25+s16+$0x0], $0xffff  }
0x7b: {  	v3 =	vld.idx.msk [tilespmem:v3+s21+$0x0], $0xffff  }
0x7c: {  	v7 =	vld.idx.msk [tilespmem:v7+s21+$0x0], $0xffff  }
0x7d: {  	v9 =	vld.idx.msk [tilespmem:v9+s16+$0x0], $0xffff  }
0x7e: {  	v10 =	vld.idx.msk [tilespmem:v10+s21+$0x0], $0xffff;
	_ =	sdelay $0x2  }
0x7f: {  	v3 =	vsub.f32 v6, v3;
	v6 =	vsub.f32 v8, v7;
	_ =	sdelay $0x1  }
0x80: {  	v7 =	vsub.f32 v9, v10;
	v3 =	vmul.f32 v3, v3;
	v6 =	vmul.f32 v6, v6;
	_ =	sdelay $0x1  }
0x81: {  	v3 =	vadd.f32 v6, v3;
	v6 =	vmul.f32 v7, v7;
	_ =	sdelay $0x1  }
0x82: {  	v3 =	vadd.f32 v6, v3;
	_ =	sdelay $0x1  }
0x83: {  	v6 =	vshra.s32 v3, $0x1;
	v7 =	vmul.f32 $5.000000000e-01, v3  }
0x84: {  	v6 =	vsub.s32 $0x5F3759DF, v6  }
0x85: {  	v26 =	vmul.f32 v6, v7;
	_ =	sdelay $0x1  }
0x86: {  	v8 =	vmul.f32 v6, v26;
	_ =	sdelay $0x1  }
0x87: {  	v8 =	vsub.f32 $1.500000000e+00, v8;
	_ =	sdelay $0x1  }
0x88: {  	v6 =	vmul.f32 v6, v8;
	_ =	sdelay $0x1  }
0x89: {  	v8 =	vmul.f32 v6, v7;
	_ =	sdelay $0x1  }
0x8a: {  	v8 =	vmul.f32 v8, v6;
	_ =	sdelay $0x1  }
0x8b: {  	v27 =	vld [tilespmem:$0x2410];
	v8 =	vsub.f32 $1.500000000e+00, v8;
	_ =	sdelay $0x1  }
0x8c: {  	v6 =	vmul.f32 v8, v6;
	_ =	sdelay $0x1  }
0x8d: {  	v7 =	vmul.f32 v6, v7  }
0x8e: {  	vm6 =	veq.s32 v27, $0x0  }
0x8f: {  	v11 =	vld [tilespmem:$0x1FDD0];
	v28 =	vsel vm6, $0x40C00000, v4;
	v7 =	vmul.f32 v7, v6  }
0x90: {  	(erf) = vrcp.f32 v28  }
0x91: {  	v7 =	vsub.f32 $1.500000000e+00, v7;
	_ =	sdelay $0x1  }
0x92: {  	v6 =	vmul.f32 v7, v6;
	_ =	sdelay $0x1  }
0x93: {  	v6 =	vmul.f32 v6, v3;
	_ =	sdelay $0x1  }
0x94: {  	v11 =	vld.idx.msk [tilespmem:v11+s16+$0x0], $0xffff  }
0x95: {  	vm7 =	vgt.f32 v3, $0.0e+00  }
0x96: {  	v3 =	vld.idx.msk [tilespmem:v5+s22+$0x0], $0xffff;
	v5 =	vnsel vm7, $0x0, v6;
	v6 =	vpop (erf)  }
0x97: {  	v7 =	vld [tilespmem:$0x2610];
	v5 =	vmul.f32 v5, v6  }
0x98: {  	v6 =	vld [tilespmem:$0x2220]  }
0x99: {  	v5 =	vadd.f32 v5, v11  }
0x9a: {  	v31 =	vld [tilespmem:$0x1FDF0]  }
0x9b: {  	v5 =	vadd.f32 v5, v3;
	_ =	sdelay $0x1  }
0x9c: {  	v29 =	vmul.u32 $0x3, v6;
	v3 =	vsub.f32 v7, v5;
	v7 =	vld [tilespmem:$0x1FDE0]  }
0x9d: {  	v32 =	vld [tilespmem:$0x1FE00]  }
0x9e: {  	[tilespmem:$0x2B10] =	vst v5;
	v5 =	vadd.s32 $0x1, v29;
	_ =	sdelay $0x1  }
0x9f: {  	[tilespmem:$0x2D10] =	vst v3  }
0xa0: {  	v30 =	vadd.s32 $0x2, v29;
	v10 =	vld.idx.msk [tilespmem:v31+s16+$0x0], $0xffff  }
0xa1: {  	v8 =	vld.idx.msk [tilespmem:v29+s21+$0x0], $0xffff  }
0xa2: {  	v5 =	vld.idx.msk [tilespmem:v5+s21+$0x0], $0xffff  }
0xa3: {  	v7 =	vld.idx.msk [tilespmem:v7+s16+$0x0], $0xffff  }
0xa4: {  	v11 =	vld.idx.msk [tilespmem:v32+s16+$0x0], $0xffff  }
0xa5: {  	v9 =	vld.idx.msk [tilespmem:v30+s21+$0x0], $0xffff;
	_ =	sdelay $0x2  }
0xa6: {  	v5 =	vsub.f32 v10, v5;
	v7 =	vsub.f32 v7, v8;
	_ =	sdelay $0x1  }
0xa7: {  	v33 =	vsub.f32 v11, v9;
	v5 =	vmul.f32 v5, v5;
	v7 =	vmul.f32 v7, v7;
	_ =	sdelay $0x1  }
0xa8: {  	v5 =	vadd.f32 v5, v7;
	v7 =	vmul.f32 v33, v33;
	_ =	sdelay $0x1  }
0xa9: {  	v5 =	vadd.f32 v7, v5;
	_ =	sdelay $0x1  }
0xaa: {  	v7 =	vshra.s32 v5, $0x1;
	v34 =	vmul.f32 $5.000000000e-01, v5  }
0xab: {  	v7 =	vsub.s32 $0x5F3759DF, v7  }
0xac: {  	v35 =	vmul.f32 v7, v34;
	_ =	sdelay $0x1  }
0xad: {  	v9 =	vmul.f32 v7, v35;
	_ =	sdelay $0x1  }
0xae: {  	v9 =	vsub.f32 $1.500000000e+00, v9;
	_ =	sdelay $0x1  }
0xaf: {  	v7 =	vmul.f32 v7, v9;
	_ =	sdelay $0x1  }
0xb0: {  	v9 =	vmul.f32 v7, v34;
	_ =	sdelay $0x1  }
0xb1: {  	v9 =	vmul.f32 v9, v7;
	_ =	sdelay $0x1  }
0xb2: {  	v36 =	vld [tilespmem:$0x2420];
	v9 =	vsub.f32 $1.500000000e+00, v9;
	_ =	sdelay $0x1  }
0xb3: {  	v7 =	vmul.f32 v9, v7;
	_ =	sdelay $0x1  }
0xb4: {  	v8 =	vmul.f32 v7, v34  }
0xb5: {  	vm8 =	veq.s32 v36, $0x0  }
0xb6: {  	v38 =	vld [tilespmem:$0x1FE10];
	v37 =	vsel vm8, $0x40C00000, v4;
	v8 =	vmul.f32 v8, v7  }
0xb7: {  	(erf) = vrcp.f32 v37  }
0xb8: {  	v8 =	vsub.f32 $1.500000000e+00, v8;
	_ =	sdelay $0x1  }
0xb9: {  	v7 =	vmul.f32 v8, v7;
	_ =	sdelay $0x1  }
0xba: {  	v7 =	vmul.f32 v7, v5;
	_ =	sdelay $0x1  }
0xbb: {  	v8 =	vld.idx.msk [tilespmem:v38+s16+$0x0], $0xffff  }
0xbc: {  	v41 =	vld [tilespmem:$0x1FE20];
	vm9 =	vgt.f32 v5, $0.0e+00  }
0xbd: {  	v5 =	vld.idx.msk [tilespmem:v6+s22+$0x0], $0xffff;
	v6 =	vnsel vm9, $0x0, v7;
	v7 =	vpop (erf)  }
0xbe: {  	v6 =	vmul.f32 v6, v7;
	v7 =	vld [tilespmem:$0x2230]  }
0xbf: {  	v39 =	vld [tilespmem:$0x2620]  }
0xc0: {  	v16 =	vld [tilespmem:$0x1FE30];
	v6 =	vadd.f32 v6, v8;
	_ =	sdelay $0x1  }
0xc1: {  	v6 =	vadd.f32 v6, v5  }
0xc2: {  	v40 =	vmul.u32 $0x3, v7  }
0xc3: {  	v5 =	vsub.f32 v39, v6  }
0xc4: {  	[tilespmem:$0x2B20] =	vst v6;
	v6 =	vadd.s32 $0x1, v40  }
0xc5: {  	v1 =	vld [tilespmem:$0x2800];
	[tilespmem:$0x2D20] =	vst v5  }
0xc6: {  	v9 =	vld.idx.msk [tilespmem:v41+s16+$0x0], $0xffff  }
0xc7: {  	v11 =	vld.idx.msk [tilespmem:v16+s16+$0x0], $0xffff  }
0xc8: {  	v8 =	vld.idx.msk [tilespmem:v40+s21+$0x0], $0xffff  }
0xc9: {  	v6 =	vld.idx.msk [tilespmem:v6+s21+$0x0], $0xffff  }
0xca: {  	v12 =	vld [tilespmem:$0x1FE40];
	_ =	sdelay $0x1  }
0xcb: {  	v42 =	vadd.s32 $0x2, v40;
	_ =	sdelay $0x4  }
0xcc: {  	v10 =	vld.idx.msk [tilespmem:v42+s21+$0x0], $0xffff  }
0xcd: {  	v12 =	vld.idx.msk [tilespmem:v12+s16+$0x0], $0xffff;
	_ =	sdelay $0x2  }
0xce: {  	v8 =	vsub.f32 v9, v8;
	v6 =	vsub.f32 v11, v6;
	_ =	sdelay $0x1  }
0xcf: {  	v8 =	vmul.f32 v8, v8;
	v6 =	vmul.f32 v6, v6;
	v17 =	vsub.f32 v12, v10;
	_ =	sdelay $0x1  }
0xd0: {  	v6 =	vadd.f32 v6, v8;
	v18 =	vmul.f32 v17, v17;
	_ =	sdelay $0x1  }
0xd1: {  	v6 =	vadd.f32 v18, v6;
	_ =	sdelay $0x1  }
0xd2: {  	v8 =	vshra.s32 v6, $0x1;
	v19 =	vmul.f32 $5.000000000e-01, v6  }
0xd3: {  	v8 =	vsub.s32 $0x5F3759DF, v8  }
0xd4: {  	v20 =	vmul.f32 v8, v19;
	_ =	sdelay $0x1  }
0xd5: {  	v10 =	vmul.f32 v8, v20;
	_ =	sdelay $0x1  }
0xd6: {  	v10 =	vsub.f32 $1.500000000e+00, v10;
	_ =	sdelay $0x1  }
0xd7: {  	v8 =	vmul.f32 v8, v10;
	_ =	sdelay $0x1  }
0xd8: {  	v10 =	vmul.f32 v8, v19;
	_ =	sdelay $0x1  }
0xd9: {  	v21 =	vld [tilespmem:$0x2430];
	v10 =	vmul.f32 v10, v8;
	_ =	sdelay $0x1  }
0xda: {  	v10 =	vsub.f32 $1.500000000e+00, v10;
	_ =	sdelay $0x1  }
0xdb: {  	v8 =	vmul.f32 v10, v8  }
0xdc: {  	vm10 =	veq.s32 v21, $0x0  }
0xdd: {  	v23 =	vld [tilespmem:$0x1FE50];
	v22 =	vsel vm10, $0x40C00000, v4;
	v9 =	vmul.f32 v8, v19  }
0xde: {  	(erf) = vrcp.f32 v22  }
0xdf: {  	v9 =	vmul.f32 v9, v8;
	_ =	sdelay $0x1  }
0xe0: {  	v9 =	vsub.f32 $1.500000000e+00, v9;
	_ =	sdelay $0x1  }
0xe1: {  	v8 =	vmul.f32 v9, v8;
	_ =	sdelay $0x1  }
0xe2: {  	v9 =	vld.idx.msk [tilespmem:v23+s16+$0x0], $0xffff;
	v8 =	vmul.f32 v8, v6  }
0xe3: {  	v25 =	vld [tilespmem:$0x2240];
	vm11 =	vgt.f32 v6, $0.0e+00  }
0xe4: {  	v24 =	vpop (erf);
	v6 =	vld.idx.msk [tilespmem:v7+s22+$0x0], $0xffff;
	v7 =	vnsel vm11, $0x0, v8  }
0xe5: {  	v26 =	vld [tilespmem:$0x2630];
	v7 =	vmul.f32 v7, v24  }
0xe6: {  	v28 =	vld [tilespmem:$0x1FE60]  }
0xe7: {  	v30 =	vld [tilespmem:$0x1FE70];
	v7 =	vadd.f32 v7, v9;
	_ =	sdelay $0x1  }
0xe8: {  	v7 =	vadd.f32 v7, v6  }
0xe9: {  	v13 =	vld [tilespmem:$0x1FE80];
	v27 =	vmul.u32 $0x3, v25  }
0xea: {  	v6 =	vsub.f32 v26, v7  }
0xeb: {  	[tilespmem:$0x2B30] =	vst v7;
	v7 =	vadd.s32 $0x1, v27  }
0xec: {  	[tilespmem:$0x2D30] =	vst v6  }
0xed: {  	v29 =	vadd.s32 $0x2, v27;
	v10 =	vld.idx.msk [tilespmem:v28+s16+$0x0], $0xffff  }
0xee: {  	v12 =	vld.idx.msk [tilespmem:v30+s16+$0x0], $0xffff  }
0xef: {  	v9 =	vld.idx.msk [tilespmem:v27+s21+$0x0], $0xffff  }
0xf0: {  	v7 =	vld.idx.msk [tilespmem:v7+s21+$0x0], $0xffff  }
0xf1: {  	v13 =	vld.idx.msk [tilespmem:v13+s16+$0x0], $0xffff  }
0xf2: {  	v11 =	vld.idx.msk [tilespmem:v29+s21+$0x0], $0xffff;
	_ =	sdelay $0x2  }
0xf3: {  	v9 =	vsub.f32 v10, v9;
	v7 =	vsub.f32 v12, v7;
	_ =	sdelay $0x1  }
0xf4: {  	v31 =	vsub.f32 v13, v11;
	v9 =	vmul.f32 v9, v9;
	v7 =	vmul.f32 v7, v7;
	_ =	sdelay $0x1  }
0xf5: {  	v32 =	vmul.f32 v31, v31;
	v7 =	vadd.f32 v7, v9;
	_ =	sdelay $0x1  }
0xf6: {  	v7 =	vadd.f32 v32, v7;
	_ =	sdelay $0x1  }
0xf7: {  	v9 =	vshra.s32 v7, $0x1;
	v33 =	vmul.f32 $5.000000000e-01, v7  }
0xf8: {  	v9 =	vsub.s32 $0x5F3759DF, v9  }
0xf9: {  	v34 =	vmul.f32 v9, v33;
	_ =	sdelay $0x1  }
0xfa: {  	v11 =	vmul.f32 v9, v34;
	_ =	sdelay $0x1  }
0xfb: {  	v11 =	vsub.f32 $1.500000000e+00, v11;
	_ =	sdelay $0x1  }
0xfc: {  	v9 =	vmul.f32 v9, v11;
	_ =	sdelay $0x1  }
0xfd: {  	v11 =	vmul.f32 v9, v33;
	_ =	sdelay $0x1  }
0xfe: {  	v35 =	vld [tilespmem:$0x2440];
	v11 =	vmul.f32 v11, v9;
	_ =	sdelay $0x1  }
0xff: {  	v11 =	vsub.f32 $1.500000000e+00, v11;
	_ =	sdelay $0x1  }
0x100: {  	v9 =	vmul.f32 v11, v9  }
0x101: {  	vm12 =	veq.s32 v35, $0x0  }
0x102: {  	v37 =	vld [tilespmem:$0x1FE90];
	v36 =	vsel vm12, $0x40C00000, v4;
	v10 =	vmul.f32 v9, v33  }
0x103: {  	(erf) = vrcp.f32 v36  }
0x104: {  	v10 =	vmul.f32 v10, v9;
	_ =	sdelay $0x1  }
0x105: {  	v10 =	vsub.f32 $1.500000000e+00, v10;
	_ =	sdelay $0x1  }
0x106: {  	v9 =	vmul.f32 v10, v9;
	_ =	sdelay $0x1  }
0x107: {  	v10 =	vld.idx.msk [tilespmem:v37+s16+$0x0], $0xffff;
	v9 =	vmul.f32 v9, v7  }
0x108: {  	v40 =	vld [tilespmem:$0x2250];
	vm13 =	vgt.f32 v7, $0.0e+00  }
0x109: {  	v39 =	vpop (erf);
	v7 =	vld.idx.msk [tilespmem:v25+s22+$0x0], $0xffff;
	v38 =	vnsel vm13, $0x0, v9  }
0x10a: {  	v41 =	vld [tilespmem:$0x2640];
	v8 =	vmul.f32 v38, v39  }
0x10b: {  	v17 =	vld [tilespmem:$0x1FEA0]  }
0x10c: {  	v19 =	vld [tilespmem:$0x1FEB0];
	v8 =	vadd.f32 v8, v10;
	_ =	sdelay $0x1  }
0x10d: {  	v8 =	vadd.f32 v8, v7  }
0x10e: {  	v14 =	vld [tilespmem:$0x1FEC0];
	v42 =	vmul.u32 $0x3, v40  }
0x10f: {  	v7 =	vsub.f32 v41, v8  }
0x110: {  	v16 =	vadd.s32 $0x1, v42;
	[tilespmem:$0x2B40] =	vst v8  }
0x111: {  	[tilespmem:$0x2D40] =	vst v7  }
0x112: {  	v18 =	vadd.s32 $0x2, v42;
	v11 =	vld.idx.msk [tilespmem:v17+s16+$0x0], $0xffff  }
0x113: {  	v13 =	vld.idx.msk [tilespmem:v19+s16+$0x0], $0xffff  }
0x114: {  	v10 =	vld.idx.msk [tilespmem:v42+s21+$0x0], $0xffff  }
0x115: {  	v8 =	vld.idx.msk [tilespmem:v16+s21+$0x0], $0xffff  }
0x116: {  	v14 =	vld.idx.msk [tilespmem:v14+s16+$0x0], $0xffff  }
0x117: {  	v12 =	vld.idx.msk [tilespmem:v18+s21+$0x0], $0xffff;
	_ =	sdelay $0x2  }
0x118: {  	v10 =	vsub.f32 v11, v10;
	v8 =	vsub.f32 v13, v8;
	_ =	sdelay $0x1  }
0x119: {  	v20 =	vsub.f32 v14, v12;
	v10 =	vmul.f32 v10, v10;
	v8 =	vmul.f32 v8, v8;
	_ =	sdelay $0x1  }
0x11a: {  	v21 =	vmul.f32 v20, v20;
	v8 =	vadd.f32 v8, v10;
	_ =	sdelay $0x1  }
0x11b: {  	v8 =	vadd.f32 v21, v8;
	_ =	sdelay $0x1  }
0x11c: {  	v10 =	vshra.s32 v8, $0x1;
	v22 =	vmul.f32 $5.000000000e-01, v8  }
0x11d: {  	v10 =	vsub.s32 $0x5F3759DF, v10  }
0x11e: {  	v23 =	vmul.f32 v10, v22;
	_ =	sdelay $0x1  }
0x11f: {  	v12 =	vmul.f32 v10, v23;
	_ =	sdelay $0x1  }
0x120: {  	v12 =	vsub.f32 $1.500000000e+00, v12;
	_ =	sdelay $0x1  }
0x121: {  	v10 =	vmul.f32 v10, v12;
	_ =	sdelay $0x1  }
0x122: {  	v12 =	vmul.f32 v10, v22;
	_ =	sdelay $0x1  }
0x123: {  	v24 =	vld [tilespmem:$0x2450];
	v12 =	vmul.f32 v12, v10;
	_ =	sdelay $0x1  }
0x124: {  	v12 =	vsub.f32 $1.500000000e+00, v12;
	_ =	sdelay $0x1  }
0x125: {  	v10 =	vmul.f32 v12, v10  }
0x126: {  	vm14 =	veq.s32 v24, $0x0  }
0x127: {  	v26 =	vld [tilespmem:$0x1FED0];
	v25 =	vsel vm14, $0x40C00000, v4;
	v11 =	vmul.f32 v10, v22  }
0x128: {  	(erf) = vrcp.f32 v25  }
0x129: {  	v11 =	vmul.f32 v11, v10;
	_ =	sdelay $0x1  }
0x12a: {  	v11 =	vsub.f32 $1.500000000e+00, v11;
	_ =	sdelay $0x1  }
0x12b: {  	v10 =	vmul.f32 v11, v10;
	_ =	sdelay $0x1  }
0x12c: {  	v11 =	vld.idx.msk [tilespmem:v26+s16+$0x0], $0xffff;
	v10 =	vmul.f32 v10, v8  }
0x12d: {  	v30 =	vld [tilespmem:$0x2260];
	vm15 =	vgt.f32 v8, $0.0e+00  }
0x12e: {  	v29 =	vpop (erf);
	v27 =	vld.idx.msk [tilespmem:v40+s22+$0x0], $0xffff;
	v28 =	vnsel vm15, $0x0, v10  }
0x12f: {  	v31 =	vld [tilespmem:$0x2650];
	v9 =	vmul.f32 v28, v29  }
0x130: {  	v34 =	vld [tilespmem:$0x1FEE0]  }
0x131: {  	v36 =	vld [tilespmem:$0x1FEF0];
	v9 =	vadd.f32 v9, v11;
	_ =	sdelay $0x1  }
0x132: {  	v9 =	vadd.f32 v9, v27  }
0x133: {  	v15 =	vld [tilespmem:$0x1FF00];
	v32 =	vmul.u32 $0x3, v30  }
0x134: {  	v8 =	vsub.f32 v31, v9  }
0x135: {  	v33 =	vadd.s32 $0x1, v32;
	[tilespmem:$0x2B50] =	vst v9  }
0x136: {  	[tilespmem:$0x2D50] =	vst v8  }
0x137: {  	v35 =	vadd.s32 $0x2, v32;
	v12 =	vld.idx.msk [tilespmem:v34+s16+$0x0], $0xffff  }
0x138: {  	v14 =	vld.idx.msk [tilespmem:v36+s16+$0x0], $0xffff  }
0x139: {  	v11 =	vld.idx.msk [tilespmem:v32+s21+$0x0], $0xffff  }
0x13a: {  	v9 =	vld.idx.msk [tilespmem:v33+s21+$0x0], $0xffff  }
0x13b: {  	v15 =	vld.idx.msk [tilespmem:v15+s16+$0x0], $0xffff  }
0x13c: {  	v13 =	vld.idx.msk [tilespmem:v35+s21+$0x0], $0xffff;
	_ =	sdelay $0x2  }
0x13d: {  	v11 =	vsub.f32 v12, v11;
	v9 =	vsub.f32 v14, v9;
	_ =	sdelay $0x1  }
0x13e: {  	v37 =	vsub.f32 v15, v13;
	v11 =	vmul.f32 v11, v11;
	v9 =	vmul.f32 v9, v9;
	_ =	sdelay $0x1  }
0x13f: {  	v38 =	vmul.f32 v37, v37;
	v9 =	vadd.f32 v9, v11;
	_ =	sdelay $0x1  }
0x140: {  	v9 =	vadd.f32 v38, v9;
	_ =	sdelay $0x1  }
0x141: {  	v11 =	vshra.s32 v9, $0x1;
	v39 =	vmul.f32 $5.000000000e-01, v9  }
0x142: {  	v11 =	vsub.s32 $0x5F3759DF, v11  }
0x143: {  	v40 =	vmul.f32 v11, v39;
	_ =	sdelay $0x1  }
0x144: {  	v13 =	vmul.f32 v11, v40;
	_ =	sdelay $0x1  }
0x145: {  	v13 =	vsub.f32 $1.500000000e+00, v13;
	_ =	sdelay $0x1  }
0x146: {  	v11 =	vmul.f32 v11, v13;
	_ =	sdelay $0x1  }
0x147: {  	v13 =	vmul.f32 v11, v39;
	_ =	sdelay $0x1  }
0x148: {  	v41 =	vld [tilespmem:$0x2460];
	v13 =	vmul.f32 v13, v11;
	_ =	sdelay $0x1  }
0x149: {  	v13 =	vsub.f32 $1.500000000e+00, v13;
	_ =	sdelay $0x1  }
0x14a: {  	v11 =	vmul.f32 v13, v11  }
0x14b: {  	vm4 =	veq.s32 v41, $0x0  }
0x14c: {  	v16 =	vld [tilespmem:$0x1FF10];
	v42 =	vsel vm4, $0x40C00000, v4;
	v12 =	vmul.f32 v11, v39  }
0x14d: {  	(erf) = vrcp.f32 v42  }
0x14e: {  	v12 =	vmul.f32 v12, v11;
	_ =	sdelay $0x1  }
0x14f: {  	v12 =	vsub.f32 $1.500000000e+00, v12;
	_ =	sdelay $0x1  }
0x150: {  	v11 =	vmul.f32 v12, v11;
	_ =	sdelay $0x1  }
0x151: {  	v12 =	vld.idx.msk [tilespmem:v16+s16+$0x0], $0xffff;
	v11 =	vmul.f32 v11, v9  }
0x152: {  	v24 =	vld [tilespmem:$0x1FF20];
	vm5 =	vgt.f32 v9, $0.0e+00  }
0x153: {  	v19 =	vpop (erf);
	v17 =	vld.idx.msk [tilespmem:v30+s22+$0x0], $0xffff;
	v18 =	vnsel vm5, $0x0, v11  }
0x154: {  	v20 =	vld [tilespmem:$0x2270];
	v10 =	vmul.f32 v18, v19  }
0x155: {  	v21 =	vld [tilespmem:$0x2660]  }
0x156: {  	v26 =	vld [tilespmem:$0x1FF30];
	v10 =	vadd.f32 v10, v12;
	_ =	sdelay $0x1  }
0x157: {  	v10 =	vadd.f32 v10, v17  }
0x158: {  	v22 =	vmul.u32 $0x3, v20;
	v16 =	vld [tilespmem:$0x1FF40]  }
0x159: {  	v9 =	vsub.f32 v21, v10  }
0x15a: {  	v23 =	vadd.s32 $0x1, v22;
	[tilespmem:$0x2B60] =	vst v10  }
0x15b: {  	[tilespmem:$0x2D60] =	vst v9  }
0x15c: {  	v25 =	vadd.s32 $0x2, v22;
	v13 =	vld.idx.msk [tilespmem:v24+s16+$0x0], $0xffff  }
0x15d: {  	v15 =	vld.idx.msk [tilespmem:v26+s16+$0x0], $0xffff  }
0x15e: {  	v12 =	vld.idx.msk [tilespmem:v22+s21+$0x0], $0xffff  }
0x15f: {  	v10 =	vld.idx.msk [tilespmem:v23+s21+$0x0], $0xffff  }
0x160: {  	v16 =	vld.idx.msk [tilespmem:v16+s16+$0x0], $0xffff  }
0x161: {  	v14 =	vld.idx.msk [tilespmem:v25+s21+$0x0], $0xffff;
	_ =	sdelay $0x2  }
0x162: {  	v12 =	vsub.f32 v13, v12;
	v10 =	vsub.f32 v15, v10;
	_ =	sdelay $0x1  }
0x163: {  	v27 =	vsub.f32 v16, v14;
	v12 =	vmul.f32 v12, v12;
	v10 =	vmul.f32 v10, v10;
	_ =	sdelay $0x1  }
0x164: {  	v28 =	vmul.f32 v27, v27;
	v10 =	vadd.f32 v10, v12;
	_ =	sdelay $0x1  }
0x165: {  	v10 =	vadd.f32 v28, v10;
	_ =	sdelay $0x1  }
0x166: {  	v12 =	vshra.s32 v10, $0x1;
	v29 =	vmul.f32 $5.000000000e-01, v10  }
0x167: {  	v12 =	vsub.s32 $0x5F3759DF, v12  }
0x168: {  	v30 =	vmul.f32 v12, v29;
	_ =	sdelay $0x1  }
0x169: {  	v14 =	vmul.f32 v12, v30;
	_ =	sdelay $0x1  }
0x16a: {  	v14 =	vsub.f32 $1.500000000e+00, v14;
	_ =	sdelay $0x1  }
0x16b: {  	v12 =	vmul.f32 v12, v14;
	_ =	sdelay $0x1  }
0x16c: {  	v14 =	vmul.f32 v12, v29;
	_ =	sdelay $0x1  }
0x16d: {  	v31 =	vld [tilespmem:$0x2470];
	v14 =	vmul.f32 v14, v12;
	_ =	sdelay $0x1  }
0x16e: {  	v14 =	vsub.f32 $1.500000000e+00, v14;
	_ =	sdelay $0x1  }
0x16f: {  	v12 =	vmul.f32 v14, v12  }
0x170: {  	vm6 =	veq.s32 v31, $0x0  }
0x171: {  	v33 =	vld [tilespmem:$0x1FF50];
	v32 =	vsel vm6, $0x40C00000, v4;
	v13 =	vmul.f32 v12, v29  }
0x172: {  	(erf) = vrcp.f32 v32  }
0x173: {  	v13 =	vmul.f32 v13, v12;
	_ =	sdelay $0x1  }
0x174: {  	v13 =	vsub.f32 $1.500000000e+00, v13;
	_ =	sdelay $0x1  }
0x175: {  	v12 =	vmul.f32 v13, v12;
	_ =	sdelay $0x1  }
0x176: {  	v13 =	vld.idx.msk [tilespmem:v33+s16+$0x0], $0xffff;
	v12 =	vmul.f32 v12, v10  }
0x177: {  	v41 =	vld [tilespmem:$0x1FF60];
	vm7 =	vgt.f32 v10, $0.0e+00  }
0x178: {  	v36 =	vpop (erf);
	v34 =	vld.idx.msk [tilespmem:v20+s22+$0x0], $0xffff;
	v35 =	vnsel vm7, $0x0, v12  }
0x179: {  	v37 =	vld [tilespmem:$0x2280];
	v11 =	vmul.f32 v35, v36  }
0x17a: {  	v38 =	vld [tilespmem:$0x2670]  }
0x17b: {  	v20 =	vld [tilespmem:$0x1FF70];
	v11 =	vadd.f32 v11, v13;
	_ =	sdelay $0x1  }
0x17c: {  	v11 =	vadd.f32 v11, v34  }
0x17d: {  	v39 =	vmul.u32 $0x3, v37;
	v17 =	vld [tilespmem:$0x1FF80]  }
0x17e: {  	v10 =	vsub.f32 v38, v11  }
0x17f: {  	v40 =	vadd.s32 $0x1, v39;
	[tilespmem:$0x2B70] =	vst v11  }
0x180: {  	[tilespmem:$0x2D70] =	vst v10  }
0x181: {  	v42 =	vadd.s32 $0x2, v39;
	v14 =	vld.idx.msk [tilespmem:v41+s16+$0x0], $0xffff  }
0x182: {  	v16 =	vld.idx.msk [tilespmem:v20+s16+$0x0], $0xffff  }
0x183: {  	v13 =	vld.idx.msk [tilespmem:v39+s21+$0x0], $0xffff  }
0x184: {  	v11 =	vld.idx.msk [tilespmem:v40+s21+$0x0], $0xffff  }
0x185: {  	v17 =	vld.idx.msk [tilespmem:v17+s16+$0x0], $0xffff  }
0x186: {  	v15 =	vld.idx.msk [tilespmem:v42+s21+$0x0], $0xffff;
	_ =	sdelay $0x2  }
0x187: {  	v13 =	vsub.f32 v14, v13;
	v11 =	vsub.f32 v16, v11;
	_ =	sdelay $0x1  }
0x188: {  	v21 =	vsub.f32 v17, v15;
	v13 =	vmul.f32 v13, v13;
	v11 =	vmul.f32 v11, v11;
	_ =	sdelay $0x1  }
0x189: {  	v22 =	vmul.f32 v21, v21;
	v11 =	vadd.f32 v11, v13;
	_ =	sdelay $0x1  }
0x18a: {  	v11 =	vadd.f32 v22, v11;
	_ =	sdelay $0x1  }
0x18b: {  	v13 =	vshra.s32 v11, $0x1;
	v23 =	vmul.f32 $5.000000000e-01, v11  }
0x18c: {  	v13 =	vsub.s32 $0x5F3759DF, v13  }
0x18d: {  	v24 =	vmul.f32 v13, v23;
	_ =	sdelay $0x1  }
0x18e: {  	v15 =	vmul.f32 v13, v24;
	_ =	sdelay $0x1  }
0x18f: {  	v15 =	vsub.f32 $1.500000000e+00, v15;
	_ =	sdelay $0x1  }
0x190: {  	v13 =	vmul.f32 v13, v15;
	_ =	sdelay $0x1  }
0x191: {  	v15 =	vmul.f32 v13, v23;
	_ =	sdelay $0x1  }
0x192: {  	v25 =	vld [tilespmem:$0x2480];
	v15 =	vmul.f32 v15, v13;
	_ =	sdelay $0x1  }
0x193: {  	v15 =	vsub.f32 $1.500000000e+00, v15;
	_ =	sdelay $0x1  }
0x194: {  	v13 =	vmul.f32 v15, v13  }
0x195: {  	vm8 =	veq.s32 v25, $0x0  }
0x196: {  	v26 =	vsel vm8, $0x40C00000, v4;
	v27 =	vld [tilespmem:$0x1FF90];
	v14 =	vmul.f32 v13, v23  }
0x197: {  	(erf) = vrcp.f32 v26  }
0x198: {  	v14 =	vmul.f32 v14, v13;
	_ =	sdelay $0x1  }
0x199: {  	v14 =	vsub.f32 $1.500000000e+00, v14;
	_ =	sdelay $0x1  }
0x19a: {  	v13 =	vmul.f32 v14, v13;
	_ =	sdelay $0x1  }
0x19b: {  	v14 =	vld.idx.msk [tilespmem:v27+s16+$0x0], $0xffff;
	v13 =	vmul.f32 v13, v11  }
0x19c: {  	v31 =	vld [tilespmem:$0x2290];
	vm9 =	vgt.f32 v11, $0.0e+00  }
0x19d: {  	v30 =	vpop (erf);
	v28 =	vld.idx.msk [tilespmem:v37+s22+$0x0], $0xffff;
	v29 =	vnsel vm9, $0x0, v13  }
0x19e: {  	v32 =	vld [tilespmem:$0x2680];
	v12 =	vmul.f32 v29, v30  }
0x19f: {  	v35 =	vld [tilespmem:$0x1FFA0]  }
0x1a0: {  	v37 =	vld [tilespmem:$0x1FFB0];
	v12 =	vadd.f32 v12, v14;
	_ =	sdelay $0x1  }
0x1a1: {  	v12 =	vadd.f32 v12, v28  }
0x1a2: {  	v18 =	vld [tilespmem:$0x1FFC0];
	v33 =	vmul.u32 $0x3, v31  }
0x1a3: {  	v11 =	vsub.f32 v32, v12  }
0x1a4: {  	v34 =	vadd.s32 $0x1, v33;
	[tilespmem:$0x2B80] =	vst v12  }
0x1a5: {  	[tilespmem:$0x2D80] =	vst v11  }
0x1a6: {  	v36 =	vadd.s32 $0x2, v33;
	v15 =	vld.idx.msk [tilespmem:v35+s16+$0x0], $0xffff  }
0x1a7: {  	v17 =	vld.idx.msk [tilespmem:v37+s16+$0x0], $0xffff  }
0x1a8: {  	v14 =	vld.idx.msk [tilespmem:v33+s21+$0x0], $0xffff  }
0x1a9: {  	v12 =	vld.idx.msk [tilespmem:v34+s21+$0x0], $0xffff  }
0x1aa: {  	v18 =	vld.idx.msk [tilespmem:v18+s16+$0x0], $0xffff  }
0x1ab: {  	v16 =	vld.idx.msk [tilespmem:v36+s21+$0x0], $0xffff;
	_ =	sdelay $0x2  }
0x1ac: {  	v14 =	vsub.f32 v15, v14;
	v12 =	vsub.f32 v17, v12;
	_ =	sdelay $0x1  }
0x1ad: {  	v38 =	vsub.f32 v18, v16;
	v14 =	vmul.f32 v14, v14;
	v12 =	vmul.f32 v12, v12;
	_ =	sdelay $0x1  }
0x1ae: {  	v39 =	vmul.f32 v38, v38;
	v12 =	vadd.f32 v12, v14;
	_ =	sdelay $0x1  }
0x1af: {  	v12 =	vadd.f32 v39, v12;
	_ =	sdelay $0x1  }
0x1b0: {  	v14 =	vshra.s32 v12, $0x1;
	v40 =	vmul.f32 $5.000000000e-01, v12  }
0x1b1: {  	v14 =	vsub.s32 $0x5F3759DF, v14  }
0x1b2: {  	v41 =	vmul.f32 v14, v40;
	_ =	sdelay $0x1  }
0x1b3: {  	v16 =	vmul.f32 v14, v41;
	_ =	sdelay $0x1  }
0x1b4: {  	v16 =	vsub.f32 $1.500000000e+00, v16;
	_ =	sdelay $0x1  }
0x1b5: {  	v14 =	vmul.f32 v14, v16;
	_ =	sdelay $0x1  }
0x1b6: {  	v16 =	vmul.f32 v14, v40;
	_ =	sdelay $0x1  }
0x1b7: {  	v42 =	vld [tilespmem:$0x2490];
	v16 =	vmul.f32 v16, v14;
	_ =	sdelay $0x1  }
0x1b8: {  	v16 =	vsub.f32 $1.500000000e+00, v16;
	_ =	sdelay $0x1  }
0x1b9: {  	v14 =	vmul.f32 v16, v14  }
0x1ba: {  	vm10 =	veq.s32 v42, $0x0  }
0x1bb: {  	v20 =	vsel vm10, $0x40C00000, v4;
	v21 =	vld [tilespmem:$0x1FFD0];
	v15 =	vmul.f32 v14, v40  }
0x1bc: {  	(erf) = vrcp.f32 v20  }
0x1bd: {  	v15 =	vmul.f32 v15, v14;
	_ =	sdelay $0x1  }
0x1be: {  	v15 =	vsub.f32 $1.500000000e+00, v15;
	_ =	sdelay $0x1  }
0x1bf: {  	v14 =	vmul.f32 v15, v14;
	_ =	sdelay $0x1  }
0x1c0: {  	v15 =	vld.idx.msk [tilespmem:v21+s16+$0x0], $0xffff;
	v14 =	vmul.f32 v14, v12  }
0x1c1: {  	v25 =	vld [tilespmem:$0x22A0];
	vm11 =	vgt.f32 v12, $0.0e+00  }
0x1c2: {  	v24 =	vpop (erf);
	v22 =	vld.idx.msk [tilespmem:v31+s22+$0x0], $0xffff;
	v23 =	vnsel vm11, $0x0, v14  }
0x1c3: {  	v26 =	vld [tilespmem:$0x2690];
	v13 =	vmul.f32 v23, v24  }
0x1c4: {  	v29 =	vld [tilespmem:$0x1FFE0]  }
0x1c5: {  	v31 =	vld [tilespmem:$0x1FFF0];
	v13 =	vadd.f32 v13, v15;
	_ =	sdelay $0x1  }
0x1c6: {  	v13 =	vadd.f32 v13, v22  }
0x1c7: {  	v27 =	vmul.u32 $0x3, v25  }
0x1c8: {  	v12 =	vsub.f32 v26, v13  }
0x1c9: {  	v28 =	vadd.s32 $0x1, v27;
	[tilespmem:$0x2B90] =	vst v13  }
0x1ca: {  	[tilespmem:$0x2D90] =	vst v12  }
0x1cb: {  	v30 =	vadd.s32 $0x2, v27;
	v16 =	vld.idx.msk [tilespmem:v29+s16+$0x0], $0xffff  }
0x1cc: {  	v18 =	vld.idx.msk [tilespmem:v31+s16+$0x0], $0xffff  }
0x1cd: {  	v15 =	vld.idx.msk [tilespmem:v27+s21+$0x0], $0xffff  }
0x1ce: {  	v13 =	vld.idx.msk [tilespmem:v28+s21+$0x0], $0xffff  }
0x1cf: {  	v19 =	vld.idx.msk [tilespmem:v43+s16+$0x0], $0xffff  }
0x1d0: {  	v17 =	vld.idx.msk [tilespmem:v30+s21+$0x0], $0xffff;
	_ =	sdelay $0x2  }
0x1d1: {  	v15 =	vsub.f32 v16, v15;
	v13 =	vsub.f32 v18, v13;
	_ =	sdelay $0x1  }
0x1d2: {  	v32 =	vsub.f32 v19, v17;
	v15 =	vmul.f32 v15, v15;
	v13 =	vmul.f32 v13, v13;
	_ =	sdelay $0x1  }
0x1d3: {  	v33 =	vmul.f32 v32, v32;
	v13 =	vadd.f32 v13, v15;
	_ =	sdelay $0x1  }
0x1d4: {  	v13 =	vadd.f32 v33, v13;
	_ =	sdelay $0x1  }
0x1d5: {  	v15 =	vshra.s32 v13, $0x1;
	v34 =	vmul.f32 $5.000000000e-01, v13  }
0x1d6: {  	v15 =	vsub.s32 $0x5F3759DF, v15  }
0x1d7: {  	v35 =	vmul.f32 v15, v34;
	_ =	sdelay $0x1  }
0x1d8: {  	v17 =	vmul.f32 v15, v35;
	_ =	sdelay $0x1  }
0x1d9: {  	v17 =	vsub.f32 $1.500000000e+00, v17;
	_ =	sdelay $0x1  }
0x1da: {  	v15 =	vmul.f32 v15, v17;
	_ =	sdelay $0x1  }
0x1db: {  	v17 =	vmul.f32 v15, v34;
	_ =	sdelay $0x1  }
0x1dc: {  	v36 =	vld [tilespmem:$0x24A0];
	v17 =	vmul.f32 v17, v15;
	_ =	sdelay $0x1  }
0x1dd: {  	v17 =	vsub.f32 $1.500000000e+00, v17;
	_ =	sdelay $0x1  }
0x1de: {  	v15 =	vmul.f32 v17, v15  }
0x1df: {  	vm12 =	veq.s32 v36, $0x0  }
0x1e0: {  	v37 =	vsel vm12, $0x40C00000, v4;
	v16 =	vmul.f32 v15, v34  }
0x1e1: {  	(erf) = vrcp.f32 v37  }
0x1e2: {  	v16 =	vmul.f32 v16, v15;
	_ =	sdelay $0x1  }
0x1e3: {  	v16 =	vsub.f32 $1.500000000e+00, v16;
	_ =	sdelay $0x1  }
0x1e4: {  	v15 =	vmul.f32 v16, v15;
	_ =	sdelay $0x1  }
0x1e5: {  	v38 =	vld.idx.msk [tilespmem:v44+s16+$0x0], $0xffff;
	v15 =	vmul.f32 v15, v13  }
0x1e6: {  	vm13 =	vgt.f32 v13, $0.0e+00  }
0x1e7: {  	v41 =	vpop (erf);
	v39 =	vld.idx.msk [tilespmem:v25+s22+$0x0], $0xffff;
	v40 =	vnsel vm13, $0x0, v15  }
0x1e8: {  	v42 =	vld [tilespmem:$0x22B0];
	v14 =	vmul.f32 v40, v41  }
0x1e9: {  	v22 =	vld [tilespmem:$0x26A0]  }
0x1ea: {  	v14 =	vadd.f32 v14, v38;
	_ =	sdelay $0x1  }
0x1eb: {  	v14 =	vadd.f32 v14, v39  }
0x1ec: {  	v23 =	vmul.u32 $0x3, v42  }
0x1ed: {  	v13 =	vsub.f32 v22, v14  }
0x1ee: {  	v24 =	vadd.s32 $0x1, v23;
	[tilespmem:$0x2BA0] =	vst v14  }
0x1ef: {  	[tilespmem:$0x2DA0] =	vst v13  }
0x1f0: {  	v26 =	vadd.s32 $0x2, v23;
	v25 =	vld.idx.msk [tilespmem:v45+s16+$0x0], $0xffff  }
0x1f1: {  	v27 =	vld.idx.msk [tilespmem:v46+s16+$0x0], $0xffff  }
0x1f2: {  	v16 =	vld.idx.msk [tilespmem:v23+s21+$0x0], $0xffff  }
0x1f3: {  	v14 =	vld.idx.msk [tilespmem:v24+s21+$0x0], $0xffff  }
0x1f4: {  	v20 =	vld.idx.msk [tilespmem:v47+s16+$0x0], $0xffff  }
0x1f5: {  	v18 =	vld.idx.msk [tilespmem:v26+s21+$0x0], $0xffff;
	_ =	sdelay $0x2  }
0x1f6: {  	v16 =	vsub.f32 v25, v16;
	v14 =	vsub.f32 v27, v14;
	_ =	sdelay $0x1  }
0x1f7: {  	v28 =	vsub.f32 v20, v18;
	v16 =	vmul.f32 v16, v16;
	v14 =	vmul.f32 v14, v14;
	_ =	sdelay $0x1  }
0x1f8: {  	v29 =	vmul.f32 v28, v28;
	v14 =	vadd.f32 v14, v16;
	_ =	sdelay $0x1  }
0x1f9: {  	v14 =	vadd.f32 v29, v14;
	_ =	sdelay $0x1  }
0x1fa: {  	v16 =	vshra.s32 v14, $0x1;
	v30 =	vmul.f32 $5.000000000e-01, v14  }
0x1fb: {  	v16 =	vsub.s32 $0x5F3759DF, v16  }
0x1fc: {  	v31 =	vmul.f32 v16, v30;
	_ =	sdelay $0x1  }
0x1fd: {  	v18 =	vmul.f32 v16, v31;
	_ =	sdelay $0x1  }
0x1fe: {  	v18 =	vsub.f32 $1.500000000e+00, v18;
	_ =	sdelay $0x1  }
0x1ff: {  	v16 =	vmul.f32 v16, v18;
	_ =	sdelay $0x1  }
0x200: {  	v18 =	vmul.f32 v16, v30;
	_ =	sdelay $0x1  }
0x201: {  	v32 =	vld [tilespmem:$0x24B0];
	v18 =	vmul.f32 v18, v16;
	_ =	sdelay $0x1  }
0x202: {  	v18 =	vsub.f32 $1.500000000e+00, v18;
	_ =	sdelay $0x1  }
0x203: {  	v16 =	vmul.f32 v18, v16  }
0x204: {  	vm14 =	veq.s32 v32, $0x0  }
0x205: {  	v33 =	vsel vm14, $0x40C00000, v4;
	v17 =	vmul.f32 v16, v30  }
0x206: {  	(erf) = vrcp.f32 v33  }
0x207: {  	v17 =	vmul.f32 v17, v16;
	_ =	sdelay $0x1  }
0x208: {  	v17 =	vsub.f32 $1.500000000e+00, v17;
	_ =	sdelay $0x1  }
0x209: {  	v16 =	vmul.f32 v17, v16;
	_ =	sdelay $0x1  }
0x20a: {  	v34 =	vld.idx.msk [tilespmem:v48+s16+$0x0], $0xffff;
	v16 =	vmul.f32 v16, v14  }
0x20b: {  	vm15 =	vgt.f32 v14, $0.0e+00  }
0x20c: {  	v37 =	vpop (erf);
	v35 =	vld.idx.msk [tilespmem:v42+s22+$0x0], $0xffff;
	v36 =	vnsel vm15, $0x0, v16  }
0x20d: {  	v38 =	vld [tilespmem:$0x22C0];
	v15 =	vmul.f32 v36, v37  }
0x20e: {  	v39 =	vld [tilespmem:$0x26B0]  }
0x20f: {  	v15 =	vadd.f32 v15, v34;
	_ =	sdelay $0x1  }
0x210: {  	v15 =	vadd.f32 v15, v35  }
0x211: {  	v40 =	vmul.u32 $0x3, v38  }
0x212: {  	v14 =	vsub.f32 v39, v15  }
0x213: {  	v41 =	vadd.s32 $0x1, v40;
	[tilespmem:$0x2BB0] =	vst v15  }
0x214: {  	[tilespmem:$0x2DB0] =	vst v14  }
0x215: {  	v24 =	vadd.s32 $0x2, v40;
	v42 =	vld.idx.msk [tilespmem:v49+s16+$0x0], $0xffff  }
0x216: {  	v25 =	vld.idx.msk [tilespmem:v50+s16+$0x0], $0xffff  }
0x217: {  	v17 =	vld.idx.msk [tilespmem:v40+s21+$0x0], $0xffff  }
0x218: {  	v15 =	vld.idx.msk [tilespmem:v41+s21+$0x0], $0xffff  }
0x219: {  	v21 =	vld.idx.msk [tilespmem:v51+s16+$0x0], $0xffff  }
0x21a: {  	v19 =	vld.idx.msk [tilespmem:v24+s21+$0x0], $0xffff;
	_ =	sdelay $0x2  }
0x21b: {  	v17 =	vsub.f32 v42, v17;
	v15 =	vsub.f32 v25, v15;
	_ =	sdelay $0x1  }
0x21c: {  	v26 =	vsub.f32 v21, v19;
	v17 =	vmul.f32 v17, v17;
	v15 =	vmul.f32 v15, v15;
	_ =	sdelay $0x1  }
0x21d: {  	v27 =	vmul.f32 v26, v26;
	v15 =	vadd.f32 v15, v17;
	_ =	sdelay $0x1  }
0x21e: {  	v15 =	vadd.f32 v27, v15;
	_ =	sdelay $0x1  }
0x21f: {  	v17 =	vshra.s32 v15, $0x1;
	v28 =	vmul.f32 $5.000000000e-01, v15  }
0x220: {  	v17 =	vsub.s32 $0x5F3759DF, v17  }
0x221: {  	v29 =	vmul.f32 v17, v28;
	_ =	sdelay $0x1  }
0x222: {  	v19 =	vmul.f32 v17, v29;
	_ =	sdelay $0x1  }
0x223: {  	v19 =	vsub.f32 $1.500000000e+00, v19;
	_ =	sdelay $0x1  }
0x224: {  	v17 =	vmul.f32 v17, v19;
	_ =	sdelay $0x1  }
0x225: {  	v19 =	vmul.f32 v17, v28;
	_ =	sdelay $0x1  }
0x226: {  	v30 =	vld [tilespmem:$0x24C0];
	v19 =	vmul.f32 v19, v17;
	_ =	sdelay $0x1  }
0x227: {  	v19 =	vsub.f32 $1.500000000e+00, v19;
	_ =	sdelay $0x1  }
0x228: {  	v17 =	vmul.f32 v19, v17  }
0x229: {  	vm4 =	veq.s32 v30, $0x0  }
0x22a: {  	v31 =	vsel vm4, $0x40C00000, v4;
	v18 =	vmul.f32 v17, v28  }
0x22b: {  	(erf) = vrcp.f32 v31  }
0x22c: {  	v18 =	vmul.f32 v18, v17;
	_ =	sdelay $0x1  }
0x22d: {  	v18 =	vsub.f32 $1.500000000e+00, v18;
	_ =	sdelay $0x1  }
0x22e: {  	v17 =	vmul.f32 v18, v17;
	_ =	sdelay $0x1  }
0x22f: {  	v32 =	vld.idx.msk [tilespmem:v52+s16+$0x0], $0xffff;
	v17 =	vmul.f32 v17, v15  }
0x230: {  	vm5 =	vgt.f32 v15, $0.0e+00  }
0x231: {  	v35 =	vpop (erf);
	v33 =	vld.idx.msk [tilespmem:v38+s22+$0x0], $0xffff;
	v34 =	vnsel vm5, $0x0, v17  }
0x232: {  	v36 =	vld [tilespmem:$0x22D0];
	v16 =	vmul.f32 v34, v35  }
0x233: {  	v37 =	vld [tilespmem:$0x26C0]  }
0x234: {  	v16 =	vadd.f32 v16, v32;
	_ =	sdelay $0x1  }
0x235: {  	v16 =	vadd.f32 v16, v33  }
0x236: {  	v38 =	vmul.u32 $0x3, v36  }
0x237: {  	v15 =	vsub.f32 v37, v16  }
0x238: {  	v39 =	vadd.s32 $0x1, v38;
	[tilespmem:$0x2BC0] =	vst v16  }
0x239: {  	[tilespmem:$0x2DC0] =	vst v15  }
0x23a: {  	v41 =	vadd.s32 $0x2, v38;
	v40 =	vld.idx.msk [tilespmem:v53+s16+$0x0], $0xffff  }
0x23b: {  	v42 =	vld.idx.msk [tilespmem:v54+s16+$0x0], $0xffff  }
0x23c: {  	v18 =	vld.idx.msk [tilespmem:v38+s21+$0x0], $0xffff  }
0x23d: {  	v16 =	vld.idx.msk [tilespmem:v39+s21+$0x0], $0xffff  }
0x23e: {  	v22 =	vld.idx.msk [tilespmem:v55+s16+$0x0], $0xffff  }
0x23f: {  	v20 =	vld.idx.msk [tilespmem:v41+s21+$0x0], $0xffff;
	_ =	sdelay $0x2  }
0x240: {  	v18 =	vsub.f32 v40, v18;
	v16 =	vsub.f32 v42, v16;
	_ =	sdelay $0x1  }
0x241: {  	v23 =	vsub.f32 v22, v20;
	v18 =	vmul.f32 v18, v18;
	v16 =	vmul.f32 v16, v16;
	_ =	sdelay $0x1  }
0x242: {  	v24 =	vmul.f32 v23, v23;
	v16 =	vadd.f32 v16, v18;
	_ =	sdelay $0x1  }
0x243: {  	v16 =	vadd.f32 v24, v16;
	_ =	sdelay $0x1  }
0x244: {  	v18 =	vshra.s32 v16, $0x1;
	v25 =	vmul.f32 $5.000000000e-01, v16  }
0x245: {  	v18 =	vsub.s32 $0x5F3759DF, v18  }
0x246: {  	v26 =	vmul.f32 v18, v25;
	_ =	sdelay $0x1  }
0x247: {  	v20 =	vmul.f32 v18, v26;
	_ =	sdelay $0x1  }
0x248: {  	v20 =	vsub.f32 $1.500000000e+00, v20;
	_ =	sdelay $0x1  }
0x249: {  	v18 =	vmul.f32 v18, v20;
	_ =	sdelay $0x1  }
0x24a: {  	v20 =	vmul.f32 v18, v25;
	_ =	sdelay $0x1  }
0x24b: {  	v27 =	vld [tilespmem:$0x24D0];
	v20 =	vmul.f32 v20, v18;
	_ =	sdelay $0x1  }
0x24c: {  	v20 =	vsub.f32 $1.500000000e+00, v20;
	_ =	sdelay $0x1  }
0x24d: {  	v18 =	vmul.f32 v20, v18  }
0x24e: {  	vm6 =	veq.s32 v27, $0x0  }
0x24f: {  	v28 =	vsel vm6, $0x40C00000, v4;
	v19 =	vmul.f32 v18, v25  }
0x250: {  	(erf) = vrcp.f32 v28  }
0x251: {  	v19 =	vmul.f32 v19, v18;
	_ =	sdelay $0x1  }
0x252: {  	v19 =	vsub.f32 $1.500000000e+00, v19;
	_ =	sdelay $0x1  }
0x253: {  	v18 =	vmul.f32 v19, v18;
	_ =	sdelay $0x1  }
0x254: {  	v29 =	vld.idx.msk [tilespmem:v56+s16+$0x0], $0xffff;
	v18 =	vmul.f32 v18, v16  }
0x255: {  	vm7 =	vgt.f32 v16, $0.0e+00  }
0x256: {  	v32 =	vpop (erf);
	v30 =	vld.idx.msk [tilespmem:v36+s22+$0x0], $0xffff;
	v31 =	vnsel vm7, $0x0, v18  }
0x257: {  	v33 =	vld [tilespmem:$0x22E0];
	v17 =	vmul.f32 v31, v32  }
0x258: {  	v34 =	vld [tilespmem:$0x26D0]  }
0x259: {  	v17 =	vadd.f32 v17, v29;
	_ =	sdelay $0x1  }
0x25a: {  	v17 =	vadd.f32 v17, v30  }
0x25b: {  	v35 =	vmul.u32 $0x3, v33  }
0x25c: {  	v16 =	vsub.f32 v34, v17  }
0x25d: {  	v36 =	vadd.s32 $0x1, v35;
	[tilespmem:$0x2BD0] =	vst v17  }
0x25e: {  	[tilespmem:$0x2DD0] =	vst v16  }
0x25f: {  	v38 =	vadd.s32 $0x2, v35;
	v37 =	vld.idx.msk [tilespmem:v57+s16+$0x0], $0xffff  }
0x260: {  	v39 =	vld.idx.msk [tilespmem:v58+s16+$0x0], $0xffff  }
0x261: {  	v19 =	vld.idx.msk [tilespmem:v35+s21+$0x0], $0xffff  }
0x262: {  	v17 =	vld.idx.msk [tilespmem:v36+s21+$0x0], $0xffff  }
0x263: {  	v23 =	vld.idx.msk [tilespmem:v59+s16+$0x0], $0xffff  }
0x264: {  	v21 =	vld.idx.msk [tilespmem:v38+s21+$0x0], $0xffff;
	_ =	sdelay $0x2  }
0x265: {  	v19 =	vsub.f32 v37, v19;
	v17 =	vsub.f32 v39, v17;
	_ =	sdelay $0x1  }
0x266: {  	v40 =	vsub.f32 v23, v21;
	v19 =	vmul.f32 v19, v19;
	v17 =	vmul.f32 v17, v17;
	_ =	sdelay $0x1  }
0x267: {  	v41 =	vmul.f32 v40, v40;
	v17 =	vadd.f32 v17, v19;
	_ =	sdelay $0x1  }
0x268: {  	v17 =	vadd.f32 v41, v17;
	_ =	sdelay $0x1  }
0x269: {  	v19 =	vshra.s32 v17, $0x1;
	v42 =	vmul.f32 $5.000000000e-01, v17  }
0x26a: {  	v19 =	vsub.s32 $0x5F3759DF, v19  }
0x26b: {  	v24 =	vmul.f32 v19, v42;
	_ =	sdelay $0x1  }
0x26c: {  	v21 =	vmul.f32 v19, v24;
	_ =	sdelay $0x1  }
0x26d: {  	v21 =	vsub.f32 $1.500000000e+00, v21;
	_ =	sdelay $0x1  }
0x26e: {  	v19 =	vmul.f32 v19, v21;
	_ =	sdelay $0x1  }
0x26f: {  	v21 =	vmul.f32 v19, v42;
	_ =	sdelay $0x1  }
0x270: {  	v25 =	vld [tilespmem:$0x24E0];
	v21 =	vmul.f32 v21, v19;
	_ =	sdelay $0x1  }
0x271: {  	v21 =	vsub.f32 $1.500000000e+00, v21;
	_ =	sdelay $0x1  }
0x272: {  	v19 =	vmul.f32 v21, v19  }
0x273: {  	vm8 =	veq.s32 v25, $0x0  }
0x274: {  	v26 =	vsel vm8, $0x40C00000, v4;
	v20 =	vmul.f32 v19, v42  }
0x275: {  	(erf) = vrcp.f32 v26  }
0x276: {  	v20 =	vmul.f32 v20, v19;
	_ =	sdelay $0x1  }
0x277: {  	v20 =	vsub.f32 $1.500000000e+00, v20;
	_ =	sdelay $0x1  }
0x278: {  	v19 =	vmul.f32 v20, v19;
	_ =	sdelay $0x1  }
0x279: {  	v27 =	vld.idx.msk [tilespmem:v60+s16+$0x0], $0xffff;
	v19 =	vmul.f32 v19, v17  }
0x27a: {  	vm9 =	vgt.f32 v17, $0.0e+00  }
0x27b: {  	v30 =	vpop (erf);
	v28 =	vld.idx.msk [tilespmem:v33+s22+$0x0], $0xffff;
	v29 =	vnsel vm9, $0x0, v19  }
0x27c: {  	v31 =	vld [tilespmem:$0x22F0];
	v18 =	vmul.f32 v29, v30  }
0x27d: {  	v32 =	vld [tilespmem:$0x26E0]  }
0x27e: {  	v18 =	vadd.f32 v18, v27;
	_ =	sdelay $0x1  }
0x27f: {  	v18 =	vadd.f32 v18, v28  }
0x280: {  	v33 =	vmul.u32 $0x3, v31  }
0x281: {  	v17 =	vsub.f32 v32, v18  }
0x282: {  	v34 =	vadd.s32 $0x1, v33;
	[tilespmem:$0x2BE0] =	vst v18  }
0x283: {  	[tilespmem:$0x2DE0] =	vst v17  }
0x284: {  	v36 =	vadd.s32 $0x2, v33;
	v35 =	vld.idx.msk [tilespmem:v61+s16+$0x0], $0xffff  }
0x285: {  	v37 =	vld.idx.msk [tilespmem:v62+s16+$0x0], $0xffff  }
0x286: {  	v20 =	vld.idx.msk [tilespmem:v33+s21+$0x0], $0xffff  }
0x287: {  	v18 =	vld.idx.msk [tilespmem:v34+s21+$0x0], $0xffff  }
0x288: {  	v24 =	vld.idx.msk [tilespmem:v63+s16+$0x0], $0xffff  }
0x289: {  	v22 =	vld.idx.msk [tilespmem:v36+s21+$0x0], $0xffff;
	_ =	sdelay $0x2  }
0x28a: {  	v20 =	vsub.f32 v35, v20;
	v18 =	vsub.f32 v37, v18;
	_ =	sdelay $0x1  }
0x28b: {  	v38 =	vsub.f32 v24, v22;
	v20 =	vmul.f32 v20, v20;
	v18 =	vmul.f32 v18, v18;
	_ =	sdelay $0x1  }
0x28c: {  	v39 =	vmul.f32 v38, v38;
	v18 =	vadd.f32 v18, v20;
	_ =	sdelay $0x1  }
0x28d: {  	v18 =	vadd.f32 v39, v18;
	_ =	sdelay $0x1  }
0x28e: {  	v20 =	vshra.s32 v18, $0x1;
	v40 =	vmul.f32 $5.000000000e-01, v18  }
0x28f: {  	v20 =	vsub.s32 $0x5F3759DF, v20  }
0x290: {  	v41 =	vmul.f32 v20, v40;
	_ =	sdelay $0x1  }
0x291: {  	v22 =	vmul.f32 v20, v41;
	_ =	sdelay $0x1  }
0x292: {  	v22 =	vsub.f32 $1.500000000e+00, v22;
	_ =	sdelay $0x1  }
0x293: {  	v20 =	vmul.f32 v20, v22;
	_ =	sdelay $0x1  }
0x294: {  	v22 =	vmul.f32 v20, v40;
	_ =	sdelay $0x1  }
0x295: {  	v42 =	vld [tilespmem:$0x24F0];
	v22 =	vmul.f32 v22, v20;
	_ =	sdelay $0x1  }
0x296: {  	v22 =	vsub.f32 $1.500000000e+00, v22;
	_ =	sdelay $0x1  }
0x297: {  	v20 =	vmul.f32 v22, v20  }
0x298: {  	vm10 =	veq.s32 v42, $0x0  }
0x299: {  	v24 =	vsel vm10, $0x40C00000, v4;
	v21 =	vmul.f32 v20, v40  }
0x29a: {  	(erf) = vrcp.f32 v24  }
0x29b: {  	v21 =	vmul.f32 v21, v20  }
0x29c: {  	v25 =	vor.u32 $0xF03, v0  }
0x29d: {  	v21 =	vsub.f32 $1.500000000e+00, v21;
	_ =	sdelay $0x1  }
0x29e: {  	v20 =	vmul.f32 v21, v20;
	_ =	sdelay $0x1  }
0x29f: {  	v26 =	vld.idx.msk [tilespmem:v25+s16+$0x0], $0xffff;
	v20 =	vmul.f32 v20, v18  }
0x2a0: {  	vm11 =	vgt.f32 v18, $0.0e+00  }
0x2a1: {  	v27 =	vld.idx.msk [tilespmem:v31+s22+$0x0], $0xffff;
	v29 =	vpop (erf);
	v28 =	vnsel vm11, $0x0, v20  }
0x2a2: {  	v30 =	vld [tilespmem:$0x2300];
	v19 =	vmul.f32 v28, v29  }
0x2a3: {  	v31 =	vld [tilespmem:$0x26F0]  }
0x2a4: {  	v19 =	vadd.f32 v19, v26;
	_ =	sdelay $0x1  }
0x2a5: {  	v32 =	vor.u32 $0x1000, v0;
	v19 =	vadd.f32 v19, v27  }
0x2a6: {  	v33 =	vor.u32 $0x1001, v0;
	v34 =	vmul.u32 $0x3, v30  }
0x2a7: {  	v18 =	vsub.f32 v31, v19  }
0x2a8: {  	v35 =	vadd.s32 $0x1, v34;
	[tilespmem:$0x2BF0] =	vst v19  }
0x2a9: {  	v36 =	vor.u32 $0x1002, v0;
	[tilespmem:$0x2DF0] =	vst v18  }
0x2aa: {  	v25 =	vadd.s32 $0x2, v34;
	v21 =	vld.idx.msk [tilespmem:v32+s16+$0x0], $0xffff  }
0x2ab: {  	v23 =	vld.idx.msk [tilespmem:v33+s16+$0x0], $0xffff  }
0x2ac: {  	v24 =	vld.idx.msk [tilespmem:v34+s21+$0x0], $0xffff  }
0x2ad: {  	v19 =	vld.idx.msk [tilespmem:v35+s21+$0x0], $0xffff  }
0x2ae: {  	v22 =	vld.idx.msk [tilespmem:v36+s16+$0x0], $0xffff  }
0x2af: {  	v25 =	vld.idx.msk [tilespmem:v25+s21+$0x0], $0xffff;
	_ =	sdelay $0x2  }
0x2b0: {  	v21 =	vsub.f32 v21, v24;
	v19 =	vsub.f32 v23, v19;
	_ =	sdelay $0x1  }
0x2b1: {  	v22 =	vsub.f32 v22, v25;
	v21 =	vmul.f32 v21, v21;
	v19 =	vmul.f32 v19, v19;
	_ =	sdelay $0x1  }
0x2b2: {  	v37 =	vmul.f32 v22, v22;
	v19 =	vadd.f32 v19, v21;
	_ =	sdelay $0x1  }
0x2b3: {  	v19 =	vadd.f32 v37, v19;
	_ =	sdelay $0x1  }
0x2b4: {  	v21 =	vshra.s32 v19, $0x1;
	v38 =	vmul.f32 $5.000000000e-01, v19  }
0x2b5: {  	v21 =	vsub.s32 $0x5F3759DF, v21  }
0x2b6: {  	v39 =	vmul.f32 v21, v38;
	_ =	sdelay $0x1  }
0x2b7: {  	v23 =	vmul.f32 v21, v39;
	_ =	sdelay $0x1  }
0x2b8: {  	v23 =	vsub.f32 $1.500000000e+00, v23;
	_ =	sdelay $0x1  }
0x2b9: {  	v21 =	vmul.f32 v21, v23;
	_ =	sdelay $0x1  }
0x2ba: {  	v23 =	vmul.f32 v21, v38;
	_ =	sdelay $0x1  }
0x2bb: {  	v40 =	vld [tilespmem:$0x2500];
	v23 =	vmul.f32 v23, v21;
	_ =	sdelay $0x1  }
0x2bc: {  	v23 =	vsub.f32 $1.500000000e+00, v23;
	_ =	sdelay $0x1  }
0x2bd: {  	v21 =	vmul.f32 v23, v21  }
0x2be: {  	vm12 =	veq.s32 v40, $0x0  }
0x2bf: {  	v41 =	vsel vm12, $0x40C00000, v4;
	v22 =	vmul.f32 v21, v38  }
0x2c0: {  	(erf) = vrcp.f32 v41  }
0x2c1: {  	v22 =	vmul.f32 v22, v21  }
0x2c2: {  	v42 =	vor.u32 $0x1003, v0  }
0x2c3: {  	v22 =	vsub.f32 $1.500000000e+00, v22;
	_ =	sdelay $0x1  }
0x2c4: {  	v21 =	vmul.f32 v22, v21;
	_ =	sdelay $0x1  }
0x2c5: {  	v24 =	vld.idx.msk [tilespmem:v42+s16+$0x0], $0xffff;
	v21 =	vmul.f32 v21, v19  }
0x2c6: {  	vm13 =	vgt.f32 v19, $0.0e+00  }
0x2c7: {  	v27 =	vpop (erf);
	v25 =	vld.idx.msk [tilespmem:v30+s22+$0x0], $0xffff;
	v26 =	vnsel vm13, $0x0, v21  }
0x2c8: {  	v28 =	vld [tilespmem:$0x2310];
	v20 =	vmul.f32 v26, v27  }
0x2c9: {  	v29 =	vld [tilespmem:$0x2700]  }
0x2ca: {  	v20 =	vadd.f32 v20, v24;
	_ =	sdelay $0x1  }
0x2cb: {  	v30 =	vor.u32 $0x1100, v0;
	v20 =	vadd.f32 v20, v25  }
0x2cc: {  	v31 =	vor.u32 $0x1101, v0;
	v32 =	vmul.u32 $0x3, v28  }
0x2cd: {  	v19 =	vsub.f32 v29, v20  }
0x2ce: {  	v33 =	vadd.s32 $0x1, v32;
	[tilespmem:$0x2C00] =	vst v20  }
0x2cf: {  	v34 =	vor.u32 $0x1102, v0;
	[tilespmem:$0x2E00] =	vst v19  }
0x2d0: {  	v26 =	vadd.s32 $0x2, v32;
	v22 =	vld.idx.msk [tilespmem:v30+s16+$0x0], $0xffff  }
0x2d1: {  	v24 =	vld.idx.msk [tilespmem:v31+s16+$0x0], $0xffff  }
0x2d2: {  	v25 =	vld.idx.msk [tilespmem:v32+s21+$0x0], $0xffff  }
0x2d3: {  	v20 =	vld.idx.msk [tilespmem:v33+s21+$0x0], $0xffff  }
0x2d4: {  	v23 =	vld.idx.msk [tilespmem:v34+s16+$0x0], $0xffff  }
0x2d5: {  	v26 =	vld.idx.msk [tilespmem:v26+s21+$0x0], $0xffff;
	_ =	sdelay $0x2  }
0x2d6: {  	v22 =	vsub.f32 v22, v25;
	v20 =	vsub.f32 v24, v20;
	_ =	sdelay $0x1  }
0x2d7: {  	v23 =	vsub.f32 v23, v26;
	v22 =	vmul.f32 v22, v22;
	v20 =	vmul.f32 v20, v20;
	_ =	sdelay $0x1  }
0x2d8: {  	v35 =	vmul.f32 v23, v23;
	v20 =	vadd.f32 v20, v22;
	_ =	sdelay $0x1  }
0x2d9: {  	v20 =	vadd.f32 v35, v20;
	_ =	sdelay $0x1  }
0x2da: {  	v22 =	vshra.s32 v20, $0x1;
	v36 =	vmul.f32 $5.000000000e-01, v20  }
0x2db: {  	v22 =	vsub.s32 $0x5F3759DF, v22  }
0x2dc: {  	v37 =	vmul.f32 v22, v36;
	_ =	sdelay $0x1  }
0x2dd: {  	v24 =	vmul.f32 v22, v37;
	_ =	sdelay $0x1  }
0x2de: {  	v24 =	vsub.f32 $1.500000000e+00, v24;
	_ =	sdelay $0x1  }
0x2df: {  	v22 =	vmul.f32 v22, v24;
	_ =	sdelay $0x1  }
0x2e0: {  	v24 =	vmul.f32 v22, v36;
	_ =	sdelay $0x1  }
0x2e1: {  	v38 =	vld [tilespmem:$0x2510];
	v24 =	vmul.f32 v24, v22;
	_ =	sdelay $0x1  }
0x2e2: {  	v24 =	vsub.f32 $1.500000000e+00, v24;
	_ =	sdelay $0x1  }
0x2e3: {  	v22 =	vmul.f32 v24, v22  }
0x2e4: {  	vm14 =	veq.s32 v38, $0x0  }
0x2e5: {  	v39 =	vsel vm14, $0x40C00000, v4;
	v23 =	vmul.f32 v22, v36  }
0x2e6: {  	(erf) = vrcp.f32 v39  }
0x2e7: {  	v23 =	vmul.f32 v23, v22  }
0x2e8: {  	v40 =	vor.u32 $0x1103, v0  }
0x2e9: {  	v23 =	vsub.f32 $1.500000000e+00, v23;
	_ =	sdelay $0x1  }
0x2ea: {  	v22 =	vmul.f32 v23, v22;
	_ =	sdelay $0x1  }
0x2eb: {  	v41 =	vld.idx.msk [tilespmem:v40+s16+$0x0], $0xffff;
	v22 =	vmul.f32 v22, v20  }
0x2ec: {  	vm15 =	vgt.f32 v20, $0.0e+00  }
0x2ed: {  	v29 =	vpop (erf);
	v42 =	vld.idx.msk [tilespmem:v28+s22+$0x0], $0xffff;
	v28 =	vnsel vm15, $0x0, v22  }
0x2ee: {  	v30 =	vld [tilespmem:$0x2320];
	v21 =	vmul.f32 v28, v29  }
0x2ef: {  	v31 =	vld [tilespmem:$0x2710]  }
0x2f0: {  	v21 =	vadd.f32 v21, v41;
	_ =	sdelay $0x1  }
0x2f1: {  	v32 =	vor.u32 $0x1200, v0;
	v21 =	vadd.f32 v21, v42  }
0x2f2: {  	v33 =	vor.u32 $0x1201, v0;
	v34 =	vmul.u32 $0x3, v30  }
0x2f3: {  	v20 =	vsub.f32 v31, v21  }
0x2f4: {  	v35 =	vadd.s32 $0x1, v34;
	[tilespmem:$0x2C10] =	vst v21  }
0x2f5: {  	v36 =	vor.u32 $0x1202, v0;
	[tilespmem:$0x2E10] =	vst v20  }
0x2f6: {  	v27 =	vadd.s32 $0x2, v34;
	v23 =	vld.idx.msk [tilespmem:v32+s16+$0x0], $0xffff  }
0x2f7: {  	v25 =	vld.idx.msk [tilespmem:v33+s16+$0x0], $0xffff  }
0x2f8: {  	v26 =	vld.idx.msk [tilespmem:v34+s21+$0x0], $0xffff  }
0x2f9: {  	v21 =	vld.idx.msk [tilespmem:v35+s21+$0x0], $0xffff  }
0x2fa: {  	v24 =	vld.idx.msk [tilespmem:v36+s16+$0x0], $0xffff  }
0x2fb: {  	v27 =	vld.idx.msk [tilespmem:v27+s21+$0x0], $0xffff;
	_ =	sdelay $0x2  }
0x2fc: {  	v23 =	vsub.f32 v23, v26;
	v21 =	vsub.f32 v25, v21;
	_ =	sdelay $0x1  }
0x2fd: {  	v24 =	vsub.f32 v24, v27;
	v23 =	vmul.f32 v23, v23;
	v21 =	vmul.f32 v21, v21;
	_ =	sdelay $0x1  }
0x2fe: {  	v37 =	vmul.f32 v24, v24;
	v21 =	vadd.f32 v21, v23;
	_ =	sdelay $0x1  }
0x2ff: {  	v21 =	vadd.f32 v37, v21;
	_ =	sdelay $0x1  }
0x300: {  	v23 =	vshra.s32 v21, $0x1;
	v38 =	vmul.f32 $5.000000000e-01, v21  }
0x301: {  	v23 =	vsub.s32 $0x5F3759DF, v23  }
0x302: {  	v39 =	vmul.f32 v23, v38;
	_ =	sdelay $0x1  }
0x303: {  	v25 =	vmul.f32 v23, v39;
	_ =	sdelay $0x1  }
0x304: {  	v25 =	vsub.f32 $1.500000000e+00, v25;
	_ =	sdelay $0x1  }
0x305: {  	v23 =	vmul.f32 v23, v25;
	_ =	sdelay $0x1  }
0x306: {  	v25 =	vmul.f32 v23, v38;
	_ =	sdelay $0x1  }
0x307: {  	v40 =	vld [tilespmem:$0x2520];
	v25 =	vmul.f32 v25, v23;
	_ =	sdelay $0x1  }
0x308: {  	v25 =	vsub.f32 $1.500000000e+00, v25;
	_ =	sdelay $0x1  }
0x309: {  	v23 =	vmul.f32 v25, v23  }
0x30a: {  	vm4 =	veq.s32 v40, $0x0  }
0x30b: {  	v41 =	vsel vm4, $0x40C00000, v4;
	v24 =	vmul.f32 v23, v38  }
0x30c: {  	(erf) = vrcp.f32 v41  }
0x30d: {  	v24 =	vmul.f32 v24, v23  }
0x30e: {  	v42 =	vor.u32 $0x1203, v0  }
0x30f: {  	v24 =	vsub.f32 $1.500000000e+00, v24;
	_ =	sdelay $0x1  }
0x310: {  	v23 =	vmul.f32 v24, v23;
	_ =	sdelay $0x1  }
0x311: {  	v28 =	vld.idx.msk [tilespmem:v42+s16+$0x0], $0xffff;
	v23 =	vmul.f32 v23, v21  }
0x312: {  	vm5 =	vgt.f32 v21, $0.0e+00  }
0x313: {  	v29 =	vld.idx.msk [tilespmem:v30+s22+$0x0], $0xffff;
	v31 =	vpop (erf);
	v30 =	vnsel vm5, $0x0, v23  }
0x314: {  	v32 =	vld [tilespmem:$0x2330];
	v22 =	vmul.f32 v30, v31  }
0x315: {  	v33 =	vld [tilespmem:$0x2720]  }
0x316: {  	v22 =	vadd.f32 v22, v28;
	_ =	sdelay $0x1  }
0x317: {  	v34 =	vor.u32 $0x1300, v0;
	v22 =	vadd.f32 v22, v29  }
0x318: {  	v35 =	vor.u32 $0x1301, v0;
	v36 =	vmul.u32 $0x3, v32  }
0x319: {  	v21 =	vsub.f32 v33, v22  }
0x31a: {  	v37 =	vadd.s32 $0x1, v36;
	[tilespmem:$0x2C20] =	vst v22  }
0x31b: {  	v38 =	vor.u32 $0x1302, v0;
	[tilespmem:$0x2E20] =	vst v21  }
0x31c: {  	v28 =	vadd.s32 $0x2, v36;
	v24 =	vld.idx.msk [tilespmem:v34+s16+$0x0], $0xffff  }
0x31d: {  	v26 =	vld.idx.msk [tilespmem:v35+s16+$0x0], $0xffff  }
0x31e: {  	v27 =	vld.idx.msk [tilespmem:v36+s21+$0x0], $0xffff  }
0x31f: {  	v22 =	vld.idx.msk [tilespmem:v37+s21+$0x0], $0xffff  }
0x320: {  	v25 =	vld.idx.msk [tilespmem:v38+s16+$0x0], $0xffff  }
0x321: {  	v28 =	vld.idx.msk [tilespmem:v28+s21+$0x0], $0xffff;
	_ =	sdelay $0x2  }
0x322: {  	v24 =	vsub.f32 v24, v27;
	v22 =	vsub.f32 v26, v22;
	_ =	sdelay $0x1  }
0x323: {  	v25 =	vsub.f32 v25, v28;
	v24 =	vmul.f32 v24, v24;
	v22 =	vmul.f32 v22, v22;
	_ =	sdelay $0x1  }
0x324: {  	v39 =	vmul.f32 v25, v25;
	v22 =	vadd.f32 v22, v24;
	_ =	sdelay $0x1  }
0x325: {  	v22 =	vadd.f32 v39, v22;
	_ =	sdelay $0x1  }
0x326: {  	v24 =	vshra.s32 v22, $0x1;
	v40 =	vmul.f32 $5.000000000e-01, v22  }
0x327: {  	v24 =	vsub.s32 $0x5F3759DF, v24  }
0x328: {  	v41 =	vmul.f32 v24, v40;
	_ =	sdelay $0x1  }
0x329: {  	v26 =	vmul.f32 v24, v41;
	_ =	sdelay $0x1  }
0x32a: {  	v26 =	vsub.f32 $1.500000000e+00, v26;
	_ =	sdelay $0x1  }
0x32b: {  	v24 =	vmul.f32 v24, v26;
	_ =	sdelay $0x1  }
0x32c: {  	v26 =	vmul.f32 v24, v40;
	_ =	sdelay $0x1  }
0x32d: {  	v42 =	vld [tilespmem:$0x2530];
	v26 =	vmul.f32 v26, v24;
	_ =	sdelay $0x1  }
0x32e: {  	v26 =	vsub.f32 $1.500000000e+00, v26;
	_ =	sdelay $0x1  }
0x32f: {  	v24 =	vmul.f32 v26, v24  }
0x330: {  	vm6 =	veq.s32 v42, $0x0  }
0x331: {  	v29 =	vsel vm6, $0x40C00000, v4;
	v25 =	vmul.f32 v24, v40  }
0x332: {  	(erf) = vrcp.f32 v29  }
0x333: {  	v25 =	vmul.f32 v25, v24  }
0x334: {  	v30 =	vor.u32 $0x1303, v0  }
0x335: {  	v25 =	vsub.f32 $1.500000000e+00, v25;
	_ =	sdelay $0x1  }
0x336: {  	v24 =	vmul.f32 v25, v24;
	_ =	sdelay $0x1  }
0x337: {  	v31 =	vld.idx.msk [tilespmem:v30+s16+$0x0], $0xffff;
	v24 =	vmul.f32 v24, v22  }
0x338: {  	vm7 =	vgt.f32 v22, $0.0e+00  }
0x339: {  	v32 =	vld.idx.msk [tilespmem:v32+s22+$0x0], $0xffff;
	v34 =	vpop (erf);
	v33 =	vnsel vm7, $0x0, v24  }
0x33a: {  	v24 =	vld [tilespmem:$0x2340];
	v23 =	vmul.f32 v33, v34  }
0x33b: {  	v35 =	vld [tilespmem:$0x2730]  }
0x33c: {  	v23 =	vadd.f32 v23, v31;
	_ =	sdelay $0x1  }
0x33d: {  	v36 =	vor.u32 $0x1400, v0;
	v23 =	vadd.f32 v23, v32  }
0x33e: {  	v37 =	vor.u32 $0x1401, v0;
	v38 =	vmul.u32 $0x3, v24  }
0x33f: {  	v22 =	vsub.f32 v35, v23  }
0x340: {  	[tilespmem:$0x2C30] =	vst v23;
	v39 =	vadd.s32 $0x1, v38  }
0x341: {  	v40 =	vor.u32 $0x1402, v0;
	[tilespmem:$0x2E30] =	vst v22  }
0x342: {  	v29 =	vadd.s32 $0x2, v38;
	v25 =	vld.idx.msk [tilespmem:v36+s16+$0x0], $0xffff  }
0x343: {  	v27 =	vld.idx.msk [tilespmem:v37+s16+$0x0], $0xffff  }
0x344: {  	v28 =	vld.idx.msk [tilespmem:v38+s21+$0x0], $0xffff  }
0x345: {  	v23 =	vld.idx.msk [tilespmem:v39+s21+$0x0], $0xffff  }
0x346: {  	v26 =	vld.idx.msk [tilespmem:v40+s16+$0x0], $0xffff  }
0x347: {  	v29 =	vld.idx.msk [tilespmem:v29+s21+$0x0], $0xffff;
	_ =	sdelay $0x2  }
0x348: {  	v25 =	vsub.f32 v25, v28;
	v23 =	vsub.f32 v27, v23;
	_ =	sdelay $0x1  }
0x349: {  	v26 =	vsub.f32 v26, v29;
	v25 =	vmul.f32 v25, v25;
	v23 =	vmul.f32 v23, v23;
	_ =	sdelay $0x1  }
0x34a: {  	v41 =	vmul.f32 v26, v26;
	v23 =	vadd.f32 v23, v25;
	_ =	sdelay $0x1  }
0x34b: {  	v23 =	vadd.f32 v41, v23;
	_ =	sdelay $0x1  }
0x34c: {  	v25 =	vshra.s32 v23, $0x1;
	v42 =	vmul.f32 $5.000000000e-01, v23  }
0x34d: {  	v25 =	vsub.s32 $0x5F3759DF, v25  }
0x34e: {  	v31 =	vmul.f32 v25, v42;
	_ =	sdelay $0x1  }
0x34f: {  	v27 =	vmul.f32 v25, v31;
	_ =	sdelay $0x1  }
0x350: {  	v27 =	vsub.f32 $1.500000000e+00, v27;
	_ =	sdelay $0x1  }
0x351: {  	v25 =	vmul.f32 v25, v27;
	_ =	sdelay $0x1  }
0x352: {  	v27 =	vmul.f32 v25, v42;
	_ =	sdelay $0x1  }
0x353: {  	v32 =	vld [tilespmem:$0x2540];
	v27 =	vmul.f32 v27, v25;
	_ =	sdelay $0x1  }
0x354: {  	v27 =	vsub.f32 $1.500000000e+00, v27;
	_ =	sdelay $0x1  }
0x355: {  	v25 =	vmul.f32 v27, v25  }
0x356: {  	vm8 =	veq.s32 v32, $0x0  }
0x357: {  	v33 =	vsel vm8, $0x40C00000, v4;
	v26 =	vmul.f32 v25, v42  }
0x358: {  	(erf) = vrcp.f32 v33  }
0x359: {  	v26 =	vmul.f32 v26, v25  }
0x35a: {  	v34 =	vor.u32 $0x1403, v0  }
0x35b: {  	v26 =	vsub.f32 $1.500000000e+00, v26;
	_ =	sdelay $0x1  }
0x35c: {  	v25 =	vmul.f32 v26, v25;
	_ =	sdelay $0x1  }
0x35d: {  	v35 =	vld.idx.msk [tilespmem:v34+s16+$0x0], $0xffff;
	v25 =	vmul.f32 v25, v23  }
0x35e: {  	vm9 =	vgt.f32 v23, $0.0e+00  }
0x35f: {  	v36 =	vld.idx.msk [tilespmem:v24+s22+$0x0], $0xffff;
	v38 =	vpop (erf);
	v37 =	vnsel vm9, $0x0, v25  }
0x360: {  	v25 =	vld [tilespmem:$0x2350];
	v24 =	vmul.f32 v37, v38  }
0x361: {  	v39 =	vld [tilespmem:$0x2740]  }
0x362: {  	v24 =	vadd.f32 v24, v35;
	_ =	sdelay $0x1  }
0x363: {  	v40 =	vor.u32 $0x1500, v0;
	v24 =	vadd.f32 v24, v36  }
0x364: {  	v41 =	vor.u32 $0x1501, v0;
	v42 =	vmul.u32 $0x3, v25  }
0x365: {  	v23 =	vsub.f32 v39, v24  }
0x366: {  	[tilespmem:$0x2C40] =	vst v24;
	v33 =	vadd.s32 $0x1, v42  }
0x367: {  	v34 =	vor.u32 $0x1502, v0;
	[tilespmem:$0x2E40] =	vst v23  }
0x368: {  	v30 =	vadd.s32 $0x2, v42;
	v26 =	vld.idx.msk [tilespmem:v40+s16+$0x0], $0xffff  }
0x369: {  	v28 =	vld.idx.msk [tilespmem:v41+s16+$0x0], $0xffff  }
0x36a: {  	v29 =	vld.idx.msk [tilespmem:v42+s21+$0x0], $0xffff  }
0x36b: {  	v24 =	vld.idx.msk [tilespmem:v33+s21+$0x0], $0xffff  }
0x36c: {  	v27 =	vld.idx.msk [tilespmem:v34+s16+$0x0], $0xffff  }
0x36d: {  	v30 =	vld.idx.msk [tilespmem:v30+s21+$0x0], $0xffff;
	_ =	sdelay $0x2  }
0x36e: {  	v26 =	vsub.f32 v26, v29;
	v24 =	vsub.f32 v28, v24;
	_ =	sdelay $0x1  }
0x36f: {  	v27 =	vsub.f32 v27, v30;
	v26 =	vmul.f32 v26, v26;
	v24 =	vmul.f32 v24, v24;
	_ =	sdelay $0x1  }
0x370: {  	v35 =	vmul.f32 v27, v27;
	v24 =	vadd.f32 v24, v26;
	_ =	sdelay $0x1  }
0x371: {  	v24 =	vadd.f32 v35, v24;
	_ =	sdelay $0x1  }
0x372: {  	v26 =	vshra.s32 v24, $0x1;
	v36 =	vmul.f32 $5.000000000e-01, v24  }
0x373: {  	v26 =	vsub.s32 $0x5F3759DF, v26  }
0x374: {  	v37 =	vmul.f32 v26, v36;
	_ =	sdelay $0x1  }
0x375: {  	v28 =	vmul.f32 v26, v37;
	_ =	sdelay $0x1  }
0x376: {  	v28 =	vsub.f32 $1.500000000e+00, v28;
	_ =	sdelay $0x1  }
0x377: {  	v26 =	vmul.f32 v26, v28;
	_ =	sdelay $0x1  }
0x378: {  	v28 =	vmul.f32 v26, v36;
	_ =	sdelay $0x1  }
0x379: {  	v38 =	vld [tilespmem:$0x2550];
	v28 =	vmul.f32 v28, v26;
	_ =	sdelay $0x1  }
0x37a: {  	v28 =	vsub.f32 $1.500000000e+00, v28;
	_ =	sdelay $0x1  }
0x37b: {  	v26 =	vmul.f32 v28, v26  }
0x37c: {  	vm10 =	veq.s32 v38, $0x0  }
0x37d: {  	v39 =	vsel vm10, $0x40C00000, v4;
	v27 =	vmul.f32 v26, v36  }
0x37e: {  	(erf) = vrcp.f32 v39  }
0x37f: {  	v27 =	vmul.f32 v27, v26  }
0x380: {  	v40 =	vor.u32 $0x1503, v0  }
0x381: {  	v27 =	vsub.f32 $1.500000000e+00, v27;
	_ =	sdelay $0x1  }
0x382: {  	v26 =	vmul.f32 v27, v26;
	_ =	sdelay $0x1  }
0x383: {  	v41 =	vld.idx.msk [tilespmem:v40+s16+$0x0], $0xffff;
	v26 =	vmul.f32 v26, v24  }
0x384: {  	vm11 =	vgt.f32 v24, $0.0e+00  }
0x385: {  	v42 =	vld.idx.msk [tilespmem:v25+s22+$0x0], $0xffff;
	v32 =	vpop (erf);
	v31 =	vnsel vm11, $0x0, v26  }
0x386: {  	v26 =	vld [tilespmem:$0x2360];
	v25 =	vmul.f32 v31, v32  }
0x387: {  	v33 =	vld [tilespmem:$0x2750]  }
0x388: {  	v25 =	vadd.f32 v25, v41;
	_ =	sdelay $0x1  }
0x389: {  	v34 =	vor.u32 $0x1600, v0;
	v25 =	vadd.f32 v25, v42  }
0x38a: {  	v35 =	vor.u32 $0x1601, v0;
	v36 =	vmul.u32 $0x3, v26  }
0x38b: {  	v24 =	vsub.f32 v33, v25  }
0x38c: {  	[tilespmem:$0x2C50] =	vst v25;
	v37 =	vadd.s32 $0x1, v36  }
0x38d: {  	v38 =	vor.u32 $0x1602, v0;
	[tilespmem:$0x2E50] =	vst v24  }
0x38e: {  	v31 =	vadd.s32 $0x2, v36;
	v27 =	vld.idx.msk [tilespmem:v34+s16+$0x0], $0xffff  }
0x38f: {  	v29 =	vld.idx.msk [tilespmem:v35+s16+$0x0], $0xffff  }
0x390: {  	v30 =	vld.idx.msk [tilespmem:v36+s21+$0x0], $0xffff  }
0x391: {  	v25 =	vld.idx.msk [tilespmem:v37+s21+$0x0], $0xffff  }
0x392: {  	v28 =	vld.idx.msk [tilespmem:v38+s16+$0x0], $0xffff  }
0x393: {  	v31 =	vld.idx.msk [tilespmem:v31+s21+$0x0], $0xffff;
	_ =	sdelay $0x2  }
0x394: {  	v27 =	vsub.f32 v27, v30;
	v25 =	vsub.f32 v29, v25;
	_ =	sdelay $0x1  }
0x395: {  	v28 =	vsub.f32 v28, v31;
	v27 =	vmul.f32 v27, v27;
	v25 =	vmul.f32 v25, v25;
	_ =	sdelay $0x1  }
0x396: {  	v39 =	vmul.f32 v28, v28;
	v25 =	vadd.f32 v25, v27;
	_ =	sdelay $0x1  }
0x397: {  	v25 =	vadd.f32 v39, v25;
	_ =	sdelay $0x1  }
0x398: {  	v27 =	vshra.s32 v25, $0x1;
	v40 =	vmul.f32 $5.000000000e-01, v25  }
0x399: {  	v27 =	vsub.s32 $0x5F3759DF, v27  }
0x39a: {  	v41 =	vmul.f32 v27, v40;
	_ =	sdelay $0x1  }
0x39b: {  	v29 =	vmul.f32 v27, v41;
	_ =	sdelay $0x1  }
0x39c: {  	v29 =	vsub.f32 $1.500000000e+00, v29;
	_ =	sdelay $0x1  }
0x39d: {  	v27 =	vmul.f32 v27, v29;
	_ =	sdelay $0x1  }
0x39e: {  	v29 =	vmul.f32 v27, v40;
	_ =	sdelay $0x1  }
0x39f: {  	v42 =	vld [tilespmem:$0x2560];
	v29 =	vmul.f32 v29, v27;
	_ =	sdelay $0x1  }
0x3a0: {  	v29 =	vsub.f32 $1.500000000e+00, v29;
	_ =	sdelay $0x1  }
0x3a1: {  	v27 =	vmul.f32 v29, v27  }
0x3a2: {  	vm12 =	veq.s32 v42, $0x0  }
0x3a3: {  	v33 =	vsel vm12, $0x40C00000, v4;
	v28 =	vmul.f32 v27, v40  }
0x3a4: {  	(erf) = vrcp.f32 v33  }
0x3a5: {  	v28 =	vmul.f32 v28, v27  }
0x3a6: {  	v34 =	vor.u32 $0x1603, v0  }
0x3a7: {  	v28 =	vsub.f32 $1.500000000e+00, v28;
	_ =	sdelay $0x1  }
0x3a8: {  	v27 =	vmul.f32 v28, v27;
	_ =	sdelay $0x1  }
0x3a9: {  	v35 =	vld.idx.msk [tilespmem:v34+s16+$0x0], $0xffff;
	v27 =	vmul.f32 v27, v25  }
0x3aa: {  	vm13 =	vgt.f32 v25, $0.0e+00  }
0x3ab: {  	v36 =	vld.idx.msk [tilespmem:v26+s22+$0x0], $0xffff;
	v38 =	vpop (erf);
	v37 =	vnsel vm13, $0x0, v27  }
0x3ac: {  	v27 =	vld [tilespmem:$0x2370];
	v26 =	vmul.f32 v37, v38  }
0x3ad: {  	v39 =	vld [tilespmem:$0x2760]  }
0x3ae: {  	v26 =	vadd.f32 v26, v35;
	_ =	sdelay $0x1  }
0x3af: {  	v40 =	vor.u32 $0x1700, v0;
	v26 =	vadd.f32 v26, v36  }
0x3b0: {  	v41 =	vor.u32 $0x1701, v0;
	v42 =	vmul.u32 $0x3, v27  }
0x3b1: {  	v25 =	vsub.f32 v39, v26  }
0x3b2: {  	[tilespmem:$0x2C60] =	vst v26;
	v36 =	vadd.s32 $0x1, v42  }
0x3b3: {  	v37 =	vor.u32 $0x1702, v0;
	[tilespmem:$0x2E60] =	vst v25  }
0x3b4: {  	v32 =	vadd.s32 $0x2, v42;
	v28 =	vld.idx.msk [tilespmem:v40+s16+$0x0], $0xffff  }
0x3b5: {  	v30 =	vld.idx.msk [tilespmem:v41+s16+$0x0], $0xffff  }
0x3b6: {  	v31 =	vld.idx.msk [tilespmem:v42+s21+$0x0], $0xffff  }
0x3b7: {  	v26 =	vld.idx.msk [tilespmem:v36+s21+$0x0], $0xffff  }
0x3b8: {  	v29 =	vld.idx.msk [tilespmem:v37+s16+$0x0], $0xffff  }
0x3b9: {  	v32 =	vld.idx.msk [tilespmem:v32+s21+$0x0], $0xffff;
	_ =	sdelay $0x2  }
0x3ba: {  	v28 =	vsub.f32 v28, v31;
	v26 =	vsub.f32 v30, v26;
	_ =	sdelay $0x1  }
0x3bb: {  	v29 =	vsub.f32 v29, v32;
	v28 =	vmul.f32 v28, v28;
	v26 =	vmul.f32 v26, v26;
	_ =	sdelay $0x1  }
0x3bc: {  	v38 =	vmul.f32 v29, v29;
	v26 =	vadd.f32 v26, v28;
	_ =	sdelay $0x1  }
0x3bd: {  	v26 =	vadd.f32 v38, v26;
	_ =	sdelay $0x1  }
0x3be: {  	v28 =	vshra.s32 v26, $0x1;
	v39 =	vmul.f32 $5.000000000e-01, v26  }
0x3bf: {  	v28 =	vsub.s32 $0x5F3759DF, v28  }
0x3c0: {  	v40 =	vmul.f32 v28, v39;
	_ =	sdelay $0x1  }
0x3c1: {  	v30 =	vmul.f32 v28, v40;
	_ =	sdelay $0x1  }
0x3c2: {  	v30 =	vsub.f32 $1.500000000e+00, v30;
	_ =	sdelay $0x1  }
0x3c3: {  	v28 =	vmul.f32 v28, v30;
	_ =	sdelay $0x1  }
0x3c4: {  	v30 =	vmul.f32 v28, v39;
	_ =	sdelay $0x1  }
0x3c5: {  	v41 =	vld [tilespmem:$0x2570];
	v30 =	vmul.f32 v30, v28;
	_ =	sdelay $0x1  }
0x3c6: {  	v30 =	vsub.f32 $1.500000000e+00, v30;
	_ =	sdelay $0x1  }
0x3c7: {  	v28 =	vmul.f32 v30, v28  }
0x3c8: {  	vm14 =	veq.s32 v41, $0x0  }
0x3c9: {  	v42 =	vsel vm14, $0x40C00000, v4;
	v29 =	vmul.f32 v28, v39  }
0x3ca: {  	(erf) = vrcp.f32 v42  }
0x3cb: {  	v29 =	vmul.f32 v29, v28  }
0x3cc: {  	v33 =	vor.u32 $0x1703, v0  }
0x3cd: {  	v29 =	vsub.f32 $1.500000000e+00, v29;
	_ =	sdelay $0x1  }
0x3ce: {  	v28 =	vmul.f32 v29, v28;
	_ =	sdelay $0x1  }
0x3cf: {  	v34 =	vld.idx.msk [tilespmem:v33+s16+$0x0], $0xffff;
	v28 =	vmul.f32 v28, v26  }
0x3d0: {  	vm15 =	vgt.f32 v26, $0.0e+00  }
0x3d1: {  	v35 =	vld.idx.msk [tilespmem:v27+s22+$0x0], $0xffff;
	v37 =	vpop (erf);
	v36 =	vnsel vm15, $0x0, v28  }
0x3d2: {  	v28 =	vld [tilespmem:$0x2380];
	v27 =	vmul.f32 v36, v37  }
0x3d3: {  	v38 =	vld [tilespmem:$0x2770]  }
0x3d4: {  	v27 =	vadd.f32 v27, v34;
	_ =	sdelay $0x1  }
0x3d5: {  	v39 =	vor.u32 $0x1800, v0;
	v27 =	vadd.f32 v27, v35  }
0x3d6: {  	v40 =	vor.u32 $0x1801, v0;
	v41 =	vmul.u32 $0x3, v28  }
0x3d7: {  	v26 =	vsub.f32 v38, v27  }
0x3d8: {  	[tilespmem:$0x2C70] =	vst v27;
	v42 =	vadd.s32 $0x1, v41  }
0x3d9: {  	v36 =	vor.u32 $0x1802, v0;
	[tilespmem:$0x2E70] =	vst v26  }
0x3da: {  	v33 =	vadd.s32 $0x2, v41;
	v29 =	vld.idx.msk [tilespmem:v39+s16+$0x0], $0xffff  }
0x3db: {  	v31 =	vld.idx.msk [tilespmem:v40+s16+$0x0], $0xffff  }
0x3dc: {  	v32 =	vld.idx.msk [tilespmem:v41+s21+$0x0], $0xffff  }
0x3dd: {  	v27 =	vld.idx.msk [tilespmem:v42+s21+$0x0], $0xffff  }
0x3de: {  	v30 =	vld.idx.msk [tilespmem:v36+s16+$0x0], $0xffff  }
0x3df: {  	v33 =	vld.idx.msk [tilespmem:v33+s21+$0x0], $0xffff;
	_ =	sdelay $0x2  }
0x3e0: {  	v29 =	vsub.f32 v29, v32;
	v27 =	vsub.f32 v31, v27;
	_ =	sdelay $0x1  }
0x3e1: {  	v30 =	vsub.f32 v30, v33;
	v29 =	vmul.f32 v29, v29;
	v27 =	vmul.f32 v27, v27;
	_ =	sdelay $0x1  }
0x3e2: {  	v37 =	vmul.f32 v30, v30;
	v27 =	vadd.f32 v27, v29;
	_ =	sdelay $0x1  }
0x3e3: {  	v27 =	vadd.f32 v37, v27;
	_ =	sdelay $0x1  }
0x3e4: {  	v29 =	vshra.s32 v27, $0x1;
	v38 =	vmul.f32 $5.000000000e-01, v27  }
0x3e5: {  	v29 =	vsub.s32 $0x5F3759DF, v29  }
0x3e6: {  	v39 =	vmul.f32 v29, v38;
	_ =	sdelay $0x1  }
0x3e7: {  	v31 =	vmul.f32 v29, v39;
	_ =	sdelay $0x1  }
0x3e8: {  	v31 =	vsub.f32 $1.500000000e+00, v31;
	_ =	sdelay $0x1  }
0x3e9: {  	v29 =	vmul.f32 v29, v31;
	_ =	sdelay $0x1  }
0x3ea: {  	v31 =	vmul.f32 v29, v38;
	_ =	sdelay $0x1  }
0x3eb: {  	v40 =	vld [tilespmem:$0x2580];
	v31 =	vmul.f32 v31, v29;
	_ =	sdelay $0x1  }
0x3ec: {  	v31 =	vsub.f32 $1.500000000e+00, v31;
	_ =	sdelay $0x1  }
0x3ed: {  	v29 =	vmul.f32 v31, v29  }
0x3ee: {  	vm4 =	veq.s32 v40, $0x0  }
0x3ef: {  	v41 =	vsel vm4, $0x40C00000, v4;
	v30 =	vmul.f32 v29, v38  }
0x3f0: {  	(erf) = vrcp.f32 v41  }
0x3f1: {  	v30 =	vmul.f32 v30, v29  }
0x3f2: {  	v42 =	vor.u32 $0x1803, v0  }
0x3f3: {  	v30 =	vsub.f32 $1.500000000e+00, v30;
	_ =	sdelay $0x1  }
0x3f4: {  	v29 =	vmul.f32 v30, v29;
	_ =	sdelay $0x1  }
0x3f5: {  	v33 =	vld.idx.msk [tilespmem:v42+s16+$0x0], $0xffff;
	v29 =	vmul.f32 v29, v27  }
0x3f6: {  	vm5 =	vgt.f32 v27, $0.0e+00  }
0x3f7: {  	v34 =	vld.idx.msk [tilespmem:v28+s22+$0x0], $0xffff;
	v36 =	vpop (erf);
	v35 =	vnsel vm5, $0x0, v29  }
0x3f8: {  	v29 =	vld [tilespmem:$0x2390];
	v28 =	vmul.f32 v35, v36  }
0x3f9: {  	v37 =	vld [tilespmem:$0x2780]  }
0x3fa: {  	v28 =	vadd.f32 v28, v33;
	_ =	sdelay $0x1  }
0x3fb: {  	v38 =	vor.u32 $0x1900, v0;
	v28 =	vadd.f32 v28, v34  }
0x3fc: {  	v39 =	vor.u32 $0x1901, v0;
	v40 =	vmul.u32 $0x3, v29  }
0x3fd: {  	v27 =	vsub.f32 v37, v28  }
0x3fe: {  	[tilespmem:$0x2C80] =	vst v28;
	v41 =	vadd.s32 $0x1, v40  }
0x3ff: {  	v42 =	vor.u32 $0x1902, v0;
	[tilespmem:$0x2E80] =	vst v27  }
0x400: {  	v34 =	vadd.s32 $0x2, v40;
	v30 =	vld.idx.msk [tilespmem:v38+s16+$0x0], $0xffff  }
0x401: {  	v32 =	vld.idx.msk [tilespmem:v39+s16+$0x0], $0xffff  }
0x402: {  	v33 =	vld.idx.msk [tilespmem:v40+s21+$0x0], $0xffff  }
0x403: {  	v28 =	vld.idx.msk [tilespmem:v41+s21+$0x0], $0xffff  }
0x404: {  	v31 =	vld.idx.msk [tilespmem:v42+s16+$0x0], $0xffff  }
0x405: {  	v34 =	vld.idx.msk [tilespmem:v34+s21+$0x0], $0xffff;
	_ =	sdelay $0x2  }
0x406: {  	v30 =	vsub.f32 v30, v33;
	v28 =	vsub.f32 v32, v28;
	_ =	sdelay $0x1  }
0x407: {  	v31 =	vsub.f32 v31, v34;
	v30 =	vmul.f32 v30, v30;
	v28 =	vmul.f32 v28, v28;
	_ =	sdelay $0x1  }
0x408: {  	v35 =	vmul.f32 v31, v31;
	v28 =	vadd.f32 v28, v30;
	_ =	sdelay $0x1  }
0x409: {  	v28 =	vadd.f32 v35, v28;
	_ =	sdelay $0x1  }
0x40a: {  	v30 =	vshra.s32 v28, $0x1;
	v36 =	vmul.f32 $5.000000000e-01, v28  }
0x40b: {  	v30 =	vsub.s32 $0x5F3759DF, v30  }
0x40c: {  	v37 =	vmul.f32 v30, v36;
	_ =	sdelay $0x1  }
0x40d: {  	v32 =	vmul.f32 v30, v37;
	_ =	sdelay $0x1  }
0x40e: {  	v32 =	vsub.f32 $1.500000000e+00, v32;
	_ =	sdelay $0x1  }
0x40f: {  	v30 =	vmul.f32 v30, v32;
	_ =	sdelay $0x1  }
0x410: {  	v32 =	vmul.f32 v30, v36;
	_ =	sdelay $0x1  }
0x411: {  	v38 =	vld [tilespmem:$0x2590];
	v32 =	vmul.f32 v32, v30;
	_ =	sdelay $0x1  }
0x412: {  	v32 =	vsub.f32 $1.500000000e+00, v32;
	_ =	sdelay $0x1  }
0x413: {  	v30 =	vmul.f32 v32, v30  }
0x414: {  	vm6 =	veq.s32 v38, $0x0  }
0x415: {  	v39 =	vsel vm6, $0x40C00000, v4;
	v31 =	vmul.f32 v30, v36  }
0x416: {  	(erf) = vrcp.f32 v39  }
0x417: {  	v31 =	vmul.f32 v31, v30  }
0x418: {  	v40 =	vor.u32 $0x1903, v0  }
0x419: {  	v31 =	vsub.f32 $1.500000000e+00, v31;
	_ =	sdelay $0x1  }
0x41a: {  	v30 =	vmul.f32 v31, v30;
	_ =	sdelay $0x1  }
0x41b: {  	v41 =	vld.idx.msk [tilespmem:v40+s16+$0x0], $0xffff;
	v30 =	vmul.f32 v30, v28  }
0x41c: {  	vm7 =	vgt.f32 v28, $0.0e+00  }
0x41d: {  	v42 =	vld.idx.msk [tilespmem:v29+s22+$0x0], $0xffff;
	v36 =	vpop (erf);
	v35 =	vnsel vm7, $0x0, v30  }
0x41e: {  	v30 =	vld [tilespmem:$0x23A0];
	v29 =	vmul.f32 v35, v36  }
0x41f: {  	v37 =	vld [tilespmem:$0x2790]  }
0x420: {  	v29 =	vadd.f32 v29, v41;
	_ =	sdelay $0x1  }
0x421: {  	v38 =	vor.u32 $0x1A00, v0;
	v29 =	vadd.f32 v29, v42  }
0x422: {  	v39 =	vor.u32 $0x1A01, v0;
	v40 =	vmul.u32 $0x3, v30  }
0x423: {  	v28 =	vsub.f32 v37, v29  }
0x424: {  	[tilespmem:$0x2C90] =	vst v29;
	v41 =	vadd.s32 $0x1, v40  }
0x425: {  	v42 =	vor.u32 $0x1A02, v0;
	[tilespmem:$0x2E90] =	vst v28  }
0x426: {  	v35 =	vadd.s32 $0x2, v40;
	v31 =	vld.idx.msk [tilespmem:v38+s16+$0x0], $0xffff  }
0x427: {  	v33 =	vld.idx.msk [tilespmem:v39+s16+$0x0], $0xffff  }
0x428: {  	v34 =	vld.idx.msk [tilespmem:v40+s21+$0x0], $0xffff  }
0x429: {  	v29 =	vld.idx.msk [tilespmem:v41+s21+$0x0], $0xffff  }
0x42a: {  	v32 =	vld.idx.msk [tilespmem:v42+s16+$0x0], $0xffff  }
0x42b: {  	v35 =	vld.idx.msk [tilespmem:v35+s21+$0x0], $0xffff;
	_ =	sdelay $0x2  }
0x42c: {  	v31 =	vsub.f32 v31, v34;
	v29 =	vsub.f32 v33, v29;
	_ =	sdelay $0x1  }
0x42d: {  	v32 =	vsub.f32 v32, v35;
	v31 =	vmul.f32 v31, v31;
	v29 =	vmul.f32 v29, v29;
	_ =	sdelay $0x1  }
0x42e: {  	v35 =	vmul.f32 v32, v32;
	v29 =	vadd.f32 v29, v31;
	_ =	sdelay $0x1  }
0x42f: {  	v29 =	vadd.f32 v35, v29;
	_ =	sdelay $0x1  }
0x430: {  	v31 =	vshra.s32 v29, $0x1;
	v36 =	vmul.f32 $5.000000000e-01, v29  }
0x431: {  	v31 =	vsub.s32 $0x5F3759DF, v31  }
0x432: {  	v37 =	vmul.f32 v31, v36;
	_ =	sdelay $0x1  }
0x433: {  	v33 =	vmul.f32 v31, v37;
	_ =	sdelay $0x1  }
0x434: {  	v33 =	vsub.f32 $1.500000000e+00, v33;
	_ =	sdelay $0x1  }
0x435: {  	v31 =	vmul.f32 v31, v33;
	_ =	sdelay $0x1  }
0x436: {  	v33 =	vmul.f32 v31, v36;
	_ =	sdelay $0x1  }
0x437: {  	v38 =	vld [tilespmem:$0x25A0];
	v33 =	vmul.f32 v33, v31;
	_ =	sdelay $0x1  }
0x438: {  	v33 =	vsub.f32 $1.500000000e+00, v33;
	_ =	sdelay $0x1  }
0x439: {  	v31 =	vmul.f32 v33, v31  }
0x43a: {  	vm8 =	veq.s32 v38, $0x0  }
0x43b: {  	v39 =	vsel vm8, $0x40C00000, v4;
	v32 =	vmul.f32 v31, v36  }
0x43c: {  	(erf) = vrcp.f32 v39  }
0x43d: {  	v32 =	vmul.f32 v32, v31  }
0x43e: {  	v40 =	vor.u32 $0x1A03, v0  }
0x43f: {  	v32 =	vsub.f32 $1.500000000e+00, v32;
	_ =	sdelay $0x1  }
0x440: {  	v31 =	vmul.f32 v32, v31;
	_ =	sdelay $0x1  }
0x441: {  	v41 =	vld.idx.msk [tilespmem:v40+s16+$0x0], $0xffff;
	v31 =	vmul.f32 v31, v29  }
0x442: {  	vm9 =	vgt.f32 v29, $0.0e+00  }
0x443: {  	v42 =	vld.idx.msk [tilespmem:v30+s22+$0x0], $0xffff;
	v37 =	vpop (erf);
	v36 =	vnsel vm9, $0x0, v31  }
0x444: {  	v31 =	vld [tilespmem:$0x23B0];
	v30 =	vmul.f32 v36, v37  }
0x445: {  	v38 =	vld [tilespmem:$0x27A0]  }
0x446: {  	v30 =	vadd.f32 v30, v41;
	_ =	sdelay $0x1  }
0x447: {  	v39 =	vor.u32 $0x1B00, v0;
	v30 =	vadd.f32 v30, v42  }
0x448: {  	v34 =	vor.u32 $0x1B01, v0;
	v40 =	vmul.u32 $0x3, v31  }
0x449: {  	v29 =	vsub.f32 v38, v30  }
0x44a: {  	[tilespmem:$0x2CA0] =	vst v30;
	v41 =	vadd.s32 $0x1, v40  }
0x44b: {  	v42 =	vor.u32 $0x1B02, v0;
	[tilespmem:$0x2EA0] =	vst v29  }
0x44c: {  	v36 =	vadd.s32 $0x2, v40;
	v32 =	vld.idx.msk [tilespmem:v39+s16+$0x0], $0xffff  }
0x44d: {  	v34 =	vld.idx.msk [tilespmem:v34+s16+$0x0], $0xffff  }
0x44e: {  	v35 =	vld.idx.msk [tilespmem:v40+s21+$0x0], $0xffff  }
0x44f: {  	v30 =	vld.idx.msk [tilespmem:v41+s21+$0x0], $0xffff  }
0x450: {  	v33 =	vld.idx.msk [tilespmem:v42+s16+$0x0], $0xffff  }
0x451: {  	v36 =	vld.idx.msk [tilespmem:v36+s21+$0x0], $0xffff;
	_ =	sdelay $0x2  }
0x452: {  	v32 =	vsub.f32 v32, v35;
	v30 =	vsub.f32 v34, v30;
	_ =	sdelay $0x1  }
0x453: {  	v33 =	vsub.f32 v33, v36;
	v32 =	vmul.f32 v32, v32;
	v30 =	vmul.f32 v30, v30;
	_ =	sdelay $0x1  }
0x454: {  	v39 =	vmul.f32 v33, v33;
	v30 =	vadd.f32 v30, v32;
	_ =	sdelay $0x1  }
0x455: {  	v30 =	vadd.f32 v39, v30;
	_ =	sdelay $0x1  }
0x456: {  	v32 =	vshra.s32 v30, $0x1;
	v40 =	vmul.f32 $5.000000000e-01, v30  }
0x457: {  	v32 =	vsub.s32 $0x5F3759DF, v32  }
0x458: {  	v41 =	vmul.f32 v32, v40;
	_ =	sdelay $0x1  }
0x459: {  	v34 =	vmul.f32 v32, v41;
	_ =	sdelay $0x1  }
0x45a: {  	v34 =	vsub.f32 $1.500000000e+00, v34;
	_ =	sdelay $0x1  }
0x45b: {  	v32 =	vmul.f32 v32, v34;
	_ =	sdelay $0x1  }
0x45c: {  	v34 =	vmul.f32 v32, v40;
	_ =	sdelay $0x1  }
0x45d: {  	v42 =	vld [tilespmem:$0x25B0];
	v34 =	vmul.f32 v34, v32;
	_ =	sdelay $0x1  }
0x45e: {  	v34 =	vsub.f32 $1.500000000e+00, v34;
	_ =	sdelay $0x1  }
0x45f: {  	v32 =	vmul.f32 v34, v32  }
0x460: {  	vm10 =	veq.s32 v42, $0x0  }
0x461: {  	v36 =	vsel vm10, $0x40C00000, v4;
	v33 =	vmul.f32 v32, v40  }
0x462: {  	(erf) = vrcp.f32 v36  }
0x463: {  	v33 =	vmul.f32 v33, v32  }
0x464: {  	v37 =	vor.u32 $0x1B03, v0  }
0x465: {  	v33 =	vsub.f32 $1.500000000e+00, v33;
	_ =	sdelay $0x1  }
0x466: {  	v32 =	vmul.f32 v33, v32;
	_ =	sdelay $0x1  }
0x467: {  	v38 =	vld.idx.msk [tilespmem:v37+s16+$0x0], $0xffff;
	v32 =	vmul.f32 v32, v30  }
0x468: {  	vm11 =	vgt.f32 v30, $0.0e+00  }
0x469: {  	v39 =	vld.idx.msk [tilespmem:v31+s22+$0x0], $0xffff;
	v41 =	vpop (erf);
	v40 =	vnsel vm11, $0x0, v32  }
0x46a: {  	v32 =	vld [tilespmem:$0x23C0];
	v31 =	vmul.f32 v40, v41  }
0x46b: {  	v42 =	vld [tilespmem:$0x27B0]  }
0x46c: {  	v31 =	vadd.f32 v31, v38;
	_ =	sdelay $0x1  }
0x46d: {  	v33 =	vor.u32 $0x1C00, v0;
	v31 =	vadd.f32 v31, v39  }
0x46e: {  	v35 =	vor.u32 $0x1C01, v0;
	v40 =	vmul.u32 $0x3, v32  }
0x46f: {  	v30 =	vsub.f32 v42, v31  }
0x470: {  	[tilespmem:$0x2CB0] =	vst v31;
	v41 =	vadd.s32 $0x1, v40  }
0x471: {  	v42 =	vor.u32 $0x1C02, v0;
	[tilespmem:$0x2EB0] =	vst v30  }
0x472: {  	v37 =	vadd.s32 $0x2, v40;
	v33 =	vld.idx.msk [tilespmem:v33+s16+$0x0], $0xffff  }
0x473: {  	v35 =	vld.idx.msk [tilespmem:v35+s16+$0x0], $0xffff  }
0x474: {  	v36 =	vld.idx.msk [tilespmem:v40+s21+$0x0], $0xffff  }
0x475: {  	v31 =	vld.idx.msk [tilespmem:v41+s21+$0x0], $0xffff  }
0x476: {  	v34 =	vld.idx.msk [tilespmem:v42+s16+$0x0], $0xffff  }
0x477: {  	v37 =	vld.idx.msk [tilespmem:v37+s21+$0x0], $0xffff;
	_ =	sdelay $0x2  }
0x478: {  	v33 =	vsub.f32 v33, v36;
	v31 =	vsub.f32 v35, v31;
	_ =	sdelay $0x1  }
0x479: {  	v34 =	vsub.f32 v34, v37;
	v33 =	vmul.f32 v33, v33;
	v31 =	vmul.f32 v31, v31;
	_ =	sdelay $0x1  }
0x47a: {  	v39 =	vmul.f32 v34, v34;
	v31 =	vadd.f32 v31, v33;
	_ =	sdelay $0x1  }
0x47b: {  	v31 =	vadd.f32 v39, v31;
	_ =	sdelay $0x1  }
0x47c: {  	v33 =	vshra.s32 v31, $0x1;
	v40 =	vmul.f32 $5.000000000e-01, v31  }
0x47d: {  	v33 =	vsub.s32 $0x5F3759DF, v33  }
0x47e: {  	v41 =	vmul.f32 v33, v40;
	_ =	sdelay $0x1  }
0x47f: {  	v35 =	vmul.f32 v33, v41;
	_ =	sdelay $0x1  }
0x480: {  	v35 =	vsub.f32 $1.500000000e+00, v35;
	_ =	sdelay $0x1  }
0x481: {  	v33 =	vmul.f32 v33, v35;
	_ =	sdelay $0x1  }
0x482: {  	v35 =	vmul.f32 v33, v40;
	_ =	sdelay $0x1  }
0x483: {  	v42 =	vld [tilespmem:$0x25C0];
	v35 =	vmul.f32 v35, v33;
	_ =	sdelay $0x1  }
0x484: {  	v35 =	vsub.f32 $1.500000000e+00, v35;
	_ =	sdelay $0x1  }
0x485: {  	v33 =	vmul.f32 v35, v33  }
0x486: {  	vm12 =	veq.s32 v42, $0x0  }
0x487: {  	v36 =	vsel vm12, $0x40C00000, v4;
	v34 =	vmul.f32 v33, v40  }
0x488: {  	(erf) = vrcp.f32 v36  }
0x489: {  	v34 =	vmul.f32 v34, v33  }
0x48a: {  	v37 =	vor.u32 $0x1C03, v0  }
0x48b: {  	v34 =	vsub.f32 $1.500000000e+00, v34;
	_ =	sdelay $0x1  }
0x48c: {  	v33 =	vmul.f32 v34, v33;
	_ =	sdelay $0x1  }
0x48d: {  	v38 =	vld.idx.msk [tilespmem:v37+s16+$0x0], $0xffff;
	v33 =	vmul.f32 v33, v31  }
0x48e: {  	vm13 =	vgt.f32 v31, $0.0e+00  }
0x48f: {  	v39 =	vld.idx.msk [tilespmem:v32+s22+$0x0], $0xffff;
	v41 =	vpop (erf);
	v40 =	vnsel vm13, $0x0, v33  }
0x490: {  	v33 =	vld [tilespmem:$0x23D0];
	v32 =	vmul.f32 v40, v41  }
0x491: {  	v42 =	vld [tilespmem:$0x27C0]  }
0x492: {  	v32 =	vadd.f32 v32, v38;
	_ =	sdelay $0x1  }
0x493: {  	v34 =	vor.u32 $0x1D00, v0;
	v32 =	vadd.f32 v32, v39  }
0x494: {  	v36 =	vor.u32 $0x1D01, v0;
	v40 =	vmul.u32 $0x3, v33  }
0x495: {  	v31 =	vsub.f32 v42, v32  }
0x496: {  	[tilespmem:$0x2CC0] =	vst v32;
	v41 =	vadd.s32 $0x1, v40  }
0x497: {  	v42 =	vor.u32 $0x1D02, v0;
	[tilespmem:$0x2EC0] =	vst v31  }
0x498: {  	v38 =	vadd.s32 $0x2, v40;
	v34 =	vld.idx.msk [tilespmem:v34+s16+$0x0], $0xffff  }
0x499: {  	v36 =	vld.idx.msk [tilespmem:v36+s16+$0x0], $0xffff  }
0x49a: {  	v37 =	vld.idx.msk [tilespmem:v40+s21+$0x0], $0xffff  }
0x49b: {  	v32 =	vld.idx.msk [tilespmem:v41+s21+$0x0], $0xffff  }
0x49c: {  	v35 =	vld.idx.msk [tilespmem:v42+s16+$0x0], $0xffff  }
0x49d: {  	v38 =	vld.idx.msk [tilespmem:v38+s21+$0x0], $0xffff;
	_ =	sdelay $0x2  }
0x49e: {  	v34 =	vsub.f32 v34, v37;
	v32 =	vsub.f32 v36, v32;
	_ =	sdelay $0x1  }
0x49f: {  	v35 =	vsub.f32 v35, v38;
	v34 =	vmul.f32 v34, v34;
	v32 =	vmul.f32 v32, v32;
	_ =	sdelay $0x1  }
0x4a0: {  	v40 =	vmul.f32 v35, v35;
	v32 =	vadd.f32 v32, v34;
	_ =	sdelay $0x1  }
0x4a1: {  	v32 =	vadd.f32 v40, v32;
	_ =	sdelay $0x1  }
0x4a2: {  	v34 =	vshra.s32 v32, $0x1;
	v41 =	vmul.f32 $5.000000000e-01, v32  }
0x4a3: {  	v34 =	vsub.s32 $0x5F3759DF, v34  }
0x4a4: {  	v42 =	vmul.f32 v34, v41;
	_ =	sdelay $0x1  }
0x4a5: {  	v36 =	vmul.f32 v34, v42;
	_ =	sdelay $0x1  }
0x4a6: {  	v36 =	vsub.f32 $1.500000000e+00, v36;
	_ =	sdelay $0x1  }
0x4a7: {  	v34 =	vmul.f32 v34, v36;
	_ =	sdelay $0x1  }
0x4a8: {  	v36 =	vmul.f32 v34, v41;
	_ =	sdelay $0x1  }
0x4a9: {  	v40 =	vld [tilespmem:$0x25D0];
	v36 =	vmul.f32 v36, v34;
	_ =	sdelay $0x1  }
0x4aa: {  	v36 =	vsub.f32 $1.500000000e+00, v36;
	_ =	sdelay $0x1  }
0x4ab: {  	v34 =	vmul.f32 v36, v34  }
0x4ac: {  	vm14 =	veq.s32 v40, $0x0  }
0x4ad: {  	v35 =	vmul.f32 v34, v41;
	v41 =	vsel vm14, $0x40C00000, v4  }
0x4ae: {  	(erf) = vrcp.f32 v41  }
0x4af: {  	v35 =	vmul.f32 v35, v34  }
0x4b0: {  	v42 =	vor.u32 $0x1D03, v0  }
0x4b1: {  	v35 =	vsub.f32 $1.500000000e+00, v35;
	_ =	sdelay $0x1  }
0x4b2: {  	v34 =	vmul.f32 v35, v34;
	_ =	sdelay $0x1  }
0x4b3: {  	v35 =	vld.idx.msk [tilespmem:v42+s16+$0x0], $0xffff;
	v34 =	vmul.f32 v34, v32  }
0x4b4: {  	vm15 =	vgt.f32 v32, $0.0e+00  }
0x4b5: {  	v33 =	vld.idx.msk [tilespmem:v33+s22+$0x0], $0xffff;
	v40 =	vmul.f32 $5.000000000e-01, v2;
	v32 =	vnsel vm15, $0x0, v34;
	v41 =	vpop (erf)  }
0x4b6: {  	v42 =	vand.u32 $0x7FFFFFFF, v2;
	v34 =	vmul.f32 v32, v41;
	v32 =	vld [tilespmem:$0x23E0]  }
0x4b7: {  	v38 =	vld [tilespmem:$0x27D0];
	v2 =	vmul.f32 v40, v2;
	v40 =	vadd.f32 $-5.000000000e-01, v42  }
0x4b8: {  	vm4 =	vle.f32 v42, $1.000000000e+00;
	v34 =	vadd.f32 v34, v35  }
0x4b9: {  	v39 =	vor.u32 $0x1E01, v0;
	v36 =	vld [tilespmem:$0x2810];
	v35 =	vsel vm4, v2, v40;
	v2 =	vmul.f32 $5.000000000e-01, v3  }
0x4ba: {  	v37 =	vand.u32 $0x7FFFFFFF, v3;
	v33 =	vadd.f32 v34, v33;
	v34 =	vor.u32 $0x1E00, v0  }
0x4bb: {  	v41 =	vadd.f32 $-5.000000000e-01, v37;
	v3 =	vmul.f32 v2, v3;
	v40 =	vmul.u32 $0x3, v32  }
0x4bc: {  	vm5 =	vle.f32 v37, $1.000000000e+00;
	v1 =	vmul.f32 v35, v1;
	v2 =	vsub.f32 v38, v33  }
0x4bd: {  	v37 =	vmul.f32 $5.000000000e-01, v5;
	v35 =	vld [tilespmem:$0x2820];
	[tilespmem:$0x2CD0] =	vst v33;
	v3 =	vsel vm5, v3, v41;
	v41 =	vor.u32 $0x1E02, v0  }
0x4be: {  	v1 =	vadd.f32 $0.0e+00, v1;
	v38 =	vld [tilespmem:$0x2830];
	v33 =	vadd.s32 $0x1, v40;
	v3 =	vmul.f32 v3, v36;
	[tilespmem:$0x2ED0] =	vst v2  }
0x4bf: {  	v36 =	vand.u32 $0x7FFFFFFF, v5;
	v42 =	vadd.s32 $0x2, v40;
	v5 =	vmul.f32 v37, v5;
	v34 =	vld.idx.msk [tilespmem:v34+s16+$0x0], $0xffff  }
0x4c0: {  	v37 =	vadd.f32 $-5.000000000e-01, v36;
	vm6 =	vle.f32 v36, $1.000000000e+00;
	v36 =	vmul.f32 $5.000000000e-01, v6;
	v39 =	vld.idx.msk [tilespmem:v39+s16+$0x0], $0xffff  }
0x4c1: {  	v1 =	vadd.f32 v3, v1;
	v40 =	vld.idx.msk [tilespmem:v40+s21+$0x0], $0xffff  }
0x4c2: {  	v3 =	vand.u32 $0x7FFFFFFF, v6;
	v5 =	vsel vm6, v5, v37;
	v6 =	vmul.f32 v36, v6;
	v36 =	vld.idx.msk [tilespmem:v41+s16+$0x0], $0xffff  }
0x4c3: {  	v5 =	vmul.f32 v5, v35;
	v33 =	vld.idx.msk [tilespmem:v33+s21+$0x0], $0xffff  }
0x4c4: {  	vm7 =	vle.f32 v3, $1.000000000e+00;
	v35 =	vadd.f32 $-5.000000000e-01, v3;
	v3 =	vmul.f32 $5.000000000e-01, v7;
	v41 =	vld.idx.msk [tilespmem:v42+s21+$0x0], $0xffff  }
0x4c5: {  	v42 =	vand.u32 $0x7FFFFFFF, v7;
	v1 =	vadd.f32 v5, v1  }
0x4c6: {  	v5 =	vsel vm7, v6, v35;
	v6 =	vld [tilespmem:$0x2840];
	v3 =	vmul.f32 v3, v7;
	v7 =	vadd.f32 $-5.000000000e-01, v42  }
0x4c7: {  	vm8 =	vle.f32 v42, $1.000000000e+00;
	v5 =	vmul.f32 v5, v38  }
0x4c8: {  	v3 =	vsel vm8, v3, v7;
	v34 =	vsub.f32 v34, v40;
	v33 =	vsub.f32 v39, v33  }
0x4c9: {  	v1 =	vadd.f32 v5, v1;
	v5 =	vmul.f32 $5.000000000e-01, v8;
	v7 =	vsub.f32 v36, v41  }
0x4ca: {  	v36 =	vand.u32 $0x7FFFFFFF, v9;
	v34 =	vmul.f32 v34, v34;
	v33 =	vmul.f32 v33, v33  }
0x4cb: {  	v41 =	vld [tilespmem:$0x2850];
	v3 =	vmul.f32 v3, v6;
	v6 =	vand.u32 $0x7FFFFFFF, v8;
	v5 =	vmul.f32 v5, v8  }
0x4cc: {  	v42 =	vadd.f32 $-5.000000000e-01, v6;
	v7 =	vmul.f32 v7, v7;
	v33 =	vadd.f32 v33, v34  }
0x4cd: {  	vm9 =	vle.f32 v6, $1.000000000e+00;
	v6 =	vmul.f32 $5.000000000e-01, v9;
	v1 =	vadd.f32 v3, v1;
	v3 =	vld [tilespmem:$0x2860]  }
0x4ce: {  	v37 =	vadd.f32 $-5.000000000e-01, v36;
	v7 =	vadd.f32 v7, v33  }
0x4cf: {  	vm10 =	vle.f32 v36, $1.000000000e+00;
	v5 =	vsel vm9, v5, v42;
	v6 =	vmul.f32 v6, v9  }
0x4d0: {  	v5 =	vmul.f32 v5, v41;
	v38 =	vshra.s32 v7, $0x1;
	v33 =	vmul.f32 $5.000000000e-01, v7  }
0x4d1: {  	v6 =	vsel vm10, v6, v37;
	v8 =	vsub.s32 $0x5F3759DF, v38  }
0x4d2: {  	v1 =	vadd.f32 v5, v1;
	v3 =	vmul.f32 v6, v3;
	v5 =	vmul.f32 v8, v33  }
0x4d3: {  	v39 =	vand.u32 $0x7FFFFFFF, v10  }
0x4d4: {  	v6 =	vmul.f32 $5.000000000e-01, v10;
	v1 =	vadd.f32 v3, v1;
	v3 =	vld [tilespmem:$0x2870];
	v5 =	vmul.f32 v8, v5  }
0x4d5: {  	v40 =	vadd.f32 $-5.000000000e-01, v39;
	vm11 =	vle.f32 v39, $1.000000000e+00;
	v41 =	vmul.f32 $5.000000000e-01, v11  }
0x4d6: {  	v9 =	vld [tilespmem:$0x2880];
	v42 =	vand.u32 $0x7FFFFFFF, v11;
	v6 =	vmul.f32 v6, v10;
	v5 =	vsub.f32 $1.500000000e+00, v5  }
0x4d7: {  	v39 =	vmul.f32 $5.000000000e-01, v12;
	v37 =	vadd.f32 $-5.000000000e-01, v42;
	v36 =	vmul.f32 v41, v11  }
0x4d8: {  	v38 =	vld [tilespmem:$0x2890];
	v6 =	vsel vm11, v6, v40;
	v40 =	vand.u32 $0x7FFFFFFF, v12;
	v5 =	vmul.f32 v8, v5  }
0x4d9: {  	vm12 =	vle.f32 v42, $1.000000000e+00;
	v41 =	vadd.f32 $-5.000000000e-01, v40;
	v3 =	vmul.f32 v6, v3  }
0x4da: {  	v6 =	vsel vm12, v36, v37;
	v8 =	vmul.f32 v39, v12;
	v42 =	vmul.f32 v5, v33  }
0x4db: {  	vm13 =	vle.f32 v40, $1.000000000e+00;
	v1 =	vadd.f32 v3, v1;
	v3 =	vmul.f32 v6, v9  }
0x4dc: {  	v6 =	vld [tilespmem:$0x25E0];
	v8 =	vsel vm13, v8, v41;
	v35 =	vmul.f32 v42, v5  }
0x4dd: {  	v1 =	vadd.f32 v3, v1;
	v3 =	vmul.f32 v8, v38  }
0x4de: {  	v36 =	vsub.f32 $1.500000000e+00, v35  }
0x4df: {  	v1 =	vadd.f32 v3, v1;
	v3 =	vmul.f32 $5.000000000e-01, v13  }
0x4e0: {  	v37 =	vld [tilespmem:$0x28A0];
	v41 =	vmul.f32 $5.000000000e-01, v14;
	v38 =	vand.u32 $0x7FFFFFFF, v13;
	v5 =	vmul.f32 v36, v5  }
0x4e1: {  	vm14 =	veq.s32 v6, $0x0;
	v6 =	vadd.f32 $-5.000000000e-01, v38;
	v3 =	vmul.f32 v3, v13  }
0x4e2: {  	v40 =	vld [tilespmem:$0x28B0];
	vm15 =	vle.f32 v38, $1.000000000e+00;
	v39 =	vsel vm14, $0x40C00000, v4;
	v42 =	vmul.f32 v5, v33  }
0x4e3: {  	(erf) = vrcp.f32 v39;
	v3 =	vsel vm15, v3, v6;
	v6 =	vand.u32 $0x7FFFFFFF, v14  }
0x4e4: {  	v33 =	vmul.f32 v41, v14;
	v34 =	vadd.f32 $-5.000000000e-01, v6;
	v12 =	vmul.f32 v42, v5  }
0x4e5: {  	v3 =	vmul.f32 v3, v37;
	vm4 =	vle.f32 v6, $1.000000000e+00;
	v6 =	vor.u32 $0x1E03, v0  }
0x4e6: {  	v8 =	vsel vm4, v33, v34;
	v36 =	vsub.f32 $1.500000000e+00, v12  }
0x4e7: {  	v35 =	vmul.f32 $5.000000000e-01, v15;
	v1 =	vadd.f32 v3, v1;
	v3 =	vmul.f32 v8, v40  }
0x4e8: {  	vm6 =	vgt.f32 v7, $0.0e+00;
	v38 =	vand.u32 $0x7FFFFFFF, v15;
	v37 =	vld [tilespmem:$0x28C0];
	v5 =	vmul.f32 v36, v5  }
0x4e9: {  	v9 =	vmul.f32 v35, v15;
	v40 =	vld [tilespmem:$0x28D0];
	v1 =	vadd.f32 v3, v1;
	v3 =	vmul.f32 $5.000000000e-01, v16  }
0x4ea: {  	v39 =	vadd.f32 $-5.000000000e-01, v38;
	v41 =	vand.u32 $0x7FFFFFFF, v16;
	v6 =	vld.idx.msk [tilespmem:v6+s16+$0x0], $0xffff;
	v5 =	vmul.f32 v5, v7  }
0x4eb: {  	vm5 =	vle.f32 v38, $1.000000000e+00;
	v42 =	vadd.f32 $-5.000000000e-01, v41;
	v3 =	vmul.f32 v3, v16  }
0x4ec: {  	v9 =	vsel vm5, v9, v39;
	vm7 =	vle.f32 v41, $1.000000000e+00;
	v16 =	vld.idx.msk [tilespmem:v32+s22+$0x0], $0xffff;
	v32 =	vpop (erf);
	v5 =	vnsel vm6, $0x0, v5  }
0x4ed: {  	v7 =	vmul.f32 v9, v37;
	v11 =	vsel vm7, v3, v42;
	v3 =	vld [tilespmem:$0x23F0];
	v5 =	vmul.f32 v5, v32  }
0x4ee: {  	v34 =	vld [tilespmem:$0x27E0]  }
0x4ef: {  	v1 =	vadd.f32 v7, v1;
	v7 =	vmul.f32 v11, v40;
	v5 =	vadd.f32 v5, v6  }
0x4f0: {  	v38 =	vor.u32 $0x1F01, v0;
	v33 =	vmul.f32 $5.000000000e-01, v17  }
0x4f1: {  	v35 =	vld [tilespmem:$0x28E0];
	v37 =	vor.u32 $0x1F00, v0;
	v6 =	vadd.f32 v7, v1;
	v5 =	vadd.f32 v5, v16  }
0x4f2: {  	v1 =	vand.u32 $0x7FFFFFFF, v17;
	v7 =	vmul.f32 v33, v17;
	v13 =	vmul.u32 $0x3, v3  }
0x4f3: {  	v36 =	vadd.f32 $-5.000000000e-01, v1;
	vm8 =	vle.f32 v1, $1.000000000e+00;
	v1 =	vsub.f32 v34, v5  }
0x4f4: {  	v39 =	vld [tilespmem:$0x28F0];
	[tilespmem:$0x2CE0] =	vst v5;
	v5 =	vadd.s32 $0x1, v13  }
0x4f5: {  	v11 =	vld [tilespmem:$0x2900];
	v33 =	vor.u32 $0x1F02, v0;
	v7 =	vsel vm8, v7, v36;
	[tilespmem:$0x2EE0] =	vst v1  }
0x4f6: {  	v40 =	vmul.f32 $5.000000000e-01, v18;
	v7 =	vmul.f32 v7, v35;
	v35 =	vadd.s32 $0x2, v13;
	v8 =	vld.idx.msk [tilespmem:v37+s16+$0x0], $0xffff  }
0x4f7: {  	v41 =	vand.u32 $0x7FFFFFFF, v18;
	v12 =	vld.idx.msk [tilespmem:v38+s16+$0x0], $0xffff  }
0x4f8: {  	vm9 =	vle.f32 v41, $1.000000000e+00;
	v42 =	vadd.f32 $-5.000000000e-01, v41;
	v14 =	vmul.f32 v40, v18;
	v13 =	vld.idx.msk [tilespmem:v13+s21+$0x0], $0xffff  }
0x4f9: {  	v18 =	vmul.f32 $5.000000000e-01, v21;
	v36 =	vand.u32 $0x7FFFFFFF, v19;
	v34 =	vmul.f32 $5.000000000e-01, v19;
	v5 =	vld.idx.msk [tilespmem:v5+s21+$0x0], $0xffff  }
0x4fa: {  	v16 =	vmul.f32 $5.000000000e-01, v28;
	vm10 =	vle.f32 v36, $1.000000000e+00;
	v6 =	vadd.f32 v7, v6;
	v17 =	vld.idx.msk [tilespmem:v33+s16+$0x0], $0xffff  }
0x4fb: {  	v7 =	vsel vm9, v14, v42;
	v10 =	vmul.f32 v34, v19;
	v37 =	vadd.f32 $-5.000000000e-01, v36;
	v42 =	vld.idx.msk [tilespmem:v35+s21+$0x0], $0xffff  }
0x4fc: {  	v38 =	vmul.f32 $5.000000000e-01, v20;
	v7 =	vmul.f32 v7, v39;
	v39 =	vand.u32 $0x7FFFFFFF, v20  }
0x4fd: {  	v33 =	vand.u32 $0x7FFFFFFF, v22;
	v41 =	vadd.f32 $-5.000000000e-01, v39;
	vm11 =	vle.f32 v39, $1.000000000e+00  }
0x4fe: {  	v32 =	vld [tilespmem:$0x2910];
	v10 =	vsel vm10, v10, v37;
	v8 =	vsub.f32 v8, v13;
	v5 =	vsub.f32 v12, v5  }
0x4ff: {  	v40 =	vmul.f32 v38, v20;
	v6 =	vadd.f32 v7, v6;
	v7 =	vmul.f32 v10, v11  }
0x500: {  	v9 =	vsub.f32 v17, v42;
	v8 =	vmul.f32 v8, v8;
	v5 =	vmul.f32 v5, v5  }
0x501: {  	v19 =	vld [tilespmem:$0x2920];
	v20 =	vand.u32 $0x7FFFFFFF, v21;
	v10 =	vmul.f32 v18, v21;
	v15 =	vsel vm11, v40, v41  }
0x502: {  	v6 =	vadd.f32 v7, v6;
	v34 =	vmul.f32 v9, v9;
	v5 =	vadd.f32 v5, v8  }
0x503: {  	v7 =	vmul.f32 v15, v32;
	v32 =	vmul.f32 $5.000000000e-01, v22;
	v12 =	vadd.f32 $-5.000000000e-01, v20  }
0x504: {  	v36 =	vadd.f32 $-5.000000000e-01, v33;
	vm12 =	vle.f32 v20, $1.000000000e+00;
	v21 =	vld [tilespmem:$0x2930];
	v5 =	vadd.f32 v34, v5  }
0x505: {  	v6 =	vadd.f32 v7, v6;
	v35 =	vmul.f32 v32, v22;
	v7 =	vsel vm12, v10, v12  }
0x506: {  	v7 =	vmul.f32 v7, v19;
	v8 =	vshra.s32 v5, $0x1;
	v9 =	vmul.f32 $5.000000000e-01, v5  }
0x507: {  	vm13 =	vle.f32 v33, $1.000000000e+00;
	v37 =	vmul.f32 $5.000000000e-01, v23;
	v8 =	vsub.s32 $0x5F3759DF, v8  }
0x508: {  	v6 =	vadd.f32 v7, v6;
	v7 =	vsel vm13, v35, v36;
	v39 =	vmul.f32 v8, v9  }
0x509: {  	v38 =	vand.u32 $0x7FFFFFFF, v23;
	v41 =	vmul.f32 $5.000000000e-01, v24;
	v7 =	vmul.f32 v7, v21  }
0x50a: {  	vm14 =	vle.f32 v38, $1.000000000e+00;
	v40 =	vadd.f32 $-5.000000000e-01, v38;
	v12 =	vmul.f32 v8, v39  }
0x50b: {  	v20 =	vmul.f32 v41, v24;
	v41 =	vand.u32 $0x7FFFFFFF, v27;
	v6 =	vadd.f32 v7, v6;
	v7 =	vld [tilespmem:$0x2940]  }
0x50c: {  	vm6 =	vle.f32 v41, $1.000000000e+00;
	v10 =	vmul.f32 v37, v23;
	v12 =	vsub.f32 $1.500000000e+00, v12  }
0x50d: {  	v42 =	vld [tilespmem:$0x2950];
	v23 =	vmul.f32 $5.000000000e-01, v25;
	v37 =	vand.u32 $0x7FFFFFFF, v26;
	v19 =	vand.u32 $0x7FFFFFFF, v24  }
0x50e: {  	v24 =	vand.u32 $0x7FFFFFFF, v25;
	v38 =	vadd.f32 $-5.000000000e-01, v37;
	v8 =	vmul.f32 v8, v12  }
0x50f: {  	v22 =	vld [tilespmem:$0x2960];
	v10 =	vsel vm14, v10, v40;
	v32 =	vmul.f32 v23, v25;
	v21 =	vadd.f32 $-5.000000000e-01, v19  }
0x510: {  	vm15 =	vle.f32 v19, $1.000000000e+00;
	v7 =	vmul.f32 v10, v7;
	v36 =	vmul.f32 v8, v9  }
0x511: {  	v33 =	vadd.f32 $-5.000000000e-01, v24;
	vm4 =	vle.f32 v24, $1.000000000e+00;
	v13 =	vsel vm15, v20, v21  }
0x512: {  	v39 =	vld [tilespmem:$0x25F0];
	v6 =	vadd.f32 v7, v6;
	v7 =	vmul.f32 v13, v42;
	v13 =	vmul.f32 v36, v8  }
0x513: {  	v23 =	vand.u32 $0x7FFFFFFF, v29;
	v35 =	vmul.f32 $5.000000000e-01, v26;
	v10 =	vsel vm4, v32, v33  }
0x514: {  	v34 =	vld [tilespmem:$0x2970];
	v6 =	vadd.f32 v7, v6;
	v7 =	vmul.f32 v10, v22;
	v13 =	vsub.f32 $1.500000000e+00, v13  }
0x515: {  	vm5 =	vle.f32 v37, $1.000000000e+00;
	v24 =	vadd.f32 $-5.000000000e-01, v23;
	v12 =	vmul.f32 v35, v26  }
0x516: {  	v40 =	vld [tilespmem:$0x2980];
	v6 =	vadd.f32 v7, v6;
	v7 =	vmul.f32 $5.000000000e-01, v27;
	v8 =	vmul.f32 v13, v8  }
0x517: {  	v42 =	vadd.f32 $-5.000000000e-01, v41;
	vm7 =	veq.s32 v39, $0x0;
	v10 =	vsel vm5, v12, v38  }
0x518: {  	v17 =	vsel vm7, $0x40C00000, v4;
	v7 =	vmul.f32 v7, v27;
	v9 =	vmul.f32 v8, v9  }
0x519: {  	vm9 =	vle.f32 v23, $1.000000000e+00;
	v10 =	vmul.f32 v10, v34;
	(erf) = vrcp.f32 v17  }
0x51a: {  	v19 =	vand.u32 $0x7FFFFFFF, v28;
	v7 =	vsel vm6, v7, v42;
	v9 =	vmul.f32 v9, v8  }
0x51b: {  	v18 =	vld [tilespmem:$0x2990];
	v22 =	vor.u32 $0x1F03, v0;
	v6 =	vadd.f32 v10, v6;
	v7 =	vmul.f32 v7, v40  }
0x51c: {  	vm8 =	vle.f32 v19, $1.000000000e+00;
	v20 =	vadd.f32 $-5.000000000e-01, v19;
	v9 =	vsub.f32 $1.500000000e+00, v9  }
0x51d: {  	v21 =	vmul.f32 $5.000000000e-01, v29;
	v10 =	vmul.f32 v16, v28;
	v6 =	vadd.f32 v7, v6;
	v7 =	vld [tilespmem:$0x29A0]  }
0x51e: {  	vm10 =	vgt.f32 v5, $0.0e+00;
	v27 =	vmul.f32 $5.000000000e-01, v30;
	v8 =	vmul.f32 v9, v8  }
0x51f: {  	v26 =	vld [tilespmem:$0x29B0];
	v28 =	vand.u32 $0x7FFFFFFF, v30;
	v10 =	vsel vm8, v10, v20;
	v13 =	vmul.f32 v21, v29  }
0x520: {  	vm11 =	vle.f32 v28, $1.000000000e+00;
	v10 =	vmul.f32 v10, v18;
	v29 =	vld.idx.msk [tilespmem:v22+s16+$0x0], $0xffff;
	v8 =	vmul.f32 v8, v5  }
0x521: {  	v12 =	vmul.f32 v27, v30;
	v25 =	vsel vm9, v13, v24;
	v5 =	vadd.f32 $-5.000000000e-01, v28  }
0x522: {  	v3 =	vld.idx.msk [tilespmem:v3+s22+$0x0], $0xffff;
	v6 =	vadd.f32 v10, v6;
	v30 =	vpop (erf);
	v7 =	vmul.f32 v25, v7;
	v8 =	vnsel vm10, $0x0, v8  }
0x523: {  	v32 =	vld [tilespmem:$0x29C0];
	v33 =	vmul.f32 $5.000000000e-01, v31;
	v5 =	vsel vm11, v12, v5;
	v8 =	vmul.f32 v8, v30  }
0x524: {  	v34 =	vld [tilespmem:$0x27F0];
	v6 =	vadd.f32 v7, v6;
	v7 =	vand.u32 $0x7FFFFFFF, v31;
	v5 =	vmul.f32 v5, v26  }
0x525: {  	v9 =	vmul.f32 v33, v31;
	v35 =	vadd.f32 $-5.000000000e-01, v7;
	v8 =	vadd.f32 v8, v29  }
0x526: {  	vm12 =	vle.f32 v7, $1.000000000e+00;
	v5 =	vadd.f32 v5, v6;
	v6 =	vmul.f32 $5.000000000e-01, v2  }
0x527: {  	v37 =	vand.u32 $0x7FFFFFFF, v2;
	v36 =	vld [tilespmem:$0x29D0];
	v7 =	vsel vm12, v9, v35;
	v3 =	vadd.f32 v8, v3  }
0x528: {  	v7 =	vmul.f32 v7, v32;
	v2 =	vmul.f32 v6, v2;
	v6 =	vadd.f32 $-5.000000000e-01, v37  }
0x529: {  	vm13 =	vle.f32 v37, $1.000000000e+00;
	v39 =	vmul.f32 $5.000000000e-01, v1;
	v38 =	vld [tilespmem:$0x29E0];
	v11 =	vsub.f32 v34, v3  }
0x52a: {  	v5 =	vadd.f32 v7, v5;
	v2 =	vsel vm13, v2, v6;
	v6 =	vand.u32 $0x7FFFFFFF, v1  }
0x52b: {  	v40 =	vld [tilespmem:$0x29F0];
	v1 =	vmul.f32 v39, v1;
	v7 =	vadd.f32 $-5.000000000e-01, v6;
	v41 =	vmul.f32 $5.000000000e-01, v11  }
0x52c: {  	v2 =	vmul.f32 v2, v36;
	vm14 =	vle.f32 v6, $1.000000000e+00;
	v6 =	vand.u32 $0x7FFFFFFF, v11  }
0x52d: {  	v1 =	vsel vm14, v1, v7;
	v42 =	vadd.f32 $-5.000000000e-01, v6;
	v7 =	vmul.f32 v41, v11  }
0x52e: {  	v2 =	vadd.f32 v2, v5;
	vm15 =	vle.f32 v6, $1.000000000e+00;
	v1 =	vmul.f32 v1, v38  }
0x52f: {  	v5 =	vsel vm15, v7, v42  }
0x530: {  	v1 =	vadd.f32 v1, v2;
	v2 =	vmul.f32 v5, v40;
	_ =	sdelay $0x1  }
0x531: {  	[tilespmem:$0x2CF0] =	vst v3;
	v1 =	vadd.f32 v2, v1  }
0x532: {  	[tilespmem:$0x2EF0] =	vst v11  }
0x533: {  	[tilespmem:$0x2F00] =	vst v1  }
0x534: {  	[hbm4b:s11+s2] =	stream.linear.scatter [tilespmem:s24], [sflag:$0x2], $0x200, $0x38;
	[tilespmem:$0x2F10] =	vst v63  }
0x535: {  	_ =	swait.ge [sflag:s15], $0x200  }
0x536: {  	[sflag:s15] =	ssyncset.done $0x0  }
0x537: {  	[sflag:s15] =	ssyncadd.s32 $0xFFFFFE00  }
0x538: {  	[hbm4b:s12+s2] =	stream.linear.scatter [tilespmem:s25], [sflag:$0x2], $0x200, $0x38;
	[tilespmem:$0x2F10] =	vst v63  }
0x539: {  	_ =	swait.ge [sflag:s15], $0x200  }
0x53a: {  	p0 =	sne.s32 s14, $0x1;
	[sflag:s15] =	ssyncset.done $0x0  }
.Ltmp0:
0x53b: {  	[sflag:s15] =	ssyncadd.s32 $0xFFFFFE00;
	(pc) =	sbr.rel @p0 .LBB2_1-.Ltmp0, $4  }
0x53c: {  	[hbm4b:s13+s2] =	stream.linear.scatter [tilespmem:s26], [sflag:$0x2], $0x10, $0x38;
	[tilespmem:$0x2F10] =	vst v63  }
0x53d: {  	_ =	swait.ge [sflag:s15], $0x10  }
0x53e: {  	[sflag:s15] =	ssyncset.done $0x0  }
0x53f: {  	s14 =	sadd.s32 $0xFFFFFFFF, s14;
	[sflag:s15] =	ssyncadd.s32 $0xFFFFFFF0  }
0x540: {  	_ =	sfence.sel $0x180000  }
0x541: {  	[bflag:$0x0] =	sbarrier.arrive $0xFFFF  }
0x542: {  	p0 =	sne.s32 s3, $0x0;
	_ =	strace $0x90000047  }
0x543: {  	s0 =	sadd.s32 @!p0 $0x100000, s1;
	[bflag:$0x2] =	sbarrier.arrive $0xFFFF  }
0x544: {  	[sflag:s0] =	ssyncadd.tile.s32 @!p0 $0x1;
	_ =	shalt  }
.Lfunc_end2:
_tile_overlayer_lowered:
.L_overlay_start_2:
0x545: {  	(tag) =	ssettag $0x2  }
0x546: {  	s0 =	rddreg [dreg:$0x0];
	s2 =	stileid.u32  }
0x547: {  	s1 =	rddreg [dreg:$0x1];
	p0 =	sne.s32 s2, $0x0  }
0x548: {  	s3 =	rddreg [dreg:$0x2];
	[bflag:$0x3] =	sbarrier.arrive $0xFFFF;
	s2 =	simm.s32 @!p0 $0x1C02  }
0x549: {  	[timem:s3], [sflag:s2] =	dma.local @!p0 [hbm:s0], s1  }
0x54a: {  	s0 =	simm.s32 @!p0 $0x2  }
0x54b: {  	_ =	swait.ge @!p0 [sflag:s0], s1  }
0x54c: {  	s1 =	ssub.s32 @!p0 $0x0, s1;
	[sflag:s0] =	ssyncset.done @!p0 $0x0  }
0x54d: {  	[sflag:s0] =	ssyncadd.s32 @!p0 s1  }
0x54e: {  	[bflag:$0x3] =	sbarrier.arrive $0xFFFF  }
0x54f: {  	_ =	shalt  }

</sc_bundles>
